<compile_context>
chip_gen: v7x
topology: tpu7x:2x2x1
jax: 0.10.2.dev20260603
libtpu: 0.0.44.dev20260713+nightly
codegen_flags: <defaults>
</compile_context>

<pallas_src>
import functools

import jax
import jax.numpy as jnp
from jax import lax
from jax.experimental import pallas as pl
from jax.experimental.pallas import tpu as pltpu
from jax.experimental.pallas import tpu_sc as plsc

_N = 10000
_NUM_GRAPHS = 8
_H = 128
_BLK = 1024

_NC, _NS, _L = 2, 16, 16
_NW = _NC * _NS

_CHUNK = 128
_SROWS = 640


def _conv_scatter_kernel(nchunk):
    nacc = _SROWS * _NS
    mesh = plsc.VectorSubcoreMesh(core_axis_name="c", subcore_axis_name="s",
                                  num_cores=_NC, num_subcores=_NS)

    @functools.partial(
        pl.kernel,
        out_type=jax.ShapeDtypeStruct((_NC, nacc, _H), jnp.float32),
        mesh=mesh,
        scratch_types=[
            pltpu.VMEM((_CHUNK,), jnp.int32),
            pltpu.VMEM((_CHUNK,), jnp.int32),
            pltpu.VMEM((_CHUNK,), jnp.int32),
            pltpu.VMEM((_CHUNK, _H), jnp.float32),
            pltpu.VMEM((_CHUNK, _H), jnp.float32),
            pltpu.VMEM((64, _H), jnp.float32),
            pltpu.VMEM_SHARED((nacc, _H), jnp.float32),
            pltpu.SemaphoreType.DMA,
        ],
    )
    def k(x_hbm, src_hbm, dst_hbm, out_hbm, idx0, idx1, curd,
          buf0, buf1, zero_v, acc_sh, gsem):
        c = lax.axis_index("c")
        s = lax.axis_index("s")
        wid = s * _NC + c
        ebase = wid * nchunk * _CHUNK

        def chunk_ds(i):
            return pl.ds(pl.multiple_of(ebase + i * _CHUNK, 8), _CHUNK)

        zv = jnp.zeros((_L,), jnp.float32)

        def zbody(i, _):
            for j in range(_H // _L):
                zero_v[i, pl.ds(j * _L, _L)] = zv
            return 0

        lax.fori_loop(0, 64, zbody, 0)
        nfull = _SROWS // 64
        for t in range(nfull):
            pltpu.sync_copy(zero_v, acc_sh.at[pl.ds(pl.multiple_of(s * _SROWS + t * 64, 8), 64)])
        rem = _SROWS - nfull * 64
        if rem:
            pltpu.sync_copy(zero_v.at[pl.ds(0, rem)],
                            acc_sh.at[pl.ds(pl.multiple_of(s * _SROWS + nfull * 64, 8), rem)])
        plsc.subcore_barrier()

        pltpu.sync_copy(src_hbm.at[chunk_ds(0)], idx0)
        pltpu.make_async_copy(x_hbm.at[idx0], buf0, gsem).start()

        def step(i, ti, tb, ni, nb):
            pltpu.make_async_copy(x_hbm.at[ti], tb, gsem).wait()

            @pl.when(i + 1 < nchunk)
            def _():
                pltpu.sync_copy(src_hbm.at[chunk_ds(i + 1)], ni)
                pltpu.make_async_copy(x_hbm.at[ni], nb, gsem).start()

            pltpu.sync_copy(dst_hbm.at[chunk_ds(i)], curd)
            pltpu.sync_copy(tb, acc_sh.at[curd], add=True)

        def body(i, _):
            even = lax.rem(i, 2) == 0

            @pl.when(even)
            def _():
                step(i, idx0, buf0, idx1, buf1)

            @pl.when(jnp.logical_not(even))
            def _():
                step(i, idx1, buf1, idx0, buf0)

            return 0

        lax.fori_loop(0, nchunk, body, 0)
        plsc.subcore_barrier()
        srow = pl.multiple_of(s * _SROWS, 8)
        pltpu.sync_copy(acc_sh.at[pl.ds(srow, _SROWS)],
                        out_hbm.at[c, pl.ds(srow, _SROWS)])

    return k


_NAGG = _SROWS * _NS


def _conv_scatter(xfeat, src3, dst3):
    nchunk = src3.shape[0] // (_NW * _CHUNK)
    out = _conv_scatter_kernel(nchunk)(xfeat, src3, dst3)
    return out


def _edge_chunks(idx_src, idx_dst):
    e = idx_src.shape[0]
    ew = e // _NW
    nchunk = (ew + _CHUNK - 1) // _CHUNK
    pad = nchunk * _CHUNK - ew
    src_r = idx_src.reshape(_NW, ew)
    dst_r = idx_dst.reshape(_NW, ew)
    if pad:
        padsrc = jnp.broadcast_to((jnp.arange(pad, dtype=jnp.int32) * 37) % _N,
                                  (_NW, pad))
        paddst = jnp.broadcast_to(_N + (jnp.arange(pad, dtype=jnp.int32) % _L),
                                  (_NW, pad))
        src_r = jnp.concatenate([src_r, padsrc], axis=1)
        dst_r = jnp.concatenate([dst_r, paddst], axis=1)
    return src_r.reshape(-1), dst_r.reshape(-1)


def _msg_body(h_ref, scale_ref, shift_ref, w2_ref, b2_ref, out_ref):
    h = h_ref[...] * scale_ref[...] + shift_ref[...]
    h = jnp.maximum(h, 0.0)
    out_ref[...] = (
        jax.lax.dot_general(h, w2_ref[...], (((1,), (0,)), ((), ())),
                            preferred_element_type=jnp.float32)
        + b2_ref[...]
    )


def _msg_stage(h, scale, shift, W2, b2):
    e_pad = h.shape[0]
    grid = e_pad // _BLK
    return pl.pallas_call(
        _msg_body,
        grid=(grid,),
        in_specs=[
            pl.BlockSpec((_BLK, _H), lambda i: (i, 0)),
            pl.BlockSpec((1, _H), lambda i: (0, 0)),
            pl.BlockSpec((1, _H), lambda i: (0, 0)),
            pl.BlockSpec((_H, _H), lambda i: (0, 0)),
            pl.BlockSpec((1, _H), lambda i: (0, 0)),
        ],
        out_specs=pl.BlockSpec((_BLK, _H), lambda i: (i, 0)),
        out_shape=jax.ShapeDtypeStruct((e_pad, _H), jnp.float32),
    )(h, scale, shift, W2, b2)


_EH_NCH = 82
_EPADA = _NW * _EH_NCH * _CHUNK


def _edgeh_kernel(e_tot):
    mesh = plsc.VectorSubcoreMesh(core_axis_name="c", subcore_axis_name="s",
                                  num_cores=_NC, num_subcores=_NS)

    @functools.partial(
        pl.kernel,
        out_type=(jax.ShapeDtypeStruct((_EPADA, _H), jnp.float32),
                  jax.ShapeDtypeStruct((2 * _NW * _H,), jnp.float32)),
        mesh=mesh,
        scratch_types=[
            pltpu.VMEM((_CHUNK,), jnp.int32),
            pltpu.VMEM((_CHUNK,), jnp.int32),
            pltpu.VMEM((_CHUNK,), jnp.int32),
            pltpu.VMEM((_CHUNK,), jnp.int32),
            pltpu.VMEM((_CHUNK, _H), jnp.float32),
            pltpu.VMEM((_CHUNK, _H), jnp.float32),
            pltpu.VMEM((_CHUNK, _H), jnp.float32),
            pltpu.VMEM((_CHUNK, _H), jnp.float32),
            pltpu.VMEM((_CHUNK, _H), jnp.float32),
            pltpu.VMEM((_CHUNK, _H), jnp.float32),
            pltpu.VMEM((2 * _H,), jnp.float32),
            pltpu.SemaphoreType.DMA,
            pltpu.SemaphoreType.DMA,
            pltpu.SemaphoreType.DMA,
            pltpu.SemaphoreType.DMA,
        ],
    )
    def k(a_hbm, p_hbm, src_hbm, dst_hbm, h_hbm, part_hbm,
          idxs0, idxs1, idxd0, idxd1, bufa0, bufa1, bufp0, bufp1,
          hbuf0, hbuf1, psc, gsem0, gsem1, wsem0, wsem1):
        c = lax.axis_index("c")
        s = lax.axis_index("s")
        wid = s * _NC + c
        ebase = wid * _EH_NCH * _CHUNK

        def chunk_ds(i):
            return pl.ds(pl.multiple_of(ebase + i * _CHUNK, 8), _CHUNK)

        def load_idx(i, ds_, dd_):
            pltpu.sync_copy(src_hbm.at[chunk_ds(i)], ds_)
            pltpu.sync_copy(dst_hbm.at[chunk_ds(i)], dd_)

        def start_gather(ds_, dd_, ba, bp, sem):
            pltpu.make_async_copy(a_hbm.at[ds_], ba, sem).start()
            pltpu.make_async_copy(p_hbm.at[dd_], bp, sem).start()

        def wait_gather(ds_, dd_, ba, bp, sem):
            pltpu.make_async_copy(a_hbm.at[ds_], ba, sem).wait()
            pltpu.make_async_copy(p_hbm.at[dd_], bp, sem).wait()

        def compute(i, ba, bp, hb, carry):
            def row(r, cr):
                rowid = ebase + i * _CHUNK + r
                wf = jnp.where(rowid < e_tot, 1.0, 0.0).astype(jnp.float32)
                out = []
                for kk in range(_H // _L):
                    a = ba[r, pl.ds(kk * _L, _L)]
                    p = bp[r, pl.ds(kk * _L, _L)]
                    hv = a - p
                    hb[r, pl.ds(kk * _L, _L)] = hv
                    hw = hv * wf
                    out.append(cr[kk] + hw)
                    out.append(cr[8 + kk] + hw * hw)
                return tuple(out[0::2]) + tuple(out[1::2])

            return lax.fori_loop(0, _CHUNK, row, carry)

        def write_h(i, hb, sem):
            pltpu.make_async_copy(hb, h_hbm.at[chunk_ds(i)], sem).start()

        def wait_h(i, hb, sem):
            pltpu.make_async_copy(hb, h_hbm.at[chunk_ds(i)], sem).wait()

        load_idx(0, idxs0, idxd0)
        start_gather(idxs0, idxd0, bufa0, bufp0, gsem0)
        zero16 = tuple(jnp.zeros((_L,), jnp.float32) for _ in range(16))

        def body(t, carry):
            i0 = 2 * t
            i1 = 2 * t + 1
            load_idx(i1, idxs1, idxd1)
            start_gather(idxs1, idxd1, bufa1, bufp1, gsem1)
            wait_gather(idxs0, idxd0, bufa0, bufp0, gsem0)

            @pl.when(t >= 1)
            def _():
                wait_h(i0 - 2, hbuf0, wsem0)

            carry = compute(i0, bufa0, bufp0, hbuf0, carry)
            write_h(i0, hbuf0, wsem0)

            @pl.when(i0 + 2 < _EH_NCH)
            def _():
                load_idx(i0 + 2, idxs0, idxd0)
                start_gather(idxs0, idxd0, bufa0, bufp0, gsem0)

            wait_gather(idxs1, idxd1, bufa1, bufp1, gsem1)

            @pl.when(t >= 1)
            def _():
                wait_h(i1 - 2, hbuf1, wsem1)

            carry = compute(i1, bufa1, bufp1, hbuf1, carry)
            write_h(i1, hbuf1, wsem1)
            return carry

        carry = lax.fori_loop(0, _EH_NCH // 2, body, zero16)
        wait_h(_EH_NCH - 2, hbuf0, wsem0)
        wait_h(_EH_NCH - 1, hbuf1, wsem1)

        for kk in range(_H // _L):
            psc[pl.ds(kk * _L, _L)] = carry[kk]
            psc[pl.ds(_H + kk * _L, _L)] = carry[8 + kk]
        pltpu.sync_copy(
            psc.at[pl.ds(0, _H)],
            part_hbm.at[pl.ds(pl.multiple_of(wid * _H, 8), _H)])
        pltpu.sync_copy(
            psc.at[pl.ds(_H, _H)],
            part_hbm.at[pl.ds(pl.multiple_of((_NW + wid) * _H, 8), _H)])

    return k


def _edgeh(A, P, srcA, dstA, e_tot):
    h, parts = _edgeh_kernel(e_tot)(A, P, srcA, dstA)
    return h, parts.reshape(2 * _NW, _H)


_NBLK = 1000


def _leaky(v):
    return jnp.where(v >= 0.0, v, 0.01 * v)


def _prep_body(x_ref, pos_ref, w1x_ref, w1p_ref, b1_ref, a_ref, p_ref):
    pp = lax.dot_general(pos_ref[...], w1p_ref[...], (((1,), (0,)), ((), ())),
                         preferred_element_type=jnp.float32)
    a_ref[...] = (
        lax.dot_general(x_ref[...], w1x_ref[...], (((1,), (0,)), ((), ())),
                        preferred_element_type=jnp.float32)
        + pp + b1_ref[...])
    p_ref[...] = pp


def _prep(x, pos, W1, b1):
    grid = _N // _NBLK
    return pl.pallas_call(
        _prep_body,
        grid=(grid,),
        in_specs=[
            pl.BlockSpec((_NBLK, _H), lambda i: (i, 0)),
            pl.BlockSpec((_NBLK, 3), lambda i: (i, 0)),
            pl.BlockSpec((_H, _H), lambda i: (0, 0)),
            pl.BlockSpec((3, _H), lambda i: (0, 0)),
            pl.BlockSpec((1, _H), lambda i: (0, 0)),
        ],
        out_specs=[pl.BlockSpec((_NBLK, _H), lambda i: (i, 0)),
                   pl.BlockSpec((_NBLK, _H), lambda i: (i, 0))],
        out_shape=[jax.ShapeDtypeStruct((_N, _H), jnp.float32),
                   jax.ShapeDtypeStruct((_N, _H), jnp.float32)],
    )(x, pos, W1[:_H], W1[_H:], b1[None])


def _bnstats_body(parts_ref, g1_ref, be1_ref, scale_ref, shift_ref, *, e_tot):
    sums = jnp.sum(parts_ref[0:_NW], axis=0, keepdims=True)
    sqs = jnp.sum(parts_ref[_NW:], axis=0, keepdims=True)
    mean = sums / e_tot
    var = sqs / e_tot - mean * mean
    rs = lax.rsqrt(var + 1e-5) * g1_ref[...]
    scale_ref[...] = rs
    shift_ref[...] = be1_ref[...] - mean * rs


def _bnstats(parts, g1, be1, e_tot):
    return pl.pallas_call(
        functools.partial(_bnstats_body, e_tot=float(e_tot)),
        grid=(1,),
        in_specs=[
            pl.BlockSpec((2 * _NW, _H), lambda i: (0, 0)),
            pl.BlockSpec((1, _H), lambda i: (0, 0)),
            pl.BlockSpec((1, _H), lambda i: (0, 0)),
        ],
        out_specs=[pl.BlockSpec((1, _H), lambda i: (0, 0)),
                   pl.BlockSpec((1, _H), lambda i: (0, 0))],
        out_shape=[jax.ShapeDtypeStruct((1, _H), jnp.float32),
                   jax.ShapeDtypeStruct((1, _H), jnp.float32)],
    )(parts, g1[None], be1[None])


def _x1_body(a_ref, wg_ref, bg_ref, o_ref):
    o_ref[...] = _leaky(
        lax.dot_general(a_ref[...], wg_ref[...], (((1,), (0,)), ((), ())),
                        preferred_element_type=jnp.float32) + bg_ref[...])


def _x1_stage(agg, Wg, bg):
    nrow = agg.shape[0]
    return pl.pallas_call(
        _x1_body,
        grid=(nrow // _BLK,),
        in_specs=[
            pl.BlockSpec((_BLK, _H), lambda i: (i, 0)),
            pl.BlockSpec((_H, _H), lambda i: (0, 0)),
            pl.BlockSpec((1, _H), lambda i: (0, 0)),
        ],
        out_specs=pl.BlockSpec((_BLK, _H), lambda i: (i, 0)),
        out_shape=jax.ShapeDtypeStruct((nrow, _H), jnp.float32),
    )(agg, Wg, bg[None])


def _x2_body(pa_ref, pb_ref, x1_ref, wrel_ref, brel_ref, wroot_ref, o_ref,
             act):
    srow = pa_ref[...] + pb_ref[...]
    v = (lax.dot_general(srow, wrel_ref[...], (((1,), (0,)), ((), ())),
                         preferred_element_type=jnp.float32)
         + brel_ref[...]
         + lax.dot_general(x1_ref[...], wroot_ref[...],
                           (((1,), (0,)), ((), ())),
                           preferred_element_type=jnp.float32))
    o_ref[...] = _leaky(v) if act else v


def _x2_stage(pa, pb, x1, Wrel, brel, Wroot, act=True):
    nrow = x1.shape[0]
    return pl.pallas_call(
        functools.partial(_x2_body, act=act),
        grid=(nrow // _BLK,),
        in_specs=[
            pl.BlockSpec((_BLK, _H), lambda i: (i, 0)),
            pl.BlockSpec((_BLK, _H), lambda i: (i, 0)),
            pl.BlockSpec((_BLK, _H), lambda i: (i, 0)),
            pl.BlockSpec((_H, _H), lambda i: (0, 0)),
            pl.BlockSpec((1, _H), lambda i: (0, 0)),
            pl.BlockSpec((_H, _H), lambda i: (0, 0)),
        ],
        out_specs=pl.BlockSpec((_BLK, _H), lambda i: (i, 0)),
        out_shape=jax.ShapeDtypeStruct((nrow, _H), jnp.float32),
    )(pa, pb, x1, Wrel, brel[None], Wroot)


def _pool_body(x3_ref, b_ref, o_ref):
    i = pl.program_id(0)

    @pl.when(i == 0)
    def _():
        o_ref[...] = jnp.full((_NUM_GRAPHS, _H), -jnp.inf, jnp.float32)

    boh = b_ref[...]
    x3 = x3_ref[...]
    for g in range(_NUM_GRAPHS):
        mask = boh[:, g:g + 1] > 0.5
        cand = jnp.max(jnp.where(mask, x3, -jnp.inf), axis=0)
        o_ref[pl.ds(g, 1), :] = jnp.maximum(o_ref[pl.ds(g, 1), :], cand[None])


def _pool_stage(x3, batch3):
    nrow = x3.shape[0]
    return pl.pallas_call(
        _pool_body,
        grid=(nrow // _BLK,),
        in_specs=[
            pl.BlockSpec((_BLK, _H), lambda i: (i, 0)),
            pl.BlockSpec((_BLK, _NUM_GRAPHS), lambda i: (i, 0)),
        ],
        out_specs=pl.BlockSpec((_NUM_GRAPHS, _H), lambda i: (0, 0)),
        out_shape=jax.ShapeDtypeStruct((_NUM_GRAPHS, _H), jnp.float32),
    )(x3, batch3)


def kernel(x, pos, edge_index, batch, W1, b1, g1, be1, W2, b2, Wg, bg,
           Wrel2, brel2, Wroot2, Wrel3, brel3, Wroot3):
    n = x.shape[0]
    e = edge_index.shape[1]
    sl = jnp.arange(n, dtype=edge_index.dtype)
    src = jnp.concatenate([edge_index[0], sl])
    dst = jnp.concatenate([edge_index[1], sl])
    e_tot = e + n

    npad = _EPADA - e_tot
    padr = (jnp.arange(npad, dtype=jnp.int32) * 37) % n
    srcA = jnp.concatenate([src, padr])
    dstA = jnp.concatenate([dst, padr])

    A, Pp = _prep(x, pos, W1, b1)
    h, parts = _edgeh(A, Pp, srcA, dstA, e_tot)

    scale, shift = _bnstats(parts, g1, be1, e_tot)
    msg = _msg_stage(h, scale, shift, W2, b2[None])

    agg0 = jax.ops.segment_max(msg[:e_tot], dst, num_segments=n)
    agg = jnp.pad(agg0, ((0, _NAGG - n), (0, 0)))

    x1 = _x1_stage(agg, Wg, bg)
    src3, dst3 = _edge_chunks(edge_index[0], edge_index[1])
    p2 = _conv_scatter(x1, src3, dst3)
    x2 = _x2_stage(p2[0], p2[1], x1, Wrel2, brel2, Wroot2, act=True)
    p3 = _conv_scatter(x2, src3, dst3)
    x3 = _x2_stage(p3[0], p3[1], x2, Wrel3, brel3, Wroot3, act=False)

    boh = (batch[:, None] == jnp.arange(_NUM_GRAPHS)[None, :]).astype(
        jnp.float32)
    boh = jnp.pad(boh, ((0, _NAGG - n), (0, 0)))
    return _pool_stage(x3, boh)

# --- scband reference (transcript-rebuilt; emitter-appended) ---
"""Pipeline reference for scband-graph-network-28741921145146 (READ-ONLY COPY).

The authoritative reference and input builder live on the scoring server;
editing this copy changes nothing except your own understanding.
"""

import jax, jax.numpy as jnp
import numpy as np

N = 10000
E = 320000
NUM_GRAPHS = 8
D_IN = 128
H = 128
OUT = 128


def setup_inputs(seed: int = 0) -> dict:
    key = jax.random.key(seed)
    ks = jax.random.split(key, 20)
    inp = {}
    inp["x"] = jax.random.normal(ks[0], (N, D_IN), dtype=jnp.float32)
    inp["pos"] = jax.random.normal(ks[1], (N, 3), dtype=jnp.float32)
    inp["edge_index"] = jax.random.randint(ks[2], (2, E), 0, N, dtype=jnp.int32)
    inp["batch"] = jnp.sort(jax.random.randint(ks[3], (N,), 0, NUM_GRAPHS, dtype=jnp.int32))
    # PointNetConv local_nn = MLP([131, 128, 128]): Linear -> BN -> ReLU -> Linear
    inp["W1"] = jax.random.normal(ks[4], (D_IN + 3, H), dtype=jnp.float32) * 0.05
    inp["b1"] = jnp.zeros((H,), dtype=jnp.float32)
    inp["g1"] = jnp.ones((H,), dtype=jnp.float32)
    inp["be1"] = jnp.zeros((H,), dtype=jnp.float32)
    inp["W2"] = jax.random.normal(ks[5], (H, H), dtype=jnp.float32) * 0.05
    inp["b2"] = jnp.zeros((H,), dtype=jnp.float32)
    # PointNetConv global_nn = MLP([128, 128]): single plain Linear
    inp["Wg"] = jax.random.normal(ks[6], (H, H), dtype=jnp.float32) * 0.05
    inp["bg"] = jnp.zeros((H,), dtype=jnp.float32)
    # GraphConv layer 2: lin_rel (with bias) on aggregated neighbors + lin_root (no bias)
    inp["Wrel2"] = jax.random.normal(ks[7], (H, H), dtype=jnp.float32) * 0.05
    inp["brel2"] = jnp.zeros((H,), dtype=jnp.float32)
    inp["Wroot2"] = jax.random.normal(ks[8], (H, H), dtype=jnp.float32) * 0.05
    # GraphConv layer 3
    inp["Wrel3"] = jax.random.normal(ks[9], (H, OUT), dtype=jnp.float32) * 0.05
    inp["brel3"] = jnp.zeros((OUT,), dtype=jnp.float32)
    inp["Wroot3"] = jax.random.normal(ks[10], (H, OUT), dtype=jnp.float32) * 0.05
    return inp


def _local_mlp(h, W1, b1, g1, be1, W2, b2):
    h = h @ W1 + b1
    mean = jnp.mean(h, axis=0)
    var = jnp.var(h, axis=0)
    h = (h - mean) * jax.lax.rsqrt(var + 1e-5) * g1 + be1
    h = jax.nn.relu(h)
    return h @ W2 + b2


def reference(x, pos, edge_index, batch, W1, b1, g1, be1, W2, b2, Wg, bg, Wrel2, brel2, Wroot2, Wrel3, brel3, Wroot3):
    # --- PointNetConv (add_self_loops=True, max aggregation) ---
    sl = jnp.arange(N, dtype=edge_index.dtype)
    src = jnp.concatenate([edge_index[0], sl])
    dst = jnp.concatenate([edge_index[1], sl])
    msg_in = jnp.concatenate([x[src], pos[src] - pos[dst]], axis=1)
    msg = _local_mlp(msg_in, W1, b1, g1, be1, W2, b2)
    agg = jax.ops.segment_max(msg, dst, num_segments=N)
    x1 = agg @ Wg + bg  # global_nn
    x1 = jax.nn.leaky_relu(x1, negative_slope=0.01)
    # dropout p=0.2 is identity in eval mode
    # --- GraphConv 2: out = lin_rel(sum_j x_j) + lin_root(x_i) ---
    s2 = jax.ops.segment_sum(x1[edge_index[0]], edge_index[1], num_segments=N)
    x2 = s2 @ Wrel2 + brel2 + x1 @ Wroot2
    x2 = jax.nn.leaky_relu(x2, negative_slope=0.01)
    # --- GraphConv 3 ---
    s3 = jax.ops.segment_sum(x2[edge_index[0]], edge_index[1], num_segments=N)
    x3 = s3 @ Wrel3 + brel3 + x2 @ Wroot3
    # --- global_max_pool over batch ids ---
    out = jax.ops.segment_max(x3, batch, num_segments=NUM_GRAPHS)
    return out

if __name__ == "__main__":
    import jax
    _d = setup_inputs()
    print(jax.jit(kernel)(*tuple(_d.values())))

</pallas_src>

<mosaic_0001>
#map = affine_map<(d0, d1) -> (0, 0)>
#map1 = affine_map<(d0, d1) -> (0)>
module attributes {stable_mosaic.version = 14 : i64} {
  func.func @k(%arg0: i32, %arg1: i32, %arg2: memref<10000x128xf32, #tpu.memory_space<hbm>>, %arg3: memref<10000x128xf32, #tpu.memory_space<hbm>>, %arg4: memref<335872xi32, #tpu.memory_space<hbm>>, %arg5: memref<335872xi32, #tpu.memory_space<hbm>>, %arg6: memref<335872x128xf32, #tpu.memory_space<hbm>>, %arg7: memref<8192xf32, #tpu.memory_space<hbm>>, %arg8: memref<128xi32, #tpu.memory_space<vmem>>, %arg9: memref<128xi32, #tpu.memory_space<vmem>>, %arg10: memref<128xi32, #tpu.memory_space<vmem>>, %arg11: memref<128xi32, #tpu.memory_space<vmem>>, %arg12: memref<128x128xf32, #tpu.memory_space<vmem>>, %arg13: memref<128x128xf32, #tpu.memory_space<vmem>>, %arg14: memref<128x128xf32, #tpu.memory_space<vmem>>, %arg15: memref<128x128xf32, #tpu.memory_space<vmem>>, %arg16: memref<128x128xf32, #tpu.memory_space<vmem>>, %arg17: memref<128x128xf32, #tpu.memory_space<vmem>>, %arg18: memref<256xf32, #tpu.memory_space<vmem>>, %arg19: memref<!tpu.dma_semaphore, #tpu.memory_space<semaphore_mem>>, %arg20: memref<!tpu.dma_semaphore, #tpu.memory_space<semaphore_mem>>, %arg21: memref<!tpu.dma_semaphore, #tpu.memory_space<semaphore_mem>>, %arg22: memref<!tpu.dma_semaphore, #tpu.memory_space<semaphore_mem>>) attributes {dimension_semantics = [#tpu.dimension_semantics<core_parallel>, #tpu.dimension_semantics<subcore_parallel>], iteration_bounds = array<i64: 2, 16>, scalar_prefetch = 0 : i64, scratch_operands = 15 : i64, tpu.core_type = #tpu.core_type<sc_vector_subcore>, window_params = [{transform_indices = #map}, {transform_indices = #map}, {transform_indices = #map1}, {transform_indices = #map1}, {transform_indices = #map}, {transform_indices = #map1}]} {
    %mul3A = arith.constant 2 : i32
    %mul3A_0 = arith.muli %arg1, %mul3A : i32
    %add3A = arith.addi %mul3A_0, %arg0 : i32
    %mul3A_1 = arith.constant 82 : i32
    %mul3A_2 = arith.muli %add3A, %mul3A_1 : i32
    %mul3A_3 = arith.constant 128 : i32
    %mul3A_4 = arith.muli %mul3A_2, %mul3A_3 : i32
    %add3A_5 = arith.constant 0 : i32
    %add3A_6 = arith.addi %mul3A_4, %add3A_5 : i32
    %multiple_of3A = tpu.assume_multiple %add3A_6, 8 : i32
    "tpu.region"() ({
      %run_scoped3A = tpu.sem_alloc : memref<!tpu.dma_semaphore, #tpu.memory_space<semaphore_mem>>
      %dma_start3A_135 = tpu.memref_slice %arg4[%multiple_of3A] : memref<335872xi32, #tpu.memory_space<hbm>> -> memref<128xi32, #tpu.memory_space<hbm>>
      %dma_start3A_136 = tpu.memref_slice %arg4[%multiple_of3A] : memref<335872xi32, #tpu.memory_space<hbm>> -> memref<128xi32, #tpu.memory_space<hbm>>
      tpu.enqueue_dma source(%dma_start3A_136 : memref<128xi32, #tpu.memory_space<hbm>>) target(%arg8 : memref<128xi32, #tpu.memory_space<vmem>>) target_semaphore(%run_scoped3A : memref<!tpu.dma_semaphore, #tpu.memory_space<semaphore_mem>>)
      %dma_wait3A_137 = tpu.memref_slice %arg4[%multiple_of3A] : memref<335872xi32, #tpu.memory_space<hbm>> -> memref<128xi32, #tpu.memory_space<hbm>>
      %dma_wait3A_138 = tpu.memref_slice %arg4[%multiple_of3A] : memref<335872xi32, #tpu.memory_space<hbm>> -> memref<128xi32, #tpu.memory_space<hbm>>
      tpu.wait_dma2 semaphore(%run_scoped3A : memref<!tpu.dma_semaphore, #tpu.memory_space<semaphore_mem>>) src(%dma_wait3A_138 : memref<128xi32, #tpu.memory_space<hbm>>) dst(%arg8 : memref<128xi32, #tpu.memory_space<vmem>>)
      tpu.yield
    }) : () -> ()
    %add3A_7 = arith.constant 0 : i32
    %add3A_8 = arith.addi %mul3A_4, %add3A_7 : i32
    %multiple_of3A_9 = tpu.assume_multiple %add3A_8, 8 : i32
    "tpu.region"() ({
      %run_scoped3A = tpu.sem_alloc : memref<!tpu.dma_semaphore, #tpu.memory_space<semaphore_mem>>
      %dma_start3A_135 = tpu.memref_slice %arg5[%multiple_of3A_9] : memref<335872xi32, #tpu.memory_space<hbm>> -> memref<128xi32, #tpu.memory_space<hbm>>
      %dma_start3A_136 = tpu.memref_slice %arg5[%multiple_of3A_9] : memref<335872xi32, #tpu.memory_space<hbm>> -> memref<128xi32, #tpu.memory_space<hbm>>
      tpu.enqueue_dma source(%dma_start3A_136 : memref<128xi32, #tpu.memory_space<hbm>>) target(%arg10 : memref<128xi32, #tpu.memory_space<vmem>>) target_semaphore(%run_scoped3A : memref<!tpu.dma_semaphore, #tpu.memory_space<semaphore_mem>>)
      %dma_wait3A_137 = tpu.memref_slice %arg5[%multiple_of3A_9] : memref<335872xi32, #tpu.memory_space<hbm>> -> memref<128xi32, #tpu.memory_space<hbm>>
      %dma_wait3A_138 = tpu.memref_slice %arg5[%multiple_of3A_9] : memref<335872xi32, #tpu.memory_space<hbm>> -> memref<128xi32, #tpu.memory_space<hbm>>
      tpu.wait_dma2 semaphore(%run_scoped3A : memref<!tpu.dma_semaphore, #tpu.memory_space<semaphore_mem>>) src(%dma_wait3A_138 : memref<128xi32, #tpu.memory_space<hbm>>) dst(%arg10 : memref<128xi32, #tpu.memory_space<vmem>>)
      tpu.yield
    }) : () -> ()
    %dma_start3A = arith.constant 0 : i32
    %dma_start3A_10 = arith.constant 0 : i32
    %dma_start3A_11 = tpu.memref_slice %arg2[%dma_start3A, %dma_start3A_10] : memref<10000x128xf32, #tpu.memory_space<hbm>> -> memref<10000x128xf32, #tpu.memory_space<hbm>>
    tpu.enqueue_indirect_dma source(%dma_start3A_11 : memref<10000x128xf32, #tpu.memory_space<hbm>>) target(%arg12 : memref<128x128xf32, #tpu.memory_space<vmem>>) offsets(%arg8 : memref<128xi32, #tpu.memory_space<vmem>>) semaphore(%arg19 : memref<!tpu.dma_semaphore, #tpu.memory_space<semaphore_mem>>)
    %dma_start3A_12 = arith.constant 0 : i32
    %dma_start3A_13 = arith.constant 0 : i32
    %dma_start3A_14 = tpu.memref_slice %arg3[%dma_start3A_12, %dma_start3A_13] : memref<10000x128xf32, #tpu.memory_space<hbm>> -> memref<10000x128xf32, #tpu.memory_space<hbm>>
    tpu.enqueue_indirect_dma source(%dma_start3A_14 : memref<10000x128xf32, #tpu.memory_space<hbm>>) target(%arg14 : memref<128x128xf32, #tpu.memory_space<vmem>>) offsets(%arg10 : memref<128xi32, #tpu.memory_space<vmem>>) semaphore(%arg19 : memref<!tpu.dma_semaphore, #tpu.memory_space<semaphore_mem>>)
    %broadcast_in_dim3A = arith.constant 0.000000e+00 : f32
    %broadcast_in_dim3A_15 = vector.broadcast %broadcast_in_dim3A : f32 to vector<16xf32>
    %broadcast_in_dim3A_16 = arith.constant 0.000000e+00 : f32
    %broadcast_in_dim3A_17 = vector.broadcast %broadcast_in_dim3A_16 : f32 to vector<16xf32>
    %broadcast_in_dim3A_18 = arith.constant 0.000000e+00 : f32
    %broadcast_in_dim3A_19 = vector.broadcast %broadcast_in_dim3A_18 : f32 to vector<16xf32>
    %broadcast_in_dim3A_20 = arith.constant 0.000000e+00 : f32
    %broadcast_in_dim3A_21 = vector.broadcast %broadcast_in_dim3A_20 : f32 to vector<16xf32>
    %broadcast_in_dim3A_22 = arith.constant 0.000000e+00 : f32
    %broadcast_in_dim3A_23 = vector.broadcast %broadcast_in_dim3A_22 : f32 to vector<16xf32>
    %broadcast_in_dim3A_24 = arith.constant 0.000000e+00 : f32
    %broadcast_in_dim3A_25 = vector.broadcast %broadcast_in_dim3A_24 : f32 to vector<16xf32>
    %broadcast_in_dim3A_26 = arith.constant 0.000000e+00 : f32
    %broadcast_in_dim3A_27 = vector.broadcast %broadcast_in_dim3A_26 : f32 to vector<16xf32>
    %broadcast_in_dim3A_28 = arith.constant 0.000000e+00 : f32
    %broadcast_in_dim3A_29 = vector.broadcast %broadcast_in_dim3A_28 : f32 to vector<16xf32>
    %broadcast_in_dim3A_30 = arith.constant 0.000000e+00 : f32
    %broadcast_in_dim3A_31 = vector.broadcast %broadcast_in_dim3A_30 : f32 to vector<16xf32>
    %broadcast_in_dim3A_32 = arith.constant 0.000000e+00 : f32
    %broadcast_in_dim3A_33 = vector.broadcast %broadcast_in_dim3A_32 : f32 to vector<16xf32>
    %broadcast_in_dim3A_34 = arith.constant 0.000000e+00 : f32
    %broadcast_in_dim3A_35 = vector.broadcast %broadcast_in_dim3A_34 : f32 to vector<16xf32>
    %broadcast_in_dim3A_36 = arith.constant 0.000000e+00 : f32
    %broadcast_in_dim3A_37 = vector.broadcast %broadcast_in_dim3A_36 : f32 to vector<16xf32>
    %broadcast_in_dim3A_38 = arith.constant 0.000000e+00 : f32
    %broadcast_in_dim3A_39 = vector.broadcast %broadcast_in_dim3A_38 : f32 to vector<16xf32>
    %broadcast_in_dim3A_40 = arith.constant 0.000000e+00 : f32
    %broadcast_in_dim3A_41 = vector.broadcast %broadcast_in_dim3A_40 : f32 to vector<16xf32>
    %broadcast_in_dim3A_42 = arith.constant 0.000000e+00 : f32
    %broadcast_in_dim3A_43 = vector.broadcast %broadcast_in_dim3A_42 : f32 to vector<16xf32>
    %broadcast_in_dim3A_44 = arith.constant 0.000000e+00 : f32
    %broadcast_in_dim3A_45 = vector.broadcast %broadcast_in_dim3A_44 : f32 to vector<16xf32>
    %scan3A = arith.constant 0 : i32
    %scan3A_46 = arith.constant 41 : i32
    %scan3A_47 = arith.addi %scan3A, %scan3A_46 : i32
    %scan3A_48 = arith.constant 1 : i32
    %scan3A_49:16 = scf.for %scan3A_135 = %scan3A to %scan3A_47 step %scan3A_48 iter_args(%scan3A_136 = %broadcast_in_dim3A_15, %scan3A_137 = %broadcast_in_dim3A_17, %scan3A_138 = %broadcast_in_dim3A_19, %scan3A_139 = %broadcast_in_dim3A_21, %scan3A_140 = %broadcast_in_dim3A_23, %scan3A_141 = %broadcast_in_dim3A_25, %scan3A_142 = %broadcast_in_dim3A_27, %scan3A_143 = %broadcast_in_dim3A_29, %scan3A_144 = %broadcast_in_dim3A_31, %scan3A_145 = %broadcast_in_dim3A_33, %scan3A_146 = %broadcast_in_dim3A_35, %scan3A_147 = %broadcast_in_dim3A_37, %scan3A_148 = %broadcast_in_dim3A_39, %scan3A_149 = %broadcast_in_dim3A_41, %scan3A_150 = %broadcast_in_dim3A_43, %scan3A_151 = %broadcast_in_dim3A_45) -> (vector<16xf32>, vector<16xf32>, vector<16xf32>, vector<16xf32>, vector<16xf32>, vector<16xf32>, vector<16xf32>, vector<16xf32>, vector<16xf32>, vector<16xf32>, vector<16xf32>, vector<16xf32>, vector<16xf32>, vector<16xf32>, vector<16xf32>, vector<16xf32>)  : i32 {
      %mul3A_152 = arith.constant 2 : i32
      %mul3A_153 = arith.muli %mul3A_152, %scan3A_135 : i32
      %mul3A_154 = arith.constant 2 : i32
      %mul3A_155 = arith.muli %mul3A_154, %scan3A_135 : i32
      %add3A_156 = arith.constant 1 : i32
      %add3A_157 = arith.addi %mul3A_155, %add3A_156 : i32
      %mul3A_158 = arith.constant 128 : i32
      %mul3A_159 = arith.muli %add3A_157, %mul3A_158 : i32
      %add3A_160 = arith.addi %mul3A_4, %mul3A_159 : i32
      %multiple_of3A_161 = tpu.assume_multiple %add3A_160, 8 : i32
      "tpu.region"() ({
        %run_scoped3A = tpu.sem_alloc : memref<!tpu.dma_semaphore, #tpu.memory_space<semaphore_mem>>
        %dma_start3A_225 = tpu.memref_slice %arg4[%multiple_of3A_161] : memref<335872xi32, #tpu.memory_space<hbm>> -> memref<128xi32, #tpu.memory_space<hbm>>
        %dma_start3A_226 = tpu.memref_slice %arg4[%multiple_of3A_161] : memref<335872xi32, #tpu.memory_space<hbm>> -> memref<128xi32, #tpu.memory_space<hbm>>
        tpu.enqueue_dma source(%dma_start3A_226 : memref<128xi32, #tpu.memory_space<hbm>>) target(%arg9 : memref<128xi32, #tpu.memory_space<vmem>>) target_semaphore(%run_scoped3A : memref<!tpu.dma_semaphore, #tpu.memory_space<semaphore_mem>>)
        %dma_wait3A_227 = tpu.memref_slice %arg4[%multiple_of3A_161] : memref<335872xi32, #tpu.memory_space<hbm>> -> memref<128xi32, #tpu.memory_space<hbm>>
        %dma_wait3A_228 = tpu.memref_slice %arg4[%multiple_of3A_161] : memref<335872xi32, #tpu.memory_space<hbm>> -> memref<128xi32, #tpu.memory_space<hbm>>
        tpu.wait_dma2 semaphore(%run_scoped3A : memref<!tpu.dma_semaphore, #tpu.memory_space<semaphore_mem>>) src(%dma_wait3A_228 : memref<128xi32, #tpu.memory_space<hbm>>) dst(%arg9 : memref<128xi32, #tpu.memory_space<vmem>>)
        tpu.yield
      }) : () -> ()
      %mul3A_162 = arith.constant 128 : i32
      %mul3A_163 = arith.muli %add3A_157, %mul3A_162 : i32
      %add3A_164 = arith.addi %mul3A_4, %mul3A_163 : i32
      %multiple_of3A_165 = tpu.assume_multiple %add3A_164, 8 : i32
      "tpu.region"() ({
        %run_scoped3A = tpu.sem_alloc : memref<!tpu.dma_semaphore, #tpu.memory_space<semaphore_mem>>
        %dma_start3A_225 = tpu.memref_slice %arg5[%multiple_of3A_165] : memref<335872xi32, #tpu.memory_space<hbm>> -> memref<128xi32, #tpu.memory_space<hbm>>
        %dma_start3A_226 = tpu.memref_slice %arg5[%multiple_of3A_165] : memref<335872xi32, #tpu.memory_space<hbm>> -> memref<128xi32, #tpu.memory_space<hbm>>
        tpu.enqueue_dma source(%dma_start3A_226 : memref<128xi32, #tpu.memory_space<hbm>>) target(%arg11 : memref<128xi32, #tpu.memory_space<vmem>>) target_semaphore(%run_scoped3A : memref<!tpu.dma_semaphore, #tpu.memory_space<semaphore_mem>>)
        %dma_wait3A_227 = tpu.memref_slice %arg5[%multiple_of3A_165] : memref<335872xi32, #tpu.memory_space<hbm>> -> memref<128xi32, #tpu.memory_space<hbm>>
        %dma_wait3A_228 = tpu.memref_slice %arg5[%multiple_of3A_165] : memref<335872xi32, #tpu.memory_space<hbm>> -> memref<128xi32, #tpu.memory_space<hbm>>
        tpu.wait_dma2 semaphore(%run_scoped3A : memref<!tpu.dma_semaphore, #tpu.memory_space<semaphore_mem>>) src(%dma_wait3A_228 : memref<128xi32, #tpu.memory_space<hbm>>) dst(%arg11 : memref<128xi32, #tpu.memory_space<vmem>>)
        tpu.yield
      }) : () -> ()
      %dma_start3A_166 = arith.constant 0 : i32
      %dma_start3A_167 = arith.constant 0 : i32
      %dma_start3A_168 = tpu.memref_slice %arg2[%dma_start3A_166, %dma_start3A_167] : memref<10000x128xf32, #tpu.memory_space<hbm>> -> memref<10000x128xf32, #tpu.memory_space<hbm>>
      tpu.enqueue_indirect_dma source(%dma_start3A_168 : memref<10000x128xf32, #tpu.memory_space<hbm>>) target(%arg13 : memref<128x128xf32, #tpu.memory_space<vmem>>) offsets(%arg9 : memref<128xi32, #tpu.memory_space<vmem>>) semaphore(%arg20 : memref<!tpu.dma_semaphore, #tpu.memory_space<semaphore_mem>>)
      %dma_start3A_169 = arith.constant 0 : i32
      %dma_start3A_170 = arith.constant 0 : i32
      %dma_start3A_171 = tpu.memref_slice %arg3[%dma_start3A_169, %dma_start3A_170] : memref<10000x128xf32, #tpu.memory_space<hbm>> -> memref<10000x128xf32, #tpu.memory_space<hbm>>
      tpu.enqueue_indirect_dma source(%dma_start3A_171 : memref<10000x128xf32, #tpu.memory_space<hbm>>) target(%arg15 : memref<128x128xf32, #tpu.memory_space<vmem>>) offsets(%arg11 : memref<128xi32, #tpu.memory_space<vmem>>) semaphore(%arg20 : memref<!tpu.dma_semaphore, #tpu.memory_space<semaphore_mem>>)
      %dma_wait3A_172 = arith.constant 0 : i32
      %dma_wait3A_173 = arith.constant 0 : i32
      %dma_wait3A_174 = tpu.memref_slice %arg2[%dma_wait3A_172, %dma_wait3A_173] : memref<10000x128xf32, #tpu.memory_space<hbm>> -> memref<10000x128xf32, #tpu.memory_space<hbm>>
      tpu.wait_indirect_dma semaphore(%arg19 : memref<!tpu.dma_semaphore, #tpu.memory_space<semaphore_mem>>) src(%dma_wait3A_174 : memref<10000x128xf32, #tpu.memory_space<hbm>>) dst(%arg12 : memref<128x128xf32, #tpu.memory_space<vmem>>)
      %dma_wait3A_175 = arith.constant 0 : i32
      %dma_wait3A_176 = arith.constant 0 : i32
      %dma_wait3A_177 = tpu.memref_slice %arg3[%dma_wait3A_175, %dma_wait3A_176] : memref<10000x128xf32, #tpu.memory_space<hbm>> -> memref<10000x128xf32, #tpu.memory_space<hbm>>
      tpu.wait_indirect_dma semaphore(%arg19 : memref<!tpu.dma_semaphore, #tpu.memory_space<semaphore_mem>>) src(%dma_wait3A_177 : memref<10000x128xf32, #tpu.memory_space<hbm>>) dst(%arg14 : memref<128x128xf32, #tpu.memory_space<vmem>>)
      %ge3A = arith.constant 1 : i32
      %ge3A_178 = arith.cmpi sge, %scan3A_135, %ge3A : i32
      %convert_element_type3A = arith.extui %ge3A_178 : i1 to i32
      %cond3A = arith.constant 0 : i32
      %cond3A_179 = arith.cmpi ne, %convert_element_type3A, %cond3A : i32
      scf.if %cond3A_179 {
        %sub3A = arith.constant 2 : i32
        %sub3A_225 = arith.subi %mul3A_153, %sub3A : i32
        %mul3A_226 = arith.constant 128 : i32
        %mul3A_227 = arith.muli %sub3A_225, %mul3A_226 : i32
        %add3A_228 = arith.addi %mul3A_4, %mul3A_227 : i32
        %multiple_of3A_229 = tpu.assume_multiple %add3A_228, 8 : i32
        %dma_wait3A_230 = arith.constant 0 : i32
        %dma_wait3A_231 = tpu.memref_slice %arg6[%multiple_of3A_229, %dma_wait3A_230] : memref<335872x128xf32, #tpu.memory_space<hbm>> -> memref<128x128xf32, #tpu.memory_space<hbm>>
        %dma_wait3A_232 = arith.constant 0 : i32
        %dma_wait3A_233 = tpu.memref_slice %arg6[%multiple_of3A_229, %dma_wait3A_232] : memref<335872x128xf32, #tpu.memory_space<hbm>> -> memref<128x128xf32, #tpu.memory_space<hbm>>
        tpu.wait_dma2 semaphore(%arg21 : memref<!tpu.dma_semaphore, #tpu.memory_space<semaphore_mem>>) src(%arg16 : memref<128x128xf32, #tpu.memory_space<vmem>>) dst(%dma_wait3A_233 : memref<128x128xf32, #tpu.memory_space<hbm>>)
      } else {
      }
      %scan3A_180 = arith.constant 0 : i32
      %scan3A_181 = arith.constant 128 : i32
      %scan3A_182 = arith.addi %scan3A_180, %scan3A_181 : i32
      %scan3A_183 = arith.constant 1 : i32
      %scan3A_184:16 = scf.for %scan3A_225 = %scan3A_180 to %scan3A_182 step %scan3A_183 iter_args(%scan3A_226 = %scan3A_136, %scan3A_227 = %scan3A_137, %scan3A_228 = %scan3A_138, %scan3A_229 = %scan3A_139, %scan3A_230 = %scan3A_140, %scan3A_231 = %scan3A_141, %scan3A_232 = %scan3A_142, %scan3A_233 = %scan3A_143, %scan3A_234 = %scan3A_144, %scan3A_235 = %scan3A_145, %scan3A_236 = %scan3A_146, %scan3A_237 = %scan3A_147, %scan3A_238 = %scan3A_148, %scan3A_239 = %scan3A_149, %scan3A_240 = %scan3A_150, %scan3A_241 = %scan3A_151) -> (vector<16xf32>, vector<16xf32>, vector<16xf32>, vector<16xf32>, vector<16xf32>, vector<16xf32>, vector<16xf32>, vector<16xf32>, vector<16xf32>, vector<16xf32>, vector<16xf32>, vector<16xf32>, vector<16xf32>, vector<16xf32>, vector<16xf32>, vector<16xf32>)  : i32 {
        %mul3A_242 = arith.constant 128 : i32
        %mul3A_243 = arith.muli %mul3A_153, %mul3A_242 : i32
        %add3A_244 = arith.addi %mul3A_4, %mul3A_243 : i32
        %add3A_245 = arith.addi %add3A_244, %scan3A_225 : i32
        %lt3A_246 = arith.constant 330000 : i32
        %lt3A_247 = arith.cmpi slt, %add3A_245, %lt3A_246 : i32
        %jit3A = arith.constant 1.000000e+00 : f32
        %jit3A_248 = arith.constant 0.000000e+00 : f32
        %select_n3A = arith.select %lt3A_247, %jit3A, %jit3A_248 : f32
        %get3A = arith.index_cast %scan3A_225 : i32 to index
        %get3A_249 = arith.constant 0 : index
        %get3A_250 = tpu.vector_load %arg12[%get3A, %get3A_249] {strides = array<i32>} : memref<128x128xf32, #tpu.memory_space<vmem>>, vector<1x16xf32>,
        %get3A_251 = vector.shape_cast %get3A_250 : vector<1x16xf32> to vector<16xf32>
        %get3A_252 = arith.index_cast %scan3A_225 : i32 to index
        %get3A_253 = arith.constant 0 : index
        %get3A_254 = tpu.vector_load %arg14[%get3A_252, %get3A_253] {strides = array<i32>} : memref<128x128xf32, #tpu.memory_space<vmem>>, vector<1x16xf32>,
        %get3A_255 = vector.shape_cast %get3A_254 : vector<1x16xf32> to vector<16xf32>
        %sub3A = arith.subf %get3A_251, %get3A_255 : vector<16xf32>
        %swap3A_256 = arith.index_cast %scan3A_225 : i32 to index
        %swap3A_257 = arith.constant 0 : index
        %swap3A_258 = tpu.vector_load %arg16[%swap3A_256, %swap3A_257] {strides = array<i32>} : memref<128x128xf32, #tpu.memory_space<vmem>>, vector<1x16xf32>,
        %swap3A_259 = vector.shape_cast %swap3A_258 : vector<1x16xf32> to vector<16xf32>
        %swap3A_260 = vector.shape_cast %sub3A : vector<16xf32> to vector<1x16xf32>
        tpu.vector_store %arg16[%swap3A_256, %swap3A_257], %swap3A_260 {strides = array<i32>} : memref<128x128xf32, #tpu.memory_space<vmem>>, vector<1x16xf32>,
        %mul3A_261 = vector.broadcast %select_n3A : f32 to vector<16xf32>
        %mul3A_262 = arith.mulf %sub3A, %mul3A_261 : vector<16xf32>
        %add3A_263 = arith.addf %scan3A_226, %mul3A_262 : vector<16xf32>
        %mul3A_264 = arith.mulf %mul3A_262, %mul3A_262 : vector<16xf32>
        %add3A_265 = arith.addf %scan3A_234, %mul3A_264 : vector<16xf32>
        %get3A_266 = arith.index_cast %scan3A_225 : i32 to index
        %get3A_267 = arith.constant 16 : index
        %get3A_268 = tpu.vector_load %arg12[%get3A_266, %get3A_267] {strides = array<i32>} : memref<128x128xf32, #tpu.memory_space<vmem>>, vector<1x16xf32>,
        %get3A_269 = vector.shape_cast %get3A_268 : vector<1x16xf32> to vector<16xf32>
        %get3A_270 = arith.index_cast %scan3A_225 : i32 to index
        %get3A_271 = arith.constant 16 : index
        %get3A_272 = tpu.vector_load %arg14[%get3A_270, %get3A_271] {strides = array<i32>} : memref<128x128xf32, #tpu.memory_space<vmem>>, vector<1x16xf32>,
        %get3A_273 = vector.shape_cast %get3A_272 : vector<1x16xf32> to vector<16xf32>
        %sub3A_274 = arith.subf %get3A_269, %get3A_273 : vector<16xf32>
        %swap3A_275 = arith.index_cast %scan3A_225 : i32 to index
        %swap3A_276 = arith.constant 16 : index
        %swap3A_277 = tpu.vector_load %arg16[%swap3A_275, %swap3A_276] {strides = array<i32>} : memref<128x128xf32, #tpu.memory_space<vmem>>, vector<1x16xf32>,
        %swap3A_278 = vector.shape_cast %swap3A_277 : vector<1x16xf32> to vector<16xf32>
        %swap3A_279 = vector.shape_cast %sub3A_274 : vector<16xf32> to vector<1x16xf32>
        tpu.vector_store %arg16[%swap3A_275, %swap3A_276], %swap3A_279 {strides = array<i32>} : memref<128x128xf32, #tpu.memory_space<vmem>>, vector<1x16xf32>,
        %mul3A_280 = vector.broadcast %select_n3A : f32 to vector<16xf32>
        %mul3A_281 = arith.mulf %sub3A_274, %mul3A_280 : vector<16xf32>
        %add3A_282 = arith.addf %scan3A_227, %mul3A_281 : vector<16xf32>
        %mul3A_283 = arith.mulf %mul3A_281, %mul3A_281 : vector<16xf32>
        %add3A_284 = arith.addf %scan3A_235, %mul3A_283 : vector<16xf32>
        %get3A_285 = arith.index_cast %scan3A_225 : i32 to index
        %get3A_286 = arith.constant 32 : index
        %get3A_287 = tpu.vector_load %arg12[%get3A_285, %get3A_286] {strides = array<i32>} : memref<128x128xf32, #tpu.memory_space<vmem>>, vector<1x16xf32>,
        %get3A_288 = vector.shape_cast %get3A_287 : vector<1x16xf32> to vector<16xf32>
        %get3A_289 = arith.index_cast %scan3A_225 : i32 to index
        %get3A_290 = arith.constant 32 : index
        %get3A_291 = tpu.vector_load %arg14[%get3A_289, %get3A_290] {strides = array<i32>} : memref<128x128xf32, #tpu.memory_space<vmem>>, vector<1x16xf32>,
        %get3A_292 = vector.shape_cast %get3A_291 : vector<1x16xf32> to vector<16xf32>
        %sub3A_293 = arith.subf %get3A_288, %get3A_292 : vector<16xf32>
        %swap3A_294 = arith.index_cast %scan3A_225 : i32 to index
        %swap3A_295 = arith.constant 32 : index
        %swap3A_296 = tpu.vector_load %arg16[%swap3A_294, %swap3A_295] {strides = array<i32>} : memref<128x128xf32, #tpu.memory_space<vmem>>, vector<1x16xf32>,
        %swap3A_297 = vector.shape_cast %swap3A_296 : vector<1x16xf32> to vector<16xf32>
        %swap3A_298 = vector.shape_cast %sub3A_293 : vector<16xf32> to vector<1x16xf32>
        tpu.vector_store %arg16[%swap3A_294, %swap3A_295], %swap3A_298 {strides = array<i32>} : memref<128x128xf32, #tpu.memory_space<vmem>>, vector<1x16xf32>,
        %mul3A_299 = vector.broadcast %select_n3A : f32 to vector<16xf32>
        %mul3A_300 = arith.mulf %sub3A_293, %mul3A_299 : vector<16xf32>
        %add3A_301 = arith.addf %scan3A_228, %mul3A_300 : vector<16xf32>
        %mul3A_302 = arith.mulf %mul3A_300, %mul3A_300 : vector<16xf32>
        %add3A_303 = arith.addf %scan3A_236, %mul3A_302 : vector<16xf32>
        %get3A_304 = arith.index_cast %scan3A_225 : i32 to index
        %get3A_305 = arith.constant 48 : index
        %get3A_306 = tpu.vector_load %arg12[%get3A_304, %get3A_305] {strides = array<i32>} : memref<128x128xf32, #tpu.memory_space<vmem>>, vector<1x16xf32>,
        %get3A_307 = vector.shape_cast %get3A_306 : vector<1x16xf32> to vector<16xf32>
        %get3A_308 = arith.index_cast %scan3A_225 : i32 to index
        %get3A_309 = arith.constant 48 : index
        %get3A_310 = tpu.vector_load %arg14[%get3A_308, %get3A_309] {strides = array<i32>} : memref<128x128xf32, #tpu.memory_space<vmem>>, vector<1x16xf32>,
        %get3A_311 = vector.shape_cast %get3A_310 : vector<1x16xf32> to vector<16xf32>
        %sub3A_312 = arith.subf %get3A_307, %get3A_311 : vector<16xf32>
        %swap3A_313 = arith.index_cast %scan3A_225 : i32 to index
        %swap3A_314 = arith.constant 48 : index
        %swap3A_315 = tpu.vector_load %arg16[%swap3A_313, %swap3A_314] {strides = array<i32>} : memref<128x128xf32, #tpu.memory_space<vmem>>, vector<1x16xf32>,
        %swap3A_316 = vector.shape_cast %swap3A_315 : vector<1x16xf32> to vector<16xf32>
        %swap3A_317 = vector.shape_cast %sub3A_312 : vector<16xf32> to vector<1x16xf32>
        tpu.vector_store %arg16[%swap3A_313, %swap3A_314], %swap3A_317 {strides = array<i32>} : memref<128x128xf32, #tpu.memory_space<vmem>>, vector<1x16xf32>,
        %mul3A_318 = vector.broadcast %select_n3A : f32 to vector<16xf32>
        %mul3A_319 = arith.mulf %sub3A_312, %mul3A_318 : vector<16xf32>
        %add3A_320 = arith.addf %scan3A_229, %mul3A_319 : vector<16xf32>
        %mul3A_321 = arith.mulf %mul3A_319, %mul3A_319 : vector<16xf32>
        %add3A_322 = arith.addf %scan3A_237, %mul3A_321 : vector<16xf32>
        %get3A_323 = arith.index_cast %scan3A_225 : i32 to index
        %get3A_324 = arith.constant 64 : index
        %get3A_325 = tpu.vector_load %arg12[%get3A_323, %get3A_324] {strides = array<i32>} : memref<128x128xf32, #tpu.memory_space<vmem>>, vector<1x16xf32>,
        %get3A_326 = vector.shape_cast %get3A_325 : vector<1x16xf32> to vector<16xf32>
        %get3A_327 = arith.index_cast %scan3A_225 : i32 to index
        %get3A_328 = arith.constant 64 : index
        %get3A_329 = tpu.vector_load %arg14[%get3A_327, %get3A_328] {strides = array<i32>} : memref<128x128xf32, #tpu.memory_space<vmem>>, vector<1x16xf32>,
        %get3A_330 = vector.shape_cast %get3A_329 : vector<1x16xf32> to vector<16xf32>
        %sub3A_331 = arith.subf %get3A_326, %get3A_330 : vector<16xf32>
        %swap3A_332 = arith.index_cast %scan3A_225 : i32 to index
        %swap3A_333 = arith.constant 64 : index
        %swap3A_334 = tpu.vector_load %arg16[%swap3A_332, %swap3A_333] {strides = array<i32>} : memref<128x128xf32, #tpu.memory_space<vmem>>, vector<1x16xf32>,
        %swap3A_335 = vector.shape_cast %swap3A_334 : vector<1x16xf32> to vector<16xf32>
        %swap3A_336 = vector.shape_cast %sub3A_331 : vector<16xf32> to vector<1x16xf32>
        tpu.vector_store %arg16[%swap3A_332, %swap3A_333], %swap3A_336 {strides = array<i32>} : memref<128x128xf32, #tpu.memory_space<vmem>>, vector<1x16xf32>,
        %mul3A_337 = vector.broadcast %select_n3A : f32 to vector<16xf32>
        %mul3A_338 = arith.mulf %sub3A_331, %mul3A_337 : vector<16xf32>
        %add3A_339 = arith.addf %scan3A_230, %mul3A_338 : vector<16xf32>
        %mul3A_340 = arith.mulf %mul3A_338, %mul3A_338 : vector<16xf32>
        %add3A_341 = arith.addf %scan3A_238, %mul3A_340 : vector<16xf32>
        %get3A_342 = arith.index_cast %scan3A_225 : i32 to index
        %get3A_343 = arith.constant 80 : index
        %get3A_344 = tpu.vector_load %arg12[%get3A_342, %get3A_343] {strides = array<i32>} : memref<128x128xf32, #tpu.memory_space<vmem>>, vector<1x16xf32>,
        %get3A_345 = vector.shape_cast %get3A_344 : vector<1x16xf32> to vector<16xf32>
        %get3A_346 = arith.index_cast %scan3A_225 : i32 to index
        %get3A_347 = arith.constant 80 : index
        %get3A_348 = tpu.vector_load %arg14[%get3A_346, %get3A_347] {strides = array<i32>} : memref<128x128xf32, #tpu.memory_space<vmem>>, vector<1x16xf32>,
        %get3A_349 = vector.shape_cast %get3A_348 : vector<1x16xf32> to vector<16xf32>
        %sub3A_350 = arith.subf %get3A_345, %get3A_349 : vector<16xf32>
        %swap3A_351 = arith.index_cast %scan3A_225 : i32 to index
        %swap3A_352 = arith.constant 80 : index
        %swap3A_353 = tpu.vector_load %arg16[%swap3A_351, %swap3A_352] {strides = array<i32>} : memref<128x128xf32, #tpu.memory_space<vmem>>, vector<1x16xf32>,
        %swap3A_354 = vector.shape_cast %swap3A_353 : vector<1x16xf32> to vector<16xf32>
        %swap3A_355 = vector.shape_cast %sub3A_350 : vector<16xf32> to vector<1x16xf32>
        tpu.vector_store %arg16[%swap3A_351, %swap3A_352], %swap3A_355 {strides = array<i32>} : memref<128x128xf32, #tpu.memory_space<vmem>>, vector<1x16xf32>,
        %mul3A_356 = vector.broadcast %select_n3A : f32 to vector<16xf32>
        %mul3A_357 = arith.mulf %sub3A_350, %mul3A_356 : vector<16xf32>
        %add3A_358 = arith.addf %scan3A_231, %mul3A_357 : vector<16xf32>
        %mul3A_359 = arith.mulf %mul3A_357, %mul3A_357 : vector<16xf32>
        %add3A_360 = arith.addf %scan3A_239, %mul3A_359 : vector<16xf32>
        %get3A_361 = arith.index_cast %scan3A_225 : i32 to index
        %get3A_362 = arith.constant 96 : index
        %get3A_363 = tpu.vector_load %arg12[%get3A_361, %get3A_362] {strides = array<i32>} : memref<128x128xf32, #tpu.memory_space<vmem>>, vector<1x16xf32>,
        %get3A_364 = vector.shape_cast %get3A_363 : vector<1x16xf32> to vector<16xf32>
        %get3A_365 = arith.index_cast %scan3A_225 : i32 to index
        %get3A_366 = arith.constant 96 : index
        %get3A_367 = tpu.vector_load %arg14[%get3A_365, %get3A_366] {strides = array<i32>} : memref<128x128xf32, #tpu.memory_space<vmem>>, vector<1x16xf32>,
        %get3A_368 = vector.shape_cast %get3A_367 : vector<1x16xf32> to vector<16xf32>
        %sub3A_369 = arith.subf %get3A_364, %get3A_368 : vector<16xf32>
        %swap3A_370 = arith.index_cast %scan3A_225 : i32 to index
        %swap3A_371 = arith.constant 96 : index
        %swap3A_372 = tpu.vector_load %arg16[%swap3A_370, %swap3A_371] {strides = array<i32>} : memref<128x128xf32, #tpu.memory_space<vmem>>, vector<1x16xf32>,
        %swap3A_373 = vector.shape_cast %swap3A_372 : vector<1x16xf32> to vector<16xf32>
        %swap3A_374 = vector.shape_cast %sub3A_369 : vector<16xf32> to vector<1x16xf32>
        tpu.vector_store %arg16[%swap3A_370, %swap3A_371], %swap3A_374 {strides = array<i32>} : memref<128x128xf32, #tpu.memory_space<vmem>>, vector<1x16xf32>,
        %mul3A_375 = vector.broadcast %select_n3A : f32 to vector<16xf32>
        %mul3A_376 = arith.mulf %sub3A_369, %mul3A_375 : vector<16xf32>
        %add3A_377 = arith.addf %scan3A_232, %mul3A_376 : vector<16xf32>
        %mul3A_378 = arith.mulf %mul3A_376, %mul3A_376 : vector<16xf32>
        %add3A_379 = arith.addf %scan3A_240, %mul3A_378 : vector<16xf32>
        %get3A_380 = arith.index_cast %scan3A_225 : i32 to index
        %get3A_381 = arith.constant 112 : index
        %get3A_382 = tpu.vector_load %arg12[%get3A_380, %get3A_381] {strides = array<i32>} : memref<128x128xf32, #tpu.memory_space<vmem>>, vector<1x16xf32>,
        %get3A_383 = vector.shape_cast %get3A_382 : vector<1x16xf32> to vector<16xf32>
        %get3A_384 = arith.index_cast %scan3A_225 : i32 to index
        %get3A_385 = arith.constant 112 : index
        %get3A_386 = tpu.vector_load %arg14[%get3A_384, %get3A_385] {strides = array<i32>} : memref<128x128xf32, #tpu.memory_space<vmem>>, vector<1x16xf32>,
        %get3A_387 = vector.shape_cast %get3A_386 : vector<1x16xf32> to vector<16xf32>
        %sub3A_388 = arith.subf %get3A_383, %get3A_387 : vector<16xf32>
        %swap3A_389 = arith.index_cast %scan3A_225 : i32 to index
        %swap3A_390 = arith.constant 112 : index
        %swap3A_391 = tpu.vector_load %arg16[%swap3A_389, %swap3A_390] {strides = array<i32>} : memref<128x128xf32, #tpu.memory_space<vmem>>, vector<1x16xf32>,
        %swap3A_392 = vector.shape_cast %swap3A_391 : vector<1x16xf32> to vector<16xf32>
        %swap3A_393 = vector.shape_cast %sub3A_388 : vector<16xf32> to vector<1x16xf32>
        tpu.vector_store %arg16[%swap3A_389, %swap3A_390], %swap3A_393 {strides = array<i32>} : memref<128x128xf32, #tpu.memory_space<vmem>>, vector<1x16xf32>,
        %mul3A_394 = vector.broadcast %select_n3A : f32 to vector<16xf32>
        %mul3A_395 = arith.mulf %sub3A_388, %mul3A_394 : vector<16xf32>
        %add3A_396 = arith.addf %scan3A_233, %mul3A_395 : vector<16xf32>
        %mul3A_397 = arith.mulf %mul3A_395, %mul3A_395 : vector<16xf32>
        %add3A_398 = arith.addf %scan3A_241, %mul3A_397 : vector<16xf32>
        scf.yield %add3A_263, %add3A_282, %add3A_301, %add3A_320, %add3A_339, %add3A_358, %add3A_377, %add3A_396, %add3A_265, %add3A_284, %add3A_303, %add3A_322, %add3A_341, %add3A_360, %add3A_379, %add3A_398 : vector<16xf32>, vector<16xf32>, vector<16xf32>, vector<16xf32>, vector<16xf32>, vector<16xf32>, vector<16xf32>, vector<16xf32>, vector<16xf32>, vector<16xf32>, vector<16xf32>, vector<16xf32>, vector<16xf32>, vector<16xf32>, vector<16xf32>, vector<16xf32>
      }
      %scan3A_185 = arith.constant 128 : i32
      %mul3A_186 = arith.constant 128 : i32
      %mul3A_187 = arith.muli %mul3A_153, %mul3A_186 : i32
      %add3A_188 = arith.addi %mul3A_4, %mul3A_187 : i32
      %multiple_of3A_189 = tpu.assume_multiple %add3A_188, 8 : i32
      %dma_start3A_190 = arith.constant 0 : i32
      %dma_start3A_191 = tpu.memref_slice %arg6[%multiple_of3A_189, %dma_start3A_190] : memref<335872x128xf32, #tpu.memory_space<hbm>> -> memref<128x128xf32, #tpu.memory_space<hbm>>
      %dma_start3A_192 = arith.constant 0 : i32
      %dma_start3A_193 = tpu.memref_slice %arg6[%multiple_of3A_189, %dma_start3A_192] : memref<335872x128xf32, #tpu.memory_space<hbm>> -> memref<128x128xf32, #tpu.memory_space<hbm>>
      tpu.enqueue_dma source(%arg16 : memref<128x128xf32, #tpu.memory_space<vmem>>) target(%dma_start3A_193 : memref<128x128xf32, #tpu.memory_space<hbm>>) target_semaphore(%arg21 : memref<!tpu.dma_semaphore, #tpu.memory_space<semaphore_mem>>)
      %add3A_194 = arith.constant 2 : i32
      %add3A_195 = arith.addi %mul3A_153, %add3A_194 : i32
      %lt3A = arith.constant 82 : i32
      %lt3A_196 = arith.cmpi slt, %add3A_195, %lt3A : i32
      %convert_element_type3A_197 = arith.extui %lt3A_196 : i1 to i32
      %cond3A_198 = arith.constant 0 : i32
      %cond3A_199 = arith.cmpi ne, %convert_element_type3A_197, %cond3A_198 : i32
      scf.if %cond3A_199 {
        %add3A_225 = arith.constant 2 : i32
        %add3A_226 = arith.addi %mul3A_153, %add3A_225 : i32
        %mul3A_227 = arith.constant 128 : i32
        %mul3A_228 = arith.muli %add3A_226, %mul3A_227 : i32
        %add3A_229 = arith.addi %mul3A_4, %mul3A_228 : i32
        %multiple_of3A_230 = tpu.assume_multiple %add3A_229, 8 : i32
        "tpu.region"() ({
          %run_scoped3A = tpu.sem_alloc : memref<!tpu.dma_semaphore, #tpu.memory_space<semaphore_mem>>
          %dma_start3A_241 = tpu.memref_slice %arg4[%multiple_of3A_230] : memref<335872xi32, #tpu.memory_space<hbm>> -> memref<128xi32, #tpu.memory_space<hbm>>
          %dma_start3A_242 = tpu.memref_slice %arg4[%multiple_of3A_230] : memref<335872xi32, #tpu.memory_space<hbm>> -> memref<128xi32, #tpu.memory_space<hbm>>
          tpu.enqueue_dma source(%dma_start3A_242 : memref<128xi32, #tpu.memory_space<hbm>>) target(%arg8 : memref<128xi32, #tpu.memory_space<vmem>>) target_semaphore(%run_scoped3A : memref<!tpu.dma_semaphore, #tpu.memory_space<semaphore_mem>>)
          %dma_wait3A_243 = tpu.memref_slice %arg4[%multiple_of3A_230] : memref<335872xi32, #tpu.memory_space<hbm>> -> memref<128xi32, #tpu.memory_space<hbm>>
          %dma_wait3A_244 = tpu.memref_slice %arg4[%multiple_of3A_230] : memref<335872xi32, #tpu.memory_space<hbm>> -> memref<128xi32, #tpu.memory_space<hbm>>
          tpu.wait_dma2 semaphore(%run_scoped3A : memref<!tpu.dma_semaphore, #tpu.memory_space<semaphore_mem>>) src(%dma_wait3A_244 : memref<128xi32, #tpu.memory_space<hbm>>) dst(%arg8 : memref<128xi32, #tpu.memory_space<vmem>>)
          tpu.yield
        }) : () -> ()
        %mul3A_231 = arith.constant 128 : i32
        %mul3A_232 = arith.muli %add3A_226, %mul3A_231 : i32
        %add3A_233 = arith.addi %mul3A_4, %mul3A_232 : i32
        %multiple_of3A_234 = tpu.assume_multiple %add3A_233, 8 : i32
        "tpu.region"() ({
          %run_scoped3A = tpu.sem_alloc : memref<!tpu.dma_semaphore, #tpu.memory_space<semaphore_mem>>
          %dma_start3A_241 = tpu.memref_slice %arg5[%multiple_of3A_234] : memref<335872xi32, #tpu.memory_space<hbm>> -> memref<128xi32, #tpu.memory_space<hbm>>
          %dma_start3A_242 = tpu.memref_slice %arg5[%multiple_of3A_234] : memref<335872xi32, #tpu.memory_space<hbm>> -> memref<128xi32, #tpu.memory_space<hbm>>
          tpu.enqueue_dma source(%dma_start3A_242 : memref<128xi32, #tpu.memory_space<hbm>>) target(%arg10 : memref<128xi32, #tpu.memory_space<vmem>>) target_semaphore(%run_scoped3A : memref<!tpu.dma_semaphore, #tpu.memory_space<semaphore_mem>>)
          %dma_wait3A_243 = tpu.memref_slice %arg5[%multiple_of3A_234] : memref<335872xi32, #tpu.memory_space<hbm>> -> memref<128xi32, #tpu.memory_space<hbm>>
          %dma_wait3A_244 = tpu.memref_slice %arg5[%multiple_of3A_234] : memref<335872xi32, #tpu.memory_space<hbm>> -> memref<128xi32, #tpu.memory_space<hbm>>
          tpu.wait_dma2 semaphore(%run_scoped3A : memref<!tpu.dma_semaphore, #tpu.memory_space<semaphore_mem>>) src(%dma_wait3A_244 : memref<128xi32, #tpu.memory_space<hbm>>) dst(%arg10 : memref<128xi32, #tpu.memory_space<vmem>>)
          tpu.yield
        }) : () -> ()
        %dma_start3A_235 = arith.constant 0 : i32
        %dma_start3A_236 = arith.constant 0 : i32
        %dma_start3A_237 = tpu.memref_slice %arg2[%dma_start3A_235, %dma_start3A_236] : memref<10000x128xf32, #tpu.memory_space<hbm>> -> memref<10000x128xf32, #tpu.memory_space<hbm>>
        tpu.enqueue_indirect_dma source(%dma_start3A_237 : memref<10000x128xf32, #tpu.memory_space<hbm>>) target(%arg12 : memref<128x128xf32, #tpu.memory_space<vmem>>) offsets(%arg8 : memref<128xi32, #tpu.memory_space<vmem>>) semaphore(%arg19 : memref<!tpu.dma_semaphore, #tpu.memory_space<semaphore_mem>>)
        %dma_start3A_238 = arith.constant 0 : i32
        %dma_start3A_239 = arith.constant 0 : i32
        %dma_start3A_240 = tpu.memref_slice %arg3[%dma_start3A_238, %dma_start3A_239] : memref<10000x128xf32, #tpu.memory_space<hbm>> -> memref<10000x128xf32, #tpu.memory_space<hbm>>
        tpu.enqueue_indirect_dma source(%dma_start3A_240 : memref<10000x128xf32, #tpu.memory_space<hbm>>) target(%arg14 : memref<128x128xf32, #tpu.memory_space<vmem>>) offsets(%arg10 : memref<128xi32, #tpu.memory_space<vmem>>) semaphore(%arg19 : memref<!tpu.dma_semaphore, #tpu.memory_space<semaphore_mem>>)
      } else {
      }
      %dma_wait3A_200 = arith.constant 0 : i32
      %dma_wait3A_201 = arith.constant 0 : i32
      %dma_wait3A_202 = tpu.memref_slice %arg2[%dma_wait3A_200, %dma_wait3A_201] : memref<10000x128xf32, #tpu.memory_space<hbm>> -> memref<10000x128xf32, #tpu.memory_space<hbm>>
      tpu.wait_indirect_dma semaphore(%arg20 : memref<!tpu.dma_semaphore, #tpu.memory_space<semaphore_mem>>) src(%dma_wait3A_202 : memref<10000x128xf32, #tpu.memory_space<hbm>>) dst(%arg13 : memref<128x128xf32, #tpu.memory_space<vmem>>)
      %dma_wait3A_203 = arith.constant 0 : i32
      %dma_wait3A_204 = arith.constant 0 : i32
      %dma_wait3A_205 = tpu.memref_slice %arg3[%dma_wait3A_203, %dma_wait3A_204] : memref<10000x128xf32, #tpu.memory_space<hbm>> -> memref<10000x128xf32, #tpu.memory_space<hbm>>
      tpu.wait_indirect_dma semaphore(%arg20 : memref<!tpu.dma_semaphore, #tpu.memory_space<semaphore_mem>>) src(%dma_wait3A_205 : memref<10000x128xf32, #tpu.memory_space<hbm>>) dst(%arg15 : memref<128x128xf32, #tpu.memory_space<vmem>>)
      %ge3A_206 = arith.constant 1 : i32
      %ge3A_207 = arith.cmpi sge, %scan3A_135, %ge3A_206 : i32
      %convert_element_type3A_208 = arith.extui %ge3A_207 : i1 to i32
      %cond3A_209 = arith.constant 0 : i32
      %cond3A_210 = arith.cmpi ne, %convert_element_type3A_208, %cond3A_209 : i32
      scf.if %cond3A_210 {
        %sub3A = arith.constant 2 : i32
        %sub3A_225 = arith.subi %add3A_157, %sub3A : i32
        %mul3A_226 = arith.constant 128 : i32
        %mul3A_227 = arith.muli %sub3A_225, %mul3A_226 : i32
        %add3A_228 = arith.addi %mul3A_4, %mul3A_227 : i32
        %multiple_of3A_229 = tpu.assume_multiple %add3A_228, 8 : i32
        %dma_wait3A_230 = arith.constant 0 : i32
        %dma_wait3A_231 = tpu.memref_slice %arg6[%multiple_of3A_229, %dma_wait3A_230] : memref<335872x128xf32, #tpu.memory_space<hbm>> -> memref<128x128xf32, #tpu.memory_space<hbm>>
        %dma_wait3A_232 = arith.constant 0 : i32
        %dma_wait3A_233 = tpu.memref_slice %arg6[%multiple_of3A_229, %dma_wait3A_232] : memref<335872x128xf32, #tpu.memory_space<hbm>> -> memref<128x128xf32, #tpu.memory_space<hbm>>
        tpu.wait_dma2 semaphore(%arg22 : memref<!tpu.dma_semaphore, #tpu.memory_space<semaphore_mem>>) src(%arg17 : memref<128x128xf32, #tpu.memory_space<vmem>>) dst(%dma_wait3A_233 : memref<128x128xf32, #tpu.memory_space<hbm>>)
      } else {
      }
      %scan3A_211 = arith.constant 0 : i32
      %scan3A_212 = arith.constant 128 : i32
      %scan3A_213 = arith.addi %scan3A_211, %scan3A_212 : i32
      %scan3A_214 = arith.constant 1 : i32
      %scan3A_215:16 = scf.for %scan3A_225 = %scan3A_211 to %scan3A_213 step %scan3A_214 iter_args(%scan3A_226 = %scan3A_184#0, %scan3A_227 = %scan3A_184#1, %scan3A_228 = %scan3A_184#2, %scan3A_229 = %scan3A_184#3, %scan3A_230 = %scan3A_184#4, %scan3A_231 = %scan3A_184#5, %scan3A_232 = %scan3A_184#6, %scan3A_233 = %scan3A_184#7, %scan3A_234 = %scan3A_184#8, %scan3A_235 = %scan3A_184#9, %scan3A_236 = %scan3A_184#10, %scan3A_237 = %scan3A_184#11, %scan3A_238 = %scan3A_184#12, %scan3A_239 = %scan3A_184#13, %scan3A_240 = %scan3A_184#14, %scan3A_241 = %scan3A_184#15) -> (vector<16xf32>, vector<16xf32>, vector<16xf32>, vector<16xf32>, vector<16xf32>, vector<16xf32>, vector<16xf32>, vector<16xf32>, vector<16xf32>, vector<16xf32>, vector<16xf32>, vector<16xf32>, vector<16xf32>, vector<16xf32>, vector<16xf32>, vector<16xf32>)  : i32 {
        %mul3A_242 = arith.constant 128 : i32
        %mul3A_243 = arith.muli %add3A_157, %mul3A_242 : i32
        %add3A_244 = arith.addi %mul3A_4, %mul3A_243 : i32
        %add3A_245 = arith.addi %add3A_244, %scan3A_225 : i32
        %lt3A_246 = arith.constant 330000 : i32
        %lt3A_247 = arith.cmpi slt, %add3A_245, %lt3A_246 : i32
        %jit3A = arith.constant 1.000000e+00 : f32
        %jit3A_248 = arith.constant 0.000000e+00 : f32
        %select_n3A = arith.select %lt3A_247, %jit3A, %jit3A_248 : f32
        %get3A = arith.index_cast %scan3A_225 : i32 to index
        %get3A_249 = arith.constant 0 : index
        %get3A_250 = tpu.vector_load %arg13[%get3A, %get3A_249] {strides = array<i32>} : memref<128x128xf32, #tpu.memory_space<vmem>>, vector<1x16xf32>,
        %get3A_251 = vector.shape_cast %get3A_250 : vector<1x16xf32> to vector<16xf32>
        %get3A_252 = arith.index_cast %scan3A_225 : i32 to index
        %get3A_253 = arith.constant 0 : index
        %get3A_254 = tpu.vector_load %arg15[%get3A_252, %get3A_253] {strides = array<i32>} : memref<128x128xf32, #tpu.memory_space<vmem>>, vector<1x16xf32>,
        %get3A_255 = vector.shape_cast %get3A_254 : vector<1x16xf32> to vector<16xf32>
        %sub3A = arith.subf %get3A_251, %get3A_255 : vector<16xf32>
        %swap3A_256 = arith.index_cast %scan3A_225 : i32 to index
        %swap3A_257 = arith.constant 0 : index
        %swap3A_258 = tpu.vector_load %arg17[%swap3A_256, %swap3A_257] {strides = array<i32>} : memref<128x128xf32, #tpu.memory_space<vmem>>, vector<1x16xf32>,
        %swap3A_259 = vector.shape_cast %swap3A_258 : vector<1x16xf32> to vector<16xf32>
        %swap3A_260 = vector.shape_cast %sub3A : vector<16xf32> to vector<1x16xf32>
        tpu.vector_store %arg17[%swap3A_256, %swap3A_257], %swap3A_260 {strides = array<i32>} : memref<128x128xf32, #tpu.memory_space<vmem>>, vector<1x16xf32>,
        %mul3A_261 = vector.broadcast %select_n3A : f32 to vector<16xf32>
        %mul3A_262 = arith.mulf %sub3A, %mul3A_261 : vector<16xf32>
        %add3A_263 = arith.addf %scan3A_226, %mul3A_262 : vector<16xf32>
        %mul3A_264 = arith.mulf %mul3A_262, %mul3A_262 : vector<16xf32>
        %add3A_265 = arith.addf %scan3A_234, %mul3A_264 : vector<16xf32>
        %get3A_266 = arith.index_cast %scan3A_225 : i32 to index
        %get3A_267 = arith.constant 16 : index
        %get3A_268 = tpu.vector_load %arg13[%get3A_266, %get3A_267] {strides = array<i32>} : memref<128x128xf32, #tpu.memory_space<vmem>>, vector<1x16xf32>,
        %get3A_269 = vector.shape_cast %get3A_268 : vector<1x16xf32> to vector<16xf32>
        %get3A_270 = arith.index_cast %scan3A_225 : i32 to index
        %get3A_271 = arith.constant 16 : index
        %get3A_272 = tpu.vector_load %arg15[%get3A_270, %get3A_271] {strides = array<i32>} : memref<128x128xf32, #tpu.memory_space<vmem>>, vector<1x16xf32>,
        %get3A_273 = vector.shape_cast %get3A_272 : vector<1x16xf32> to vector<16xf32>
        %sub3A_274 = arith.subf %get3A_269, %get3A_273 : vector<16xf32>
        %swap3A_275 = arith.index_cast %scan3A_225 : i32 to index
        %swap3A_276 = arith.constant 16 : index
        %swap3A_277 = tpu.vector_load %arg17[%swap3A_275, %swap3A_276] {strides = array<i32>} : memref<128x128xf32, #tpu.memory_space<vmem>>, vector<1x16xf32>,
        %swap3A_278 = vector.shape_cast %swap3A_277 : vector<1x16xf32> to vector<16xf32>
        %swap3A_279 = vector.shape_cast %sub3A_274 : vector<16xf32> to vector<1x16xf32>
        tpu.vector_store %arg17[%swap3A_275, %swap3A_276], %swap3A_279 {strides = array<i32>} : memref<128x128xf32, #tpu.memory_space<vmem>>, vector<1x16xf32>,
        %mul3A_280 = vector.broadcast %select_n3A : f32 to vector<16xf32>
        %mul3A_281 = arith.mulf %sub3A_274, %mul3A_280 : vector<16xf32>
        %add3A_282 = arith.addf %scan3A_227, %mul3A_281 : vector<16xf32>
        %mul3A_283 = arith.mulf %mul3A_281, %mul3A_281 : vector<16xf32>
        %add3A_284 = arith.addf %scan3A_235, %mul3A_283 : vector<16xf32>
        %get3A_285 = arith.index_cast %scan3A_225 : i32 to index
        %get3A_286 = arith.constant 32 : index
        %get3A_287 = tpu.vector_load %arg13[%get3A_285, %get3A_286] {strides = array<i32>} : memref<128x128xf32, #tpu.memory_space<vmem>>, vector<1x16xf32>,
        %get3A_288 = vector.shape_cast %get3A_287 : vector<1x16xf32> to vector<16xf32>
        %get3A_289 = arith.index_cast %scan3A_225 : i32 to index
        %get3A_290 = arith.constant 32 : index
        %get3A_291 = tpu.vector_load %arg15[%get3A_289, %get3A_290] {strides = array<i32>} : memref<128x128xf32, #tpu.memory_space<vmem>>, vector<1x16xf32>,
        %get3A_292 = vector.shape_cast %get3A_291 : vector<1x16xf32> to vector<16xf32>
        %sub3A_293 = arith.subf %get3A_288, %get3A_292 : vector<16xf32>
        %swap3A_294 = arith.index_cast %scan3A_225 : i32 to index
        %swap3A_295 = arith.constant 32 : index
        %swap3A_296 = tpu.vector_load %arg17[%swap3A_294, %swap3A_295] {strides = array<i32>} : memref<128x128xf32, #tpu.memory_space<vmem>>, vector<1x16xf32>,
        %swap3A_297 = vector.shape_cast %swap3A_296 : vector<1x16xf32> to vector<16xf32>
        %swap3A_298 = vector.shape_cast %sub3A_293 : vector<16xf32> to vector<1x16xf32>
        tpu.vector_store %arg17[%swap3A_294, %swap3A_295], %swap3A_298 {strides = array<i32>} : memref<128x128xf32, #tpu.memory_space<vmem>>, vector<1x16xf32>,
        %mul3A_299 = vector.broadcast %select_n3A : f32 to vector<16xf32>
        %mul3A_300 = arith.mulf %sub3A_293, %mul3A_299 : vector<16xf32>
        %add3A_301 = arith.addf %scan3A_228, %mul3A_300 : vector<16xf32>
        %mul3A_302 = arith.mulf %mul3A_300, %mul3A_300 : vector<16xf32>
        %add3A_303 = arith.addf %scan3A_236, %mul3A_302 : vector<16xf32>
        %get3A_304 = arith.index_cast %scan3A_225 : i32 to index
        %get3A_305 = arith.constant 48 : index
        %get3A_306 = tpu.vector_load %arg13[%get3A_304, %get3A_305] {strides = array<i32>} : memref<128x128xf32, #tpu.memory_space<vmem>>, vector<1x16xf32>,
        %get3A_307 = vector.shape_cast %get3A_306 : vector<1x16xf32> to vector<16xf32>
        %get3A_308 = arith.index_cast %scan3A_225 : i32 to index
        %get3A_309 = arith.constant 48 : index
        %get3A_310 = tpu.vector_load %arg15[%get3A_308, %get3A_309] {strides = array<i32>} : memref<128x128xf32, #tpu.memory_space<vmem>>, vector<1x16xf32>,
        %get3A_311 = vector.shape_cast %get3A_310 : vector<1x16xf32> to vector<16xf32>
        %sub3A_312 = arith.subf %get3A_307, %get3A_311 : vector<16xf32>
        %swap3A_313 = arith.index_cast %scan3A_225 : i32 to index
        %swap3A_314 = arith.constant 48 : index
        %swap3A_315 = tpu.vector_load %arg17[%swap3A_313, %swap3A_314] {strides = array<i32>} : memref<128x128xf32, #tpu.memory_space<vmem>>, vector<1x16xf32>,
        %swap3A_316 = vector.shape_cast %swap3A_315 : vector<1x16xf32> to vector<16xf32>
        %swap3A_317 = vector.shape_cast %sub3A_312 : vector<16xf32> to vector<1x16xf32>
        tpu.vector_store %arg17[%swap3A_313, %swap3A_314], %swap3A_317 {strides = array<i32>} : memref<128x128xf32, #tpu.memory_space<vmem>>, vector<1x16xf32>,
        %mul3A_318 = vector.broadcast %select_n3A : f32 to vector<16xf32>
        %mul3A_319 = arith.mulf %sub3A_312, %mul3A_318 : vector<16xf32>
        %add3A_320 = arith.addf %scan3A_229, %mul3A_319 : vector<16xf32>
        %mul3A_321 = arith.mulf %mul3A_319, %mul3A_319 : vector<16xf32>
        %add3A_322 = arith.addf %scan3A_237, %mul3A_321 : vector<16xf32>
        %get3A_323 = arith.index_cast %scan3A_225 : i32 to index
        %get3A_324 = arith.constant 64 : index
        %get3A_325 = tpu.vector_load %arg13[%get3A_323, %get3A_324] {strides = array<i32>} : memref<128x128xf32, #tpu.memory_space<vmem>>, vector<1x16xf32>,
        %get3A_326 = vector.shape_cast %get3A_325 : vector<1x16xf32> to vector<16xf32>
        %get3A_327 = arith.index_cast %scan3A_225 : i32 to index
        %get3A_328 = arith.constant 64 : index
        %get3A_329 = tpu.vector_load %arg15[%get3A_327, %get3A_328] {strides = array<i32>} : memref<128x128xf32, #tpu.memory_space<vmem>>, vector<1x16xf32>,
        %get3A_330 = vector.shape_cast %get3A_329 : vector<1x16xf32> to vector<16xf32>
        %sub3A_331 = arith.subf %get3A_326, %get3A_330 : vector<16xf32>
        %swap3A_332 = arith.index_cast %scan3A_225 : i32 to index
        %swap3A_333 = arith.constant 64 : index
        %swap3A_334 = tpu.vector_load %arg17[%swap3A_332, %swap3A_333] {strides = array<i32>} : memref<128x128xf32, #tpu.memory_space<vmem>>, vector<1x16xf32>,
        %swap3A_335 = vector.shape_cast %swap3A_334 : vector<1x16xf32> to vector<16xf32>
        %swap3A_336 = vector.shape_cast %sub3A_331 : vector<16xf32> to vector<1x16xf32>
        tpu.vector_store %arg17[%swap3A_332, %swap3A_333], %swap3A_336 {strides = array<i32>} : memref<128x128xf32, #tpu.memory_space<vmem>>, vector<1x16xf32>,
        %mul3A_337 = vector.broadcast %select_n3A : f32 to vector<16xf32>
        %mul3A_338 = arith.mulf %sub3A_331, %mul3A_337 : vector<16xf32>
        %add3A_339 = arith.addf %scan3A_230, %mul3A_338 : vector<16xf32>
        %mul3A_340 = arith.mulf %mul3A_338, %mul3A_338 : vector<16xf32>
        %add3A_341 = arith.addf %scan3A_238, %mul3A_340 : vector<16xf32>
        %get3A_342 = arith.index_cast %scan3A_225 : i32 to index
        %get3A_343 = arith.constant 80 : index
        %get3A_344 = tpu.vector_load %arg13[%get3A_342, %get3A_343] {strides = array<i32>} : memref<128x128xf32, #tpu.memory_space<vmem>>, vector<1x16xf32>,
        %get3A_345 = vector.shape_cast %get3A_344 : vector<1x16xf32> to vector<16xf32>
        %get3A_346 = arith.index_cast %scan3A_225 : i32 to index
        %get3A_347 = arith.constant 80 : index
        %get3A_348 = tpu.vector_load %arg15[%get3A_346, %get3A_347] {strides = array<i32>} : memref<128x128xf32, #tpu.memory_space<vmem>>, vector<1x16xf32>,
        %get3A_349 = vector.shape_cast %get3A_348 : vector<1x16xf32> to vector<16xf32>
        %sub3A_350 = arith.subf %get3A_345, %get3A_349 : vector<16xf32>
        %swap3A_351 = arith.index_cast %scan3A_225 : i32 to index
        %swap3A_352 = arith.constant 80 : index
        %swap3A_353 = tpu.vector_load %arg17[%swap3A_351, %swap3A_352] {strides = array<i32>} : memref<128x128xf32, #tpu.memory_space<vmem>>, vector<1x16xf32>,
        %swap3A_354 = vector.shape_cast %swap3A_353 : vector<1x16xf32> to vector<16xf32>
        %swap3A_355 = vector.shape_cast %sub3A_350 : vector<16xf32> to vector<1x16xf32>
        tpu.vector_store %arg17[%swap3A_351, %swap3A_352], %swap3A_355 {strides = array<i32>} : memref<128x128xf32, #tpu.memory_space<vmem>>, vector<1x16xf32>,
        %mul3A_356 = vector.broadcast %select_n3A : f32 to vector<16xf32>
        %mul3A_357 = arith.mulf %sub3A_350, %mul3A_356 : vector<16xf32>
        %add3A_358 = arith.addf %scan3A_231, %mul3A_357 : vector<16xf32>
        %mul3A_359 = arith.mulf %mul3A_357, %mul3A_357 : vector<16xf32>
        %add3A_360 = arith.addf %scan3A_239, %mul3A_359 : vector<16xf32>
        %get3A_361 = arith.index_cast %scan3A_225 : i32 to index
        %get3A_362 = arith.constant 96 : index
        %get3A_363 = tpu.vector_load %arg13[%get3A_361, %get3A_362] {strides = array<i32>} : memref<128x128xf32, #tpu.memory_space<vmem>>, vector<1x16xf32>,
        %get3A_364 = vector.shape_cast %get3A_363 : vector<1x16xf32> to vector<16xf32>
        %get3A_365 = arith.index_cast %scan3A_225 : i32 to index
        %get3A_366 = arith.constant 96 : index
        %get3A_367 = tpu.vector_load %arg15[%get3A_365, %get3A_366] {strides = array<i32>} : memref<128x128xf32, #tpu.memory_space<vmem>>, vector<1x16xf32>,
        %get3A_368 = vector.shape_cast %get3A_367 : vector<1x16xf32> to vector<16xf32>
        %sub3A_369 = arith.subf %get3A_364, %get3A_368 : vector<16xf32>
        %swap3A_370 = arith.index_cast %scan3A_225 : i32 to index
        %swap3A_371 = arith.constant 96 : index
        %swap3A_372 = tpu.vector_load %arg17[%swap3A_370, %swap3A_371] {strides = array<i32>} : memref<128x128xf32, #tpu.memory_space<vmem>>, vector<1x16xf32>,
        %swap3A_373 = vector.shape_cast %swap3A_372 : vector<1x16xf32> to vector<16xf32>
        %swap3A_374 = vector.shape_cast %sub3A_369 : vector<16xf32> to vector<1x16xf32>
        tpu.vector_store %arg17[%swap3A_370, %swap3A_371], %swap3A_374 {strides = array<i32>} : memref<128x128xf32, #tpu.memory_space<vmem>>, vector<1x16xf32>,
        %mul3A_375 = vector.broadcast %select_n3A : f32 to vector<16xf32>
        %mul3A_376 = arith.mulf %sub3A_369, %mul3A_375 : vector<16xf32>
        %add3A_377 = arith.addf %scan3A_232, %mul3A_376 : vector<16xf32>
        %mul3A_378 = arith.mulf %mul3A_376, %mul3A_376 : vector<16xf32>
        %add3A_379 = arith.addf %scan3A_240, %mul3A_378 : vector<16xf32>
        %get3A_380 = arith.index_cast %scan3A_225 : i32 to index
        %get3A_381 = arith.constant 112 : index
        %get3A_382 = tpu.vector_load %arg13[%get3A_380, %get3A_381] {strides = array<i32>} : memref<128x128xf32, #tpu.memory_space<vmem>>, vector<1x16xf32>,
        %get3A_383 = vector.shape_cast %get3A_382 : vector<1x16xf32> to vector<16xf32>
        %get3A_384 = arith.index_cast %scan3A_225 : i32 to index
        %get3A_385 = arith.constant 112 : index
        %get3A_386 = tpu.vector_load %arg15[%get3A_384, %get3A_385] {strides = array<i32>} : memref<128x128xf32, #tpu.memory_space<vmem>>, vector<1x16xf32>,
        %get3A_387 = vector.shape_cast %get3A_386 : vector<1x16xf32> to vector<16xf32>
        %sub3A_388 = arith.subf %get3A_383, %get3A_387 : vector<16xf32>
        %swap3A_389 = arith.index_cast %scan3A_225 : i32 to index
        %swap3A_390 = arith.constant 112 : index
        %swap3A_391 = tpu.vector_load %arg17[%swap3A_389, %swap3A_390] {strides = array<i32>} : memref<128x128xf32, #tpu.memory_space<vmem>>, vector<1x16xf32>,
        %swap3A_392 = vector.shape_cast %swap3A_391 : vector<1x16xf32> to vector<16xf32>
        %swap3A_393 = vector.shape_cast %sub3A_388 : vector<16xf32> to vector<1x16xf32>
        tpu.vector_store %arg17[%swap3A_389, %swap3A_390], %swap3A_393 {strides = array<i32>} : memref<128x128xf32, #tpu.memory_space<vmem>>, vector<1x16xf32>,
        %mul3A_394 = vector.broadcast %select_n3A : f32 to vector<16xf32>
        %mul3A_395 = arith.mulf %sub3A_388, %mul3A_394 : vector<16xf32>
        %add3A_396 = arith.addf %scan3A_233, %mul3A_395 : vector<16xf32>
        %mul3A_397 = arith.mulf %mul3A_395, %mul3A_395 : vector<16xf32>
        %add3A_398 = arith.addf %scan3A_241, %mul3A_397 : vector<16xf32>
        scf.yield %add3A_263, %add3A_282, %add3A_301, %add3A_320, %add3A_339, %add3A_358, %add3A_377, %add3A_396, %add3A_265, %add3A_284, %add3A_303, %add3A_322, %add3A_341, %add3A_360, %add3A_379, %add3A_398 : vector<16xf32>, vector<16xf32>, vector<16xf32>, vector<16xf32>, vector<16xf32>, vector<16xf32>, vector<16xf32>, vector<16xf32>, vector<16xf32>, vector<16xf32>, vector<16xf32>, vector<16xf32>, vector<16xf32>, vector<16xf32>, vector<16xf32>, vector<16xf32>
      }
      %scan3A_216 = arith.constant 128 : i32
      %mul3A_217 = arith.constant 128 : i32
      %mul3A_218 = arith.muli %add3A_157, %mul3A_217 : i32
      %add3A_219 = arith.addi %mul3A_4, %mul3A_218 : i32
      %multiple_of3A_220 = tpu.assume_multiple %add3A_219, 8 : i32
      %dma_start3A_221 = arith.constant 0 : i32
      %dma_start3A_222 = tpu.memref_slice %arg6[%multiple_of3A_220, %dma_start3A_221] : memref<335872x128xf32, #tpu.memory_space<hbm>> -> memref<128x128xf32, #tpu.memory_space<hbm>>
      %dma_start3A_223 = arith.constant 0 : i32
      %dma_start3A_224 = tpu.memref_slice %arg6[%multiple_of3A_220, %dma_start3A_223] : memref<335872x128xf32, #tpu.memory_space<hbm>> -> memref<128x128xf32, #tpu.memory_space<hbm>>
      tpu.enqueue_dma source(%arg17 : memref<128x128xf32, #tpu.memory_space<vmem>>) target(%dma_start3A_224 : memref<128x128xf32, #tpu.memory_space<hbm>>) target_semaphore(%arg22 : memref<!tpu.dma_semaphore, #tpu.memory_space<semaphore_mem>>)
      scf.yield %scan3A_215#0, %scan3A_215#1, %scan3A_215#2, %scan3A_215#3, %scan3A_215#4, %scan3A_215#5, %scan3A_215#6, %scan3A_215#7, %scan3A_215#8, %scan3A_215#9, %scan3A_215#10, %scan3A_215#11, %scan3A_215#12, %scan3A_215#13, %scan3A_215#14, %scan3A_215#15 : vector<16xf32>, vector<16xf32>, vector<16xf32>, vector<16xf32>, vector<16xf32>, vector<16xf32>, vector<16xf32>, vector<16xf32>, vector<16xf32>, vector<16xf32>, vector<16xf32>, vector<16xf32>, vector<16xf32>, vector<16xf32>, vector<16xf32>, vector<16xf32>
    }
    %scan3A_50 = arith.constant 41 : i32
    %add3A_51 = arith.constant 10240 : i32
    %add3A_52 = arith.addi %mul3A_4, %add3A_51 : i32
    %multiple_of3A_53 = tpu.assume_multiple %add3A_52, 8 : i32
    %dma_wait3A = arith.constant 0 : i32
    %dma_wait3A_54 = tpu.memref_slice %arg6[%multiple_of3A_53, %dma_wait3A] : memref<335872x128xf32, #tpu.memory_space<hbm>> -> memref<128x128xf32, #tpu.memory_space<hbm>>
    %dma_wait3A_55 = arith.constant 0 : i32
    %dma_wait3A_56 = tpu.memref_slice %arg6[%multiple_of3A_53, %dma_wait3A_55] : memref<335872x128xf32, #tpu.memory_space<hbm>> -> memref<128x128xf32, #tpu.memory_space<hbm>>
    tpu.wait_dma2 semaphore(%arg21 : memref<!tpu.dma_semaphore, #tpu.memory_space<semaphore_mem>>) src(%arg16 : memref<128x128xf32, #tpu.memory_space<vmem>>) dst(%dma_wait3A_56 : memref<128x128xf32, #tpu.memory_space<hbm>>)
    %add3A_57 = arith.constant 10368 : i32
    %add3A_58 = arith.addi %mul3A_4, %add3A_57 : i32
    %multiple_of3A_59 = tpu.assume_multiple %add3A_58, 8 : i32
    %dma_wait3A_60 = arith.constant 0 : i32
    %dma_wait3A_61 = tpu.memref_slice %arg6[%multiple_of3A_59, %dma_wait3A_60] : memref<335872x128xf32, #tpu.memory_space<hbm>> -> memref<128x128xf32, #tpu.memory_space<hbm>>
    %dma_wait3A_62 = arith.constant 0 : i32
    %dma_wait3A_63 = tpu.memref_slice %arg6[%multiple_of3A_59, %dma_wait3A_62] : memref<335872x128xf32, #tpu.memory_space<hbm>> -> memref<128x128xf32, #tpu.memory_space<hbm>>
    tpu.wait_dma2 semaphore(%arg22 : memref<!tpu.dma_semaphore, #tpu.memory_space<semaphore_mem>>) src(%arg17 : memref<128x128xf32, #tpu.memory_space<vmem>>) dst(%dma_wait3A_63 : memref<128x128xf32, #tpu.memory_space<hbm>>)
    %swap3A = arith.constant 0 : index
    %swap3A_64 = tpu.vector_load %arg18[%swap3A] {strides = array<i32>} : memref<256xf32, #tpu.memory_space<vmem>>, vector<16xf32>,
    %swap3A_65 = vector.shape_cast %swap3A_64 : vector<16xf32> to vector<16xf32>
    %swap3A_66 = vector.shape_cast %scan3A_49#0 : vector<16xf32> to vector<16xf32>
    tpu.vector_store %arg18[%swap3A], %swap3A_66 {strides = array<i32>} : memref<256xf32, #tpu.memory_space<vmem>>, vector<16xf32>,
    %swap3A_67 = arith.constant 128 : index
    %swap3A_68 = tpu.vector_load %arg18[%swap3A_67] {strides = array<i32>} : memref<256xf32, #tpu.memory_space<vmem>>, vector<16xf32>,
    %swap3A_69 = vector.shape_cast %swap3A_68 : vector<16xf32> to vector<16xf32>
    %swap3A_70 = vector.shape_cast %scan3A_49#8 : vector<16xf32> to vector<16xf32>
    tpu.vector_store %arg18[%swap3A_67], %swap3A_70 {strides = array<i32>} : memref<256xf32, #tpu.memory_space<vmem>>, vector<16xf32>,
    %swap3A_71 = arith.constant 16 : index
    %swap3A_72 = tpu.vector_load %arg18[%swap3A_71] {strides = array<i32>} : memref<256xf32, #tpu.memory_space<vmem>>, vector<16xf32>,
    %swap3A_73 = vector.shape_cast %swap3A_72 : vector<16xf32> to vector<16xf32>
    %swap3A_74 = vector.shape_cast %scan3A_49#1 : vector<16xf32> to vector<16xf32>
    tpu.vector_store %arg18[%swap3A_71], %swap3A_74 {strides = array<i32>} : memref<256xf32, #tpu.memory_space<vmem>>, vector<16xf32>,
    %swap3A_75 = arith.constant 144 : index
    %swap3A_76 = tpu.vector_load %arg18[%swap3A_75] {strides = array<i32>} : memref<256xf32, #tpu.memory_space<vmem>>, vector<16xf32>,
    %swap3A_77 = vector.shape_cast %swap3A_76 : vector<16xf32> to vector<16xf32>
    %swap3A_78 = vector.shape_cast %scan3A_49#9 : vector<16xf32> to vector<16xf32>
    tpu.vector_store %arg18[%swap3A_75], %swap3A_78 {strides = array<i32>} : memref<256xf32, #tpu.memory_space<vmem>>, vector<16xf32>,
    %swap3A_79 = arith.constant 32 : index
    %swap3A_80 = tpu.vector_load %arg18[%swap3A_79] {strides = array<i32>} : memref<256xf32, #tpu.memory_space<vmem>>, vector<16xf32>,
    %swap3A_81 = vector.shape_cast %swap3A_80 : vector<16xf32> to vector<16xf32>
    %swap3A_82 = vector.shape_cast %scan3A_49#2 : vector<16xf32> to vector<16xf32>
    tpu.vector_store %arg18[%swap3A_79], %swap3A_82 {strides = array<i32>} : memref<256xf32, #tpu.memory_space<vmem>>, vector<16xf32>,
    %swap3A_83 = arith.constant 160 : index
    %swap3A_84 = tpu.vector_load %arg18[%swap3A_83] {strides = array<i32>} : memref<256xf32, #tpu.memory_space<vmem>>, vector<16xf32>,
    %swap3A_85 = vector.shape_cast %swap3A_84 : vector<16xf32> to vector<16xf32>
    %swap3A_86 = vector.shape_cast %scan3A_49#10 : vector<16xf32> to vector<16xf32>
    tpu.vector_store %arg18[%swap3A_83], %swap3A_86 {strides = array<i32>} : memref<256xf32, #tpu.memory_space<vmem>>, vector<16xf32>,
    %swap3A_87 = arith.constant 48 : index
    %swap3A_88 = tpu.vector_load %arg18[%swap3A_87] {strides = array<i32>} : memref<256xf32, #tpu.memory_space<vmem>>, vector<16xf32>,
    %swap3A_89 = vector.shape_cast %swap3A_88 : vector<16xf32> to vector<16xf32>
    %swap3A_90 = vector.shape_cast %scan3A_49#3 : vector<16xf32> to vector<16xf32>
    tpu.vector_store %arg18[%swap3A_87], %swap3A_90 {strides = array<i32>} : memref<256xf32, #tpu.memory_space<vmem>>, vector<16xf32>,
    %swap3A_91 = arith.constant 176 : index
    %swap3A_92 = tpu.vector_load %arg18[%swap3A_91] {strides = array<i32>} : memref<256xf32, #tpu.memory_space<vmem>>, vector<16xf32>,
    %swap3A_93 = vector.shape_cast %swap3A_92 : vector<16xf32> to vector<16xf32>
    %swap3A_94 = vector.shape_cast %scan3A_49#11 : vector<16xf32> to vector<16xf32>
    tpu.vector_store %arg18[%swap3A_91], %swap3A_94 {strides = array<i32>} : memref<256xf32, #tpu.memory_space<vmem>>, vector<16xf32>,
    %swap3A_95 = arith.constant 64 : index
    %swap3A_96 = tpu.vector_load %arg18[%swap3A_95] {strides = array<i32>} : memref<256xf32, #tpu.memory_space<vmem>>, vector<16xf32>,
    %swap3A_97 = vector.shape_cast %swap3A_96 : vector<16xf32> to vector<16xf32>
    %swap3A_98 = vector.shape_cast %scan3A_49#4 : vector<16xf32> to vector<16xf32>
    tpu.vector_store %arg18[%swap3A_95], %swap3A_98 {strides = array<i32>} : memref<256xf32, #tpu.memory_space<vmem>>, vector<16xf32>,
    %swap3A_99 = arith.constant 192 : index
    %swap3A_100 = tpu.vector_load %arg18[%swap3A_99] {strides = array<i32>} : memref<256xf32, #tpu.memory_space<vmem>>, vector<16xf32>,
    %swap3A_101 = vector.shape_cast %swap3A_100 : vector<16xf32> to vector<16xf32>
    %swap3A_102 = vector.shape_cast %scan3A_49#12 : vector<16xf32> to vector<16xf32>
    tpu.vector_store %arg18[%swap3A_99], %swap3A_102 {strides = array<i32>} : memref<256xf32, #tpu.memory_space<vmem>>, vector<16xf32>,
    %swap3A_103 = arith.constant 80 : index
    %swap3A_104 = tpu.vector_load %arg18[%swap3A_103] {strides = array<i32>} : memref<256xf32, #tpu.memory_space<vmem>>, vector<16xf32>,
    %swap3A_105 = vector.shape_cast %swap3A_104 : vector<16xf32> to vector<16xf32>
    %swap3A_106 = vector.shape_cast %scan3A_49#5 : vector<16xf32> to vector<16xf32>
    tpu.vector_store %arg18[%swap3A_103], %swap3A_106 {strides = array<i32>} : memref<256xf32, #tpu.memory_space<vmem>>, vector<16xf32>,
    %swap3A_107 = arith.constant 208 : index
    %swap3A_108 = tpu.vector_load %arg18[%swap3A_107] {strides = array<i32>} : memref<256xf32, #tpu.memory_space<vmem>>, vector<16xf32>,
    %swap3A_109 = vector.shape_cast %swap3A_108 : vector<16xf32> to vector<16xf32>
    %swap3A_110 = vector.shape_cast %scan3A_49#13 : vector<16xf32> to vector<16xf32>
    tpu.vector_store %arg18[%swap3A_107], %swap3A_110 {strides = array<i32>} : memref<256xf32, #tpu.memory_space<vmem>>, vector<16xf32>,
    %swap3A_111 = arith.constant 96 : index
    %swap3A_112 = tpu.vector_load %arg18[%swap3A_111] {strides = array<i32>} : memref<256xf32, #tpu.memory_space<vmem>>, vector<16xf32>,
    %swap3A_113 = vector.shape_cast %swap3A_112 : vector<16xf32> to vector<16xf32>
    %swap3A_114 = vector.shape_cast %scan3A_49#6 : vector<16xf32> to vector<16xf32>
    tpu.vector_store %arg18[%swap3A_111], %swap3A_114 {strides = array<i32>} : memref<256xf32, #tpu.memory_space<vmem>>, vector<16xf32>,
    %swap3A_115 = arith.constant 224 : index
    %swap3A_116 = tpu.vector_load %arg18[%swap3A_115] {strides = array<i32>} : memref<256xf32, #tpu.memory_space<vmem>>, vector<16xf32>,
    %swap3A_117 = vector.shape_cast %swap3A_116 : vector<16xf32> to vector<16xf32>
    %swap3A_118 = vector.shape_cast %scan3A_49#14 : vector<16xf32> to vector<16xf32>
    tpu.vector_store %arg18[%swap3A_115], %swap3A_118 {strides = array<i32>} : memref<256xf32, #tpu.memory_space<vmem>>, vector<16xf32>,
    %swap3A_119 = arith.constant 112 : index
    %swap3A_120 = tpu.vector_load %arg18[%swap3A_119] {strides = array<i32>} : memref<256xf32, #tpu.memory_space<vmem>>, vector<16xf32>,
    %swap3A_121 = vector.shape_cast %swap3A_120 : vector<16xf32> to vector<16xf32>
    %swap3A_122 = vector.shape_cast %scan3A_49#7 : vector<16xf32> to vector<16xf32>
    tpu.vector_store %arg18[%swap3A_119], %swap3A_122 {strides = array<i32>} : memref<256xf32, #tpu.memory_space<vmem>>, vector<16xf32>,
    %swap3A_123 = arith.constant 240 : index
    %swap3A_124 = tpu.vector_load %arg18[%swap3A_123] {strides = array<i32>} : memref<256xf32, #tpu.memory_space<vmem>>, vector<16xf32>,
    %swap3A_125 = vector.shape_cast %swap3A_124 : vector<16xf32> to vector<16xf32>
    %swap3A_126 = vector.shape_cast %scan3A_49#15 : vector<16xf32> to vector<16xf32>
    tpu.vector_store %arg18[%swap3A_123], %swap3A_126 {strides = array<i32>} : memref<256xf32, #tpu.memory_space<vmem>>, vector<16xf32>,
    %mul3A_127 = arith.constant 128 : i32
    %mul3A_128 = arith.muli %add3A, %mul3A_127 : i32
    %multiple_of3A_129 = tpu.assume_multiple %mul3A_128, 8 : i32
    "tpu.region"() ({
      %run_scoped3A = tpu.sem_alloc : memref<!tpu.dma_semaphore, #tpu.memory_space<semaphore_mem>>
      %dma_start3A_135 = arith.constant 0 : i32
      %dma_start3A_136 = tpu.memref_slice %arg18[%dma_start3A_135] : memref<256xf32, #tpu.memory_space<vmem>> -> memref<128xf32, #tpu.memory_space<vmem>>
      %dma_start3A_137 = tpu.memref_slice %arg7[%multiple_of3A_129] : memref<8192xf32, #tpu.memory_space<hbm>> -> memref<128xf32, #tpu.memory_space<hbm>>
      %dma_start3A_138 = tpu.memref_slice %arg7[%multiple_of3A_129] : memref<8192xf32, #tpu.memory_space<hbm>> -> memref<128xf32, #tpu.memory_space<hbm>>
      %dma_start3A_139 = arith.constant 0 : i32
      %dma_start3A_140 = tpu.memref_slice %arg18[%dma_start3A_139] : memref<256xf32, #tpu.memory_space<vmem>> -> memref<128xf32, #tpu.memory_space<vmem>>
      tpu.enqueue_dma source(%dma_start3A_140 : memref<128xf32, #tpu.memory_space<vmem>>) target(%dma_start3A_138 : memref<128xf32, #tpu.memory_space<hbm>>) target_semaphore(%run_scoped3A : memref<!tpu.dma_semaphore, #tpu.memory_space<semaphore_mem>>)
      %dma_wait3A_141 = arith.constant 0 : i32
      %dma_wait3A_142 = tpu.memref_slice %arg18[%dma_wait3A_141] : memref<256xf32, #tpu.memory_space<vmem>> -> memref<128xf32, #tpu.memory_space<vmem>>
      %dma_wait3A_143 = tpu.memref_slice %arg7[%multiple_of3A_129] : memref<8192xf32, #tpu.memory_space<hbm>> -> memref<128xf32, #tpu.memory_space<hbm>>
      %dma_wait3A_144 = tpu.memref_slice %arg7[%multiple_of3A_129] : memref<8192xf32, #tpu.memory_space<hbm>> -> memref<128xf32, #tpu.memory_space<hbm>>
      %dma_wait3A_145 = arith.constant 0 : i32
      %dma_wait3A_146 = tpu.memref_slice %arg18[%dma_wait3A_145] : memref<256xf32, #tpu.memory_space<vmem>> -> memref<128xf32, #tpu.memory_space<vmem>>
      tpu.wait_dma2 semaphore(%run_scoped3A : memref<!tpu.dma_semaphore, #tpu.memory_space<semaphore_mem>>) src(%dma_wait3A_146 : memref<128xf32, #tpu.memory_space<vmem>>) dst(%dma_wait3A_144 : memref<128xf32, #tpu.memory_space<hbm>>)
      tpu.yield
    }) : () -> ()
    %add3A_130 = arith.constant 32 : i32
    %add3A_131 = arith.addi %add3A_130, %add3A : i32
    %mul3A_132 = arith.constant 128 : i32
    %mul3A_133 = arith.muli %add3A_131, %mul3A_132 : i32
    %multiple_of3A_134 = tpu.assume_multiple %mul3A_133, 8 : i32
    "tpu.region"() ({
      %run_scoped3A = tpu.sem_alloc : memref<!tpu.dma_semaphore, #tpu.memory_space<semaphore_mem>>
      %dma_start3A_135 = arith.constant 128 : i32
      %dma_start3A_136 = tpu.memref_slice %arg18[%dma_start3A_135] : memref<256xf32, #tpu.memory_space<vmem>> -> memref<128xf32, #tpu.memory_space<vmem>>
      %dma_start3A_137 = tpu.memref_slice %arg7[%multiple_of3A_134] : memref<8192xf32, #tpu.memory_space<hbm>> -> memref<128xf32, #tpu.memory_space<hbm>>
      %dma_start3A_138 = tpu.memref_slice %arg7[%multiple_of3A_134] : memref<8192xf32, #tpu.memory_space<hbm>> -> memref<128xf32, #tpu.memory_space<hbm>>
      %dma_start3A_139 = arith.constant 128 : i32
      %dma_start3A_140 = tpu.memref_slice %arg18[%dma_start3A_139] : memref<256xf32, #tpu.memory_space<vmem>> -> memref<128xf32, #tpu.memory_space<vmem>>
      tpu.enqueue_dma source(%dma_start3A_140 : memref<128xf32, #tpu.memory_space<vmem>>) target(%dma_start3A_138 : memref<128xf32, #tpu.memory_space<hbm>>) target_semaphore(%run_scoped3A : memref<!tpu.dma_semaphore, #tpu.memory_space<semaphore_mem>>)
      %dma_wait3A_141 = arith.constant 128 : i32
      %dma_wait3A_142 = tpu.memref_slice %arg18[%dma_wait3A_141] : memref<256xf32, #tpu.memory_space<vmem>> -> memref<128xf32, #tpu.memory_space<vmem>>
      %dma_wait3A_143 = tpu.memref_slice %arg7[%multiple_of3A_134] : memref<8192xf32, #tpu.memory_space<hbm>> -> memref<128xf32, #tpu.memory_space<hbm>>
      %dma_wait3A_144 = tpu.memref_slice %arg7[%multiple_of3A_134] : memref<8192xf32, #tpu.memory_space<hbm>> -> memref<128xf32, #tpu.memory_space<hbm>>
      %dma_wait3A_145 = arith.constant 128 : i32
      %dma_wait3A_146 = tpu.memref_slice %arg18[%dma_wait3A_145] : memref<256xf32, #tpu.memory_space<vmem>> -> memref<128xf32, #tpu.memory_space<vmem>>
      tpu.wait_dma2 semaphore(%run_scoped3A : memref<!tpu.dma_semaphore, #tpu.memory_space<semaphore_mem>>) src(%dma_wait3A_146 : memref<128xf32, #tpu.memory_space<vmem>>) dst(%dma_wait3A_144 : memref<128xf32, #tpu.memory_space<hbm>>)
      tpu.yield
    }) : () -> ()
    return
  }
}

#map = affine_map<(d0, d1) -> (0, 0)>
#map1 = affine_map<(d0, d1) -> (0)>
#map2 = affine_map<(d0, d1) -> (0, 0, 0)>
module attributes {stable_mosaic.version = 14 : i64} {
  func.func @k(%arg0: i32, %arg1: i32, %arg2: memref<10240x128xf32, #tpu.memory_space<hbm>>, %arg3: memref<323584xi32, #tpu.memory_space<hbm>>, %arg4: memref<323584xi32, #tpu.memory_space<hbm>>, %arg5: memref<2x10240x128xf32, #tpu.memory_space<hbm>>, %arg6: memref<128xi32, #tpu.memory_space<vmem>>, %arg7: memref<128xi32, #tpu.memory_space<vmem>>, %arg8: memref<128xi32, #tpu.memory_space<vmem>>, %arg9: memref<128x128xf32, #tpu.memory_space<vmem>>, %arg10: memref<128x128xf32, #tpu.memory_space<vmem>>, %arg11: memref<64x128xf32, #tpu.memory_space<vmem>>, %arg12: memref<10240x128xf32, #tpu.memory_space<vmem_shared>>, %arg13: memref<!tpu.dma_semaphore, #tpu.memory_space<semaphore_mem>>) attributes {dimension_semantics = [#tpu.dimension_semantics<core_parallel>, #tpu.dimension_semantics<subcore_parallel>], iteration_bounds = array<i64: 2, 16>, scalar_prefetch = 0 : i64, scratch_operands = 8 : i64, tpu.core_type = #tpu.core_type<sc_vector_subcore>, window_params = [{transform_indices = #map}, {transform_indices = #map1}, {transform_indices = #map1}, {transform_indices = #map2}]} {
    %mul3A = arith.constant 2 : i32
    %mul3A_0 = arith.muli %arg1, %mul3A : i32
    %add3A = arith.addi %mul3A_0, %arg0 : i32
    %mul3A_1 = arith.constant 79 : i32
    %mul3A_2 = arith.muli %add3A, %mul3A_1 : i32
    %mul3A_3 = arith.constant 128 : i32
    %mul3A_4 = arith.muli %mul3A_2, %mul3A_3 : i32
    %broadcast_in_dim3A = arith.constant 0.000000e+00 : f32
    %broadcast_in_dim3A_5 = vector.broadcast %broadcast_in_dim3A : f32 to vector<16xf32>
    %scan3A = arith.constant 0 : i32
    %scan3A_6 = arith.constant 0 : i32
    %scan3A_7 = arith.constant 64 : i32
    %scan3A_8 = arith.addi %scan3A_6, %scan3A_7 : i32
    %scan3A_9 = arith.constant 1 : i32
    %scan3A_10 = scf.for %scan3A_77 = %scan3A_6 to %scan3A_8 step %scan3A_9 iter_args(%scan3A_78 = %scan3A) -> (i32)  : i32 {
      %swap3A = arith.index_cast %scan3A_77 : i32 to index
      %swap3A_79 = arith.constant 0 : index
      %swap3A_80 = tpu.vector_load %arg11[%swap3A, %swap3A_79] {strides = array<i32>} : memref<64x128xf32, #tpu.memory_space<vmem>>, vector<1x16xf32>,
      %swap3A_81 = vector.shape_cast %swap3A_80 : vector<1x16xf32> to vector<16xf32>
      %swap3A_82 = vector.shape_cast %broadcast_in_dim3A_5 : vector<16xf32> to vector<1x16xf32>
      tpu.vector_store %arg11[%swap3A, %swap3A_79], %swap3A_82 {strides = array<i32>} : memref<64x128xf32, #tpu.memory_space<vmem>>, vector<1x16xf32>,
      %swap3A_83 = arith.index_cast %scan3A_77 : i32 to index
      %swap3A_84 = arith.constant 16 : index
      %swap3A_85 = tpu.vector_load %arg11[%swap3A_83, %swap3A_84] {strides = array<i32>} : memref<64x128xf32, #tpu.memory_space<vmem>>, vector<1x16xf32>,
      %swap3A_86 = vector.shape_cast %swap3A_85 : vector<1x16xf32> to vector<16xf32>
      %swap3A_87 = vector.shape_cast %broadcast_in_dim3A_5 : vector<16xf32> to vector<1x16xf32>
      tpu.vector_store %arg11[%swap3A_83, %swap3A_84], %swap3A_87 {strides = array<i32>} : memref<64x128xf32, #tpu.memory_space<vmem>>, vector<1x16xf32>,
      %swap3A_88 = arith.index_cast %scan3A_77 : i32 to index
      %swap3A_89 = arith.constant 32 : index
      %swap3A_90 = tpu.vector_load %arg11[%swap3A_88, %swap3A_89] {strides = array<i32>} : memref<64x128xf32, #tpu.memory_space<vmem>>, vector<1x16xf32>,
      %swap3A_91 = vector.shape_cast %swap3A_90 : vector<1x16xf32> to vector<16xf32>
      %swap3A_92 = vector.shape_cast %broadcast_in_dim3A_5 : vector<16xf32> to vector<1x16xf32>
      tpu.vector_store %arg11[%swap3A_88, %swap3A_89], %swap3A_92 {strides = array<i32>} : memref<64x128xf32, #tpu.memory_space<vmem>>, vector<1x16xf32>,
      %swap3A_93 = arith.index_cast %scan3A_77 : i32 to index
      %swap3A_94 = arith.constant 48 : index
      %swap3A_95 = tpu.vector_load %arg11[%swap3A_93, %swap3A_94] {strides = array<i32>} : memref<64x128xf32, #tpu.memory_space<vmem>>, vector<1x16xf32>,
      %swap3A_96 = vector.shape_cast %swap3A_95 : vector<1x16xf32> to vector<16xf32>
      %swap3A_97 = vector.shape_cast %broadcast_in_dim3A_5 : vector<16xf32> to vector<1x16xf32>
      tpu.vector_store %arg11[%swap3A_93, %swap3A_94], %swap3A_97 {strides = array<i32>} : memref<64x128xf32, #tpu.memory_space<vmem>>, vector<1x16xf32>,
      %swap3A_98 = arith.index_cast %scan3A_77 : i32 to index
      %swap3A_99 = arith.constant 64 : index
      %swap3A_100 = tpu.vector_load %arg11[%swap3A_98, %swap3A_99] {strides = array<i32>} : memref<64x128xf32, #tpu.memory_space<vmem>>, vector<1x16xf32>,
      %swap3A_101 = vector.shape_cast %swap3A_100 : vector<1x16xf32> to vector<16xf32>
      %swap3A_102 = vector.shape_cast %broadcast_in_dim3A_5 : vector<16xf32> to vector<1x16xf32>
      tpu.vector_store %arg11[%swap3A_98, %swap3A_99], %swap3A_102 {strides = array<i32>} : memref<64x128xf32, #tpu.memory_space<vmem>>, vector<1x16xf32>,
      %swap3A_103 = arith.index_cast %scan3A_77 : i32 to index
      %swap3A_104 = arith.constant 80 : index
      %swap3A_105 = tpu.vector_load %arg11[%swap3A_103, %swap3A_104] {strides = array<i32>} : memref<64x128xf32, #tpu.memory_space<vmem>>, vector<1x16xf32>,
      %swap3A_106 = vector.shape_cast %swap3A_105 : vector<1x16xf32> to vector<16xf32>
      %swap3A_107 = vector.shape_cast %broadcast_in_dim3A_5 : vector<16xf32> to vector<1x16xf32>
      tpu.vector_store %arg11[%swap3A_103, %swap3A_104], %swap3A_107 {strides = array<i32>} : memref<64x128xf32, #tpu.memory_space<vmem>>, vector<1x16xf32>,
      %swap3A_108 = arith.index_cast %scan3A_77 : i32 to index
      %swap3A_109 = arith.constant 96 : index
      %swap3A_110 = tpu.vector_load %arg11[%swap3A_108, %swap3A_109] {strides = array<i32>} : memref<64x128xf32, #tpu.memory_space<vmem>>, vector<1x16xf32>,
      %swap3A_111 = vector.shape_cast %swap3A_110 : vector<1x16xf32> to vector<16xf32>
      %swap3A_112 = vector.shape_cast %broadcast_in_dim3A_5 : vector<16xf32> to vector<1x16xf32>
      tpu.vector_store %arg11[%swap3A_108, %swap3A_109], %swap3A_112 {strides = array<i32>} : memref<64x128xf32, #tpu.memory_space<vmem>>, vector<1x16xf32>,
      %swap3A_113 = arith.index_cast %scan3A_77 : i32 to index
      %swap3A_114 = arith.constant 112 : index
      %swap3A_115 = tpu.vector_load %arg11[%swap3A_113, %swap3A_114] {strides = array<i32>} : memref<64x128xf32, #tpu.memory_space<vmem>>, vector<1x16xf32>,
      %swap3A_116 = vector.shape_cast %swap3A_115 : vector<1x16xf32> to vector<16xf32>
      %swap3A_117 = vector.shape_cast %broadcast_in_dim3A_5 : vector<16xf32> to vector<1x16xf32>
      tpu.vector_store %arg11[%swap3A_113, %swap3A_114], %swap3A_117 {strides = array<i32>} : memref<64x128xf32, #tpu.memory_space<vmem>>, vector<1x16xf32>,
      %scan3A_118 = arith.constant 0 : i32
      scf.yield %scan3A_118 : i32
    }
    %scan3A_11 = arith.constant 64 : i32
    %mul3A_12 = arith.constant 640 : i32
    %mul3A_13 = arith.muli %arg1, %mul3A_12 : i32
    %add3A_14 = arith.constant 0 : i32
    %add3A_15 = arith.addi %mul3A_13, %add3A_14 : i32
    %multiple_of3A = tpu.assume_multiple %add3A_15, 8 : i32
    "tpu.region"() ({
      %run_scoped3A = tpu.sem_alloc : memref<!tpu.dma_semaphore, #tpu.memory_space<semaphore_mem>>
      %dma_start3A_77 = arith.constant 0 : i32
      %dma_start3A_78 = tpu.memref_slice %arg12[%multiple_of3A, %dma_start3A_77] : memref<10240x128xf32, #tpu.memory_space<vmem_shared>> -> memref<64x128xf32, #tpu.memory_space<vmem_shared>>
      %dma_start3A_79 = arith.constant 0 : i32
      %dma_start3A_80 = tpu.memref_slice %arg12[%multiple_of3A, %dma_start3A_79] : memref<10240x128xf32, #tpu.memory_space<vmem_shared>> -> memref<64x128xf32, #tpu.memory_space<vmem_shared>>
      tpu.enqueue_dma source(%arg11 : memref<64x128xf32, #tpu.memory_space<vmem>>) target(%dma_start3A_80 : memref<64x128xf32, #tpu.memory_space<vmem_shared>>) target_semaphore(%run_scoped3A : memref<!tpu.dma_semaphore, #tpu.memory_space<semaphore_mem>>)
      %dma_wait3A = arith.constant 0 : i32
      %dma_wait3A_81 = tpu.memref_slice %arg12[%multiple_of3A, %dma_wait3A] : memref<10240x128xf32, #tpu.memory_space<vmem_shared>> -> memref<64x128xf32, #tpu.memory_space<vmem_shared>>
      %dma_wait3A_82 = arith.constant 0 : i32
      %dma_wait3A_83 = tpu.memref_slice %arg12[%multiple_of3A, %dma_wait3A_82] : memref<10240x128xf32, #tpu.memory_space<vmem_shared>> -> memref<64x128xf32, #tpu.memory_space<vmem_shared>>
      tpu.wait_dma2 semaphore(%run_scoped3A : memref<!tpu.dma_semaphore, #tpu.memory_space<semaphore_mem>>) src(%arg11 : memref<64x128xf32, #tpu.memory_space<vmem>>) dst(%dma_wait3A_83 : memref<64x128xf32, #tpu.memory_space<vmem_shared>>)
      tpu.yield
    }) : () -> ()
    %mul3A_16 = arith.constant 640 : i32
    %mul3A_17 = arith.muli %arg1, %mul3A_16 : i32
    %add3A_18 = arith.constant 64 : i32
    %add3A_19 = arith.addi %mul3A_17, %add3A_18 : i32
    %multiple_of3A_20 = tpu.assume_multiple %add3A_19, 8 : i32
    "tpu.region"() ({
      %run_scoped3A = tpu.sem_alloc : memref<!tpu.dma_semaphore, #tpu.memory_space<semaphore_mem>>
      %dma_start3A_77 = arith.constant 0 : i32
      %dma_start3A_78 = tpu.memref_slice %arg12[%multiple_of3A_20, %dma_start3A_77] : memref<10240x128xf32, #tpu.memory_space<vmem_shared>> -> memref<64x128xf32, #tpu.memory_space<vmem_shared>>
      %dma_start3A_79 = arith.constant 0 : i32
      %dma_start3A_80 = tpu.memref_slice %arg12[%multiple_of3A_20, %dma_start3A_79] : memref<10240x128xf32, #tpu.memory_space<vmem_shared>> -> memref<64x128xf32, #tpu.memory_space<vmem_shared>>
      tpu.enqueue_dma source(%arg11 : memref<64x128xf32, #tpu.memory_space<vmem>>) target(%dma_start3A_80 : memref<64x128xf32, #tpu.memory_space<vmem_shared>>) target_semaphore(%run_scoped3A : memref<!tpu.dma_semaphore, #tpu.memory_space<semaphore_mem>>)
      %dma_wait3A = arith.constant 0 : i32
      %dma_wait3A_81 = tpu.memref_slice %arg12[%multiple_of3A_20, %dma_wait3A] : memref<10240x128xf32, #tpu.memory_space<vmem_shared>> -> memref<64x128xf32, #tpu.memory_space<vmem_shared>>
      %dma_wait3A_82 = arith.constant 0 : i32
      %dma_wait3A_83 = tpu.memref_slice %arg12[%multiple_of3A_20, %dma_wait3A_82] : memref<10240x128xf32, #tpu.memory_space<vmem_shared>> -> memref<64x128xf32, #tpu.memory_space<vmem_shared>>
      tpu.wait_dma2 semaphore(%run_scoped3A : memref<!tpu.dma_semaphore, #tpu.memory_space<semaphore_mem>>) src(%arg11 : memref<64x128xf32, #tpu.memory_space<vmem>>) dst(%dma_wait3A_83 : memref<64x128xf32, #tpu.memory_space<vmem_shared>>)
      tpu.yield
    }) : () -> ()
    %mul3A_21 = arith.constant 640 : i32
    %mul3A_22 = arith.muli %arg1, %mul3A_21 : i32
    %add3A_23 = arith.constant 128 : i32
    %add3A_24 = arith.addi %mul3A_22, %add3A_23 : i32
    %multiple_of3A_25 = tpu.assume_multiple %add3A_24, 8 : i32
    "tpu.region"() ({
      %run_scoped3A = tpu.sem_alloc : memref<!tpu.dma_semaphore, #tpu.memory_space<semaphore_mem>>
      %dma_start3A_77 = arith.constant 0 : i32
      %dma_start3A_78 = tpu.memref_slice %arg12[%multiple_of3A_25, %dma_start3A_77] : memref<10240x128xf32, #tpu.memory_space<vmem_shared>> -> memref<64x128xf32, #tpu.memory_space<vmem_shared>>
      %dma_start3A_79 = arith.constant 0 : i32
      %dma_start3A_80 = tpu.memref_slice %arg12[%multiple_of3A_25, %dma_start3A_79] : memref<10240x128xf32, #tpu.memory_space<vmem_shared>> -> memref<64x128xf32, #tpu.memory_space<vmem_shared>>
      tpu.enqueue_dma source(%arg11 : memref<64x128xf32, #tpu.memory_space<vmem>>) target(%dma_start3A_80 : memref<64x128xf32, #tpu.memory_space<vmem_shared>>) target_semaphore(%run_scoped3A : memref<!tpu.dma_semaphore, #tpu.memory_space<semaphore_mem>>)
      %dma_wait3A = arith.constant 0 : i32
      %dma_wait3A_81 = tpu.memref_slice %arg12[%multiple_of3A_25, %dma_wait3A] : memref<10240x128xf32, #tpu.memory_space<vmem_shared>> -> memref<64x128xf32, #tpu.memory_space<vmem_shared>>
      %dma_wait3A_82 = arith.constant 0 : i32
      %dma_wait3A_83 = tpu.memref_slice %arg12[%multiple_of3A_25, %dma_wait3A_82] : memref<10240x128xf32, #tpu.memory_space<vmem_shared>> -> memref<64x128xf32, #tpu.memory_space<vmem_shared>>
      tpu.wait_dma2 semaphore(%run_scoped3A : memref<!tpu.dma_semaphore, #tpu.memory_space<semaphore_mem>>) src(%arg11 : memref<64x128xf32, #tpu.memory_space<vmem>>) dst(%dma_wait3A_83 : memref<64x128xf32, #tpu.memory_space<vmem_shared>>)
      tpu.yield
    }) : () -> ()
    %mul3A_26 = arith.constant 640 : i32
    %mul3A_27 = arith.muli %arg1, %mul3A_26 : i32
    %add3A_28 = arith.constant 192 : i32
    %add3A_29 = arith.addi %mul3A_27, %add3A_28 : i32
    %multiple_of3A_30 = tpu.assume_multiple %add3A_29, 8 : i32
    "tpu.region"() ({
      %run_scoped3A = tpu.sem_alloc : memref<!tpu.dma_semaphore, #tpu.memory_space<semaphore_mem>>
      %dma_start3A_77 = arith.constant 0 : i32
      %dma_start3A_78 = tpu.memref_slice %arg12[%multiple_of3A_30, %dma_start3A_77] : memref<10240x128xf32, #tpu.memory_space<vmem_shared>> -> memref<64x128xf32, #tpu.memory_space<vmem_shared>>
      %dma_start3A_79 = arith.constant 0 : i32
      %dma_start3A_80 = tpu.memref_slice %arg12[%multiple_of3A_30, %dma_start3A_79] : memref<10240x128xf32, #tpu.memory_space<vmem_shared>> -> memref<64x128xf32, #tpu.memory_space<vmem_shared>>
      tpu.enqueue_dma source(%arg11 : memref<64x128xf32, #tpu.memory_space<vmem>>) target(%dma_start3A_80 : memref<64x128xf32, #tpu.memory_space<vmem_shared>>) target_semaphore(%run_scoped3A : memref<!tpu.dma_semaphore, #tpu.memory_space<semaphore_mem>>)
      %dma_wait3A = arith.constant 0 : i32
      %dma_wait3A_81 = tpu.memref_slice %arg12[%multiple_of3A_30, %dma_wait3A] : memref<10240x128xf32, #tpu.memory_space<vmem_shared>> -> memref<64x128xf32, #tpu.memory_space<vmem_shared>>
      %dma_wait3A_82 = arith.constant 0 : i32
      %dma_wait3A_83 = tpu.memref_slice %arg12[%multiple_of3A_30, %dma_wait3A_82] : memref<10240x128xf32, #tpu.memory_space<vmem_shared>> -> memref<64x128xf32, #tpu.memory_space<vmem_shared>>
      tpu.wait_dma2 semaphore(%run_scoped3A : memref<!tpu.dma_semaphore, #tpu.memory_space<semaphore_mem>>) src(%arg11 : memref<64x128xf32, #tpu.memory_space<vmem>>) dst(%dma_wait3A_83 : memref<64x128xf32, #tpu.memory_space<vmem_shared>>)
      tpu.yield
    }) : () -> ()
    %mul3A_31 = arith.constant 640 : i32
    %mul3A_32 = arith.muli %arg1, %mul3A_31 : i32
    %add3A_33 = arith.constant 256 : i32
    %add3A_34 = arith.addi %mul3A_32, %add3A_33 : i32
    %multiple_of3A_35 = tpu.assume_multiple %add3A_34, 8 : i32
    "tpu.region"() ({
      %run_scoped3A = tpu.sem_alloc : memref<!tpu.dma_semaphore, #tpu.memory_space<semaphore_mem>>
      %dma_start3A_77 = arith.constant 0 : i32
      %dma_start3A_78 = tpu.memref_slice %arg12[%multiple_of3A_35, %dma_start3A_77] : memref<10240x128xf32, #tpu.memory_space<vmem_shared>> -> memref<64x128xf32, #tpu.memory_space<vmem_shared>>
      %dma_start3A_79 = arith.constant 0 : i32
      %dma_start3A_80 = tpu.memref_slice %arg12[%multiple_of3A_35, %dma_start3A_79] : memref<10240x128xf32, #tpu.memory_space<vmem_shared>> -> memref<64x128xf32, #tpu.memory_space<vmem_shared>>
      tpu.enqueue_dma source(%arg11 : memref<64x128xf32, #tpu.memory_space<vmem>>) target(%dma_start3A_80 : memref<64x128xf32, #tpu.memory_space<vmem_shared>>) target_semaphore(%run_scoped3A : memref<!tpu.dma_semaphore, #tpu.memory_space<semaphore_mem>>)
      %dma_wait3A = arith.constant 0 : i32
      %dma_wait3A_81 = tpu.memref_slice %arg12[%multiple_of3A_35, %dma_wait3A] : memref<10240x128xf32, #tpu.memory_space<vmem_shared>> -> memref<64x128xf32, #tpu.memory_space<vmem_shared>>
      %dma_wait3A_82 = arith.constant 0 : i32
      %dma_wait3A_83 = tpu.memref_slice %arg12[%multiple_of3A_35, %dma_wait3A_82] : memref<10240x128xf32, #tpu.memory_space<vmem_shared>> -> memref<64x128xf32, #tpu.memory_space<vmem_shared>>
      tpu.wait_dma2 semaphore(%run_scoped3A : memref<!tpu.dma_semaphore, #tpu.memory_space<semaphore_mem>>) src(%arg11 : memref<64x128xf32, #tpu.memory_space<vmem>>) dst(%dma_wait3A_83 : memref<64x128xf32, #tpu.memory_space<vmem_shared>>)
      tpu.yield
    }) : () -> ()
    %mul3A_36 = arith.constant 640 : i32
    %mul3A_37 = arith.muli %arg1, %mul3A_36 : i32
    %add3A_38 = arith.constant 320 : i32
    %add3A_39 = arith.addi %mul3A_37, %add3A_38 : i32
    %multiple_of3A_40 = tpu.assume_multiple %add3A_39, 8 : i32
    "tpu.region"() ({
      %run_scoped3A = tpu.sem_alloc : memref<!tpu.dma_semaphore, #tpu.memory_space<semaphore_mem>>
      %dma_start3A_77 = arith.constant 0 : i32
      %dma_start3A_78 = tpu.memref_slice %arg12[%multiple_of3A_40, %dma_start3A_77] : memref<10240x128xf32, #tpu.memory_space<vmem_shared>> -> memref<64x128xf32, #tpu.memory_space<vmem_shared>>
      %dma_start3A_79 = arith.constant 0 : i32
      %dma_start3A_80 = tpu.memref_slice %arg12[%multiple_of3A_40, %dma_start3A_79] : memref<10240x128xf32, #tpu.memory_space<vmem_shared>> -> memref<64x128xf32, #tpu.memory_space<vmem_shared>>
      tpu.enqueue_dma source(%arg11 : memref<64x128xf32, #tpu.memory_space<vmem>>) target(%dma_start3A_80 : memref<64x128xf32, #tpu.memory_space<vmem_shared>>) target_semaphore(%run_scoped3A : memref<!tpu.dma_semaphore, #tpu.memory_space<semaphore_mem>>)
      %dma_wait3A = arith.constant 0 : i32
      %dma_wait3A_81 = tpu.memref_slice %arg12[%multiple_of3A_40, %dma_wait3A] : memref<10240x128xf32, #tpu.memory_space<vmem_shared>> -> memref<64x128xf32, #tpu.memory_space<vmem_shared>>
      %dma_wait3A_82 = arith.constant 0 : i32
      %dma_wait3A_83 = tpu.memref_slice %arg12[%multiple_of3A_40, %dma_wait3A_82] : memref<10240x128xf32, #tpu.memory_space<vmem_shared>> -> memref<64x128xf32, #tpu.memory_space<vmem_shared>>
      tpu.wait_dma2 semaphore(%run_scoped3A : memref<!tpu.dma_semaphore, #tpu.memory_space<semaphore_mem>>) src(%arg11 : memref<64x128xf32, #tpu.memory_space<vmem>>) dst(%dma_wait3A_83 : memref<64x128xf32, #tpu.memory_space<vmem_shared>>)
      tpu.yield
    }) : () -> ()
    %mul3A_41 = arith.constant 640 : i32
    %mul3A_42 = arith.muli %arg1, %mul3A_41 : i32
    %add3A_43 = arith.constant 384 : i32
    %add3A_44 = arith.addi %mul3A_42, %add3A_43 : i32
    %multiple_of3A_45 = tpu.assume_multiple %add3A_44, 8 : i32
    "tpu.region"() ({
      %run_scoped3A = tpu.sem_alloc : memref<!tpu.dma_semaphore, #tpu.memory_space<semaphore_mem>>
      %dma_start3A_77 = arith.constant 0 : i32
      %dma_start3A_78 = tpu.memref_slice %arg12[%multiple_of3A_45, %dma_start3A_77] : memref<10240x128xf32, #tpu.memory_space<vmem_shared>> -> memref<64x128xf32, #tpu.memory_space<vmem_shared>>
      %dma_start3A_79 = arith.constant 0 : i32
      %dma_start3A_80 = tpu.memref_slice %arg12[%multiple_of3A_45, %dma_start3A_79] : memref<10240x128xf32, #tpu.memory_space<vmem_shared>> -> memref<64x128xf32, #tpu.memory_space<vmem_shared>>
      tpu.enqueue_dma source(%arg11 : memref<64x128xf32, #tpu.memory_space<vmem>>) target(%dma_start3A_80 : memref<64x128xf32, #tpu.memory_space<vmem_shared>>) target_semaphore(%run_scoped3A : memref<!tpu.dma_semaphore, #tpu.memory_space<semaphore_mem>>)
      %dma_wait3A = arith.constant 0 : i32
      %dma_wait3A_81 = tpu.memref_slice %arg12[%multiple_of3A_45, %dma_wait3A] : memref<10240x128xf32, #tpu.memory_space<vmem_shared>> -> memref<64x128xf32, #tpu.memory_space<vmem_shared>>
      %dma_wait3A_82 = arith.constant 0 : i32
      %dma_wait3A_83 = tpu.memref_slice %arg12[%multiple_of3A_45, %dma_wait3A_82] : memref<10240x128xf32, #tpu.memory_space<vmem_shared>> -> memref<64x128xf32, #tpu.memory_space<vmem_shared>>
      tpu.wait_dma2 semaphore(%run_scoped3A : memref<!tpu.dma_semaphore, #tpu.memory_space<semaphore_mem>>) src(%arg11 : memref<64x128xf32, #tpu.memory_space<vmem>>) dst(%dma_wait3A_83 : memref<64x128xf32, #tpu.memory_space<vmem_shared>>)
      tpu.yield
    }) : () -> ()
    %mul3A_46 = arith.constant 640 : i32
    %mul3A_47 = arith.muli %arg1, %mul3A_46 : i32
    %add3A_48 = arith.constant 448 : i32
    %add3A_49 = arith.addi %mul3A_47, %add3A_48 : i32
    %multiple_of3A_50 = tpu.assume_multiple %add3A_49, 8 : i32
    "tpu.region"() ({
      %run_scoped3A = tpu.sem_alloc : memref<!tpu.dma_semaphore, #tpu.memory_space<semaphore_mem>>
      %dma_start3A_77 = arith.constant 0 : i32
      %dma_start3A_78 = tpu.memref_slice %arg12[%multiple_of3A_50, %dma_start3A_77] : memref<10240x128xf32, #tpu.memory_space<vmem_shared>> -> memref<64x128xf32, #tpu.memory_space<vmem_shared>>
      %dma_start3A_79 = arith.constant 0 : i32
      %dma_start3A_80 = tpu.memref_slice %arg12[%multiple_of3A_50, %dma_start3A_79] : memref<10240x128xf32, #tpu.memory_space<vmem_shared>> -> memref<64x128xf32, #tpu.memory_space<vmem_shared>>
      tpu.enqueue_dma source(%arg11 : memref<64x128xf32, #tpu.memory_space<vmem>>) target(%dma_start3A_80 : memref<64x128xf32, #tpu.memory_space<vmem_shared>>) target_semaphore(%run_scoped3A : memref<!tpu.dma_semaphore, #tpu.memory_space<semaphore_mem>>)
      %dma_wait3A = arith.constant 0 : i32
      %dma_wait3A_81 = tpu.memref_slice %arg12[%multiple_of3A_50, %dma_wait3A] : memref<10240x128xf32, #tpu.memory_space<vmem_shared>> -> memref<64x128xf32, #tpu.memory_space<vmem_shared>>
      %dma_wait3A_82 = arith.constant 0 : i32
      %dma_wait3A_83 = tpu.memref_slice %arg12[%multiple_of3A_50, %dma_wait3A_82] : memref<10240x128xf32, #tpu.memory_space<vmem_shared>> -> memref<64x128xf32, #tpu.memory_space<vmem_shared>>
      tpu.wait_dma2 semaphore(%run_scoped3A : memref<!tpu.dma_semaphore, #tpu.memory_space<semaphore_mem>>) src(%arg11 : memref<64x128xf32, #tpu.memory_space<vmem>>) dst(%dma_wait3A_83 : memref<64x128xf32, #tpu.memory_space<vmem_shared>>)
      tpu.yield
    }) : () -> ()
    %mul3A_51 = arith.constant 640 : i32
    %mul3A_52 = arith.muli %arg1, %mul3A_51 : i32
    %add3A_53 = arith.constant 512 : i32
    %add3A_54 = arith.addi %mul3A_52, %add3A_53 : i32
    %multiple_of3A_55 = tpu.assume_multiple %add3A_54, 8 : i32
    "tpu.region"() ({
      %run_scoped3A = tpu.sem_alloc : memref<!tpu.dma_semaphore, #tpu.memory_space<semaphore_mem>>
      %dma_start3A_77 = arith.constant 0 : i32
      %dma_start3A_78 = tpu.memref_slice %arg12[%multiple_of3A_55, %dma_start3A_77] : memref<10240x128xf32, #tpu.memory_space<vmem_shared>> -> memref<64x128xf32, #tpu.memory_space<vmem_shared>>
      %dma_start3A_79 = arith.constant 0 : i32
      %dma_start3A_80 = tpu.memref_slice %arg12[%multiple_of3A_55, %dma_start3A_79] : memref<10240x128xf32, #tpu.memory_space<vmem_shared>> -> memref<64x128xf32, #tpu.memory_space<vmem_shared>>
      tpu.enqueue_dma source(%arg11 : memref<64x128xf32, #tpu.memory_space<vmem>>) target(%dma_start3A_80 : memref<64x128xf32, #tpu.memory_space<vmem_shared>>) target_semaphore(%run_scoped3A : memref<!tpu.dma_semaphore, #tpu.memory_space<semaphore_mem>>)
      %dma_wait3A = arith.constant 0 : i32
      %dma_wait3A_81 = tpu.memref_slice %arg12[%multiple_of3A_55, %dma_wait3A] : memref<10240x128xf32, #tpu.memory_space<vmem_shared>> -> memref<64x128xf32, #tpu.memory_space<vmem_shared>>
      %dma_wait3A_82 = arith.constant 0 : i32
      %dma_wait3A_83 = tpu.memref_slice %arg12[%multiple_of3A_55, %dma_wait3A_82] : memref<10240x128xf32, #tpu.memory_space<vmem_shared>> -> memref<64x128xf32, #tpu.memory_space<vmem_shared>>
      tpu.wait_dma2 semaphore(%run_scoped3A : memref<!tpu.dma_semaphore, #tpu.memory_space<semaphore_mem>>) src(%arg11 : memref<64x128xf32, #tpu.memory_space<vmem>>) dst(%dma_wait3A_83 : memref<64x128xf32, #tpu.memory_space<vmem_shared>>)
      tpu.yield
    }) : () -> ()
    %mul3A_56 = arith.constant 640 : i32
    %mul3A_57 = arith.muli %arg1, %mul3A_56 : i32
    %add3A_58 = arith.constant 576 : i32
    %add3A_59 = arith.addi %mul3A_57, %add3A_58 : i32
    %multiple_of3A_60 = tpu.assume_multiple %add3A_59, 8 : i32
    "tpu.region"() ({
      %run_scoped3A = tpu.sem_alloc : memref<!tpu.dma_semaphore, #tpu.memory_space<semaphore_mem>>
      %dma_start3A_77 = arith.constant 0 : i32
      %dma_start3A_78 = tpu.memref_slice %arg12[%multiple_of3A_60, %dma_start3A_77] : memref<10240x128xf32, #tpu.memory_space<vmem_shared>> -> memref<64x128xf32, #tpu.memory_space<vmem_shared>>
      %dma_start3A_79 = arith.constant 0 : i32
      %dma_start3A_80 = tpu.memref_slice %arg12[%multiple_of3A_60, %dma_start3A_79] : memref<10240x128xf32, #tpu.memory_space<vmem_shared>> -> memref<64x128xf32, #tpu.memory_space<vmem_shared>>
      tpu.enqueue_dma source(%arg11 : memref<64x128xf32, #tpu.memory_space<vmem>>) target(%dma_start3A_80 : memref<64x128xf32, #tpu.memory_space<vmem_shared>>) target_semaphore(%run_scoped3A : memref<!tpu.dma_semaphore, #tpu.memory_space<semaphore_mem>>)
      %dma_wait3A = arith.constant 0 : i32
      %dma_wait3A_81 = tpu.memref_slice %arg12[%multiple_of3A_60, %dma_wait3A] : memref<10240x128xf32, #tpu.memory_space<vmem_shared>> -> memref<64x128xf32, #tpu.memory_space<vmem_shared>>
      %dma_wait3A_82 = arith.constant 0 : i32
      %dma_wait3A_83 = tpu.memref_slice %arg12[%multiple_of3A_60, %dma_wait3A_82] : memref<10240x128xf32, #tpu.memory_space<vmem_shared>> -> memref<64x128xf32, #tpu.memory_space<vmem_shared>>
      tpu.wait_dma2 semaphore(%run_scoped3A : memref<!tpu.dma_semaphore, #tpu.memory_space<semaphore_mem>>) src(%arg11 : memref<64x128xf32, #tpu.memory_space<vmem>>) dst(%dma_wait3A_83 : memref<64x128xf32, #tpu.memory_space<vmem_shared>>)
      tpu.yield
    }) : () -> ()
    %barrier3A = arith.constant 0 : index
    tpu.barrier barrier_id(%barrier3A)
    %add3A_61 = arith.constant 0 : i32
    %add3A_62 = arith.addi %mul3A_4, %add3A_61 : i32
    %multiple_of3A_63 = tpu.assume_multiple %add3A_62, 8 : i32
    "tpu.region"() ({
      %run_scoped3A = tpu.sem_alloc : memref<!tpu.dma_semaphore, #tpu.memory_space<semaphore_mem>>
      %dma_start3A_77 = tpu.memref_slice %arg3[%multiple_of3A_63] : memref<323584xi32, #tpu.memory_space<hbm>> -> memref<128xi32, #tpu.memory_space<hbm>>
      %dma_start3A_78 = tpu.memref_slice %arg3[%multiple_of3A_63] : memref<323584xi32, #tpu.memory_space<hbm>> -> memref<128xi32, #tpu.memory_space<hbm>>
      tpu.enqueue_dma source(%dma_start3A_78 : memref<128xi32, #tpu.memory_space<hbm>>) target(%arg6 : memref<128xi32, #tpu.memory_space<vmem>>) target_semaphore(%run_scoped3A : memref<!tpu.dma_semaphore, #tpu.memory_space<semaphore_mem>>)
      %dma_wait3A = tpu.memref_slice %arg3[%multiple_of3A_63] : memref<323584xi32, #tpu.memory_space<hbm>> -> memref<128xi32, #tpu.memory_space<hbm>>
      %dma_wait3A_79 = tpu.memref_slice %arg3[%multiple_of3A_63] : memref<323584xi32, #tpu.memory_space<hbm>> -> memref<128xi32, #tpu.memory_space<hbm>>
      tpu.wait_dma2 semaphore(%run_scoped3A : memref<!tpu.dma_semaphore, #tpu.memory_space<semaphore_mem>>) src(%dma_wait3A_79 : memref<128xi32, #tpu.memory_space<hbm>>) dst(%arg6 : memref<128xi32, #tpu.memory_space<vmem>>)
      tpu.yield
    }) : () -> ()
    %dma_start3A = arith.constant 0 : i32
    %dma_start3A_64 = arith.constant 0 : i32
    %dma_start3A_65 = tpu.memref_slice %arg2[%dma_start3A, %dma_start3A_64] : memref<10240x128xf32, #tpu.memory_space<hbm>> -> memref<10240x128xf32, #tpu.memory_space<hbm>>
    tpu.enqueue_indirect_dma source(%dma_start3A_65 : memref<10240x128xf32, #tpu.memory_space<hbm>>) target(%arg9 : memref<128x128xf32, #tpu.memory_space<vmem>>) offsets(%arg6 : memref<128xi32, #tpu.memory_space<vmem>>) semaphore(%arg13 : memref<!tpu.dma_semaphore, #tpu.memory_space<semaphore_mem>>)
    %scan3A_66 = arith.constant 0 : i32
    %scan3A_67 = arith.constant 0 : i32
    %scan3A_68 = arith.constant 79 : i32
    %scan3A_69 = arith.addi %scan3A_67, %scan3A_68 : i32
    %scan3A_70 = arith.constant 1 : i32
    %scan3A_71 = scf.for %scan3A_77 = %scan3A_67 to %scan3A_69 step %scan3A_70 iter_args(%scan3A_78 = %scan3A_66) -> (i32)  : i32 {
      %rem3A = arith.constant 2 : i32
      %rem3A_79 = arith.remsi %scan3A_77, %rem3A : i32
      %eq3A = arith.constant 0 : i32
      %eq3A_80 = arith.cmpi eq, %rem3A_79, %eq3A : i32
      %convert_element_type3A = arith.extui %eq3A_80 : i1 to i32
      %cond3A = arith.constant 0 : i32
      %cond3A_81 = arith.cmpi ne, %convert_element_type3A, %cond3A : i32
      scf.if %cond3A_81 {
        %dma_wait3A = arith.constant 0 : i32
        %dma_wait3A_87 = arith.constant 0 : i32
        %dma_wait3A_88 = tpu.memref_slice %arg2[%dma_wait3A, %dma_wait3A_87] : memref<10240x128xf32, #tpu.memory_space<hbm>> -> memref<10240x128xf32, #tpu.memory_space<hbm>>
        tpu.wait_indirect_dma semaphore(%arg13 : memref<!tpu.dma_semaphore, #tpu.memory_space<semaphore_mem>>) src(%dma_wait3A_88 : memref<10240x128xf32, #tpu.memory_space<hbm>>) dst(%arg9 : memref<128x128xf32, #tpu.memory_space<vmem>>)
        %add3A_89 = arith.constant 1 : i32
        %add3A_90 = arith.addi %scan3A_77, %add3A_89 : i32
        %lt3A = arith.constant 79 : i32
        %lt3A_91 = arith.cmpi slt, %add3A_90, %lt3A : i32
        %convert_element_type3A_92 = arith.extui %lt3A_91 : i1 to i32
        %cond3A_93 = arith.constant 0 : i32
        %cond3A_94 = arith.cmpi ne, %convert_element_type3A_92, %cond3A_93 : i32
        scf.if %cond3A_94 {
          %add3A_99 = arith.constant 1 : i32
          %add3A_100 = arith.addi %scan3A_77, %add3A_99 : i32
          %mul3A_101 = arith.constant 128 : i32
          %mul3A_102 = arith.muli %add3A_100, %mul3A_101 : i32
          %add3A_103 = arith.addi %mul3A_4, %mul3A_102 : i32
          %multiple_of3A_104 = tpu.assume_multiple %add3A_103, 8 : i32
          "tpu.region"() ({
            %run_scoped3A = tpu.sem_alloc : memref<!tpu.dma_semaphore, #tpu.memory_space<semaphore_mem>>
            %dma_start3A_108 = tpu.memref_slice %arg3[%multiple_of3A_104] : memref<323584xi32, #tpu.memory_space<hbm>> -> memref<128xi32, #tpu.memory_space<hbm>>
            %dma_start3A_109 = tpu.memref_slice %arg3[%multiple_of3A_104] : memref<323584xi32, #tpu.memory_space<hbm>> -> memref<128xi32, #tpu.memory_space<hbm>>
            tpu.enqueue_dma source(%dma_start3A_109 : memref<128xi32, #tpu.memory_space<hbm>>) target(%arg7 : memref<128xi32, #tpu.memory_space<vmem>>) target_semaphore(%run_scoped3A : memref<!tpu.dma_semaphore, #tpu.memory_space<semaphore_mem>>)
            %dma_wait3A_110 = tpu.memref_slice %arg3[%multiple_of3A_104] : memref<323584xi32, #tpu.memory_space<hbm>> -> memref<128xi32, #tpu.memory_space<hbm>>
            %dma_wait3A_111 = tpu.memref_slice %arg3[%multiple_of3A_104] : memref<323584xi32, #tpu.memory_space<hbm>> -> memref<128xi32, #tpu.memory_space<hbm>>
            tpu.wait_dma2 semaphore(%run_scoped3A : memref<!tpu.dma_semaphore, #tpu.memory_space<semaphore_mem>>) src(%dma_wait3A_111 : memref<128xi32, #tpu.memory_space<hbm>>) dst(%arg7 : memref<128xi32, #tpu.memory_space<vmem>>)
            tpu.yield
          }) : () -> ()
          %dma_start3A_105 = arith.constant 0 : i32
          %dma_start3A_106 = arith.constant 0 : i32
          %dma_start3A_107 = tpu.memref_slice %arg2[%dma_start3A_105, %dma_start3A_106] : memref<10240x128xf32, #tpu.memory_space<hbm>> -> memref<10240x128xf32, #tpu.memory_space<hbm>>
          tpu.enqueue_indirect_dma source(%dma_start3A_107 : memref<10240x128xf32, #tpu.memory_space<hbm>>) target(%arg10 : memref<128x128xf32, #tpu.memory_space<vmem>>) offsets(%arg7 : memref<128xi32, #tpu.memory_space<vmem>>) semaphore(%arg13 : memref<!tpu.dma_semaphore, #tpu.memory_space<semaphore_mem>>)
        } else {
        }
        %mul3A_95 = arith.constant 128 : i32
        %mul3A_96 = arith.muli %scan3A_77, %mul3A_95 : i32
        %add3A_97 = arith.addi %mul3A_4, %mul3A_96 : i32
        %multiple_of3A_98 = tpu.assume_multiple %add3A_97, 8 : i32
        "tpu.region"() ({
          %run_scoped3A = tpu.sem_alloc : memref<!tpu.dma_semaphore, #tpu.memory_space<semaphore_mem>>
          %dma_start3A_99 = tpu.memref_slice %arg4[%multiple_of3A_98] : memref<323584xi32, #tpu.memory_space<hbm>> -> memref<128xi32, #tpu.memory_space<hbm>>
          %dma_start3A_100 = tpu.memref_slice %arg4[%multiple_of3A_98] : memref<323584xi32, #tpu.memory_space<hbm>> -> memref<128xi32, #tpu.memory_space<hbm>>
          tpu.enqueue_dma source(%dma_start3A_100 : memref<128xi32, #tpu.memory_space<hbm>>) target(%arg8 : memref<128xi32, #tpu.memory_space<vmem>>) target_semaphore(%run_scoped3A : memref<!tpu.dma_semaphore, #tpu.memory_space<semaphore_mem>>)
          %dma_wait3A_101 = tpu.memref_slice %arg4[%multiple_of3A_98] : memref<323584xi32, #tpu.memory_space<hbm>> -> memref<128xi32, #tpu.memory_space<hbm>>
          %dma_wait3A_102 = tpu.memref_slice %arg4[%multiple_of3A_98] : memref<323584xi32, #tpu.memory_space<hbm>> -> memref<128xi32, #tpu.memory_space<hbm>>
          tpu.wait_dma2 semaphore(%run_scoped3A : memref<!tpu.dma_semaphore, #tpu.memory_space<semaphore_mem>>) src(%dma_wait3A_102 : memref<128xi32, #tpu.memory_space<hbm>>) dst(%arg8 : memref<128xi32, #tpu.memory_space<vmem>>)
          tpu.yield
        }) : () -> ()
        "tpu.region"() ({
          %run_scoped3A = tpu.sem_alloc : memref<!tpu.dma_semaphore, #tpu.memory_space<semaphore_mem>>
          %dma_start3A_99 = arith.constant 0 : i32
          %dma_start3A_100 = arith.constant 0 : i32
          %dma_start3A_101 = tpu.memref_slice %arg12[%dma_start3A_99, %dma_start3A_100] : memref<10240x128xf32, #tpu.memory_space<vmem_shared>> -> memref<10240x128xf32, #tpu.memory_space<vmem_shared>>
          tpu.enqueue_indirect_dma source(%arg9 : memref<128x128xf32, #tpu.memory_space<vmem>>) target(%dma_start3A_101 : memref<10240x128xf32, #tpu.memory_space<vmem_shared>>) offsets(%arg8 : memref<128xi32, #tpu.memory_space<vmem>>) semaphore(%run_scoped3A : memref<!tpu.dma_semaphore, #tpu.memory_space<semaphore_mem>>) {add = true}
          %dma_wait3A_102 = arith.constant 0 : i32
          %dma_wait3A_103 = arith.constant 0 : i32
          %dma_wait3A_104 = tpu.memref_slice %arg12[%dma_wait3A_102, %dma_wait3A_103] : memref<10240x128xf32, #tpu.memory_space<vmem_shared>> -> memref<10240x128xf32, #tpu.memory_space<vmem_shared>>
          tpu.wait_indirect_dma semaphore(%run_scoped3A : memref<!tpu.dma_semaphore, #tpu.memory_space<semaphore_mem>>) src(%arg9 : memref<128x128xf32, #tpu.memory_space<vmem>>) dst(%dma_wait3A_104 : memref<10240x128xf32, #tpu.memory_space<vmem_shared>>)
          tpu.yield
        }) : () -> ()
      } else {
      }
      %not3A = arith.constant true
      %not3A_82 = arith.xori %eq3A_80, %not3A : i1
      %convert_element_type3A_83 = arith.extui %not3A_82 : i1 to i32
      %cond3A_84 = arith.constant 0 : i32
      %cond3A_85 = arith.cmpi ne, %convert_element_type3A_83, %cond3A_84 : i32
      scf.if %cond3A_85 {
        %dma_wait3A = arith.constant 0 : i32
        %dma_wait3A_87 = arith.constant 0 : i32
        %dma_wait3A_88 = tpu.memref_slice %arg2[%dma_wait3A, %dma_wait3A_87] : memref<10240x128xf32, #tpu.memory_space<hbm>> -> memref<10240x128xf32, #tpu.memory_space<hbm>>
        tpu.wait_indirect_dma semaphore(%arg13 : memref<!tpu.dma_semaphore, #tpu.memory_space<semaphore_mem>>) src(%dma_wait3A_88 : memref<10240x128xf32, #tpu.memory_space<hbm>>) dst(%arg10 : memref<128x128xf32, #tpu.memory_space<vmem>>)
        %add3A_89 = arith.constant 1 : i32
        %add3A_90 = arith.addi %scan3A_77, %add3A_89 : i32
        %lt3A = arith.constant 79 : i32
        %lt3A_91 = arith.cmpi slt, %add3A_90, %lt3A : i32
        %convert_element_type3A_92 = arith.extui %lt3A_91 : i1 to i32
        %cond3A_93 = arith.constant 0 : i32
        %cond3A_94 = arith.cmpi ne, %convert_element_type3A_92, %cond3A_93 : i32
        scf.if %cond3A_94 {
          %add3A_99 = arith.constant 1 : i32
          %add3A_100 = arith.addi %scan3A_77, %add3A_99 : i32
          %mul3A_101 = arith.constant 128 : i32
          %mul3A_102 = arith.muli %add3A_100, %mul3A_101 : i32
          %add3A_103 = arith.addi %mul3A_4, %mul3A_102 : i32
          %multiple_of3A_104 = tpu.assume_multiple %add3A_103, 8 : i32
          "tpu.region"() ({
            %run_scoped3A = tpu.sem_alloc : memref<!tpu.dma_semaphore, #tpu.memory_space<semaphore_mem>>
            %dma_start3A_108 = tpu.memref_slice %arg3[%multiple_of3A_104] : memref<323584xi32, #tpu.memory_space<hbm>> -> memref<128xi32, #tpu.memory_space<hbm>>
            %dma_start3A_109 = tpu.memref_slice %arg3[%multiple_of3A_104] : memref<323584xi32, #tpu.memory_space<hbm>> -> memref<128xi32, #tpu.memory_space<hbm>>
            tpu.enqueue_dma source(%dma_start3A_109 : memref<128xi32, #tpu.memory_space<hbm>>) target(%arg6 : memref<128xi32, #tpu.memory_space<vmem>>) target_semaphore(%run_scoped3A : memref<!tpu.dma_semaphore, #tpu.memory_space<semaphore_mem>>)
            %dma_wait3A_110 = tpu.memref_slice %arg3[%multiple_of3A_104] : memref<323584xi32, #tpu.memory_space<hbm>> -> memref<128xi32, #tpu.memory_space<hbm>>
            %dma_wait3A_111 = tpu.memref_slice %arg3[%multiple_of3A_104] : memref<323584xi32, #tpu.memory_space<hbm>> -> memref<128xi32, #tpu.memory_space<hbm>>
            tpu.wait_dma2 semaphore(%run_scoped3A : memref<!tpu.dma_semaphore, #tpu.memory_space<semaphore_mem>>) src(%dma_wait3A_111 : memref<128xi32, #tpu.memory_space<hbm>>) dst(%arg6 : memref<128xi32, #tpu.memory_space<vmem>>)
            tpu.yield
          }) : () -> ()
          %dma_start3A_105 = arith.constant 0 : i32
          %dma_start3A_106 = arith.constant 0 : i32
          %dma_start3A_107 = tpu.memref_slice %arg2[%dma_start3A_105, %dma_start3A_106] : memref<10240x128xf32, #tpu.memory_space<hbm>> -> memref<10240x128xf32, #tpu.memory_space<hbm>>
          tpu.enqueue_indirect_dma source(%dma_start3A_107 : memref<10240x128xf32, #tpu.memory_space<hbm>>) target(%arg9 : memref<128x128xf32, #tpu.memory_space<vmem>>) offsets(%arg6 : memref<128xi32, #tpu.memory_space<vmem>>) semaphore(%arg13 : memref<!tpu.dma_semaphore, #tpu.memory_space<semaphore_mem>>)
        } else {
        }
        %mul3A_95 = arith.constant 128 : i32
        %mul3A_96 = arith.muli %scan3A_77, %mul3A_95 : i32
        %add3A_97 = arith.addi %mul3A_4, %mul3A_96 : i32
        %multiple_of3A_98 = tpu.assume_multiple %add3A_97, 8 : i32
        "tpu.region"() ({
          %run_scoped3A = tpu.sem_alloc : memref<!tpu.dma_semaphore, #tpu.memory_space<semaphore_mem>>
          %dma_start3A_99 = tpu.memref_slice %arg4[%multiple_of3A_98] : memref<323584xi32, #tpu.memory_space<hbm>> -> memref<128xi32, #tpu.memory_space<hbm>>
          %dma_start3A_100 = tpu.memref_slice %arg4[%multiple_of3A_98] : memref<323584xi32, #tpu.memory_space<hbm>> -> memref<128xi32, #tpu.memory_space<hbm>>
          tpu.enqueue_dma source(%dma_start3A_100 : memref<128xi32, #tpu.memory_space<hbm>>) target(%arg8 : memref<128xi32, #tpu.memory_space<vmem>>) target_semaphore(%run_scoped3A : memref<!tpu.dma_semaphore, #tpu.memory_space<semaphore_mem>>)
          %dma_wait3A_101 = tpu.memref_slice %arg4[%multiple_of3A_98] : memref<323584xi32, #tpu.memory_space<hbm>> -> memref<128xi32, #tpu.memory_space<hbm>>
          %dma_wait3A_102 = tpu.memref_slice %arg4[%multiple_of3A_98] : memref<323584xi32, #tpu.memory_space<hbm>> -> memref<128xi32, #tpu.memory_space<hbm>>
          tpu.wait_dma2 semaphore(%run_scoped3A : memref<!tpu.dma_semaphore, #tpu.memory_space<semaphore_mem>>) src(%dma_wait3A_102 : memref<128xi32, #tpu.memory_space<hbm>>) dst(%arg8 : memref<128xi32, #tpu.memory_space<vmem>>)
          tpu.yield
        }) : () -> ()
        "tpu.region"() ({
          %run_scoped3A = tpu.sem_alloc : memref<!tpu.dma_semaphore, #tpu.memory_space<semaphore_mem>>
          %dma_start3A_99 = arith.constant 0 : i32
          %dma_start3A_100 = arith.constant 0 : i32
          %dma_start3A_101 = tpu.memref_slice %arg12[%dma_start3A_99, %dma_start3A_100] : memref<10240x128xf32, #tpu.memory_space<vmem_shared>> -> memref<10240x128xf32, #tpu.memory_space<vmem_shared>>
          tpu.enqueue_indirect_dma source(%arg10 : memref<128x128xf32, #tpu.memory_space<vmem>>) target(%dma_start3A_101 : memref<10240x128xf32, #tpu.memory_space<vmem_shared>>) offsets(%arg8 : memref<128xi32, #tpu.memory_space<vmem>>) semaphore(%run_scoped3A : memref<!tpu.dma_semaphore, #tpu.memory_space<semaphore_mem>>) {add = true}
          %dma_wait3A_102 = arith.constant 0 : i32
          %dma_wait3A_103 = arith.constant 0 : i32
          %dma_wait3A_104 = tpu.memref_slice %arg12[%dma_wait3A_102, %dma_wait3A_103] : memref<10240x128xf32, #tpu.memory_space<vmem_shared>> -> memref<10240x128xf32, #tpu.memory_space<vmem_shared>>
          tpu.wait_indirect_dma semaphore(%run_scoped3A : memref<!tpu.dma_semaphore, #tpu.memory_space<semaphore_mem>>) src(%arg10 : memref<128x128xf32, #tpu.memory_space<vmem>>) dst(%dma_wait3A_104 : memref<10240x128xf32, #tpu.memory_space<vmem_shared>>)
          tpu.yield
        }) : () -> ()
      } else {
      }
      %scan3A_86 = arith.constant 0 : i32
      scf.yield %scan3A_86 : i32
    }
    %scan3A_72 = arith.constant 79 : i32
    %barrier3A_73 = arith.constant 0 : index
    tpu.barrier barrier_id(%barrier3A_73)
    %mul3A_74 = arith.constant 640 : i32
    %mul3A_75 = arith.muli %arg1, %mul3A_74 : i32
    %multiple_of3A_76 = tpu.assume_multiple %mul3A_75, 8 : i32
    "tpu.region"() ({
      %run_scoped3A = tpu.sem_alloc : memref<!tpu.dma_semaphore, #tpu.memory_space<semaphore_mem>>
      %dma_start3A_77 = arith.constant 0 : i32
      %dma_start3A_78 = tpu.memref_slice %arg5[%arg0, %multiple_of3A_76, %dma_start3A_77] : memref<2x10240x128xf32, #tpu.memory_space<hbm>> -> memref<1x640x128xf32, #tpu.memory_space<hbm>>
      %dma_start3A_79 = tpu.memref_squeeze %dma_start3A_78 : memref<1x640x128xf32, #tpu.memory_space<hbm>> -> memref<640x128xf32, #tpu.memory_space<hbm>>
      %dma_start3A_80 = arith.constant 0 : i32
      %dma_start3A_81 = tpu.memref_slice %arg12[%multiple_of3A_76, %dma_start3A_80] : memref<10240x128xf32, #tpu.memory_space<vmem_shared>> -> memref<640x128xf32, #tpu.memory_space<vmem_shared>>
      tpu.enqueue_dma source(%dma_start3A_81 : memref<640x128xf32, #tpu.memory_space<vmem_shared>>) target(%dma_start3A_79 : memref<640x128xf32, #tpu.memory_space<hbm>>) target_semaphore(%run_scoped3A : memref<!tpu.dma_semaphore, #tpu.memory_space<semaphore_mem>>)
      %dma_wait3A = arith.constant 0 : i32
      %dma_wait3A_82 = tpu.memref_slice %arg5[%arg0, %multiple_of3A_76, %dma_wait3A] : memref<2x10240x128xf32, #tpu.memory_space<hbm>> -> memref<1x640x128xf32, #tpu.memory_space<hbm>>
      %dma_wait3A_83 = tpu.memref_squeeze %dma_wait3A_82 : memref<1x640x128xf32, #tpu.memory_space<hbm>> -> memref<640x128xf32, #tpu.memory_space<hbm>>
      %dma_wait3A_84 = arith.constant 0 : i32
      %dma_wait3A_85 = tpu.memref_slice %arg12[%multiple_of3A_76, %dma_wait3A_84] : memref<10240x128xf32, #tpu.memory_space<vmem_shared>> -> memref<640x128xf32, #tpu.memory_space<vmem_shared>>
      tpu.wait_dma2 semaphore(%run_scoped3A : memref<!tpu.dma_semaphore, #tpu.memory_space<semaphore_mem>>) src(%dma_wait3A_85 : memref<640x128xf32, #tpu.memory_space<vmem_shared>>) dst(%dma_wait3A_83 : memref<640x128xf32, #tpu.memory_space<hbm>>)
      tpu.yield
    }) : () -> ()
    return
  }
}

#map = affine_map<(d0, d1) -> (0, 0)>
#map1 = affine_map<(d0, d1) -> (0)>
#map2 = affine_map<(d0, d1) -> (0, 0, 0)>
module attributes {stable_mosaic.version = 14 : i64} {
  func.func @k(%arg0: i32, %arg1: i32, %arg2: memref<10240x128xf32, #tpu.memory_space<hbm>>, %arg3: memref<323584xi32, #tpu.memory_space<hbm>>, %arg4: memref<323584xi32, #tpu.memory_space<hbm>>, %arg5: memref<2x10240x128xf32, #tpu.memory_space<hbm>>, %arg6: memref<128xi32, #tpu.memory_space<vmem>>, %arg7: memref<128xi32, #tpu.memory_space<vmem>>, %arg8: memref<128xi32, #tpu.memory_space<vmem>>, %arg9: memref<128x128xf32, #tpu.memory_space<vmem>>, %arg10: memref<128x128xf32, #tpu.memory_space<vmem>>, %arg11: memref<64x128xf32, #tpu.memory_space<vmem>>, %arg12: memref<10240x128xf32, #tpu.memory_space<vmem_shared>>, %arg13: memref<!tpu.dma_semaphore, #tpu.memory_space<semaphore_mem>>) attributes {dimension_semantics = [#tpu.dimension_semantics<core_parallel>, #tpu.dimension_semantics<subcore_parallel>], iteration_bounds = array<i64: 2, 16>, scalar_prefetch = 0 : i64, scratch_operands = 8 : i64, tpu.core_type = #tpu.core_type<sc_vector_subcore>, window_params = [{transform_indices = #map}, {transform_indices = #map1}, {transform_indices = #map1}, {transform_indices = #map2}]} {
    %mul3A = arith.constant 2 : i32
    %mul3A_0 = arith.muli %arg1, %mul3A : i32
    %add3A = arith.addi %mul3A_0, %arg0 : i32
    %mul3A_1 = arith.constant 79 : i32
    %mul3A_2 = arith.muli %add3A, %mul3A_1 : i32
    %mul3A_3 = arith.constant 128 : i32
    %mul3A_4 = arith.muli %mul3A_2, %mul3A_3 : i32
    %broadcast_in_dim3A = arith.constant 0.000000e+00 : f32
    %broadcast_in_dim3A_5 = vector.broadcast %broadcast_in_dim3A : f32 to vector<16xf32>
    %scan3A = arith.constant 0 : i32
    %scan3A_6 = arith.constant 0 : i32
    %scan3A_7 = arith.constant 64 : i32
    %scan3A_8 = arith.addi %scan3A_6, %scan3A_7 : i32
    %scan3A_9 = arith.constant 1 : i32
    %scan3A_10 = scf.for %scan3A_77 = %scan3A_6 to %scan3A_8 step %scan3A_9 iter_args(%scan3A_78 = %scan3A) -> (i32)  : i32 {
      %swap3A = arith.index_cast %scan3A_77 : i32 to index
      %swap3A_79 = arith.constant 0 : index
      %swap3A_80 = tpu.vector_load %arg11[%swap3A, %swap3A_79] {strides = array<i32>} : memref<64x128xf32, #tpu.memory_space<vmem>>, vector<1x16xf32>,
      %swap3A_81 = vector.shape_cast %swap3A_80 : vector<1x16xf32> to vector<16xf32>
      %swap3A_82 = vector.shape_cast %broadcast_in_dim3A_5 : vector<16xf32> to vector<1x16xf32>
      tpu.vector_store %arg11[%swap3A, %swap3A_79], %swap3A_82 {strides = array<i32>} : memref<64x128xf32, #tpu.memory_space<vmem>>, vector<1x16xf32>,
      %swap3A_83 = arith.index_cast %scan3A_77 : i32 to index
      %swap3A_84 = arith.constant 16 : index
      %swap3A_85 = tpu.vector_load %arg11[%swap3A_83, %swap3A_84] {strides = array<i32>} : memref<64x128xf32, #tpu.memory_space<vmem>>, vector<1x16xf32>,
      %swap3A_86 = vector.shape_cast %swap3A_85 : vector<1x16xf32> to vector<16xf32>
      %swap3A_87 = vector.shape_cast %broadcast_in_dim3A_5 : vector<16xf32> to vector<1x16xf32>
      tpu.vector_store %arg11[%swap3A_83, %swap3A_84], %swap3A_87 {strides = array<i32>} : memref<64x128xf32, #tpu.memory_space<vmem>>, vector<1x16xf32>,
      %swap3A_88 = arith.index_cast %scan3A_77 : i32 to index
      %swap3A_89 = arith.constant 32 : index
      %swap3A_90 = tpu.vector_load %arg11[%swap3A_88, %swap3A_89] {strides = array<i32>} : memref<64x128xf32, #tpu.memory_space<vmem>>, vector<1x16xf32>,
      %swap3A_91 = vector.shape_cast %swap3A_90 : vector<1x16xf32> to vector<16xf32>
      %swap3A_92 = vector.shape_cast %broadcast_in_dim3A_5 : vector<16xf32> to vector<1x16xf32>
      tpu.vector_store %arg11[%swap3A_88, %swap3A_89], %swap3A_92 {strides = array<i32>} : memref<64x128xf32, #tpu.memory_space<vmem>>, vector<1x16xf32>,
      %swap3A_93 = arith.index_cast %scan3A_77 : i32 to index
      %swap3A_94 = arith.constant 48 : index
      %swap3A_95 = tpu.vector_load %arg11[%swap3A_93, %swap3A_94] {strides = array<i32>} : memref<64x128xf32, #tpu.memory_space<vmem>>, vector<1x16xf32>,
      %swap3A_96 = vector.shape_cast %swap3A_95 : vector<1x16xf32> to vector<16xf32>
      %swap3A_97 = vector.shape_cast %broadcast_in_dim3A_5 : vector<16xf32> to vector<1x16xf32>
      tpu.vector_store %arg11[%swap3A_93, %swap3A_94], %swap3A_97 {strides = array<i32>} : memref<64x128xf32, #tpu.memory_space<vmem>>, vector<1x16xf32>,
      %swap3A_98 = arith.index_cast %scan3A_77 : i32 to index
      %swap3A_99 = arith.constant 64 : index
      %swap3A_100 = tpu.vector_load %arg11[%swap3A_98, %swap3A_99] {strides = array<i32>} : memref<64x128xf32, #tpu.memory_space<vmem>>, vector<1x16xf32>,
      %swap3A_101 = vector.shape_cast %swap3A_100 : vector<1x16xf32> to vector<16xf32>
      %swap3A_102 = vector.shape_cast %broadcast_in_dim3A_5 : vector<16xf32> to vector<1x16xf32>
      tpu.vector_store %arg11[%swap3A_98, %swap3A_99], %swap3A_102 {strides = array<i32>} : memref<64x128xf32, #tpu.memory_space<vmem>>, vector<1x16xf32>,
      %swap3A_103 = arith.index_cast %scan3A_77 : i32 to index
      %swap3A_104 = arith.constant 80 : index
      %swap3A_105 = tpu.vector_load %arg11[%swap3A_103, %swap3A_104] {strides = array<i32>} : memref<64x128xf32, #tpu.memory_space<vmem>>, vector<1x16xf32>,
      %swap3A_106 = vector.shape_cast %swap3A_105 : vector<1x16xf32> to vector<16xf32>
      %swap3A_107 = vector.shape_cast %broadcast_in_dim3A_5 : vector<16xf32> to vector<1x16xf32>
      tpu.vector_store %arg11[%swap3A_103, %swap3A_104], %swap3A_107 {strides = array<i32>} : memref<64x128xf32, #tpu.memory_space<vmem>>, vector<1x16xf32>,
      %swap3A_108 = arith.index_cast %scan3A_77 : i32 to index
      %swap3A_109 = arith.constant 96 : index
      %swap3A_110 = tpu.vector_load %arg11[%swap3A_108, %swap3A_109] {strides = array<i32>} : memref<64x128xf32, #tpu.memory_space<vmem>>, vector<1x16xf32>,
      %swap3A_111 = vector.shape_cast %swap3A_110 : vector<1x16xf32> to vector<16xf32>
      %swap3A_112 = vector.shape_cast %broadcast_in_dim3A_5 : vector<16xf32> to vector<1x16xf32>
      tpu.vector_store %arg11[%swap3A_108, %swap3A_109], %swap3A_112 {strides = array<i32>} : memref<64x128xf32, #tpu.memory_space<vmem>>, vector<1x16xf32>,
      %swap3A_113 = arith.index_cast %scan3A_77 : i32 to index
      %swap3A_114 = arith.constant 112 : index
      %swap3A_115 = tpu.vector_load %arg11[%swap3A_113, %swap3A_114] {strides = array<i32>} : memref<64x128xf32, #tpu.memory_space<vmem>>, vector<1x16xf32>,
      %swap3A_116 = vector.shape_cast %swap3A_115 : vector<1x16xf32> to vector<16xf32>
      %swap3A_117 = vector.shape_cast %broadcast_in_dim3A_5 : vector<16xf32> to vector<1x16xf32>
      tpu.vector_store %arg11[%swap3A_113, %swap3A_114], %swap3A_117 {strides = array<i32>} : memref<64x128xf32, #tpu.memory_space<vmem>>, vector<1x16xf32>,
      %scan3A_118 = arith.constant 0 : i32
      scf.yield %scan3A_118 : i32
    }
    %scan3A_11 = arith.constant 64 : i32
    %mul3A_12 = arith.constant 640 : i32
    %mul3A_13 = arith.muli %arg1, %mul3A_12 : i32
    %add3A_14 = arith.constant 0 : i32
    %add3A_15 = arith.addi %mul3A_13, %add3A_14 : i32
    %multiple_of3A = tpu.assume_multiple %add3A_15, 8 : i32
    "tpu.region"() ({
      %run_scoped3A = tpu.sem_alloc : memref<!tpu.dma_semaphore, #tpu.memory_space<semaphore_mem>>
      %dma_start3A_77 = arith.constant 0 : i32
      %dma_start3A_78 = tpu.memref_slice %arg12[%multiple_of3A, %dma_start3A_77] : memref<10240x128xf32, #tpu.memory_space<vmem_shared>> -> memref<64x128xf32, #tpu.memory_space<vmem_shared>>
      %dma_start3A_79 = arith.constant 0 : i32
      %dma_start3A_80 = tpu.memref_slice %arg12[%multiple_of3A, %dma_start3A_79] : memref<10240x128xf32, #tpu.memory_space<vmem_shared>> -> memref<64x128xf32, #tpu.memory_space<vmem_shared>>
      tpu.enqueue_dma source(%arg11 : memref<64x128xf32, #tpu.memory_space<vmem>>) target(%dma_start3A_80 : memref<64x128xf32, #tpu.memory_space<vmem_shared>>) target_semaphore(%run_scoped3A : memref<!tpu.dma_semaphore, #tpu.memory_space<semaphore_mem>>)
      %dma_wait3A = arith.constant 0 : i32
      %dma_wait3A_81 = tpu.memref_slice %arg12[%multiple_of3A, %dma_wait3A] : memref<10240x128xf32, #tpu.memory_space<vmem_shared>> -> memref<64x128xf32, #tpu.memory_space<vmem_shared>>
      %dma_wait3A_82 = arith.constant 0 : i32
      %dma_wait3A_83 = tpu.memref_slice %arg12[%multiple_of3A, %dma_wait3A_82] : memref<10240x128xf32, #tpu.memory_space<vmem_shared>> -> memref<64x128xf32, #tpu.memory_space<vmem_shared>>
      tpu.wait_dma2 semaphore(%run_scoped3A : memref<!tpu.dma_semaphore, #tpu.memory_space<semaphore_mem>>) src(%arg11 : memref<64x128xf32, #tpu.memory_space<vmem>>) dst(%dma_wait3A_83 : memref<64x128xf32, #tpu.memory_space<vmem_shared>>)
      tpu.yield
    }) : () -> ()
    %mul3A_16 = arith.constant 640 : i32
    %mul3A_17 = arith.muli %arg1, %mul3A_16 : i32
    %add3A_18 = arith.constant 64 : i32
    %add3A_19 = arith.addi %mul3A_17, %add3A_18 : i32
    %multiple_of3A_20 = tpu.assume_multiple %add3A_19, 8 : i32
    "tpu.region"() ({
      %run_scoped3A = tpu.sem_alloc : memref<!tpu.dma_semaphore, #tpu.memory_space<semaphore_mem>>
      %dma_start3A_77 = arith.constant 0 : i32
      %dma_start3A_78 = tpu.memref_slice %arg12[%multiple_of3A_20, %dma_start3A_77] : memref<10240x128xf32, #tpu.memory_space<vmem_shared>> -> memref<64x128xf32, #tpu.memory_space<vmem_shared>>
      %dma_start3A_79 = arith.constant 0 : i32
      %dma_start3A_80 = tpu.memref_slice %arg12[%multiple_of3A_20, %dma_start3A_79] : memref<10240x128xf32, #tpu.memory_space<vmem_shared>> -> memref<64x128xf32, #tpu.memory_space<vmem_shared>>
      tpu.enqueue_dma source(%arg11 : memref<64x128xf32, #tpu.memory_space<vmem>>) target(%dma_start3A_80 : memref<64x128xf32, #tpu.memory_space<vmem_shared>>) target_semaphore(%run_scoped3A : memref<!tpu.dma_semaphore, #tpu.memory_space<semaphore_mem>>)
      %dma_wait3A = arith.constant 0 : i32
      %dma_wait3A_81 = tpu.memref_slice %arg12[%multiple_of3A_20, %dma_wait3A] : memref<10240x128xf32, #tpu.memory_space<vmem_shared>> -> memref<64x128xf32, #tpu.memory_space<vmem_shared>>
      %dma_wait3A_82 = arith.constant 0 : i32
      %dma_wait3A_83 = tpu.memref_slice %arg12[%multiple_of3A_20, %dma_wait3A_82] : memref<10240x128xf32, #tpu.memory_space<vmem_shared>> -> memref<64x128xf32, #tpu.memory_space<vmem_shared>>
      tpu.wait_dma2 semaphore(%run_scoped3A : memref<!tpu.dma_semaphore, #tpu.memory_space<semaphore_mem>>) src(%arg11 : memref<64x128xf32, #tpu.memory_space<vmem>>) dst(%dma_wait3A_83 : memref<64x128xf32, #tpu.memory_space<vmem_shared>>)
      tpu.yield
    }) : () -> ()
    %mul3A_21 = arith.constant 640 : i32
    %mul3A_22 = arith.muli %arg1, %mul3A_21 : i32
    %add3A_23 = arith.constant 128 : i32
    %add3A_24 = arith.addi %mul3A_22, %add3A_23 : i32
    %multiple_of3A_25 = tpu.assume_multiple %add3A_24, 8 : i32
    "tpu.region"() ({
      %run_scoped3A = tpu.sem_alloc : memref<!tpu.dma_semaphore, #tpu.memory_space<semaphore_mem>>
      %dma_start3A_77 = arith.constant 0 : i32
      %dma_start3A_78 = tpu.memref_slice %arg12[%multiple_of3A_25, %dma_start3A_77] : memref<10240x128xf32, #tpu.memory_space<vmem_shared>> -> memref<64x128xf32, #tpu.memory_space<vmem_shared>>
      %dma_start3A_79 = arith.constant 0 : i32
      %dma_start3A_80 = tpu.memref_slice %arg12[%multiple_of3A_25, %dma_start3A_79] : memref<10240x128xf32, #tpu.memory_space<vmem_shared>> -> memref<64x128xf32, #tpu.memory_space<vmem_shared>>
      tpu.enqueue_dma source(%arg11 : memref<64x128xf32, #tpu.memory_space<vmem>>) target(%dma_start3A_80 : memref<64x128xf32, #tpu.memory_space<vmem_shared>>) target_semaphore(%run_scoped3A : memref<!tpu.dma_semaphore, #tpu.memory_space<semaphore_mem>>)
      %dma_wait3A = arith.constant 0 : i32
      %dma_wait3A_81 = tpu.memref_slice %arg12[%multiple_of3A_25, %dma_wait3A] : memref<10240x128xf32, #tpu.memory_space<vmem_shared>> -> memref<64x128xf32, #tpu.memory_space<vmem_shared>>
      %dma_wait3A_82 = arith.constant 0 : i32
      %dma_wait3A_83 = tpu.memref_slice %arg12[%multiple_of3A_25, %dma_wait3A_82] : memref<10240x128xf32, #tpu.memory_space<vmem_shared>> -> memref<64x128xf32, #tpu.memory_space<vmem_shared>>
      tpu.wait_dma2 semaphore(%run_scoped3A : memref<!tpu.dma_semaphore, #tpu.memory_space<semaphore_mem>>) src(%arg11 : memref<64x128xf32, #tpu.memory_space<vmem>>) dst(%dma_wait3A_83 : memref<64x128xf32, #tpu.memory_space<vmem_shared>>)
      tpu.yield
    }) : () -> ()
    %mul3A_26 = arith.constant 640 : i32
    %mul3A_27 = arith.muli %arg1, %mul3A_26 : i32
    %add3A_28 = arith.constant 192 : i32
    %add3A_29 = arith.addi %mul3A_27, %add3A_28 : i32
    %multiple_of3A_30 = tpu.assume_multiple %add3A_29, 8 : i32
    "tpu.region"() ({
      %run_scoped3A = tpu.sem_alloc : memref<!tpu.dma_semaphore, #tpu.memory_space<semaphore_mem>>
      %dma_start3A_77 = arith.constant 0 : i32
      %dma_start3A_78 = tpu.memref_slice %arg12[%multiple_of3A_30, %dma_start3A_77] : memref<10240x128xf32, #tpu.memory_space<vmem_shared>> -> memref<64x128xf32, #tpu.memory_space<vmem_shared>>
      %dma_start3A_79 = arith.constant 0 : i32
      %dma_start3A_80 = tpu.memref_slice %arg12[%multiple_of3A_30, %dma_start3A_79] : memref<10240x128xf32, #tpu.memory_space<vmem_shared>> -> memref<64x128xf32, #tpu.memory_space<vmem_shared>>
      tpu.enqueue_dma source(%arg11 : memref<64x128xf32, #tpu.memory_space<vmem>>) target(%dma_start3A_80 : memref<64x128xf32, #tpu.memory_space<vmem_shared>>) target_semaphore(%run_scoped3A : memref<!tpu.dma_semaphore, #tpu.memory_space<semaphore_mem>>)
      %dma_wait3A = arith.constant 0 : i32
      %dma_wait3A_81 = tpu.memref_slice %arg12[%multiple_of3A_30, %dma_wait3A] : memref<10240x128xf32, #tpu.memory_space<vmem_shared>> -> memref<64x128xf32, #tpu.memory_space<vmem_shared>>
      %dma_wait3A_82 = arith.constant 0 : i32
      %dma_wait3A_83 = tpu.memref_slice %arg12[%multiple_of3A_30, %dma_wait3A_82] : memref<10240x128xf32, #tpu.memory_space<vmem_shared>> -> memref<64x128xf32, #tpu.memory_space<vmem_shared>>
      tpu.wait_dma2 semaphore(%run_scoped3A : memref<!tpu.dma_semaphore, #tpu.memory_space<semaphore_mem>>) src(%arg11 : memref<64x128xf32, #tpu.memory_space<vmem>>) dst(%dma_wait3A_83 : memref<64x128xf32, #tpu.memory_space<vmem_shared>>)
      tpu.yield
    }) : () -> ()
    %mul3A_31 = arith.constant 640 : i32
    %mul3A_32 = arith.muli %arg1, %mul3A_31 : i32
    %add3A_33 = arith.constant 256 : i32
    %add3A_34 = arith.addi %mul3A_32, %add3A_33 : i32
    %multiple_of3A_35 = tpu.assume_multiple %add3A_34, 8 : i32
    "tpu.region"() ({
      %run_scoped3A = tpu.sem_alloc : memref<!tpu.dma_semaphore, #tpu.memory_space<semaphore_mem>>
      %dma_start3A_77 = arith.constant 0 : i32
      %dma_start3A_78 = tpu.memref_slice %arg12[%multiple_of3A_35, %dma_start3A_77] : memref<10240x128xf32, #tpu.memory_space<vmem_shared>> -> memref<64x128xf32, #tpu.memory_space<vmem_shared>>
      %dma_start3A_79 = arith.constant 0 : i32
      %dma_start3A_80 = tpu.memref_slice %arg12[%multiple_of3A_35, %dma_start3A_79] : memref<10240x128xf32, #tpu.memory_space<vmem_shared>> -> memref<64x128xf32, #tpu.memory_space<vmem_shared>>
      tpu.enqueue_dma source(%arg11 : memref<64x128xf32, #tpu.memory_space<vmem>>) target(%dma_start3A_80 : memref<64x128xf32, #tpu.memory_space<vmem_shared>>) target_semaphore(%run_scoped3A : memref<!tpu.dma_semaphore, #tpu.memory_space<semaphore_mem>>)
      %dma_wait3A = arith.constant 0 : i32
      %dma_wait3A_81 = tpu.memref_slice %arg12[%multiple_of3A_35, %dma_wait3A] : memref<10240x128xf32, #tpu.memory_space<vmem_shared>> -> memref<64x128xf32, #tpu.memory_space<vmem_shared>>
      %dma_wait3A_82 = arith.constant 0 : i32
      %dma_wait3A_83 = tpu.memref_slice %arg12[%multiple_of3A_35, %dma_wait3A_82] : memref<10240x128xf32, #tpu.memory_space<vmem_shared>> -> memref<64x128xf32, #tpu.memory_space<vmem_shared>>
      tpu.wait_dma2 semaphore(%run_scoped3A : memref<!tpu.dma_semaphore, #tpu.memory_space<semaphore_mem>>) src(%arg11 : memref<64x128xf32, #tpu.memory_space<vmem>>) dst(%dma_wait3A_83 : memref<64x128xf32, #tpu.memory_space<vmem_shared>>)
      tpu.yield
    }) : () -> ()
    %mul3A_36 = arith.constant 640 : i32
    %mul3A_37 = arith.muli %arg1, %mul3A_36 : i32
    %add3A_38 = arith.constant 320 : i32
    %add3A_39 = arith.addi %mul3A_37, %add3A_38 : i32
    %multiple_of3A_40 = tpu.assume_multiple %add3A_39, 8 : i32
    "tpu.region"() ({
      %run_scoped3A = tpu.sem_alloc : memref<!tpu.dma_semaphore, #tpu.memory_space<semaphore_mem>>
      %dma_start3A_77 = arith.constant 0 : i32
      %dma_start3A_78 = tpu.memref_slice %arg12[%multiple_of3A_40, %dma_start3A_77] : memref<10240x128xf32, #tpu.memory_space<vmem_shared>> -> memref<64x128xf32, #tpu.memory_space<vmem_shared>>
      %dma_start3A_79 = arith.constant 0 : i32
      %dma_start3A_80 = tpu.memref_slice %arg12[%multiple_of3A_40, %dma_start3A_79] : memref<10240x128xf32, #tpu.memory_space<vmem_shared>> -> memref<64x128xf32, #tpu.memory_space<vmem_shared>>
      tpu.enqueue_dma source(%arg11 : memref<64x128xf32, #tpu.memory_space<vmem>>) target(%dma_start3A_80 : memref<64x128xf32, #tpu.memory_space<vmem_shared>>) target_semaphore(%run_scoped3A : memref<!tpu.dma_semaphore, #tpu.memory_space<semaphore_mem>>)
      %dma_wait3A = arith.constant 0 : i32
      %dma_wait3A_81 = tpu.memref_slice %arg12[%multiple_of3A_40, %dma_wait3A] : memref<10240x128xf32, #tpu.memory_space<vmem_shared>> -> memref<64x128xf32, #tpu.memory_space<vmem_shared>>
      %dma_wait3A_82 = arith.constant 0 : i32
      %dma_wait3A_83 = tpu.memref_slice %arg12[%multiple_of3A_40, %dma_wait3A_82] : memref<10240x128xf32, #tpu.memory_space<vmem_shared>> -> memref<64x128xf32, #tpu.memory_space<vmem_shared>>
      tpu.wait_dma2 semaphore(%run_scoped3A : memref<!tpu.dma_semaphore, #tpu.memory_space<semaphore_mem>>) src(%arg11 : memref<64x128xf32, #tpu.memory_space<vmem>>) dst(%dma_wait3A_83 : memref<64x128xf32, #tpu.memory_space<vmem_shared>>)
      tpu.yield
    }) : () -> ()
    %mul3A_41 = arith.constant 640 : i32
    %mul3A_42 = arith.muli %arg1, %mul3A_41 : i32
    %add3A_43 = arith.constant 384 : i32
    %add3A_44 = arith.addi %mul3A_42, %add3A_43 : i32
    %multiple_of3A_45 = tpu.assume_multiple %add3A_44, 8 : i32
    "tpu.region"() ({
      %run_scoped3A = tpu.sem_alloc : memref<!tpu.dma_semaphore, #tpu.memory_space<semaphore_mem>>
      %dma_start3A_77 = arith.constant 0 : i32
      %dma_start3A_78 = tpu.memref_slice %arg12[%multiple_of3A_45, %dma_start3A_77] : memref<10240x128xf32, #tpu.memory_space<vmem_shared>> -> memref<64x128xf32, #tpu.memory_space<vmem_shared>>
      %dma_start3A_79 = arith.constant 0 : i32
      %dma_start3A_80 = tpu.memref_slice %arg12[%multiple_of3A_45, %dma_start3A_79] : memref<10240x128xf32, #tpu.memory_space<vmem_shared>> -> memref<64x128xf32, #tpu.memory_space<vmem_shared>>
      tpu.enqueue_dma source(%arg11 : memref<64x128xf32, #tpu.memory_space<vmem>>) target(%dma_start3A_80 : memref<64x128xf32, #tpu.memory_space<vmem_shared>>) target_semaphore(%run_scoped3A : memref<!tpu.dma_semaphore, #tpu.memory_space<semaphore_mem>>)
      %dma_wait3A = arith.constant 0 : i32
      %dma_wait3A_81 = tpu.memref_slice %arg12[%multiple_of3A_45, %dma_wait3A] : memref<10240x128xf32, #tpu.memory_space<vmem_shared>> -> memref<64x128xf32, #tpu.memory_space<vmem_shared>>
      %dma_wait3A_82 = arith.constant 0 : i32
      %dma_wait3A_83 = tpu.memref_slice %arg12[%multiple_of3A_45, %dma_wait3A_82] : memref<10240x128xf32, #tpu.memory_space<vmem_shared>> -> memref<64x128xf32, #tpu.memory_space<vmem_shared>>
      tpu.wait_dma2 semaphore(%run_scoped3A : memref<!tpu.dma_semaphore, #tpu.memory_space<semaphore_mem>>) src(%arg11 : memref<64x128xf32, #tpu.memory_space<vmem>>) dst(%dma_wait3A_83 : memref<64x128xf32, #tpu.memory_space<vmem_shared>>)
      tpu.yield
    }) : () -> ()
    %mul3A_46 = arith.constant 640 : i32
    %mul3A_47 = arith.muli %arg1, %mul3A_46 : i32
    %add3A_48 = arith.constant 448 : i32
    %add3A_49 = arith.addi %mul3A_47, %add3A_48 : i32
    %multiple_of3A_50 = tpu.assume_multiple %add3A_49, 8 : i32
    "tpu.region"() ({
      %run_scoped3A = tpu.sem_alloc : memref<!tpu.dma_semaphore, #tpu.memory_space<semaphore_mem>>
      %dma_start3A_77 = arith.constant 0 : i32
      %dma_start3A_78 = tpu.memref_slice %arg12[%multiple_of3A_50, %dma_start3A_77] : memref<10240x128xf32, #tpu.memory_space<vmem_shared>> -> memref<64x128xf32, #tpu.memory_space<vmem_shared>>
      %dma_start3A_79 = arith.constant 0 : i32
      %dma_start3A_80 = tpu.memref_slice %arg12[%multiple_of3A_50, %dma_start3A_79] : memref<10240x128xf32, #tpu.memory_space<vmem_shared>> -> memref<64x128xf32, #tpu.memory_space<vmem_shared>>
      tpu.enqueue_dma source(%arg11 : memref<64x128xf32, #tpu.memory_space<vmem>>) target(%dma_start3A_80 : memref<64x128xf32, #tpu.memory_space<vmem_shared>>) target_semaphore(%run_scoped3A : memref<!tpu.dma_semaphore, #tpu.memory_space<semaphore_mem>>)
      %dma_wait3A = arith.constant 0 : i32
      %dma_wait3A_81 = tpu.memref_slice %arg12[%multiple_of3A_50, %dma_wait3A] : memref<10240x128xf32, #tpu.memory_space<vmem_shared>> -> memref<64x128xf32, #tpu.memory_space<vmem_shared>>
      %dma_wait3A_82 = arith.constant 0 : i32
      %dma_wait3A_83 = tpu.memref_slice %arg12[%multiple_of3A_50, %dma_wait3A_82] : memref<10240x128xf32, #tpu.memory_space<vmem_shared>> -> memref<64x128xf32, #tpu.memory_space<vmem_shared>>
      tpu.wait_dma2 semaphore(%run_scoped3A : memref<!tpu.dma_semaphore, #tpu.memory_space<semaphore_mem>>) src(%arg11 : memref<64x128xf32, #tpu.memory_space<vmem>>) dst(%dma_wait3A_83 : memref<64x128xf32, #tpu.memory_space<vmem_shared>>)
      tpu.yield
    }) : () -> ()
    %mul3A_51 = arith.constant 640 : i32
    %mul3A_52 = arith.muli %arg1, %mul3A_51 : i32
    %add3A_53 = arith.constant 512 : i32
    %add3A_54 = arith.addi %mul3A_52, %add3A_53 : i32
    %multiple_of3A_55 = tpu.assume_multiple %add3A_54, 8 : i32
    "tpu.region"() ({
      %run_scoped3A = tpu.sem_alloc : memref<!tpu.dma_semaphore, #tpu.memory_space<semaphore_mem>>
      %dma_start3A_77 = arith.constant 0 : i32
      %dma_start3A_78 = tpu.memref_slice %arg12[%multiple_of3A_55, %dma_start3A_77] : memref<10240x128xf32, #tpu.memory_space<vmem_shared>> -> memref<64x128xf32, #tpu.memory_space<vmem_shared>>
      %dma_start3A_79 = arith.constant 0 : i32
      %dma_start3A_80 = tpu.memref_slice %arg12[%multiple_of3A_55, %dma_start3A_79] : memref<10240x128xf32, #tpu.memory_space<vmem_shared>> -> memref<64x128xf32, #tpu.memory_space<vmem_shared>>
      tpu.enqueue_dma source(%arg11 : memref<64x128xf32, #tpu.memory_space<vmem>>) target(%dma_start3A_80 : memref<64x128xf32, #tpu.memory_space<vmem_shared>>) target_semaphore(%run_scoped3A : memref<!tpu.dma_semaphore, #tpu.memory_space<semaphore_mem>>)
      %dma_wait3A = arith.constant 0 : i32
      %dma_wait3A_81 = tpu.memref_slice %arg12[%multiple_of3A_55, %dma_wait3A] : memref<10240x128xf32, #tpu.memory_space<vmem_shared>> -> memref<64x128xf32, #tpu.memory_space<vmem_shared>>
      %dma_wait3A_82 = arith.constant 0 : i32
      %dma_wait3A_83 = tpu.memref_slice %arg12[%multiple_of3A_55, %dma_wait3A_82] : memref<10240x128xf32, #tpu.memory_space<vmem_shared>> -> memref<64x128xf32, #tpu.memory_space<vmem_shared>>
      tpu.wait_dma2 semaphore(%run_scoped3A : memref<!tpu.dma_semaphore, #tpu.memory_space<semaphore_mem>>) src(%arg11 : memref<64x128xf32, #tpu.memory_space<vmem>>) dst(%dma_wait3A_83 : memref<64x128xf32, #tpu.memory_space<vmem_shared>>)
      tpu.yield
    }) : () -> ()
    %mul3A_56 = arith.constant 640 : i32
    %mul3A_57 = arith.muli %arg1, %mul3A_56 : i32
    %add3A_58 = arith.constant 576 : i32
    %add3A_59 = arith.addi %mul3A_57, %add3A_58 : i32
    %multiple_of3A_60 = tpu.assume_multiple %add3A_59, 8 : i32
    "tpu.region"() ({
      %run_scoped3A = tpu.sem_alloc : memref<!tpu.dma_semaphore, #tpu.memory_space<semaphore_mem>>
      %dma_start3A_77 = arith.constant 0 : i32
      %dma_start3A_78 = tpu.memref_slice %arg12[%multiple_of3A_60, %dma_start3A_77] : memref<10240x128xf32, #tpu.memory_space<vmem_shared>> -> memref<64x128xf32, #tpu.memory_space<vmem_shared>>
      %dma_start3A_79 = arith.constant 0 : i32
      %dma_start3A_80 = tpu.memref_slice %arg12[%multiple_of3A_60, %dma_start3A_79] : memref<10240x128xf32, #tpu.memory_space<vmem_shared>> -> memref<64x128xf32, #tpu.memory_space<vmem_shared>>
      tpu.enqueue_dma source(%arg11 : memref<64x128xf32, #tpu.memory_space<vmem>>) target(%dma_start3A_80 : memref<64x128xf32, #tpu.memory_space<vmem_shared>>) target_semaphore(%run_scoped3A : memref<!tpu.dma_semaphore, #tpu.memory_space<semaphore_mem>>)
      %dma_wait3A = arith.constant 0 : i32
      %dma_wait3A_81 = tpu.memref_slice %arg12[%multiple_of3A_60, %dma_wait3A] : memref<10240x128xf32, #tpu.memory_space<vmem_shared>> -> memref<64x128xf32, #tpu.memory_space<vmem_shared>>
      %dma_wait3A_82 = arith.constant 0 : i32
      %dma_wait3A_83 = tpu.memref_slice %arg12[%multiple_of3A_60, %dma_wait3A_82] : memref<10240x128xf32, #tpu.memory_space<vmem_shared>> -> memref<64x128xf32, #tpu.memory_space<vmem_shared>>
      tpu.wait_dma2 semaphore(%run_scoped3A : memref<!tpu.dma_semaphore, #tpu.memory_space<semaphore_mem>>) src(%arg11 : memref<64x128xf32, #tpu.memory_space<vmem>>) dst(%dma_wait3A_83 : memref<64x128xf32, #tpu.memory_space<vmem_shared>>)
      tpu.yield
    }) : () -> ()
    %barrier3A = arith.constant 0 : index
    tpu.barrier barrier_id(%barrier3A)
    %add3A_61 = arith.constant 0 : i32
    %add3A_62 = arith.addi %mul3A_4, %add3A_61 : i32
    %multiple_of3A_63 = tpu.assume_multiple %add3A_62, 8 : i32
    "tpu.region"() ({
      %run_scoped3A = tpu.sem_alloc : memref<!tpu.dma_semaphore, #tpu.memory_space<semaphore_mem>>
      %dma_start3A_77 = tpu.memref_slice %arg3[%multiple_of3A_63] : memref<323584xi32, #tpu.memory_space<hbm>> -> memref<128xi32, #tpu.memory_space<hbm>>
      %dma_start3A_78 = tpu.memref_slice %arg3[%multiple_of3A_63] : memref<323584xi32, #tpu.memory_space<hbm>> -> memref<128xi32, #tpu.memory_space<hbm>>
      tpu.enqueue_dma source(%dma_start3A_78 : memref<128xi32, #tpu.memory_space<hbm>>) target(%arg6 : memref<128xi32, #tpu.memory_space<vmem>>) target_semaphore(%run_scoped3A : memref<!tpu.dma_semaphore, #tpu.memory_space<semaphore_mem>>)
      %dma_wait3A = tpu.memref_slice %arg3[%multiple_of3A_63] : memref<323584xi32, #tpu.memory_space<hbm>> -> memref<128xi32, #tpu.memory_space<hbm>>
      %dma_wait3A_79 = tpu.memref_slice %arg3[%multiple_of3A_63] : memref<323584xi32, #tpu.memory_space<hbm>> -> memref<128xi32, #tpu.memory_space<hbm>>
      tpu.wait_dma2 semaphore(%run_scoped3A : memref<!tpu.dma_semaphore, #tpu.memory_space<semaphore_mem>>) src(%dma_wait3A_79 : memref<128xi32, #tpu.memory_space<hbm>>) dst(%arg6 : memref<128xi32, #tpu.memory_space<vmem>>)
      tpu.yield
    }) : () -> ()
    %dma_start3A = arith.constant 0 : i32
    %dma_start3A_64 = arith.constant 0 : i32
    %dma_start3A_65 = tpu.memref_slice %arg2[%dma_start3A, %dma_start3A_64] : memref<10240x128xf32, #tpu.memory_space<hbm>> -> memref<10240x128xf32, #tpu.memory_space<hbm>>
    tpu.enqueue_indirect_dma source(%dma_start3A_65 : memref<10240x128xf32, #tpu.memory_space<hbm>>) target(%arg9 : memref<128x128xf32, #tpu.memory_space<vmem>>) offsets(%arg6 : memref<128xi32, #tpu.memory_space<vmem>>) semaphore(%arg13 : memref<!tpu.dma_semaphore, #tpu.memory_space<semaphore_mem>>)
    %scan3A_66 = arith.constant 0 : i32
    %scan3A_67 = arith.constant 0 : i32
    %scan3A_68 = arith.constant 79 : i32
    %scan3A_69 = arith.addi %scan3A_67, %scan3A_68 : i32
    %scan3A_70 = arith.constant 1 : i32
    %scan3A_71 = scf.for %scan3A_77 = %scan3A_67 to %scan3A_69 step %scan3A_70 iter_args(%scan3A_78 = %scan3A_66) -> (i32)  : i32 {
      %rem3A = arith.constant 2 : i32
      %rem3A_79 = arith.remsi %scan3A_77, %rem3A : i32
      %eq3A = arith.constant 0 : i32
      %eq3A_80 = arith.cmpi eq, %rem3A_79, %eq3A : i32
      %convert_element_type3A = arith.extui %eq3A_80 : i1 to i32
      %cond3A = arith.constant 0 : i32
      %cond3A_81 = arith.cmpi ne, %convert_element_type3A, %cond3A : i32
      scf.if %cond3A_81 {
        %dma_wait3A = arith.constant 0 : i32
        %dma_wait3A_87 = arith.constant 0 : i32
        %dma_wait3A_88 = tpu.memref_slice %arg2[%dma_wait3A, %dma_wait3A_87] : memref<10240x128xf32, #tpu.memory_space<hbm>> -> memref<10240x128xf32, #tpu.memory_space<hbm>>
        tpu.wait_indirect_dma semaphore(%arg13 : memref<!tpu.dma_semaphore, #tpu.memory_space<semaphore_mem>>) src(%dma_wait3A_88 : memref<10240x128xf32, #tpu.memory_space<hbm>>) dst(%arg9 : memref<128x128xf32, #tpu.memory_space<vmem>>)
        %add3A_89 = arith.constant 1 : i32
        %add3A_90 = arith.addi %scan3A_77, %add3A_89 : i32
        %lt3A = arith.constant 79 : i32
        %lt3A_91 = arith.cmpi slt, %add3A_90, %lt3A : i32
        %convert_element_type3A_92 = arith.extui %lt3A_91 : i1 to i32
        %cond3A_93 = arith.constant 0 : i32
        %cond3A_94 = arith.cmpi ne, %convert_element_type3A_92, %cond3A_93 : i32
        scf.if %cond3A_94 {
          %add3A_99 = arith.constant 1 : i32
          %add3A_100 = arith.addi %scan3A_77, %add3A_99 : i32
          %mul3A_101 = arith.constant 128 : i32
          %mul3A_102 = arith.muli %add3A_100, %mul3A_101 : i32
          %add3A_103 = arith.addi %mul3A_4, %mul3A_102 : i32
          %multiple_of3A_104 = tpu.assume_multiple %add3A_103, 8 : i32
          "tpu.region"() ({
            %run_scoped3A = tpu.sem_alloc : memref<!tpu.dma_semaphore, #tpu.memory_space<semaphore_mem>>
            %dma_start3A_108 = tpu.memref_slice %arg3[%multiple_of3A_104] : memref<323584xi32, #tpu.memory_space<hbm>> -> memref<128xi32, #tpu.memory_space<hbm>>
            %dma_start3A_109 = tpu.memref_slice %arg3[%multiple_of3A_104] : memref<323584xi32, #tpu.memory_space<hbm>> -> memref<128xi32, #tpu.memory_space<hbm>>
            tpu.enqueue_dma source(%dma_start3A_109 : memref<128xi32, #tpu.memory_space<hbm>>) target(%arg7 : memref<128xi32, #tpu.memory_space<vmem>>) target_semaphore(%run_scoped3A : memref<!tpu.dma_semaphore, #tpu.memory_space<semaphore_mem>>)
            %dma_wait3A_110 = tpu.memref_slice %arg3[%multiple_of3A_104] : memref<323584xi32, #tpu.memory_space<hbm>> -> memref<128xi32, #tpu.memory_space<hbm>>
            %dma_wait3A_111 = tpu.memref_slice %arg3[%multiple_of3A_104] : memref<323584xi32, #tpu.memory_space<hbm>> -> memref<128xi32, #tpu.memory_space<hbm>>
            tpu.wait_dma2 semaphore(%run_scoped3A : memref<!tpu.dma_semaphore, #tpu.memory_space<semaphore_mem>>) src(%dma_wait3A_111 : memref<128xi32, #tpu.memory_space<hbm>>) dst(%arg7 : memref<128xi32, #tpu.memory_space<vmem>>)
            tpu.yield
          }) : () -> ()
          %dma_start3A_105 = arith.constant 0 : i32
          %dma_start3A_106 = arith.constant 0 : i32
          %dma_start3A_107 = tpu.memref_slice %arg2[%dma_start3A_105, %dma_start3A_106] : memref<10240x128xf32, #tpu.memory_space<hbm>> -> memref<10240x128xf32, #tpu.memory_space<hbm>>
          tpu.enqueue_indirect_dma source(%dma_start3A_107 : memref<10240x128xf32, #tpu.memory_space<hbm>>) target(%arg10 : memref<128x128xf32, #tpu.memory_space<vmem>>) offsets(%arg7 : memref<128xi32, #tpu.memory_space<vmem>>) semaphore(%arg13 : memref<!tpu.dma_semaphore, #tpu.memory_space<semaphore_mem>>)
        } else {
        }
        %mul3A_95 = arith.constant 128 : i32
        %mul3A_96 = arith.muli %scan3A_77, %mul3A_95 : i32
        %add3A_97 = arith.addi %mul3A_4, %mul3A_96 : i32
        %multiple_of3A_98 = tpu.assume_multiple %add3A_97, 8 : i32
        "tpu.region"() ({
          %run_scoped3A = tpu.sem_alloc : memref<!tpu.dma_semaphore, #tpu.memory_space<semaphore_mem>>
          %dma_start3A_99 = tpu.memref_slice %arg4[%multiple_of3A_98] : memref<323584xi32, #tpu.memory_space<hbm>> -> memref<128xi32, #tpu.memory_space<hbm>>
          %dma_start3A_100 = tpu.memref_slice %arg4[%multiple_of3A_98] : memref<323584xi32, #tpu.memory_space<hbm>> -> memref<128xi32, #tpu.memory_space<hbm>>
          tpu.enqueue_dma source(%dma_start3A_100 : memref<128xi32, #tpu.memory_space<hbm>>) target(%arg8 : memref<128xi32, #tpu.memory_space<vmem>>) target_semaphore(%run_scoped3A : memref<!tpu.dma_semaphore, #tpu.memory_space<semaphore_mem>>)
          %dma_wait3A_101 = tpu.memref_slice %arg4[%multiple_of3A_98] : memref<323584xi32, #tpu.memory_space<hbm>> -> memref<128xi32, #tpu.memory_space<hbm>>
          %dma_wait3A_102 = tpu.memref_slice %arg4[%multiple_of3A_98] : memref<323584xi32, #tpu.memory_space<hbm>> -> memref<128xi32, #tpu.memory_space<hbm>>
          tpu.wait_dma2 semaphore(%run_scoped3A : memref<!tpu.dma_semaphore, #tpu.memory_space<semaphore_mem>>) src(%dma_wait3A_102 : memref<128xi32, #tpu.memory_space<hbm>>) dst(%arg8 : memref<128xi32, #tpu.memory_space<vmem>>)
          tpu.yield
        }) : () -> ()
        "tpu.region"() ({
          %run_scoped3A = tpu.sem_alloc : memref<!tpu.dma_semaphore, #tpu.memory_space<semaphore_mem>>
          %dma_start3A_99 = arith.constant 0 : i32
          %dma_start3A_100 = arith.constant 0 : i32
          %dma_start3A_101 = tpu.memref_slice %arg12[%dma_start3A_99, %dma_start3A_100] : memref<10240x128xf32, #tpu.memory_space<vmem_shared>> -> memref<10240x128xf32, #tpu.memory_space<vmem_shared>>
          tpu.enqueue_indirect_dma source(%arg9 : memref<128x128xf32, #tpu.memory_space<vmem>>) target(%dma_start3A_101 : memref<10240x128xf32, #tpu.memory_space<vmem_shared>>) offsets(%arg8 : memref<128xi32, #tpu.memory_space<vmem>>) semaphore(%run_scoped3A : memref<!tpu.dma_semaphore, #tpu.memory_space<semaphore_mem>>) {add = true}
          %dma_wait3A_102 = arith.constant 0 : i32
          %dma_wait3A_103 = arith.constant 0 : i32
          %dma_wait3A_104 = tpu.memref_slice %arg12[%dma_wait3A_102, %dma_wait3A_103] : memref<10240x128xf32, #tpu.memory_space<vmem_shared>> -> memref<10240x128xf32, #tpu.memory_space<vmem_shared>>
          tpu.wait_indirect_dma semaphore(%run_scoped3A : memref<!tpu.dma_semaphore, #tpu.memory_space<semaphore_mem>>) src(%arg9 : memref<128x128xf32, #tpu.memory_space<vmem>>) dst(%dma_wait3A_104 : memref<10240x128xf32, #tpu.memory_space<vmem_shared>>)
          tpu.yield
        }) : () -> ()
      } else {
      }
      %not3A = arith.constant true
      %not3A_82 = arith.xori %eq3A_80, %not3A : i1
      %convert_element_type3A_83 = arith.extui %not3A_82 : i1 to i32
      %cond3A_84 = arith.constant 0 : i32
      %cond3A_85 = arith.cmpi ne, %convert_element_type3A_83, %cond3A_84 : i32
      scf.if %cond3A_85 {
        %dma_wait3A = arith.constant 0 : i32
        %dma_wait3A_87 = arith.constant 0 : i32
        %dma_wait3A_88 = tpu.memref_slice %arg2[%dma_wait3A, %dma_wait3A_87] : memref<10240x128xf32, #tpu.memory_space<hbm>> -> memref<10240x128xf32, #tpu.memory_space<hbm>>
        tpu.wait_indirect_dma semaphore(%arg13 : memref<!tpu.dma_semaphore, #tpu.memory_space<semaphore_mem>>) src(%dma_wait3A_88 : memref<10240x128xf32, #tpu.memory_space<hbm>>) dst(%arg10 : memref<128x128xf32, #tpu.memory_space<vmem>>)
        %add3A_89 = arith.constant 1 : i32
        %add3A_90 = arith.addi %scan3A_77, %add3A_89 : i32
        %lt3A = arith.constant 79 : i32
        %lt3A_91 = arith.cmpi slt, %add3A_90, %lt3A : i32
        %convert_element_type3A_92 = arith.extui %lt3A_91 : i1 to i32
        %cond3A_93 = arith.constant 0 : i32
        %cond3A_94 = arith.cmpi ne, %convert_element_type3A_92, %cond3A_93 : i32
        scf.if %cond3A_94 {
          %add3A_99 = arith.constant 1 : i32
          %add3A_100 = arith.addi %scan3A_77, %add3A_99 : i32
          %mul3A_101 = arith.constant 128 : i32
          %mul3A_102 = arith.muli %add3A_100, %mul3A_101 : i32
          %add3A_103 = arith.addi %mul3A_4, %mul3A_102 : i32
          %multiple_of3A_104 = tpu.assume_multiple %add3A_103, 8 : i32
          "tpu.region"() ({
            %run_scoped3A = tpu.sem_alloc : memref<!tpu.dma_semaphore, #tpu.memory_space<semaphore_mem>>
            %dma_start3A_108 = tpu.memref_slice %arg3[%multiple_of3A_104] : memref<323584xi32, #tpu.memory_space<hbm>> -> memref<128xi32, #tpu.memory_space<hbm>>
            %dma_start3A_109 = tpu.memref_slice %arg3[%multiple_of3A_104] : memref<323584xi32, #tpu.memory_space<hbm>> -> memref<128xi32, #tpu.memory_space<hbm>>
            tpu.enqueue_dma source(%dma_start3A_109 : memref<128xi32, #tpu.memory_space<hbm>>) target(%arg6 : memref<128xi32, #tpu.memory_space<vmem>>) target_semaphore(%run_scoped3A : memref<!tpu.dma_semaphore, #tpu.memory_space<semaphore_mem>>)
            %dma_wait3A_110 = tpu.memref_slice %arg3[%multiple_of3A_104] : memref<323584xi32, #tpu.memory_space<hbm>> -> memref<128xi32, #tpu.memory_space<hbm>>
            %dma_wait3A_111 = tpu.memref_slice %arg3[%multiple_of3A_104] : memref<323584xi32, #tpu.memory_space<hbm>> -> memref<128xi32, #tpu.memory_space<hbm>>
            tpu.wait_dma2 semaphore(%run_scoped3A : memref<!tpu.dma_semaphore, #tpu.memory_space<semaphore_mem>>) src(%dma_wait3A_111 : memref<128xi32, #tpu.memory_space<hbm>>) dst(%arg6 : memref<128xi32, #tpu.memory_space<vmem>>)
            tpu.yield
          }) : () -> ()
          %dma_start3A_105 = arith.constant 0 : i32
          %dma_start3A_106 = arith.constant 0 : i32
          %dma_start3A_107 = tpu.memref_slice %arg2[%dma_start3A_105, %dma_start3A_106] : memref<10240x128xf32, #tpu.memory_space<hbm>> -> memref<10240x128xf32, #tpu.memory_space<hbm>>
          tpu.enqueue_indirect_dma source(%dma_start3A_107 : memref<10240x128xf32, #tpu.memory_space<hbm>>) target(%arg9 : memref<128x128xf32, #tpu.memory_space<vmem>>) offsets(%arg6 : memref<128xi32, #tpu.memory_space<vmem>>) semaphore(%arg13 : memref<!tpu.dma_semaphore, #tpu.memory_space<semaphore_mem>>)
        } else {
        }
        %mul3A_95 = arith.constant 128 : i32
        %mul3A_96 = arith.muli %scan3A_77, %mul3A_95 : i32
        %add3A_97 = arith.addi %mul3A_4, %mul3A_96 : i32
        %multiple_of3A_98 = tpu.assume_multiple %add3A_97, 8 : i32
        "tpu.region"() ({
          %run_scoped3A = tpu.sem_alloc : memref<!tpu.dma_semaphore, #tpu.memory_space<semaphore_mem>>
          %dma_start3A_99 = tpu.memref_slice %arg4[%multiple_of3A_98] : memref<323584xi32, #tpu.memory_space<hbm>> -> memref<128xi32, #tpu.memory_space<hbm>>
          %dma_start3A_100 = tpu.memref_slice %arg4[%multiple_of3A_98] : memref<323584xi32, #tpu.memory_space<hbm>> -> memref<128xi32, #tpu.memory_space<hbm>>
          tpu.enqueue_dma source(%dma_start3A_100 : memref<128xi32, #tpu.memory_space<hbm>>) target(%arg8 : memref<128xi32, #tpu.memory_space<vmem>>) target_semaphore(%run_scoped3A : memref<!tpu.dma_semaphore, #tpu.memory_space<semaphore_mem>>)
          %dma_wait3A_101 = tpu.memref_slice %arg4[%multiple_of3A_98] : memref<323584xi32, #tpu.memory_space<hbm>> -> memref<128xi32, #tpu.memory_space<hbm>>
          %dma_wait3A_102 = tpu.memref_slice %arg4[%multiple_of3A_98] : memref<323584xi32, #tpu.memory_space<hbm>> -> memref<128xi32, #tpu.memory_space<hbm>>
          tpu.wait_dma2 semaphore(%run_scoped3A : memref<!tpu.dma_semaphore, #tpu.memory_space<semaphore_mem>>) src(%dma_wait3A_102 : memref<128xi32, #tpu.memory_space<hbm>>) dst(%arg8 : memref<128xi32, #tpu.memory_space<vmem>>)
          tpu.yield
        }) : () -> ()
        "tpu.region"() ({
          %run_scoped3A = tpu.sem_alloc : memref<!tpu.dma_semaphore, #tpu.memory_space<semaphore_mem>>
          %dma_start3A_99 = arith.constant 0 : i32
          %dma_start3A_100 = arith.constant 0 : i32
          %dma_start3A_101 = tpu.memref_slice %arg12[%dma_start3A_99, %dma_start3A_100] : memref<10240x128xf32, #tpu.memory_space<vmem_shared>> -> memref<10240x128xf32, #tpu.memory_space<vmem_shared>>
          tpu.enqueue_indirect_dma source(%arg10 : memref<128x128xf32, #tpu.memory_space<vmem>>) target(%dma_start3A_101 : memref<10240x128xf32, #tpu.memory_space<vmem_shared>>) offsets(%arg8 : memref<128xi32, #tpu.memory_space<vmem>>) semaphore(%run_scoped3A : memref<!tpu.dma_semaphore, #tpu.memory_space<semaphore_mem>>) {add = true}
          %dma_wait3A_102 = arith.constant 0 : i32
          %dma_wait3A_103 = arith.constant 0 : i32
          %dma_wait3A_104 = tpu.memref_slice %arg12[%dma_wait3A_102, %dma_wait3A_103] : memref<10240x128xf32, #tpu.memory_space<vmem_shared>> -> memref<10240x128xf32, #tpu.memory_space<vmem_shared>>
          tpu.wait_indirect_dma semaphore(%run_scoped3A : memref<!tpu.dma_semaphore, #tpu.memory_space<semaphore_mem>>) src(%arg10 : memref<128x128xf32, #tpu.memory_space<vmem>>) dst(%dma_wait3A_104 : memref<10240x128xf32, #tpu.memory_space<vmem_shared>>)
          tpu.yield
        }) : () -> ()
      } else {
      }
      %scan3A_86 = arith.constant 0 : i32
      scf.yield %scan3A_86 : i32
    }
    %scan3A_72 = arith.constant 79 : i32
    %barrier3A_73 = arith.constant 0 : index
    tpu.barrier barrier_id(%barrier3A_73)
    %mul3A_74 = arith.constant 640 : i32
    %mul3A_75 = arith.muli %arg1, %mul3A_74 : i32
    %multiple_of3A_76 = tpu.assume_multiple %mul3A_75, 8 : i32
    "tpu.region"() ({
      %run_scoped3A = tpu.sem_alloc : memref<!tpu.dma_semaphore, #tpu.memory_space<semaphore_mem>>
      %dma_start3A_77 = arith.constant 0 : i32
      %dma_start3A_78 = tpu.memref_slice %arg5[%arg0, %multiple_of3A_76, %dma_start3A_77] : memref<2x10240x128xf32, #tpu.memory_space<hbm>> -> memref<1x640x128xf32, #tpu.memory_space<hbm>>
      %dma_start3A_79 = tpu.memref_squeeze %dma_start3A_78 : memref<1x640x128xf32, #tpu.memory_space<hbm>> -> memref<640x128xf32, #tpu.memory_space<hbm>>
      %dma_start3A_80 = arith.constant 0 : i32
      %dma_start3A_81 = tpu.memref_slice %arg12[%multiple_of3A_76, %dma_start3A_80] : memref<10240x128xf32, #tpu.memory_space<vmem_shared>> -> memref<640x128xf32, #tpu.memory_space<vmem_shared>>
      tpu.enqueue_dma source(%dma_start3A_81 : memref<640x128xf32, #tpu.memory_space<vmem_shared>>) target(%dma_start3A_79 : memref<640x128xf32, #tpu.memory_space<hbm>>) target_semaphore(%run_scoped3A : memref<!tpu.dma_semaphore, #tpu.memory_space<semaphore_mem>>)
      %dma_wait3A = arith.constant 0 : i32
      %dma_wait3A_82 = tpu.memref_slice %arg5[%arg0, %multiple_of3A_76, %dma_wait3A] : memref<2x10240x128xf32, #tpu.memory_space<hbm>> -> memref<1x640x128xf32, #tpu.memory_space<hbm>>
      %dma_wait3A_83 = tpu.memref_squeeze %dma_wait3A_82 : memref<1x640x128xf32, #tpu.memory_space<hbm>> -> memref<640x128xf32, #tpu.memory_space<hbm>>
      %dma_wait3A_84 = arith.constant 0 : i32
      %dma_wait3A_85 = tpu.memref_slice %arg12[%multiple_of3A_76, %dma_wait3A_84] : memref<10240x128xf32, #tpu.memory_space<vmem_shared>> -> memref<640x128xf32, #tpu.memory_space<vmem_shared>>
      tpu.wait_dma2 semaphore(%run_scoped3A : memref<!tpu.dma_semaphore, #tpu.memory_space<semaphore_mem>>) src(%dma_wait3A_85 : memref<640x128xf32, #tpu.memory_space<vmem_shared>>) dst(%dma_wait3A_83 : memref<640x128xf32, #tpu.memory_space<hbm>>)
      tpu.yield
    }) : () -> ()
    return
  }
}

module attributes {stable_mosaic.version = 14 : i64} {
  func.func @_prep_body(%arg0: i32, %arg1: memref<1000x128xf32, #tpu.memory_space<vmem>>, %arg2: memref<1000x3xf32, #tpu.memory_space<vmem>>, %arg3: memref<128x128xf32, #tpu.memory_space<vmem>>, %arg4: memref<3x128xf32, #tpu.memory_space<vmem>>, %arg5: memref<1x128xf32, #tpu.memory_space<vmem>>, %arg6: memref<1000x128xf32, #tpu.memory_space<vmem>>, %arg7: memref<1000x128xf32, #tpu.memory_space<vmem>>) attributes {dimension_semantics = [#tpu.dimension_semantics<arbitrary>], iteration_bounds = array<i64: 10>, scalar_prefetch = 0 : i64, scratch_operands = 0 : i64, tpu.core_type = #tpu.core_type<tc>, window_params = [{transform_indices = @transform_0, window_bounds = array<i64: 1000, 128>}, {transform_indices = @transform_1, window_bounds = array<i64: 1000, 3>}, {pipeline_mode = #tpu.pipeline_mode<synchronous>, transform_indices = @transform_2, window_bounds = array<i64: 128, 128>}, {pipeline_mode = #tpu.pipeline_mode<synchronous>, transform_indices = @transform_3, window_bounds = array<i64: 3, 128>}, {pipeline_mode = #tpu.pipeline_mode<synchronous>, transform_indices = @transform_4, window_bounds = array<i64: 1, 128>}, {transform_indices = @transform_5, window_bounds = array<i64: 1000, 128>}, {transform_indices = @transform_6, window_bounds = array<i64: 1000, 128>}]} {
    %get3A = arith.constant 0 : index
    %get3A_0 = arith.constant 0 : index
    %get3A_1 = vector.load %arg2[%get3A, %get3A_0] : memref<1000x3xf32, #tpu.memory_space<vmem>>, vector<1000x3xf32>
    %get3A_2 = arith.constant 0 : index
    %get3A_3 = arith.constant 0 : index
    %get3A_4 = vector.load %arg4[%get3A_2, %get3A_3] : memref<3x128xf32, #tpu.memory_space<vmem>>, vector<3x128xf32>
    %dot_general3A = arith.constant dense<0.000000e+00> : vector<1000x128xf32>
    %dot_general3A_5 = tpu.matmul %get3A_1, %get3A_4, %dot_general3A {dimension_numbers = #tpu.dot_dimension_numbers<[1], [0], [0], [1], [0, 0, 1, 1], [], []>, transpose_lhs_hint = false} : vector<1000x3xf32>, vector<3x128xf32>, vector<1000x128xf32> -> vector<1000x128xf32>
    %get3A_6 = arith.constant 0 : index
    %get3A_7 = arith.constant 0 : index
    %get3A_8 = vector.load %arg1[%get3A_6, %get3A_7] : memref<1000x128xf32, #tpu.memory_space<vmem>>, vector<1000x128xf32>
    %get3A_9 = arith.constant 0 : index
    %get3A_10 = arith.constant 0 : index
    %get3A_11 = vector.load %arg3[%get3A_9, %get3A_10] : memref<128x128xf32, #tpu.memory_space<vmem>>, vector<128x128xf32>
    %dot_general3A_12 = arith.constant dense<0.000000e+00> : vector<1000x128xf32>
    %dot_general3A_13 = tpu.matmul %get3A_8, %get3A_11, %dot_general3A_12 {dimension_numbers = #tpu.dot_dimension_numbers<[1], [0], [0], [1], [0, 0, 1, 1], [], []>, transpose_lhs_hint = false} : vector<1000x128xf32>, vector<128x128xf32>, vector<1000x128xf32> -> vector<1000x128xf32>
    %add3A = arith.addf %dot_general3A_13, %dot_general3A_5 : vector<1000x128xf32>
    %get3A_14 = arith.constant 0 : index
    %get3A_15 = arith.constant 0 : index
    %get3A_16 = vector.load %arg5[%get3A_14, %get3A_15] : memref<1x128xf32, #tpu.memory_space<vmem>>, vector<1x128xf32>
    %add3A_17 = vector.broadcast %get3A_16 : vector<1x128xf32> to vector<1000x128xf32>
    %add3A_18 = arith.addf %add3A, %add3A_17 : vector<1000x128xf32>
    %swap3A = arith.constant 0 : index
    %swap3A_19 = arith.constant 0 : index
    %swap3A_20 = vector.load %arg6[%swap3A, %swap3A_19] : memref<1000x128xf32, #tpu.memory_space<vmem>>, vector<1000x128xf32>
    tpu.vector_store %arg6[%swap3A, %swap3A_19], %add3A_18 {strides = array<i32>} : memref<1000x128xf32, #tpu.memory_space<vmem>>, vector<1000x128xf32>,
    %swap3A_21 = arith.constant 0 : index
    %swap3A_22 = arith.constant 0 : index
    %swap3A_23 = vector.load %arg7[%swap3A_21, %swap3A_22] : memref<1000x128xf32, #tpu.memory_space<vmem>>, vector<1000x128xf32>
    tpu.vector_store %arg7[%swap3A_21, %swap3A_22], %dot_general3A_5 {strides = array<i32>} : memref<1000x128xf32, #tpu.memory_space<vmem>>, vector<1000x128xf32>,
    return
  }
  func.func @transform_0(%arg0: i32) -> (i32, i32) {
    %c0_i32 = arith.constant 0 : i32
    %c0_i32_0 = arith.constant 0 : i32
    return %arg0, %c0_i32 : i32, i32
  }
  func.func @transform_1(%arg0: i32) -> (i32, i32) {
    %c0_i32 = arith.constant 0 : i32
    %c0_i32_0 = arith.constant 0 : i32
    return %arg0, %c0_i32 : i32, i32
  }
  func.func @transform_2(%arg0: i32) -> (i32, i32) {
    %c0_i32 = arith.constant 0 : i32
    %c0_i32_0 = arith.constant 0 : i32
    %c0_i32_1 = arith.constant 0 : i32
    return %c0_i32, %c0_i32_0 : i32, i32
  }
  func.func @transform_3(%arg0: i32) -> (i32, i32) {
    %c0_i32 = arith.constant 0 : i32
    %c0_i32_0 = arith.constant 0 : i32
    %c0_i32_1 = arith.constant 0 : i32
    return %c0_i32, %c0_i32_0 : i32, i32
  }
  func.func @transform_4(%arg0: i32) -> (i32, i32) {
    %c0_i32 = arith.constant 0 : i32
    %c0_i32_0 = arith.constant 0 : i32
    %c0_i32_1 = arith.constant 0 : i32
    return %c0_i32, %c0_i32_0 : i32, i32
  }
  func.func @transform_5(%arg0: i32) -> (i32, i32) {
    %c0_i32 = arith.constant 0 : i32
    %c0_i32_0 = arith.constant 0 : i32
    return %arg0, %c0_i32 : i32, i32
  }
  func.func @transform_6(%arg0: i32) -> (i32, i32) {
    %c0_i32 = arith.constant 0 : i32
    %c0_i32_0 = arith.constant 0 : i32
    return %arg0, %c0_i32 : i32, i32
  }
}

module attributes {stable_mosaic.version = 14 : i64} {
  func.func @_bnstats_body(%arg0: i32, %arg1: memref<64x128xf32, #tpu.memory_space<vmem>>, %arg2: memref<1x128xf32, #tpu.memory_space<vmem>>, %arg3: memref<1x128xf32, #tpu.memory_space<vmem>>, %arg4: memref<1x128xf32, #tpu.memory_space<vmem>>, %arg5: memref<1x128xf32, #tpu.memory_space<vmem>>) attributes {dimension_semantics = [#tpu.dimension_semantics<arbitrary>], iteration_bounds = array<i64: 1>, scalar_prefetch = 0 : i64, scratch_operands = 0 : i64, tpu.core_type = #tpu.core_type<tc>, window_params = [{pipeline_mode = #tpu.pipeline_mode<synchronous>, transform_indices = @transform_0, window_bounds = array<i64: 64, 128>}, {pipeline_mode = #tpu.pipeline_mode<synchronous>, transform_indices = @transform_1, window_bounds = array<i64: 1, 128>}, {pipeline_mode = #tpu.pipeline_mode<synchronous>, transform_indices = @transform_2, window_bounds = array<i64: 1, 128>}, {pipeline_mode = #tpu.pipeline_mode<synchronous>, transform_indices = @transform_3, window_bounds = array<i64: 1, 128>}, {pipeline_mode = #tpu.pipeline_mode<synchronous>, transform_indices = @transform_4, window_bounds = array<i64: 1, 128>}]} {
    %get3A = arith.constant 0 : index
    %get3A_0 = arith.constant 0 : index
    %get3A_1 = vector.load %arg1[%get3A, %get3A_0] : memref<64x128xf32, #tpu.memory_space<vmem>>, vector<32x128xf32>
    %reduce_sum3A = arith.constant dense<0.000000e+00> : vector<128xf32>
    %reduce_sum3A_2 = vector.multi_reduction <add>, %get3A_1, %reduce_sum3A [0] : vector<32x128xf32> to vector<128xf32>
    %broadcast_in_dim3A = vector.shape_cast %reduce_sum3A_2 : vector<128xf32> to vector<1x128xf32>
    %get3A_3 = arith.constant 32 : index
    %get3A_4 = arith.constant 0 : index
    %get3A_5 = vector.load %arg1[%get3A_3, %get3A_4] : memref<64x128xf32, #tpu.memory_space<vmem>>, vector<32x128xf32>
    %reduce_sum3A_6 = arith.constant dense<0.000000e+00> : vector<128xf32>
    %reduce_sum3A_7 = vector.multi_reduction <add>, %get3A_5, %reduce_sum3A_6 [0] : vector<32x128xf32> to vector<128xf32>
    %broadcast_in_dim3A_8 = vector.shape_cast %reduce_sum3A_7 : vector<128xf32> to vector<1x128xf32>
    %div3A = arith.constant 3.300000e+05 : f32
    %div3A_9 = vector.broadcast %div3A : f32 to vector<1x128xf32>
    %div3A_10 = arith.divf %broadcast_in_dim3A, %div3A_9 : vector<1x128xf32>
    %div3A_11 = arith.constant 3.300000e+05 : f32
    %div3A_12 = vector.broadcast %div3A_11 : f32 to vector<1x128xf32>
    %div3A_13 = arith.divf %broadcast_in_dim3A_8, %div3A_12 : vector<1x128xf32>
    %mul3A = arith.mulf %div3A_10, %div3A_10 : vector<1x128xf32>
    %sub3A = arith.subf %div3A_13, %mul3A : vector<1x128xf32>
    %add3A = arith.constant 9.99999974E-6 : f32
    %add3A_14 = vector.broadcast %add3A : f32 to vector<1x128xf32>
    %add3A_15 = arith.addf %sub3A, %add3A_14 : vector<1x128xf32>
    %rsqrt3A = math.rsqrt %add3A_15 : vector<1x128xf32>
    %get3A_16 = arith.constant 0 : index
    %get3A_17 = arith.constant 0 : index
    %get3A_18 = vector.load %arg2[%get3A_16, %get3A_17] : memref<1x128xf32, #tpu.memory_space<vmem>>, vector<1x128xf32>
    %mul3A_19 = arith.mulf %rsqrt3A, %get3A_18 : vector<1x128xf32>
    %swap3A = arith.constant 0 : index
    %swap3A_20 = arith.constant 0 : index
    %swap3A_21 = vector.load %arg4[%swap3A, %swap3A_20] : memref<1x128xf32, #tpu.memory_space<vmem>>, vector<1x128xf32>
    tpu.vector_store %arg4[%swap3A, %swap3A_20], %mul3A_19 {strides = array<i32>} : memref<1x128xf32, #tpu.memory_space<vmem>>, vector<1x128xf32>,
    %get3A_22 = arith.constant 0 : index
    %get3A_23 = arith.constant 0 : index
    %get3A_24 = vector.load %arg3[%get3A_22, %get3A_23] : memref<1x128xf32, #tpu.memory_space<vmem>>, vector<1x128xf32>
    %mul3A_25 = arith.mulf %div3A_10, %mul3A_19 : vector<1x128xf32>
    %sub3A_26 = arith.subf %get3A_24, %mul3A_25 : vector<1x128xf32>
    %swap3A_27 = arith.constant 0 : index
    %swap3A_28 = arith.constant 0 : index
    %swap3A_29 = vector.load %arg5[%swap3A_27, %swap3A_28] : memref<1x128xf32, #tpu.memory_space<vmem>>, vector<1x128xf32>
    tpu.vector_store %arg5[%swap3A_27, %swap3A_28], %sub3A_26 {strides = array<i32>} : memref<1x128xf32, #tpu.memory_space<vmem>>, vector<1x128xf32>,
    return
  }
  func.func @transform_0(%arg0: i32) -> (i32, i32) {
    %c0_i32 = arith.constant 0 : i32
    %c0_i32_0 = arith.constant 0 : i32
    %c0_i32_1 = arith.constant 0 : i32
    return %c0_i32, %c0_i32_0 : i32, i32
  }
  func.func @transform_1(%arg0: i32) -> (i32, i32) {
    %c0_i32 = arith.constant 0 : i32
    %c0_i32_0 = arith.constant 0 : i32
    %c0_i32_1 = arith.constant 0 : i32
    return %c0_i32, %c0_i32_0 : i32, i32
  }
  func.func @transform_2(%arg0: i32) -> (i32, i32) {
    %c0_i32 = arith.constant 0 : i32
    %c0_i32_0 = arith.constant 0 : i32
    %c0_i32_1 = arith.constant 0 : i32
    return %c0_i32, %c0_i32_0 : i32, i32
  }
  func.func @transform_3(%arg0: i32) -> (i32, i32) {
    %c0_i32 = arith.constant 0 : i32
    %c0_i32_0 = arith.constant 0 : i32
    %c0_i32_1 = arith.constant 0 : i32
    return %c0_i32, %c0_i32_0 : i32, i32
  }
  func.func @transform_4(%arg0: i32) -> (i32, i32) {
    %c0_i32 = arith.constant 0 : i32
    %c0_i32_0 = arith.constant 0 : i32
    %c0_i32_1 = arith.constant 0 : i32
    return %c0_i32, %c0_i32_0 : i32, i32
  }
}

module attributes {stable_mosaic.version = 14 : i64} {
  func.func @_msg_body(%arg0: i32, %arg1: memref<1024x128xf32, #tpu.memory_space<vmem>>, %arg2: memref<1x128xf32, #tpu.memory_space<vmem>>, %arg3: memref<1x128xf32, #tpu.memory_space<vmem>>, %arg4: memref<128x128xf32, #tpu.memory_space<vmem>>, %arg5: memref<1x128xf32, #tpu.memory_space<vmem>>, %arg6: memref<1024x128xf32, #tpu.memory_space<vmem>>) attributes {dimension_semantics = [#tpu.dimension_semantics<arbitrary>], iteration_bounds = array<i64: 328>, scalar_prefetch = 0 : i64, scratch_operands = 0 : i64, tpu.core_type = #tpu.core_type<tc>, window_params = [{transform_indices = @transform_0, window_bounds = array<i64: 1024, 128>}, {pipeline_mode = #tpu.pipeline_mode<synchronous>, transform_indices = @transform_1, window_bounds = array<i64: 1, 128>}, {pipeline_mode = #tpu.pipeline_mode<synchronous>, transform_indices = @transform_2, window_bounds = array<i64: 1, 128>}, {pipeline_mode = #tpu.pipeline_mode<synchronous>, transform_indices = @transform_3, window_bounds = array<i64: 128, 128>}, {pipeline_mode = #tpu.pipeline_mode<synchronous>, transform_indices = @transform_4, window_bounds = array<i64: 1, 128>}, {transform_indices = @transform_5, window_bounds = array<i64: 1024, 128>}]} {
    %get3A = arith.constant 0 : index
    %get3A_0 = arith.constant 0 : index
    %get3A_1 = vector.load %arg1[%get3A, %get3A_0] : memref<1024x128xf32, #tpu.memory_space<vmem>>, vector<1024x128xf32>
    %get3A_2 = arith.constant 0 : index
    %get3A_3 = arith.constant 0 : index
    %get3A_4 = vector.load %arg2[%get3A_2, %get3A_3] : memref<1x128xf32, #tpu.memory_space<vmem>>, vector<1x128xf32>
    %mul3A = vector.broadcast %get3A_4 : vector<1x128xf32> to vector<1024x128xf32>
    %mul3A_5 = arith.mulf %get3A_1, %mul3A : vector<1024x128xf32>
    %get3A_6 = arith.constant 0 : index
    %get3A_7 = arith.constant 0 : index
    %get3A_8 = vector.load %arg3[%get3A_6, %get3A_7] : memref<1x128xf32, #tpu.memory_space<vmem>>, vector<1x128xf32>
    %add3A = vector.broadcast %get3A_8 : vector<1x128xf32> to vector<1024x128xf32>
    %add3A_9 = arith.addf %mul3A_5, %add3A : vector<1024x128xf32>
    %max3A = arith.constant 0.000000e+00 : f32
    %max3A_10 = vector.broadcast %max3A : f32 to vector<1024x128xf32>
    %max3A_11 = arith.maximumf %add3A_9, %max3A_10 : vector<1024x128xf32>
    %get3A_12 = arith.constant 0 : index
    %get3A_13 = arith.constant 0 : index
    %get3A_14 = vector.load %arg4[%get3A_12, %get3A_13] : memref<128x128xf32, #tpu.memory_space<vmem>>, vector<128x128xf32>
    %dot_general3A = arith.constant dense<0.000000e+00> : vector<1024x128xf32>
    %dot_general3A_15 = tpu.matmul %max3A_11, %get3A_14, %dot_general3A {dimension_numbers = #tpu.dot_dimension_numbers<[1], [0], [0], [1], [0, 0, 1, 1], [], []>, transpose_lhs_hint = false} : vector<1024x128xf32>, vector<128x128xf32>, vector<1024x128xf32> -> vector<1024x128xf32>
    %get3A_16 = arith.constant 0 : index
    %get3A_17 = arith.constant 0 : index
    %get3A_18 = vector.load %arg5[%get3A_16, %get3A_17] : memref<1x128xf32, #tpu.memory_space<vmem>>, vector<1x128xf32>
    %add3A_19 = vector.broadcast %get3A_18 : vector<1x128xf32> to vector<1024x128xf32>
    %add3A_20 = arith.addf %dot_general3A_15, %add3A_19 : vector<1024x128xf32>
    %swap3A = arith.constant 0 : index
    %swap3A_21 = arith.constant 0 : index
    %swap3A_22 = vector.load %arg6[%swap3A, %swap3A_21] : memref<1024x128xf32, #tpu.memory_space<vmem>>, vector<1024x128xf32>
    tpu.vector_store %arg6[%swap3A, %swap3A_21], %add3A_20 {strides = array<i32>} : memref<1024x128xf32, #tpu.memory_space<vmem>>, vector<1024x128xf32>,
    return
  }
  func.func @transform_0(%arg0: i32) -> (i32, i32) {
    %c0_i32 = arith.constant 0 : i32
    %c0_i32_0 = arith.constant 0 : i32
    return %arg0, %c0_i32 : i32, i32
  }
  func.func @transform_1(%arg0: i32) -> (i32, i32) {
    %c0_i32 = arith.constant 0 : i32
    %c0_i32_0 = arith.constant 0 : i32
    %c0_i32_1 = arith.constant 0 : i32
    return %c0_i32, %c0_i32_0 : i32, i32
  }
  func.func @transform_2(%arg0: i32) -> (i32, i32) {
    %c0_i32 = arith.constant 0 : i32
    %c0_i32_0 = arith.constant 0 : i32
    %c0_i32_1 = arith.constant 0 : i32
    return %c0_i32, %c0_i32_0 : i32, i32
  }
  func.func @transform_3(%arg0: i32) -> (i32, i32) {
    %c0_i32 = arith.constant 0 : i32
    %c0_i32_0 = arith.constant 0 : i32
    %c0_i32_1 = arith.constant 0 : i32
    return %c0_i32, %c0_i32_0 : i32, i32
  }
  func.func @transform_4(%arg0: i32) -> (i32, i32) {
    %c0_i32 = arith.constant 0 : i32
    %c0_i32_0 = arith.constant 0 : i32
    %c0_i32_1 = arith.constant 0 : i32
    return %c0_i32, %c0_i32_0 : i32, i32
  }
  func.func @transform_5(%arg0: i32) -> (i32, i32) {
    %c0_i32 = arith.constant 0 : i32
    %c0_i32_0 = arith.constant 0 : i32
    return %arg0, %c0_i32 : i32, i32
  }
}

module attributes {stable_mosaic.version = 14 : i64} {
  func.func @_x1_body(%arg0: i32, %arg1: memref<1024x128xf32, #tpu.memory_space<vmem>>, %arg2: memref<128x128xf32, #tpu.memory_space<vmem>>, %arg3: memref<1x128xf32, #tpu.memory_space<vmem>>, %arg4: memref<1024x128xf32, #tpu.memory_space<vmem>>) attributes {dimension_semantics = [#tpu.dimension_semantics<arbitrary>], iteration_bounds = array<i64: 10>, scalar_prefetch = 0 : i64, scratch_operands = 0 : i64, tpu.core_type = #tpu.core_type<tc>, window_params = [{transform_indices = @transform_0, window_bounds = array<i64: 1024, 128>}, {pipeline_mode = #tpu.pipeline_mode<synchronous>, transform_indices = @transform_1, window_bounds = array<i64: 128, 128>}, {pipeline_mode = #tpu.pipeline_mode<synchronous>, transform_indices = @transform_2, window_bounds = array<i64: 1, 128>}, {transform_indices = @transform_3, window_bounds = array<i64: 1024, 128>}]} {
    %get3A = arith.constant 0 : index
    %get3A_0 = arith.constant 0 : index
    %get3A_1 = vector.load %arg1[%get3A, %get3A_0] : memref<1024x128xf32, #tpu.memory_space<vmem>>, vector<1024x128xf32>
    %get3A_2 = arith.constant 0 : index
    %get3A_3 = arith.constant 0 : index
    %get3A_4 = vector.load %arg2[%get3A_2, %get3A_3] : memref<128x128xf32, #tpu.memory_space<vmem>>, vector<128x128xf32>
    %dot_general3A = arith.constant dense<0.000000e+00> : vector<1024x128xf32>
    %dot_general3A_5 = tpu.matmul %get3A_1, %get3A_4, %dot_general3A {dimension_numbers = #tpu.dot_dimension_numbers<[1], [0], [0], [1], [0, 0, 1, 1], [], []>, transpose_lhs_hint = false} : vector<1024x128xf32>, vector<128x128xf32>, vector<1024x128xf32> -> vector<1024x128xf32>
    %get3A_6 = arith.constant 0 : index
    %get3A_7 = arith.constant 0 : index
    %get3A_8 = vector.load %arg3[%get3A_6, %get3A_7] : memref<1x128xf32, #tpu.memory_space<vmem>>, vector<1x128xf32>
    %add3A = vector.broadcast %get3A_8 : vector<1x128xf32> to vector<1024x128xf32>
    %add3A_9 = arith.addf %dot_general3A_5, %add3A : vector<1024x128xf32>
    %ge3A = arith.constant 0.000000e+00 : f32
    %ge3A_10 = vector.broadcast %ge3A : f32 to vector<1024x128xf32>
    %ge3A_11 = arith.cmpf oge, %add3A_9, %ge3A_10 : vector<1024x128xf32>
    %mul3A = arith.constant 0.00999999977 : f32
    %mul3A_12 = vector.broadcast %mul3A : f32 to vector<1024x128xf32>
    %mul3A_13 = arith.mulf %mul3A_12, %add3A_9 : vector<1024x128xf32>
    %select_n3A = arith.select %ge3A_11, %add3A_9, %mul3A_13 : vector<1024x128xi1>, vector<1024x128xf32>
    %swap3A = arith.constant 0 : index
    %swap3A_14 = arith.constant 0 : index
    %swap3A_15 = vector.load %arg4[%swap3A, %swap3A_14] : memref<1024x128xf32, #tpu.memory_space<vmem>>, vector<1024x128xf32>
    tpu.vector_store %arg4[%swap3A, %swap3A_14], %select_n3A {strides = array<i32>} : memref<1024x128xf32, #tpu.memory_space<vmem>>, vector<1024x128xf32>,
    return
  }
  func.func @transform_0(%arg0: i32) -> (i32, i32) {
    %c0_i32 = arith.constant 0 : i32
    %c0_i32_0 = arith.constant 0 : i32
    return %arg0, %c0_i32 : i32, i32
  }
  func.func @transform_1(%arg0: i32) -> (i32, i32) {
    %c0_i32 = arith.constant 0 : i32
    %c0_i32_0 = arith.constant 0 : i32
    %c0_i32_1 = arith.constant 0 : i32
    return %c0_i32, %c0_i32_0 : i32, i32
  }
  func.func @transform_2(%arg0: i32) -> (i32, i32) {
    %c0_i32 = arith.constant 0 : i32
    %c0_i32_0 = arith.constant 0 : i32
    %c0_i32_1 = arith.constant 0 : i32
    return %c0_i32, %c0_i32_0 : i32, i32
  }
  func.func @transform_3(%arg0: i32) -> (i32, i32) {
    %c0_i32 = arith.constant 0 : i32
    %c0_i32_0 = arith.constant 0 : i32
    return %arg0, %c0_i32 : i32, i32
  }
}

module attributes {stable_mosaic.version = 14 : i64} {
  func.func @_x2_body(%arg0: i32, %arg1: memref<1024x128xf32, #tpu.memory_space<vmem>>, %arg2: memref<1024x128xf32, #tpu.memory_space<vmem>>, %arg3: memref<1024x128xf32, #tpu.memory_space<vmem>>, %arg4: memref<128x128xf32, #tpu.memory_space<vmem>>, %arg5: memref<1x128xf32, #tpu.memory_space<vmem>>, %arg6: memref<128x128xf32, #tpu.memory_space<vmem>>, %arg7: memref<1024x128xf32, #tpu.memory_space<vmem>>) attributes {dimension_semantics = [#tpu.dimension_semantics<arbitrary>], iteration_bounds = array<i64: 10>, scalar_prefetch = 0 : i64, scratch_operands = 0 : i64, tpu.core_type = #tpu.core_type<tc>, window_params = [{transform_indices = @transform_0, window_bounds = array<i64: 1024, 128>}, {transform_indices = @transform_1, window_bounds = array<i64: 1024, 128>}, {transform_indices = @transform_2, window_bounds = array<i64: 1024, 128>}, {pipeline_mode = #tpu.pipeline_mode<synchronous>, transform_indices = @transform_3, window_bounds = array<i64: 128, 128>}, {pipeline_mode = #tpu.pipeline_mode<synchronous>, transform_indices = @transform_4, window_bounds = array<i64: 1, 128>}, {pipeline_mode = #tpu.pipeline_mode<synchronous>, transform_indices = @transform_5, window_bounds = array<i64: 128, 128>}, {transform_indices = @transform_6, window_bounds = array<i64: 1024, 128>}]} {
    %get3A = arith.constant 0 : index
    %get3A_0 = arith.constant 0 : index
    %get3A_1 = vector.load %arg1[%get3A, %get3A_0] : memref<1024x128xf32, #tpu.memory_space<vmem>>, vector<1024x128xf32>
    %get3A_2 = arith.constant 0 : index
    %get3A_3 = arith.constant 0 : index
    %get3A_4 = vector.load %arg2[%get3A_2, %get3A_3] : memref<1024x128xf32, #tpu.memory_space<vmem>>, vector<1024x128xf32>
    %add3A = arith.addf %get3A_1, %get3A_4 : vector<1024x128xf32>
    %get3A_5 = arith.constant 0 : index
    %get3A_6 = arith.constant 0 : index
    %get3A_7 = vector.load %arg4[%get3A_5, %get3A_6] : memref<128x128xf32, #tpu.memory_space<vmem>>, vector<128x128xf32>
    %dot_general3A = arith.constant dense<0.000000e+00> : vector<1024x128xf32>
    %dot_general3A_8 = tpu.matmul %add3A, %get3A_7, %dot_general3A {dimension_numbers = #tpu.dot_dimension_numbers<[1], [0], [0], [1], [0, 0, 1, 1], [], []>, transpose_lhs_hint = false} : vector<1024x128xf32>, vector<128x128xf32>, vector<1024x128xf32> -> vector<1024x128xf32>
    %get3A_9 = arith.constant 0 : index
    %get3A_10 = arith.constant 0 : index
    %get3A_11 = vector.load %arg5[%get3A_9, %get3A_10] : memref<1x128xf32, #tpu.memory_space<vmem>>, vector<1x128xf32>
    %add3A_12 = vector.broadcast %get3A_11 : vector<1x128xf32> to vector<1024x128xf32>
    %add3A_13 = arith.addf %dot_general3A_8, %add3A_12 : vector<1024x128xf32>
    %get3A_14 = arith.constant 0 : index
    %get3A_15 = arith.constant 0 : index
    %get3A_16 = vector.load %arg3[%get3A_14, %get3A_15] : memref<1024x128xf32, #tpu.memory_space<vmem>>, vector<1024x128xf32>
    %get3A_17 = arith.constant 0 : index
    %get3A_18 = arith.constant 0 : index
    %get3A_19 = vector.load %arg6[%get3A_17, %get3A_18] : memref<128x128xf32, #tpu.memory_space<vmem>>, vector<128x128xf32>
    %dot_general3A_20 = arith.constant dense<0.000000e+00> : vector<1024x128xf32>
    %dot_general3A_21 = tpu.matmul %get3A_16, %get3A_19, %dot_general3A_20 {dimension_numbers = #tpu.dot_dimension_numbers<[1], [0], [0], [1], [0, 0, 1, 1], [], []>, transpose_lhs_hint = false} : vector<1024x128xf32>, vector<128x128xf32>, vector<1024x128xf32> -> vector<1024x128xf32>
    %add3A_22 = arith.addf %add3A_13, %dot_general3A_21 : vector<1024x128xf32>
    %ge3A = arith.constant 0.000000e+00 : f32
    %ge3A_23 = vector.broadcast %ge3A : f32 to vector<1024x128xf32>
    %ge3A_24 = arith.cmpf oge, %add3A_22, %ge3A_23 : vector<1024x128xf32>
    %mul3A = arith.constant 0.00999999977 : f32
    %mul3A_25 = vector.broadcast %mul3A : f32 to vector<1024x128xf32>
    %mul3A_26 = arith.mulf %mul3A_25, %add3A_22 : vector<1024x128xf32>
    %select_n3A = arith.select %ge3A_24, %add3A_22, %mul3A_26 : vector<1024x128xi1>, vector<1024x128xf32>
    %swap3A = arith.constant 0 : index
    %swap3A_27 = arith.constant 0 : index
    %swap3A_28 = vector.load %arg7[%swap3A, %swap3A_27] : memref<1024x128xf32, #tpu.memory_space<vmem>>, vector<1024x128xf32>
    tpu.vector_store %arg7[%swap3A, %swap3A_27], %select_n3A {strides = array<i32>} : memref<1024x128xf32, #tpu.memory_space<vmem>>, vector<1024x128xf32>,
    return
  }
  func.func @transform_0(%arg0: i32) -> (i32, i32) {
    %c0_i32 = arith.constant 0 : i32
    %c0_i32_0 = arith.constant 0 : i32
    return %arg0, %c0_i32 : i32, i32
  }
  func.func @transform_1(%arg0: i32) -> (i32, i32) {
    %c0_i32 = arith.constant 0 : i32
    %c0_i32_0 = arith.constant 0 : i32
    return %arg0, %c0_i32 : i32, i32
  }
  func.func @transform_2(%arg0: i32) -> (i32, i32) {
    %c0_i32 = arith.constant 0 : i32
    %c0_i32_0 = arith.constant 0 : i32
    return %arg0, %c0_i32 : i32, i32
  }
  func.func @transform_3(%arg0: i32) -> (i32, i32) {
    %c0_i32 = arith.constant 0 : i32
    %c0_i32_0 = arith.constant 0 : i32
    %c0_i32_1 = arith.constant 0 : i32
    return %c0_i32, %c0_i32_0 : i32, i32
  }
  func.func @transform_4(%arg0: i32) -> (i32, i32) {
    %c0_i32 = arith.constant 0 : i32
    %c0_i32_0 = arith.constant 0 : i32
    %c0_i32_1 = arith.constant 0 : i32
    return %c0_i32, %c0_i32_0 : i32, i32
  }
  func.func @transform_5(%arg0: i32) -> (i32, i32) {
    %c0_i32 = arith.constant 0 : i32
    %c0_i32_0 = arith.constant 0 : i32
    %c0_i32_1 = arith.constant 0 : i32
    return %c0_i32, %c0_i32_0 : i32, i32
  }
  func.func @transform_6(%arg0: i32) -> (i32, i32) {
    %c0_i32 = arith.constant 0 : i32
    %c0_i32_0 = arith.constant 0 : i32
    return %arg0, %c0_i32 : i32, i32
  }
}

module attributes {stable_mosaic.version = 14 : i64} {
  func.func @_x2_body(%arg0: i32, %arg1: memref<1024x128xf32, #tpu.memory_space<vmem>>, %arg2: memref<1024x128xf32, #tpu.memory_space<vmem>>, %arg3: memref<1024x128xf32, #tpu.memory_space<vmem>>, %arg4: memref<128x128xf32, #tpu.memory_space<vmem>>, %arg5: memref<1x128xf32, #tpu.memory_space<vmem>>, %arg6: memref<128x128xf32, #tpu.memory_space<vmem>>, %arg7: memref<1024x128xf32, #tpu.memory_space<vmem>>) attributes {dimension_semantics = [#tpu.dimension_semantics<arbitrary>], iteration_bounds = array<i64: 10>, scalar_prefetch = 0 : i64, scratch_operands = 0 : i64, tpu.core_type = #tpu.core_type<tc>, window_params = [{transform_indices = @transform_0, window_bounds = array<i64: 1024, 128>}, {transform_indices = @transform_1, window_bounds = array<i64: 1024, 128>}, {transform_indices = @transform_2, window_bounds = array<i64: 1024, 128>}, {pipeline_mode = #tpu.pipeline_mode<synchronous>, transform_indices = @transform_3, window_bounds = array<i64: 128, 128>}, {pipeline_mode = #tpu.pipeline_mode<synchronous>, transform_indices = @transform_4, window_bounds = array<i64: 1, 128>}, {pipeline_mode = #tpu.pipeline_mode<synchronous>, transform_indices = @transform_5, window_bounds = array<i64: 128, 128>}, {transform_indices = @transform_6, window_bounds = array<i64: 1024, 128>}]} {
    %get3A = arith.constant 0 : index
    %get3A_0 = arith.constant 0 : index
    %get3A_1 = vector.load %arg1[%get3A, %get3A_0] : memref<1024x128xf32, #tpu.memory_space<vmem>>, vector<1024x128xf32>
    %get3A_2 = arith.constant 0 : index
    %get3A_3 = arith.constant 0 : index
    %get3A_4 = vector.load %arg2[%get3A_2, %get3A_3] : memref<1024x128xf32, #tpu.memory_space<vmem>>, vector<1024x128xf32>
    %add3A = arith.addf %get3A_1, %get3A_4 : vector<1024x128xf32>
    %get3A_5 = arith.constant 0 : index
    %get3A_6 = arith.constant 0 : index
    %get3A_7 = vector.load %arg4[%get3A_5, %get3A_6] : memref<128x128xf32, #tpu.memory_space<vmem>>, vector<128x128xf32>
    %dot_general3A = arith.constant dense<0.000000e+00> : vector<1024x128xf32>
    %dot_general3A_8 = tpu.matmul %add3A, %get3A_7, %dot_general3A {dimension_numbers = #tpu.dot_dimension_numbers<[1], [0], [0], [1], [0, 0, 1, 1], [], []>, transpose_lhs_hint = false} : vector<1024x128xf32>, vector<128x128xf32>, vector<1024x128xf32> -> vector<1024x128xf32>
    %get3A_9 = arith.constant 0 : index
    %get3A_10 = arith.constant 0 : index
    %get3A_11 = vector.load %arg5[%get3A_9, %get3A_10] : memref<1x128xf32, #tpu.memory_space<vmem>>, vector<1x128xf32>
    %add3A_12 = vector.broadcast %get3A_11 : vector<1x128xf32> to vector<1024x128xf32>
    %add3A_13 = arith.addf %dot_general3A_8, %add3A_12 : vector<1024x128xf32>
    %get3A_14 = arith.constant 0 : index
    %get3A_15 = arith.constant 0 : index
    %get3A_16 = vector.load %arg3[%get3A_14, %get3A_15] : memref<1024x128xf32, #tpu.memory_space<vmem>>, vector<1024x128xf32>
    %get3A_17 = arith.constant 0 : index
    %get3A_18 = arith.constant 0 : index
    %get3A_19 = vector.load %arg6[%get3A_17, %get3A_18] : memref<128x128xf32, #tpu.memory_space<vmem>>, vector<128x128xf32>
    %dot_general3A_20 = arith.constant dense<0.000000e+00> : vector<1024x128xf32>
    %dot_general3A_21 = tpu.matmul %get3A_16, %get3A_19, %dot_general3A_20 {dimension_numbers = #tpu.dot_dimension_numbers<[1], [0], [0], [1], [0, 0, 1, 1], [], []>, transpose_lhs_hint = false} : vector<1024x128xf32>, vector<128x128xf32>, vector<1024x128xf32> -> vector<1024x128xf32>
    %add3A_22 = arith.addf %add3A_13, %dot_general3A_21 : vector<1024x128xf32>
    %swap3A = arith.constant 0 : index
    %swap3A_23 = arith.constant 0 : index
    %swap3A_24 = vector.load %arg7[%swap3A, %swap3A_23] : memref<1024x128xf32, #tpu.memory_space<vmem>>, vector<1024x128xf32>
    tpu.vector_store %arg7[%swap3A, %swap3A_23], %add3A_22 {strides = array<i32>} : memref<1024x128xf32, #tpu.memory_space<vmem>>, vector<1024x128xf32>,
    return
  }
  func.func @transform_0(%arg0: i32) -> (i32, i32) {
    %c0_i32 = arith.constant 0 : i32
    %c0_i32_0 = arith.constant 0 : i32
    return %arg0, %c0_i32 : i32, i32
  }
  func.func @transform_1(%arg0: i32) -> (i32, i32) {
    %c0_i32 = arith.constant 0 : i32
    %c0_i32_0 = arith.constant 0 : i32
    return %arg0, %c0_i32 : i32, i32
  }
  func.func @transform_2(%arg0: i32) -> (i32, i32) {
    %c0_i32 = arith.constant 0 : i32
    %c0_i32_0 = arith.constant 0 : i32
    return %arg0, %c0_i32 : i32, i32
  }
  func.func @transform_3(%arg0: i32) -> (i32, i32) {
    %c0_i32 = arith.constant 0 : i32
    %c0_i32_0 = arith.constant 0 : i32
    %c0_i32_1 = arith.constant 0 : i32
    return %c0_i32, %c0_i32_0 : i32, i32
  }
  func.func @transform_4(%arg0: i32) -> (i32, i32) {
    %c0_i32 = arith.constant 0 : i32
    %c0_i32_0 = arith.constant 0 : i32
    %c0_i32_1 = arith.constant 0 : i32
    return %c0_i32, %c0_i32_0 : i32, i32
  }
  func.func @transform_5(%arg0: i32) -> (i32, i32) {
    %c0_i32 = arith.constant 0 : i32
    %c0_i32_0 = arith.constant 0 : i32
    %c0_i32_1 = arith.constant 0 : i32
    return %c0_i32, %c0_i32_0 : i32, i32
  }
  func.func @transform_6(%arg0: i32) -> (i32, i32) {
    %c0_i32 = arith.constant 0 : i32
    %c0_i32_0 = arith.constant 0 : i32
    return %arg0, %c0_i32 : i32, i32
  }
}

module attributes {stable_mosaic.version = 14 : i64} {
  func.func @_pool_body(%arg0: i32, %arg1: memref<1024x128xf32, #tpu.memory_space<vmem>>, %arg2: memref<1024x8xf32, #tpu.memory_space<vmem>>, %arg3: memref<8x128xf32, #tpu.memory_space<vmem>>) attributes {dimension_semantics = [#tpu.dimension_semantics<arbitrary>], iteration_bounds = array<i64: 10>, scalar_prefetch = 0 : i64, scratch_operands = 0 : i64, tpu.core_type = #tpu.core_type<tc>, window_params = [{transform_indices = @transform_0, window_bounds = array<i64: 1024, 128>}, {transform_indices = @transform_1, window_bounds = array<i64: 1024, 8>}, {pipeline_mode = #tpu.pipeline_mode<synchronous>, transform_indices = @transform_2, window_bounds = array<i64: 8, 128>}]} {
    %eq3A = arith.constant 0 : i32
    %eq3A_0 = arith.cmpi eq, %arg0, %eq3A : i32
    %convert_element_type3A = arith.extui %eq3A_0 : i1 to i32
    %cond3A = arith.constant 0 : i32
    %cond3A_1 = arith.cmpi ne, %convert_element_type3A, %cond3A : i32
    scf.if %cond3A_1 {
      %broadcast_in_dim3A_151 = arith.constant 0xFF800000 : f32
      %broadcast_in_dim3A_152 = vector.broadcast %broadcast_in_dim3A_151 : f32 to vector<8x128xf32>
      %swap3A_153 = arith.constant 0 : index
      %swap3A_154 = arith.constant 0 : index
      %swap3A_155 = vector.load %arg3[%swap3A_153, %swap3A_154] : memref<8x128xf32, #tpu.memory_space<vmem>>, vector<8x128xf32>
      tpu.vector_store %arg3[%swap3A_153, %swap3A_154], %broadcast_in_dim3A_152 {strides = array<i32>} : memref<8x128xf32, #tpu.memory_space<vmem>>, vector<8x128xf32>,
    } else {
    }
    %get3A = arith.constant 0 : index
    %get3A_2 = arith.constant 0 : index
    %get3A_3 = vector.load %arg2[%get3A, %get3A_2] : memref<1024x8xf32, #tpu.memory_space<vmem>>, vector<1024x8xf32>
    %get3A_4 = arith.constant 0 : index
    %get3A_5 = arith.constant 0 : index
    %get3A_6 = vector.load %arg1[%get3A_4, %get3A_5] : memref<1024x128xf32, #tpu.memory_space<vmem>>, vector<1024x128xf32>
    %slice3A = vector.extract_strided_slice %get3A_3 {offsets = [0, 0], sizes = [1024, 1], strides = [1, 1]} : vector<1024x8xf32> to vector<1024x1xf32>
    %gt3A = arith.constant 5.000000e-01 : f32
    %gt3A_7 = vector.broadcast %gt3A : f32 to vector<1024x1xf32>
    %gt3A_8 = arith.cmpf ogt, %slice3A, %gt3A_7 : vector<1024x1xf32>
    %jit3A = arith.constant 0xFF800000 : f32
    %broadcast_in_dim3A = vector.shape_cast %gt3A_8 : vector<1024x1xi1> to vector<1024x1xi1>
    %broadcast_in_dim3A_9 = vector.broadcast %broadcast_in_dim3A : vector<1024x1xi1> to vector<1024x128xi1>
    %broadcast_in_dim3A_10 = vector.broadcast %jit3A : f32 to vector<1024x128xf32>
    %select_n3A = arith.select %broadcast_in_dim3A_9, %get3A_6, %broadcast_in_dim3A_10 : vector<1024x128xi1>, vector<1024x128xf32>
    %reduce_max3A = arith.constant dense<0xFF800000> : vector<128xf32>
    %reduce_max3A_11 = vector.multi_reduction <maximumf>, %select_n3A, %reduce_max3A [0] : vector<1024x128xf32> to vector<128xf32>
    %get3A_12 = arith.constant 0 : index
    %get3A_13 = arith.constant 0 : index
    %get3A_14 = vector.load %arg3[%get3A_12, %get3A_13] : memref<8x128xf32, #tpu.memory_space<vmem>>, vector<1x128xf32>
    %broadcast_in_dim3A_15 = vector.shape_cast %reduce_max3A_11 : vector<128xf32> to vector<1x128xf32>
    %max3A = arith.maximumf %get3A_14, %broadcast_in_dim3A_15 : vector<1x128xf32>
    %swap3A = arith.constant 0 : index
    %swap3A_16 = arith.constant 0 : index
    %swap3A_17 = vector.load %arg3[%swap3A, %swap3A_16] : memref<8x128xf32, #tpu.memory_space<vmem>>, vector<1x128xf32>
    tpu.vector_store %arg3[%swap3A, %swap3A_16], %max3A {strides = array<i32>} : memref<8x128xf32, #tpu.memory_space<vmem>>, vector<1x128xf32>,
    %slice3A_18 = vector.extract_strided_slice %get3A_3 {offsets = [0, 1], sizes = [1024, 1], strides = [1, 1]} : vector<1024x8xf32> to vector<1024x1xf32>
    %gt3A_19 = arith.constant 5.000000e-01 : f32
    %gt3A_20 = vector.broadcast %gt3A_19 : f32 to vector<1024x1xf32>
    %gt3A_21 = arith.cmpf ogt, %slice3A_18, %gt3A_20 : vector<1024x1xf32>
    %jit3A_22 = arith.constant 0xFF800000 : f32
    %broadcast_in_dim3A_23 = vector.shape_cast %gt3A_21 : vector<1024x1xi1> to vector<1024x1xi1>
    %broadcast_in_dim3A_24 = vector.broadcast %broadcast_in_dim3A_23 : vector<1024x1xi1> to vector<1024x128xi1>
    %broadcast_in_dim3A_25 = vector.broadcast %jit3A_22 : f32 to vector<1024x128xf32>
    %select_n3A_26 = arith.select %broadcast_in_dim3A_24, %get3A_6, %broadcast_in_dim3A_25 : vector<1024x128xi1>, vector<1024x128xf32>
    %reduce_max3A_27 = arith.constant dense<0xFF800000> : vector<128xf32>
    %reduce_max3A_28 = vector.multi_reduction <maximumf>, %select_n3A_26, %reduce_max3A_27 [0] : vector<1024x128xf32> to vector<128xf32>
    %get3A_29 = arith.constant 1 : index
    %get3A_30 = arith.constant 0 : index
    %get3A_31 = vector.load %arg3[%get3A_29, %get3A_30] : memref<8x128xf32, #tpu.memory_space<vmem>>, vector<1x128xf32>
    %broadcast_in_dim3A_32 = vector.shape_cast %reduce_max3A_28 : vector<128xf32> to vector<1x128xf32>
    %max3A_33 = arith.maximumf %get3A_31, %broadcast_in_dim3A_32 : vector<1x128xf32>
    %swap3A_34 = arith.constant 1 : index
    %swap3A_35 = arith.constant 0 : index
    %swap3A_36 = vector.load %arg3[%swap3A_34, %swap3A_35] : memref<8x128xf32, #tpu.memory_space<vmem>>, vector<1x128xf32>
    tpu.vector_store %arg3[%swap3A_34, %swap3A_35], %max3A_33 {strides = array<i32>} : memref<8x128xf32, #tpu.memory_space<vmem>>, vector<1x128xf32>,
    %slice3A_37 = vector.extract_strided_slice %get3A_3 {offsets = [0, 2], sizes = [1024, 1], strides = [1, 1]} : vector<1024x8xf32> to vector<1024x1xf32>
    %gt3A_38 = arith.constant 5.000000e-01 : f32
    %gt3A_39 = vector.broadcast %gt3A_38 : f32 to vector<1024x1xf32>
    %gt3A_40 = arith.cmpf ogt, %slice3A_37, %gt3A_39 : vector<1024x1xf32>
    %jit3A_41 = arith.constant 0xFF800000 : f32
    %broadcast_in_dim3A_42 = vector.shape_cast %gt3A_40 : vector<1024x1xi1> to vector<1024x1xi1>
    %broadcast_in_dim3A_43 = vector.broadcast %broadcast_in_dim3A_42 : vector<1024x1xi1> to vector<1024x128xi1>
    %broadcast_in_dim3A_44 = vector.broadcast %jit3A_41 : f32 to vector<1024x128xf32>
    %select_n3A_45 = arith.select %broadcast_in_dim3A_43, %get3A_6, %broadcast_in_dim3A_44 : vector<1024x128xi1>, vector<1024x128xf32>
    %reduce_max3A_46 = arith.constant dense<0xFF800000> : vector<128xf32>
    %reduce_max3A_47 = vector.multi_reduction <maximumf>, %select_n3A_45, %reduce_max3A_46 [0] : vector<1024x128xf32> to vector<128xf32>
    %get3A_48 = arith.constant 2 : index
    %get3A_49 = arith.constant 0 : index
    %get3A_50 = vector.load %arg3[%get3A_48, %get3A_49] : memref<8x128xf32, #tpu.memory_space<vmem>>, vector<1x128xf32>
    %broadcast_in_dim3A_51 = vector.shape_cast %reduce_max3A_47 : vector<128xf32> to vector<1x128xf32>
    %max3A_52 = arith.maximumf %get3A_50, %broadcast_in_dim3A_51 : vector<1x128xf32>
    %swap3A_53 = arith.constant 2 : index
    %swap3A_54 = arith.constant 0 : index
    %swap3A_55 = vector.load %arg3[%swap3A_53, %swap3A_54] : memref<8x128xf32, #tpu.memory_space<vmem>>, vector<1x128xf32>
    tpu.vector_store %arg3[%swap3A_53, %swap3A_54], %max3A_52 {strides = array<i32>} : memref<8x128xf32, #tpu.memory_space<vmem>>, vector<1x128xf32>,
    %slice3A_56 = vector.extract_strided_slice %get3A_3 {offsets = [0, 3], sizes = [1024, 1], strides = [1, 1]} : vector<1024x8xf32> to vector<1024x1xf32>
    %gt3A_57 = arith.constant 5.000000e-01 : f32
    %gt3A_58 = vector.broadcast %gt3A_57 : f32 to vector<1024x1xf32>
    %gt3A_59 = arith.cmpf ogt, %slice3A_56, %gt3A_58 : vector<1024x1xf32>
    %jit3A_60 = arith.constant 0xFF800000 : f32
    %broadcast_in_dim3A_61 = vector.shape_cast %gt3A_59 : vector<1024x1xi1> to vector<1024x1xi1>
    %broadcast_in_dim3A_62 = vector.broadcast %broadcast_in_dim3A_61 : vector<1024x1xi1> to vector<1024x128xi1>
    %broadcast_in_dim3A_63 = vector.broadcast %jit3A_60 : f32 to vector<1024x128xf32>
    %select_n3A_64 = arith.select %broadcast_in_dim3A_62, %get3A_6, %broadcast_in_dim3A_63 : vector<1024x128xi1>, vector<1024x128xf32>
    %reduce_max3A_65 = arith.constant dense<0xFF800000> : vector<128xf32>
    %reduce_max3A_66 = vector.multi_reduction <maximumf>, %select_n3A_64, %reduce_max3A_65 [0] : vector<1024x128xf32> to vector<128xf32>
    %get3A_67 = arith.constant 3 : index
    %get3A_68 = arith.constant 0 : index
    %get3A_69 = vector.load %arg3[%get3A_67, %get3A_68] : memref<8x128xf32, #tpu.memory_space<vmem>>, vector<1x128xf32>
    %broadcast_in_dim3A_70 = vector.shape_cast %reduce_max3A_66 : vector<128xf32> to vector<1x128xf32>
    %max3A_71 = arith.maximumf %get3A_69, %broadcast_in_dim3A_70 : vector<1x128xf32>
    %swap3A_72 = arith.constant 3 : index
    %swap3A_73 = arith.constant 0 : index
    %swap3A_74 = vector.load %arg3[%swap3A_72, %swap3A_73] : memref<8x128xf32, #tpu.memory_space<vmem>>, vector<1x128xf32>
    tpu.vector_store %arg3[%swap3A_72, %swap3A_73], %max3A_71 {strides = array<i32>} : memref<8x128xf32, #tpu.memory_space<vmem>>, vector<1x128xf32>,
    %slice3A_75 = vector.extract_strided_slice %get3A_3 {offsets = [0, 4], sizes = [1024, 1], strides = [1, 1]} : vector<1024x8xf32> to vector<1024x1xf32>
    %gt3A_76 = arith.constant 5.000000e-01 : f32
    %gt3A_77 = vector.broadcast %gt3A_76 : f32 to vector<1024x1xf32>
    %gt3A_78 = arith.cmpf ogt, %slice3A_75, %gt3A_77 : vector<1024x1xf32>
    %jit3A_79 = arith.constant 0xFF800000 : f32
    %broadcast_in_dim3A_80 = vector.shape_cast %gt3A_78 : vector<1024x1xi1> to vector<1024x1xi1>
    %broadcast_in_dim3A_81 = vector.broadcast %broadcast_in_dim3A_80 : vector<1024x1xi1> to vector<1024x128xi1>
    %broadcast_in_dim3A_82 = vector.broadcast %jit3A_79 : f32 to vector<1024x128xf32>
    %select_n3A_83 = arith.select %broadcast_in_dim3A_81, %get3A_6, %broadcast_in_dim3A_82 : vector<1024x128xi1>, vector<1024x128xf32>
    %reduce_max3A_84 = arith.constant dense<0xFF800000> : vector<128xf32>
    %reduce_max3A_85 = vector.multi_reduction <maximumf>, %select_n3A_83, %reduce_max3A_84 [0] : vector<1024x128xf32> to vector<128xf32>
    %get3A_86 = arith.constant 4 : index
    %get3A_87 = arith.constant 0 : index
    %get3A_88 = vector.load %arg3[%get3A_86, %get3A_87] : memref<8x128xf32, #tpu.memory_space<vmem>>, vector<1x128xf32>
    %broadcast_in_dim3A_89 = vector.shape_cast %reduce_max3A_85 : vector<128xf32> to vector<1x128xf32>
    %max3A_90 = arith.maximumf %get3A_88, %broadcast_in_dim3A_89 : vector<1x128xf32>
    %swap3A_91 = arith.constant 4 : index
    %swap3A_92 = arith.constant 0 : index
    %swap3A_93 = vector.load %arg3[%swap3A_91, %swap3A_92] : memref<8x128xf32, #tpu.memory_space<vmem>>, vector<1x128xf32>
    tpu.vector_store %arg3[%swap3A_91, %swap3A_92], %max3A_90 {strides = array<i32>} : memref<8x128xf32, #tpu.memory_space<vmem>>, vector<1x128xf32>,
    %slice3A_94 = vector.extract_strided_slice %get3A_3 {offsets = [0, 5], sizes = [1024, 1], strides = [1, 1]} : vector<1024x8xf32> to vector<1024x1xf32>
    %gt3A_95 = arith.constant 5.000000e-01 : f32
    %gt3A_96 = vector.broadcast %gt3A_95 : f32 to vector<1024x1xf32>
    %gt3A_97 = arith.cmpf ogt, %slice3A_94, %gt3A_96 : vector<1024x1xf32>
    %jit3A_98 = arith.constant 0xFF800000 : f32
    %broadcast_in_dim3A_99 = vector.shape_cast %gt3A_97 : vector<1024x1xi1> to vector<1024x1xi1>
    %broadcast_in_dim3A_100 = vector.broadcast %broadcast_in_dim3A_99 : vector<1024x1xi1> to vector<1024x128xi1>
    %broadcast_in_dim3A_101 = vector.broadcast %jit3A_98 : f32 to vector<1024x128xf32>
    %select_n3A_102 = arith.select %broadcast_in_dim3A_100, %get3A_6, %broadcast_in_dim3A_101 : vector<1024x128xi1>, vector<1024x128xf32>
    %reduce_max3A_103 = arith.constant dense<0xFF800000> : vector<128xf32>
    %reduce_max3A_104 = vector.multi_reduction <maximumf>, %select_n3A_102, %reduce_max3A_103 [0] : vector<1024x128xf32> to vector<128xf32>
    %get3A_105 = arith.constant 5 : index
    %get3A_106 = arith.constant 0 : index
    %get3A_107 = vector.load %arg3[%get3A_105, %get3A_106] : memref<8x128xf32, #tpu.memory_space<vmem>>, vector<1x128xf32>
    %broadcast_in_dim3A_108 = vector.shape_cast %reduce_max3A_104 : vector<128xf32> to vector<1x128xf32>
    %max3A_109 = arith.maximumf %get3A_107, %broadcast_in_dim3A_108 : vector<1x128xf32>
    %swap3A_110 = arith.constant 5 : index
    %swap3A_111 = arith.constant 0 : index
    %swap3A_112 = vector.load %arg3[%swap3A_110, %swap3A_111] : memref<8x128xf32, #tpu.memory_space<vmem>>, vector<1x128xf32>
    tpu.vector_store %arg3[%swap3A_110, %swap3A_111], %max3A_109 {strides = array<i32>} : memref<8x128xf32, #tpu.memory_space<vmem>>, vector<1x128xf32>,
    %slice3A_113 = vector.extract_strided_slice %get3A_3 {offsets = [0, 6], sizes = [1024, 1], strides = [1, 1]} : vector<1024x8xf32> to vector<1024x1xf32>
    %gt3A_114 = arith.constant 5.000000e-01 : f32
    %gt3A_115 = vector.broadcast %gt3A_114 : f32 to vector<1024x1xf32>
    %gt3A_116 = arith.cmpf ogt, %slice3A_113, %gt3A_115 : vector<1024x1xf32>
    %jit3A_117 = arith.constant 0xFF800000 : f32
    %broadcast_in_dim3A_118 = vector.shape_cast %gt3A_116 : vector<1024x1xi1> to vector<1024x1xi1>
    %broadcast_in_dim3A_119 = vector.broadcast %broadcast_in_dim3A_118 : vector<1024x1xi1> to vector<1024x128xi1>
    %broadcast_in_dim3A_120 = vector.broadcast %jit3A_117 : f32 to vector<1024x128xf32>
    %select_n3A_121 = arith.select %broadcast_in_dim3A_119, %get3A_6, %broadcast_in_dim3A_120 : vector<1024x128xi1>, vector<1024x128xf32>
    %reduce_max3A_122 = arith.constant dense<0xFF800000> : vector<128xf32>
    %reduce_max3A_123 = vector.multi_reduction <maximumf>, %select_n3A_121, %reduce_max3A_122 [0] : vector<1024x128xf32> to vector<128xf32>
    %get3A_124 = arith.constant 6 : index
    %get3A_125 = arith.constant 0 : index
    %get3A_126 = vector.load %arg3[%get3A_124, %get3A_125] : memref<8x128xf32, #tpu.memory_space<vmem>>, vector<1x128xf32>
    %broadcast_in_dim3A_127 = vector.shape_cast %reduce_max3A_123 : vector<128xf32> to vector<1x128xf32>
    %max3A_128 = arith.maximumf %get3A_126, %broadcast_in_dim3A_127 : vector<1x128xf32>
    %swap3A_129 = arith.constant 6 : index
    %swap3A_130 = arith.constant 0 : index
    %swap3A_131 = vector.load %arg3[%swap3A_129, %swap3A_130] : memref<8x128xf32, #tpu.memory_space<vmem>>, vector<1x128xf32>
    tpu.vector_store %arg3[%swap3A_129, %swap3A_130], %max3A_128 {strides = array<i32>} : memref<8x128xf32, #tpu.memory_space<vmem>>, vector<1x128xf32>,
    %slice3A_132 = vector.extract_strided_slice %get3A_3 {offsets = [0, 7], sizes = [1024, 1], strides = [1, 1]} : vector<1024x8xf32> to vector<1024x1xf32>
    %gt3A_133 = arith.constant 5.000000e-01 : f32
    %gt3A_134 = vector.broadcast %gt3A_133 : f32 to vector<1024x1xf32>
    %gt3A_135 = arith.cmpf ogt, %slice3A_132, %gt3A_134 : vector<1024x1xf32>
    %jit3A_136 = arith.constant 0xFF800000 : f32
    %broadcast_in_dim3A_137 = vector.shape_cast %gt3A_135 : vector<1024x1xi1> to vector<1024x1xi1>
    %broadcast_in_dim3A_138 = vector.broadcast %broadcast_in_dim3A_137 : vector<1024x1xi1> to vector<1024x128xi1>
    %broadcast_in_dim3A_139 = vector.broadcast %jit3A_136 : f32 to vector<1024x128xf32>
    %select_n3A_140 = arith.select %broadcast_in_dim3A_138, %get3A_6, %broadcast_in_dim3A_139 : vector<1024x128xi1>, vector<1024x128xf32>
    %reduce_max3A_141 = arith.constant dense<0xFF800000> : vector<128xf32>
    %reduce_max3A_142 = vector.multi_reduction <maximumf>, %select_n3A_140, %reduce_max3A_141 [0] : vector<1024x128xf32> to vector<128xf32>
    %get3A_143 = arith.constant 7 : index
    %get3A_144 = arith.constant 0 : index
    %get3A_145 = vector.load %arg3[%get3A_143, %get3A_144] : memref<8x128xf32, #tpu.memory_space<vmem>>, vector<1x128xf32>
    %broadcast_in_dim3A_146 = vector.shape_cast %reduce_max3A_142 : vector<128xf32> to vector<1x128xf32>
    %max3A_147 = arith.maximumf %get3A_145, %broadcast_in_dim3A_146 : vector<1x128xf32>
    %swap3A_148 = arith.constant 7 : index
    %swap3A_149 = arith.constant 0 : index
    %swap3A_150 = vector.load %arg3[%swap3A_148, %swap3A_149] : memref<8x128xf32, #tpu.memory_space<vmem>>, vector<1x128xf32>
    tpu.vector_store %arg3[%swap3A_148, %swap3A_149], %max3A_147 {strides = array<i32>} : memref<8x128xf32, #tpu.memory_space<vmem>>, vector<1x128xf32>,
    return
  }
  func.func @transform_0(%arg0: i32) -> (i32, i32) {
    %c0_i32 = arith.constant 0 : i32
    %c0_i32_0 = arith.constant 0 : i32
    return %arg0, %c0_i32 : i32, i32
  }
  func.func @transform_1(%arg0: i32) -> (i32, i32) {
    %c0_i32 = arith.constant 0 : i32
    %c0_i32_0 = arith.constant 0 : i32
    return %arg0, %c0_i32 : i32, i32
  }
  func.func @transform_2(%arg0: i32) -> (i32, i32) {
    %c0_i32 = arith.constant 0 : i32
    %c0_i32_0 = arith.constant 0 : i32
    %c0_i32_1 = arith.constant 0 : i32
    return %c0_i32, %c0_i32_0 : i32, i32
  }
}

</mosaic_0001>

<sc_bundles>
// kernel: kernel.12.cloned.1.call-start
scs
__scs_entry_jumppad:
0x0: {  	(pc) =	sbr.rel $0x88, $3  }
0x1: {  	(tag) =	ssettag $0x0;
	lr =	simm.s32 $0x1  }
0x2: {  	[smem:$0x3F8F] =	sst lr;
	_ =	strace $0xD0000000  }
0x3: {  	_ = 	snop  }
0x4: {  	_ = 	snop  }
0x5: {  	_ = 	snop  }
0x6: {  	_ = 	snop  }
0x7: {  	_ = 	snop  }
__scs_overlays_trampoline_lowered:
0x8: {  	[smem:$0x3F9E] =	sst s0  }
0x9: {  	[smem:$0x3F9F] =	sst s1  }
0xa: {  	[smem:$0x3FA0] =	sst s2  }
0xb: {  	[smem:$0x3FA1] =	sst s3  }
0xc: {  	[smem:$0x3FA2] =	sst s4  }
0xd: {  	[smem:$0x3FA3] =	sst s5  }
0xe: {  	[smem:$0x3FA4] =	sst s6  }
0xf: {  	[smem:$0x3FA5] =	sst s7  }
0x10: {  	[smem:$0x3FA6] =	sst s8  }
0x11: {  	[smem:$0x3FA7] =	sst s9;
	s0 =	simm.s32 @!p0 $0x0  }
0x12: {  	s1 =	sld [smem:$0x3F8D];
	s0 =	simm.s32 @p0 $0x1  }
0x13: {  	[smem:$0x3FA8] =	sst s0;
	s0 =	simm.s32 @!p1 $0x0  }
0x14: {  	s2 =	sld [smem:$0x3F8C];
	s0 =	simm.s32 @p1 $0x1  }
0x15: {  	[smem:$0x3FA9] =	sst s0;
	s0 =	simm.s32 @!p2 $0x0  }
0x16: {  	s3 =	sld [smem:$0x3FDB];
	s0 =	simm.s32 @p2 $0x1  }
0x17: {  	s4 =	simm.s32 $0x1BF5;
	[smem:$0x3FAB] =	sst s0  }
0x18: {  	s0 =	sld [smem:$0x3F8E];
	_ =	swait.ge [sflag:s4], $0x0  }
0x19: {  	s7 =	sld [smem:$0x3F8F]  }
0x1a: {  	s8 =	sadd.s32 $0xFFFFE003, lr  }
0x1b: {  	s9 =	sadd.s32 $0xFFFFFEF7, lr;
	s5 =	simm.s32 $0xFFFFFFFF;
	p2 =	slt.u32 s8, $0xFFFFF086  }
0x1c: {  	p1 =	slt.u32 s9, $0xF7A;
	s5 =	simm.s32 @!p2 $0x0  }
0x1d: {  	s5 =	simm.s32 @p1 $0x1;
	p0 =	seq.s32 s7, s2  }
0x1e: {  	s7 =	smul.u32 @!p0 $0xF7A, s2;
	p2 =	seq.s32 @!p0 s5, $0x0  }
0x1f: {  	s9 =	smul.u32 $0xF7A, s1;
	s8 =	simm.s32 @!p0 $0x1BF5;
	p2 =	por !p2, p0  }
0x20: {  	[sflag:s8] =	ssyncset.s32 @!p0 $0xFFFFF086;
	s6 =	sadd.s32 @!p0 s3, s7;
	s7 =	simm.s32 @!p0 $0x108  }
0x21: {  	s3 =	sadd.s32 s3, s9;
	s6 =	sadd.s32 @!p0 $0x88, s6;
	s7 =	simm.s32 @p2 $0x1082  }
0x22: {  	[simem:s7], [sflag:s8] =	dma.local @!p0 [hbm:s6], $0xF7A  }
0x23: {  	s9 =	sor.u32 $0xD0000000, s2;
	s6 =	simm.s32 $0x108;
	_ =	swait.ge @!p0 [sflag:s8], $0x0  }
0x24: {  	s3 =	sadd.s32 $0x88, s3;
	s6 =	simm.s32 @!p1 $0x1082;
	[sflag:s4] =	ssyncset.s32 $0xFFFFF086  }
0x25: {  	[simem:s6], [sflag:s4] =	dma.local [hbm:s3], $0xF7A  }
0x26: {  	[smem:$0x3F8F] =	sst s1;
	(tag) =	ssettag s2;
	_ =	strace s9  }
0x27: {  	s1 =	sld [smem:$0x3F9F]  }
0x28: {  	s2 =	sld [smem:$0x3FA0]  }
0x29: {  	s4 =	sld [smem:$0x3FA2]  }
0x2a: {  	p0 =	seq.s32 s5, $0x0;
	s5 =	sld [smem:$0x3FA3]  }
0x2b: {  	s6 =	sld [smem:$0x3FA4]  }
0x2c: {  	s7 =	sld [smem:$0x3FA5]  }
0x2d: {  	s3 =	simm.s32 $0x108;
	s8 =	sld [smem:$0x3FA6]  }
0x2e: {  	s3 =	simm.s32 @!p0 $0x1082;
	s9 =	sld [smem:$0x3FA7]  }
0x2f: {  	lr =	sadd.s32 s0, s3;
	s0 =	sld [smem:$0x3F9E]  }
0x30: {  	s3 =	sld [smem:$0x3FA1]  }
0x31: {  	[smem:$0x3FAA] =	sst s10  }
0x32: {  	s10 =	sld [smem:$0x3FA8];
	_ =	sdelay $0x3  }
0x33: {  	p0 =	seq.s32 s10, $0x1;
	s10 =	sld [smem:$0x3FAA];
	_ =	sdelay $0x3  }
0x34: {  	[smem:$0x3FAA] =	sst s10  }
0x35: {  	s10 =	sld [smem:$0x3FA9];
	_ =	sdelay $0x3  }
0x36: {  	p1 =	seq.s32 s10, $0x1;
	s10 =	sld [smem:$0x3FAA];
	_ =	sdelay $0x3  }
0x37: {  	[smem:$0x3FAA] =	sst s10  }
0x38: {  	s10 =	sld [smem:$0x3FAB]  }
0x39: {  	_ = 	snop;
	(pc) =	sbr.ind lr, $3  }
0x3a: {  	_ = 	snop  }
0x3b: {  	_ = 	snop  }
0x3c: {  	p2 =	seq.s32 s10, $0x1;
	s10 =	sld [smem:$0x3FAA]  }
0x3d: {  	_ =	shalt  }
0x3e: {  	_ =	shalt  }
0x3f: {  	_ =	shalt  }
0x40: {  	_ =	shalt  }
0x41: {  	_ =	shalt  }
0x42: {  	_ =	shalt  }
0x43: {  	_ =	shalt  }
0x44: {  	_ =	shalt  }
0x45: {  	_ =	shalt  }
0x46: {  	_ =	shalt  }
0x47: {  	_ =	shalt  }
0x48: {  	_ =	shalt  }
0x49: {  	_ =	shalt  }
0x4a: {  	_ =	shalt  }
0x4b: {  	_ =	shalt  }
0x4c: {  	_ =	shalt  }
0x4d: {  	_ =	shalt  }
0x4e: {  	_ =	shalt  }
0x4f: {  	_ =	shalt  }
0x50: {  	_ =	shalt  }
0x51: {  	_ =	shalt  }
0x52: {  	_ =	shalt  }
0x53: {  	_ =	shalt  }
0x54: {  	_ =	shalt  }
0x55: {  	_ =	shalt  }
0x56: {  	_ =	shalt  }
0x57: {  	_ =	shalt  }
0x58: {  	_ =	shalt  }
0x59: {  	_ =	shalt  }
0x5a: {  	_ =	shalt  }
0x5b: {  	_ =	shalt  }
0x5c: {  	_ =	shalt  }
0x5d: {  	_ =	shalt  }
0x5e: {  	_ =	shalt  }
0x5f: {  	_ =	shalt  }
0x60: {  	_ =	shalt  }
0x61: {  	_ =	shalt  }
0x62: {  	_ =	shalt  }
0x63: {  	_ =	shalt  }
0x64: {  	_ =	shalt  }
0x65: {  	_ =	shalt  }
0x66: {  	_ =	shalt  }
0x67: {  	_ =	shalt  }
0x68: {  	_ =	shalt  }
0x69: {  	_ =	shalt  }
0x6a: {  	_ =	shalt  }
0x6b: {  	_ =	shalt  }
0x6c: {  	_ =	shalt  }
0x6d: {  	_ =	shalt  }
0x6e: {  	_ =	shalt  }
0x6f: {  	_ =	shalt  }
0x70: {  	_ =	shalt  }
0x71: {  	_ =	shalt  }
0x72: {  	_ =	shalt  }
0x73: {  	_ =	shalt  }
0x74: {  	_ =	shalt  }
0x75: {  	_ =	shalt  }
0x76: {  	_ =	shalt  }
0x77: {  	_ =	shalt  }
0x78: {  	_ =	shalt  }
0x79: {  	_ =	shalt  }
0x7a: {  	_ =	shalt  }
0x7b: {  	_ =	shalt  }
0x7c: {  	_ =	shalt  }
0x7d: {  	_ =	shalt  }
0x7e: {  	_ =	shalt  }
0x7f: {  	_ =	shalt  }
0x80: {  	_ =	shalt  }
0x81: {  	_ =	shalt  }
0x82: {  	_ =	shalt  }
0x83: {  	_ =	shalt  }
0x84: {  	_ =	shalt  }
0x85: {  	_ =	shalt  }
0x86: {  	_ =	shalt  }
0x87: {  	_ =	shalt  }
.Lfunc_end0:
.L_simem_size_0:
called_computation.1_lowered:
.L_overlay_start_0:
0x88: {  	s2 =	sld [smem:$0x3FD9]  }
0x89: {  	s3 =	sld [smem:$0x3FFE];
	_ =	sdelay $0x1  }
0x8a: {  	s1 =	srdreg.scid  }
0x8b: {  	s0 =	sand.u32 $0x1, s1  }
0x8c: {  	s16 =	sshll.u32 s0, $0xA;
	s2 =	sadd.s32 s3, s2  }
0x8d: {  	s2 =	sadd.s32 s2, s16  }
0x8e: {  	[smem:$0x3FB6] =	sst s2  }
0x8f: {  	_ = 	snop  }
0x90: {  	(tm) =	ssettm $0x1  }
0x91: {  	s17 =	sld [smem:$0x3FFB];
	_ =	sdelay $0x3  }
0x92: {  	_ =	strace s17  }
0x93: {  	s2 =	sld [smem:$0x3FFC];
	_ =	sdelay $0x3  }
0x94: {  	_ =	strace s2  }
0x95: {  	s2 =	sld [smem:$0x3FFD];
	_ =	sdelay $0x3  }
0x96: {  	_ =	strace s2  }
0x97: {  	_ =	strace $0x8FFFFFFF  }
0x98: {  	s18 =	sld [smem:$0x3FDB];
	_ =	sdelay $0x1  }
0x99: {  	s19 =	simm.s32 $_scs_section_size  }
0x9a: {  	s4 =	simm.s32 $_size__tile_overlayer_lowered;
	s5 =	simm.s32 $_tile_overlayer_lowered  }
0x9b: {  	s22 =	simm.s32 $0x1BFF;
	s21 =	sshll.u32 s5, $0x1;
	s2 =	sadd.s32 s19, s18  }
0x9c: {  	s6 =	simm.s32 $0x0;
	s20 =	sshll.u32 s4, $0x1;
	s4 =	sadd.s32 s21, s2  }
0x9d: {  	[timem:s6], [sflag:s22] =	dma.local [hbm:s4], s20  }
0x9e: {  	_ =	swait.ge [sflag:s22], s20  }
0x9f: {  	s3 =	ssub.s32 $0x0, s20;
	[sflag:s22] =	ssyncset.done $0x0  }
0xa0: {  	[sflag:s22] =	ssyncadd.s32 s3;
	_ =	sdelay $0x1  }
0xa1: {  	s23 =	simm.s32 $0x1B8B  }
0xa2: {  	_ =	swait.ge [sflag:s23], $0x1  }
0xa3: {  	[sflag:s23] =	ssyncset.done $0x0  }
0xa4: {  	s25 =	simm.s32 $0x1B8E;
	s24 =	sld [smem:$0x3FFE];
	[sflag:s23] =	ssyncadd.s32 $0xFFFFFFFF  }
0xa5: {  	s26 =	simm.s32 $execute0_lowered;
	[smem:$0x3FD2] =	sst s25  }
0xa6: {  	s4 =	sshll.u32 s26, $0x1;
	_ =	strace $0x80000046;
	[dreg:$0x1] =	wrdreg $0xFFFFFFFF  }
0xa7: {  	s28 =	simm.s32 $_size_execute0_lowered;
	s2 =	sadd.s32 s2, s4;
	[dreg:$0x0] =	wrdreg $0x0  }
0xa8: {  	s4 =	sshll.u32 s28, $0x1;
	[dreg:$0x2] =	wrdreg s2  }
0xa9: {  	[dreg:$0x3] =	wrdreg s4  }
0xaa: {  	[dreg:$0x4] =	wrdreg $0xC0  }
0xab: {  	_ =	task [dreg:s6], $0x5FFFF  }
0xac: {  	[dreg:$0x1] =	wrdreg $0xFFFFFFFF  }
0xad: {  	[dreg:$0x0] =	wrdreg $0x60  }
0xae: {  	[dreg:$0x2] =	wrdreg s24  }
0xaf: {  	[dreg:$0x3] =	wrdreg $0x9  }
0xb0: {  	_ =	task.clear_ibuf [dreg:s6], $0x4FFFF;
	_ =	strace $0x90000046  }
0xb1: {  	s29 =	simm.s32 $0x9;
	_ =	strace $0x80000048  }
0xb2: {  	_ =	swait.ge [sflag:s29], $0x1  }
0xb3: {  	[sflag:s29] =	ssyncadd.s32 $0xFFFFFFFF  }
0xb4: {  	_ =	strace $0x90000048  }
0xb5: {  	_ =	sfence  }
0xb6: {  	s30 =	sld [smem:$0x0];
	_ =	sdelay $0x2  }
0xb7: {  	s31 =	sshll.u32 s1, $0xD;
	s1 =	sshrl.u32 s1, $0x2  }
0xb8: {  	s3 =	sand.u32 $0x4000, s31;
	s1 =	sadd.s32 s1, s30  }
0xb9: {  	s0 =	sor.u32 s3, s0;
	s1 =	sshll.u32 s1, $0x11  }
0xba: {  	s0 =	sor.u32 s1, s0  }
0xbb: {  	s0 =	sadd.s32 $0x8F2B, s0  }
0xbc: {  	[sflag:s0] =	ssyncadd.remote.s32 $0x1  }
0xbd: {  	_ =	sfence.sel $0xFFFF  }
0xbe: {  	[dreg:$0x0] =	wrdreg $0xFFFFFFFF;
	(pc) =	sbr.abs _section_cstart, $3  }
0xbf: {  	[dreg:$0x1] =	wrdreg $0xFFFFFFFF  }
0xc0: {  	_ =	task.clear_ibuf [dreg:s6], $0x2FFFF;
	_ =	strace $0x9FFFFFFF  }
0xc1: {  	(tm) =	ssettm $0x7FFFFFFF  }
tec
execute0_lowered:
.L_overlay_start_1:
0x0: {  	(tag) =	ssettag $0x1  }
0x1: {  	s0 =	rddreg [dreg:$0x0];
	s1 =	simm.s32 $0x0;
	s2 =	srdreg.scid  }
0x2: {  	s12 =	stileid.u32;
	s18 =	simm.s32 $0x5;
	s20 =	simm.s32 $0x80  }
0x3: {  	s28 =	simm.s32 $0x10200;
	s29 =	simm.s32 $0x2;
	s30 =	simm.s32 $0x14200  }
0x4: {  	s31 =	simm.s32 $0x3;
	[smem:$0x7FF] =	sst s1;
	s3 =	sadd.s32 $0x2CC00, s0  }
0x5: {  	s4 =	sadd.s32 $0x53E00, s0;
	s2 =	sand.u32 $0x1, s2;
	s7 =	sshll.u32 s12, $0x1  }
0x6: {  	s5 =	sadd.s32 $0x22800, s0;
	s6 =	sadd.s32 $0x18400, s0;
	s13 =	smul.u32 $0x5200, s12  }
0x7: {  	s9 =	sor.u32 s2, s7;
	s11 =	ssub.s32 $0x2, s2;
	s2 =	smul.u32 $0x2900, s2  }
0x8: {  	s8 =	sadd.s32 $0x7B400, s0;
	s10 =	sshll.u32 s9, $0x4;
	s7 =	smul.u32 $0x2900, s9  }
0x9: {  	_ =	strace $0x80000047;
	s21 =	sshrl.u32 s11, $0x1;
	s0 =	sadd.s32 s10, s0  }
0xa: {  	s10 =	ssub.s32 s11, s21;
	s26 =	sadd.s32 s2, s13;
	s22 =	sshrl.u32 s7, $0x3  }
0xb: {  	s12 =	sadd.s32 $0x100, s7;
	s24 =	sadd.s32 $0x7B000, s0;
	[dreg:$0x7] =	wrdreg s26  }
0xc: {  	s0 =	sadd.s32 $0x7B200, s0;
	s25 =	smax.u32 s10, $0x1;
	[dreg:$0x4] =	wrdreg s24  }
0xd: {  	s23 =	sadd.s32 s5, s22;
	s11 =	sadd.s32 s6, s22;
	[dreg:$0x5] =	wrdreg s0  }
0xe: {  	[dreg:$0x6] =	wrdreg s25;
	s0 =	sor.u32 $0x80, s26;
	s24 =	simm.s32 $0x4200  }
0xf: {  	s25 =	simm.s32 $0xC200;
	s26 =	simm.s32 $0x1;
	[dreg:$0x2] =	wrdreg s23  }
0x10: {  	s22 =	simm.s32 $0x0;
	[dreg:$0x3] =	wrdreg s11;
	s11 =	smul.u32 $0x148000, s9  }
0x11: {  	[dreg:$0x8] =	wrdreg s0;
	s23 =	simm.s32 $0x180;
	s0 =	simm.s32 $0x4  }
.LBB2_1:
0x12: {  	s2 =	rddreg [dreg:$0x2]  }
0x13: {  	[tilespmem:s1], [sflag:$0x5] =	stream.linear.gather [hbm4b:s2+s1], $0x80, $0x38;
	[tilespmem:$0x18300] =	vst v63  }
0x14: {  	_ =	swait.ge [sflag:s18], $0x80  }
0x15: {  	[sflag:s18] =	ssyncset.done $0x0  }
0x16: {  	s9 =	simm.s32 $0x100;
	s17 =	rddreg [dreg:$0x3];
	[sflag:s18] =	ssyncadd.s32 $0xFFFFFF80  }
0x17: {  	[tilespmem:s9], [sflag:$0x5] =	stream.linear.gather [hbm4b:s17+s1], $0x80, $0x38;
	[tilespmem:$0x18300] =	vst v63  }
0x18: {  	_ =	swait.ge [sflag:s18], $0x80  }
0x19: {  	v11 =	vimm.f32 $0.0e+00;
	[sflag:s18] =	ssyncset.done $0x0  }
0x1a: {  	s19 =	simm.s32 $0x200;
	v0 =	vimm.f32 $0.0e+00;
	v1 =	vimm.f32 $0.0e+00;
	v2 =	vimm.f32 $0.0e+00;
	[sflag:s18] =	ssyncadd.s32 $0xFFFFFF80  }
0x1b: {  	v4 =	vimm.f32 $0.0e+00;
	v6 =	vimm.f32 $0.0e+00;
	v8 =	vimm.f32 $0.0e+00;
	[tilespmem:s19], [sflag:$0x1] =	stream.indirect.gather [hbm4b:s3+s20], $0x80, s1, s20, $0xb8;
	[tilespmem:$0x18300] =	vst v63  }
0x1c: {  	s21 =	simm.s32 $0x8200;
	v13 =	vimm.f32 $0.0e+00;
	v12 =	vimm.f32 $0.0e+00;
	v3 =	vimm.f32 $0.0e+00;
	s17 =	rddreg [dreg:$0x8]  }
0x1d: {  	v5 =	vimm.f32 $0.0e+00;
	v7 =	vimm.f32 $0.0e+00;
	v9 =	vimm.f32 $0.0e+00;
	[tilespmem:s21], [sflag:$0x1] =	stream.indirect.gather [hbm4b:s4+s20], $0x80, s9, s20, $0xb8;
	[tilespmem:$0x18300] =	vst v63  }
0x1e: {  	v10 =	vimm.f32 $0.0e+00;
	v14 =	vimm.f32 $0.0e+00;
	v16 =	vimm.f32 $0.0e+00;
	s21 =	rddreg [dreg:$0x7];
	s9 =	simm.s32 $0x0  }
.LBB2_2:
0x1f: {  	s19 =	sshll.u32 s9, $0x8  }
0x20: {  	s2 =	sadd.s32 s19, s7  }
0x21: {  	s10 =	sadd.s32 $0x80, s2  }
0x22: {  	s2 =	sshrl.u32 s10, $0x3  }
0x23: {  	s13 =	sadd.s32 s5, s2  }
0x24: {  	[tilespmem:s20], [sflag:$0x5] =	stream.linear.gather [hbm4b:s13+s1], $0x80, $0x38;
	[tilespmem:$0x18300] =	vst v63  }
0x25: {  	_ =	swait.ge [sflag:s18], $0x80  }
0x26: {  	[sflag:s18] =	ssyncset.done $0x0  }
0x27: {  	s2 =	sadd.s32 s6, s2;
	[sflag:s18] =	ssyncadd.s32 $0xFFFFFF80  }
0x28: {  	[tilespmem:s23], [sflag:$0x5] =	stream.linear.gather [hbm4b:s2+s1], $0x80, $0x38;
	[tilespmem:$0x18300] =	vst v63  }
0x29: {  	_ =	swait.ge [sflag:s18], $0x80  }
0x2a: {  	[sflag:s18] =	ssyncset.done $0x0  }
0x2b: {  	[sflag:s18] =	ssyncadd.s32 $0xFFFFFF80  }
0x2c: {  	[tilespmem:s24], [sflag:$0x2] =	stream.indirect.gather [hbm4b:s3+s20], $0x80, s20, s20, $0xb8;
	[tilespmem:$0x18300] =	vst v63  }
0x2d: {  	_ = 	snop  }
0x2e: {  	[tilespmem:s25], [sflag:$0x2] =	stream.indirect.gather [hbm4b:s4+s20], $0x80, s23, s20, $0xb8;
	[tilespmem:$0x18300] =	vst v63  }
0x2f: {  	_ =	swait.ge [sflag:s26], $0x4000  }
0x30: {  	[sflag:s26] =	ssyncset.done $0x0  }
0x31: {  	[sflag:s26] =	ssyncadd.s32 $0xFFFFC000  }
0x32: {  	_ =	swait.ge [sflag:s26], $0x4000  }
0x33: {  	p0 =	seq.s32 s9, $0x0;
	[sflag:s26] =	ssyncset.done $0x0  }
0x34: {  	s2 =	simm.s32 @!p0 $0x3;
	[sflag:s26] =	ssyncadd.s32 $0xFFFFC000  }
0x35: {  	_ =	swait.ge @!p0 [sflag:s2], $0x4000  }
0x36: {  	[sflag:s2] =	ssyncset.done @!p0 $0x0  }
0x37: {  	s15 =	simm.s32 $0x0;
	[sflag:s2] =	ssyncadd.s32 @!p0 $0xFFFFC000  }
0x38: {  	v15 =	vld [tilespmem:s15+$0x270]  }
0x39: {  	v17 =	vld [tilespmem:s15+$0x8270]  }
0x3a: {  	v18 =	vld [tilespmem:s15+$0x200]  }
0x3b: {  	v19 =	vld [tilespmem:s15+$0x8200]  }
0x3c: {  	v20 =	vld [tilespmem:s15+$0x210]  }
0x3d: {  	v21 =	vld [tilespmem:s15+$0x8210]  }
0x3e: {  	v22 =	vld [tilespmem:s15+$0x220]  }
0x3f: {  	v24 =	vld [tilespmem:s15+$0x230]  }
0x40: {  	v15 =	vsub.f32 v15, v17;
	v17 =	vld [tilespmem:s15+$0x8220]  }
0x41: {  	p1 =	slt.u32 s21, $0x50910;
	s13 =	simm.f32 $1.000000000e+00;
	v26 =	vld [tilespmem:s15+$0x240];
	v18 =	vsub.f32 v18, v19  }
0x42: {  	s13 =	simm.s32 @!p1 $0x0;
	v19 =	vld [tilespmem:s15+$0x8230];
	v20 =	vsub.f32 v20, v21;
	[tilespmem:s15+$0x10270] =	vst v15  }
0x43: {  	v27 =	vld [tilespmem:s15+$0x8240];
	[tilespmem:s15+$0x10200] =	vst v18;
	v15 =	vmul.f32 s13, v15  }
0x44: {  	[tilespmem:s15+$0x10210] =	vst v20;
	v18 =	vmul.f32 s13, v18;
	v20 =	vmul.f32 s13, v20  }
0x45: {  	v23 =	vld [tilespmem:s15+$0x8250];
	v12 =	vadd.f32 v15, v12;
	v17 =	vsub.f32 v22, v17  }
0x46: {  	v21 =	vld [tilespmem:s15+$0x250];
	v28 =	vmul.f32 v18, v18;
	v14 =	vadd.f32 v20, v14;
	v22 =	vmul.f32 v15, v15  }
0x47: {  	v25 =	vld [tilespmem:s15+$0x8260];
	v15 =	vadd.f32 v18, v16;
	v19 =	vsub.f32 v24, v19;
	v16 =	vmul.f32 s13, v17  }
0x48: {  	s2 =	simm.s32 $0x80;
	v18 =	vmul.f32 v20, v20;
	v20 =	vsub.f32 v26, v27;
	[tilespmem:s15+$0x10220] =	vst v17;
	v11 =	vadd.f32 v22, v11;
	v22 =	vld [tilespmem:s15+$0x260]  }
0x49: {  	s14 =	simm.s32 $0x400;
	s16 =	smov.u32 s21;
	v13 =	vadd.f32 v28, v13;
	v24 =	vld [tilespmem:s2+$0x270];
	[tilespmem:s15+$0x10230] =	vst v19;
	v19 =	vmul.f32 s13, v19;
	v17 =	vmul.f32 v16, v16  }
.LBB2_3:
0x4a: {  	p1 =	sne.s32 s14, $0xFE00;
	v26 =	vld [tilespmem:s2+$0x8270];
	v8 =	vadd.f32 v18, v8;
	v10 =	vadd.f32 v16, v10  }
0x4b: {  	v16 =	vld [tilespmem:s2+$0x200];
	v18 =	vmul.f32 v19, v19;
	[tilespmem:s15+$0x10240] =	vst v20;
	v20 =	vmul.f32 s13, v20;
	v21 =	vsub.f32 v21, v23  }
0x4c: {  	v6 =	vadd.f32 v17, v6;
	v9 =	vadd.f32 v19, v9;
	v23 =	vld [tilespmem:s2+$0x8200]  }
0x4d: {  	v17 =	vld [tilespmem:s2+$0x210];
	v19 =	vmul.f32 v20, v20;
	[tilespmem:s15+$0x10250] =	vst v21;
	v21 =	vmul.f32 s13, v21;
	v22 =	vsub.f32 v22, v25  }
0x4e: {  	s16 =	sadd.s32 $0x1, s16;
	v4 =	vadd.f32 v18, v4;
	v7 =	vadd.f32 v20, v7;
	v25 =	vld [tilespmem:s2+$0x8210]  }
0x4f: {  	p2 =	slt.u32 s16, $0x50910;
	v18 =	vld [tilespmem:s2+$0x220];
	v20 =	vsub.f32 v24, v26;
	v24 =	vmul.f32 v21, v21;
	[tilespmem:s15+$0x10260] =	vst v22;
	v22 =	vmul.f32 s13, v22;
	s15 =	smov.u32 s2;
	s13 =	simm.f32 $1.000000000e+00  }
0x50: {  	v2 =	vadd.f32 v19, v2;
	v5 =	vadd.f32 v21, v5;
	s13 =	simm.s32 @!p2 $0x0;
	v26 =	vld [tilespmem:s15+$0x8220]  }
0x51: {  	v16 =	vsub.f32 v16, v23;
	v19 =	vld [tilespmem:s15+$0x230];
	[tilespmem:s15+$0x10270] =	vst v20;
	v20 =	vmul.f32 s13, v20;
	v21 =	vmul.f32 v22, v22  }
0x52: {  	v1 =	vadd.f32 v24, v1;
	v3 =	vadd.f32 v22, v3;
	v27 =	vld [tilespmem:s15+$0x8230]  }
0x53: {  	[tilespmem:s15+$0x10200] =	vst v16;
	v16 =	vmul.f32 s13, v16;
	v17 =	vsub.f32 v17, v25;
	v28 =	vld [tilespmem:s15+$0x240];
	v22 =	vmul.f32 v20, v20  }
0x54: {  	v12 =	vadd.f32 v20, v12;
	v0 =	vadd.f32 v21, v0;
	v29 =	vld [tilespmem:s15+$0x8240]  }
.Ltmp0:
0x55: {  	[tilespmem:s15+$0x10210] =	vst v17;
	v17 =	vmul.f32 s13, v17;
	v20 =	vsub.f32 v18, v26;
	v21 =	vld [tilespmem:s15+$0x250];
	v11 =	vadd.f32 v22, v11;
	(pc) =	sbr.rel @p1 .LBB2_3-.Ltmp0, $4  }
0x56: {  	v15 =	vadd.f32 v16, v15;
	v24 =	vmul.f32 v16, v16;
	v23 =	vld [tilespmem:s15+$0x8250]  }
0x57: {  	v18 =	vmul.f32 v17, v17;
	[tilespmem:s15+$0x10220] =	vst v20;
	v16 =	vmul.f32 s13, v20;
	v19 =	vsub.f32 v19, v27;
	v22 =	vld [tilespmem:s15+$0x260]  }
0x58: {  	s2 =	sshra.s32 s14, $0x2;
	v13 =	vadd.f32 v24, v13;
	v14 =	vadd.f32 v17, v14;
	v25 =	vld [tilespmem:s15+$0x8260]  }
0x59: {  	s14 =	sadd.s32 $0x200, s14;
	v24 =	vld [tilespmem:s2+$0x270];
	v17 =	vmul.f32 v16, v16;
	[tilespmem:s15+$0x10230] =	vst v19;
	v19 =	vmul.f32 s13, v19;
	v20 =	vsub.f32 v28, v29  }
0x5a: {  	v26 =	vld [tilespmem:s2+$0x8270]  }
0x5b: {  	v27 =	vld [tilespmem:s2+$0x200];
	[tilespmem:s15+$0x10240] =	vst v20;
	v21 =	vsub.f32 v21, v23  }
0x5c: {  	v23 =	vld [tilespmem:s2+$0x8200]  }
0x5d: {  	v28 =	vld [tilespmem:s2+$0x210];
	[tilespmem:s15+$0x10250] =	vst v21;
	v22 =	vsub.f32 v22, v25  }
0x5e: {  	v25 =	vld [tilespmem:s2+$0x8210]  }
0x5f: {  	v29 =	vld [tilespmem:s2+$0x220];
	[tilespmem:s15+$0x10260] =	vst v22  }
0x60: {  	v24 =	vsub.f32 v24, v26;
	v26 =	vld [tilespmem:s2+$0x8220]  }
0x61: {  	v30 =	vld [tilespmem:s2+$0x230]  }
0x62: {  	v58 =	vld [tilespmem:s2+$0x240]  }
0x63: {  	v31 =	vld [tilespmem:s2+$0x8240]  }
0x64: {  	v59 =	vld [tilespmem:s2+$0x250]  }
0x65: {  	v32 =	vld [tilespmem:s2+$0x8250]  }
0x66: {  	v33 =	vld [tilespmem:s2+$0x260]  }
0x67: {  	v34 =	vld [tilespmem:s2+$0x8260];
	v23 =	vsub.f32 v27, v23  }
0x68: {  	[tilespmem:s2+$0x10270] =	vst v24;
	v27 =	vld [tilespmem:s2+$0x8230];
	v25 =	vsub.f32 v28, v25  }
0x69: {  	[tilespmem:s2+$0x10200] =	vst v23;
	v26 =	vsub.f32 v29, v26  }
0x6a: {  	[tilespmem:s2+$0x10210] =	vst v25;
	v28 =	vsub.f32 v58, v31  }
0x6b: {  	v29 =	vsub.f32 v59, v32;
	[tilespmem:s2+$0x10220] =	vst v26  }
0x6c: {  	s14 =	sshll.u32 s9, $0xF;
	v60 =	vsub.f32 v33, v34;
	[tilespmem:s2+$0x10240] =	vst v28  }
0x6d: {  	s14 =	sadd.s32 s11, s14;
	v27 =	vsub.f32 v30, v27;
	[tilespmem:s2+$0x10250] =	vst v29  }
0x6e: {  	p1 =	seq.s32 s9, $0x28;
	s14 =	sshrl.u32 s14, $0x3;
	[tilespmem:s2+$0x10260] =	vst v60  }
0x6f: {  	s15 =	sadd.s32 s8, s14;
	[tilespmem:s2+$0x10230] =	vst v27;
	s2 =	sadd.s32 @!p1 s19, s12  }
0x70: {  	[hbm4b:s15+s1] =	stream.linear.scatter [tilespmem:s28], [sflag:$0x3], $0x4000, $0x38;
	[tilespmem:$0x18300] =	vst v63  }
0x71: {  	s2 =	sshrl.u32 @!p1 s2, $0x3  }
0x72: {  	s15 =	simm.s32 @!p1 $0x0;
	s14 =	sadd.s32 @!p1 s5, s2  }
0x73: {  	[tilespmem:s15], [sflag:$0x5] =	stream.linear.gather @!p1 [hbm4b:s14+s15], $0x80, $0x38;
	[tilespmem:$0x18300] =	vst v63  }
0x74: {  	s14 =	simm.s32 @!p1 $0x5  }
0x75: {  	_ =	swait.ge @!p1 [sflag:s14], $0x80  }
0x76: {  	[sflag:s14] =	ssyncset.done @!p1 $0x0  }
0x77: {  	s19 =	simm.s32 @!p1 $0x100;
	s2 =	sadd.s32 @!p1 s6, s2;
	[sflag:s14] =	ssyncadd.s32 @!p1 $0xFFFFFF80  }
0x78: {  	[tilespmem:s19], [sflag:$0x5] =	stream.linear.gather @!p1 [hbm4b:s2+s15], $0x80, $0x38;
	[tilespmem:$0x18300] =	vst v63  }
0x79: {  	_ =	swait.ge @!p1 [sflag:s14], $0x80  }
0x7a: {  	[sflag:s14] =	ssyncset.done @!p1 $0x0  }
0x7b: {  	s2 =	simm.s32 @!p1 $0x80;
	[sflag:s14] =	ssyncadd.s32 @!p1 $0xFFFFFF80;
	s14 =	simm.s32 @!p1 $0x200  }
0x7c: {  	[tilespmem:s14], [sflag:$0x1] =	stream.indirect.gather @!p1 [hbm4b:s3+s2], $0x80, s15, s2, $0xb8;
	[tilespmem:$0x18300] =	vst v63  }
0x7d: {  	s14 =	simm.s32 @!p1 $0x8200  }
0x7e: {  	[tilespmem:s14], [sflag:$0x1] =	stream.indirect.gather @!p1 [hbm4b:s4+s2], $0x80, s19, s2, $0xb8;
	[tilespmem:$0x18300] =	vst v63  }
0x7f: {  	_ =	swait.ge [sflag:s29], $0x4000  }
0x80: {  	[sflag:s29] =	ssyncset.done $0x0  }
0x81: {  	[sflag:s29] =	ssyncadd.s32 $0xFFFFC000  }
0x82: {  	_ =	swait.ge [sflag:s29], $0x4000  }
0x83: {  	[sflag:s29] =	ssyncset.done $0x0  }
0x84: {  	v8 =	vadd.f32 v18, v8;
	v18 =	vmul.f32 s13, v20;
	s2 =	simm.s32 @!p0 $0x4;
	[sflag:s29] =	ssyncadd.s32 $0xFFFFC000  }
0x85: {  	v10 =	vadd.f32 v16, v10;
	v16 =	vmul.f32 v19, v19;
	_ =	swait.ge @!p0 [sflag:s2], $0x4000  }
0x86: {  	s16 =	sadd.s32 $0x1, s16;
	v6 =	vadd.f32 v17, v6;
	v20 =	vmul.f32 s13, v21;
	v17 =	vmul.f32 v18, v18;
	s19 =	simm.s32 $0x0;
	[sflag:s2] =	ssyncset.done @!p0 $0x0  }
0x87: {  	v9 =	vadd.f32 v19, v9;
	v4 =	vadd.f32 v16, v4;
	v21 =	vmul.f32 s13, v22;
	[sflag:s2] =	ssyncadd.s32 @!p0 $0xFFFFC000;
	p0 =	slt.u32 s16, $0x50910;
	s2 =	simm.f32 $1.000000000e+00  }
0x88: {  	v18 =	vadd.f32 v18, v7;
	v16 =	vmul.f32 v20, v20;
	v17 =	vadd.f32 v17, v2;
	v19 =	vld [tilespmem:s19+$0x4270];
	s2 =	simm.s32 @!p0 $0x0  }
0x89: {  	v5 =	vadd.f32 v20, v5;
	v20 =	vmul.f32 v21, v21;
	v22 =	vld [tilespmem:s19+$0xC270];
	v2 =	vmul.f32 s2, v24  }
0x8a: {  	v1 =	vadd.f32 v16, v1;
	v21 =	vadd.f32 v21, v3;
	v7 =	vld [tilespmem:s19+$0x4200];
	v3 =	vmul.f32 s2, v23  }
0x8b: {  	v20 =	vadd.f32 v20, v0;
	v16 =	vld [tilespmem:s19+$0xC200];
	v0 =	vmul.f32 s2, v25;
	v23 =	vmul.f32 v2, v2  }
0x8c: {  	v24 =	vld [tilespmem:s19+$0x4210];
	v61 =	vadd.f32 v2, v12;
	v15 =	vadd.f32 v3, v15;
	v2 =	vmul.f32 v3, v3  }
0x8d: {  	v25 =	vld [tilespmem:s19+$0xC210];
	v3 =	vmul.f32 v0, v0;
	v12 =	vmul.f32 s2, v26;
	v14 =	vadd.f32 v0, v14  }
0x8e: {  	v0 =	vmul.f32 s2, v27;
	v23 =	vadd.f32 v23, v11;
	v19 =	vsub.f32 v19, v22  }
0x8f: {  	v62 =	vld [tilespmem:s19+$0xC230];
	v26 =	vadd.f32 v2, v13;
	v2 =	vadd.f32 v3, v8;
	v3 =	vmul.f32 v12, v12  }
0x90: {  	v27 =	vld [tilespmem:s19+$0x4230];
	v13 =	vsub.f32 v7, v16;
	v12 =	vadd.f32 v12, v10;
	v16 =	vmul.f32 s2, v28  }
0x91: {  	v11 =	vld [tilespmem:s19+$0x4220];
	v8 =	vmul.f32 v0, v0;
	v7 =	vadd.f32 v0, v9;
	v0 =	vmul.f32 s2, v29  }
0x92: {  	s13 =	simm.f32 $1.000000000e+00;
	p0 =	slt.u32 s17, $0x50910;
	v22 =	vld [tilespmem:s19+$0xC220];
	v9 =	vsub.f32 v24, v25;
	v6 =	vadd.f32 v3, v6;
	v3 =	vmul.f32 v16, v16  }
0x93: {  	s13 =	simm.s32 @!p0 $0x0;
	v10 =	vadd.f32 v8, v4;
	v8 =	vadd.f32 v16, v18;
	v4 =	vmul.f32 v0, v0  }
0x94: {  	[tilespmem:s19+$0x14200] =	vst v13;
	v18 =	vmul.f32 s2, v60;
	v0 =	vadd.f32 v0, v5;
	v13 =	vmul.f32 s13, v13  }
0x95: {  	v63 =	vld [tilespmem:s19+$0xC240];
	v27 =	vsub.f32 v27, v62;
	v3 =	vadd.f32 v3, v17;
	v17 =	vmul.f32 s13, v19  }
0x96: {  	v25 =	vld [tilespmem:s19+$0x4240];
	v5 =	vmul.f32 v18, v18;
	v1 =	vadd.f32 v4, v1;
	v4 =	vadd.f32 v18, v21  }
0x97: {  	[tilespmem:s19+$0x14270] =	vst v19;
	v16 =	vld [tilespmem:s19+$0x4250];
	v24 =	vmul.f32 v13, v13;
	v13 =	vadd.f32 v13, v15;
	v19 =	vsub.f32 v11, v22  }
0x98: {  	v18 =	vld [tilespmem:s19+$0xC250];
	v22 =	vmul.f32 s13, v9;
	v21 =	vmul.f32 v17, v17;
	v5 =	vadd.f32 v5, v20  }
0x99: {  	[tilespmem:s19+$0x14210] =	vst v9;
	v11 =	vadd.f32 v17, v61;
	v17 =	vld [tilespmem:s19+$0x4260];
	v15 =	vadd.f32 v24, v26;
	v20 =	vmul.f32 s13, v19  }
0x9a: {  	s15 =	simm.s32 $0x80;
	v24 =	vmul.f32 s13, v27;
	[tilespmem:s19+$0x14220] =	vst v19;
	v9 =	vadd.f32 v21, v23;
	v23 =	vld [tilespmem:s19+$0xC260];
	v21 =	vmul.f32 v22, v22  }
0x9b: {  	s16 =	smov.u32 s17;
	s2 =	simm.s32 $0x400;
	v25 =	vsub.f32 v25, v63;
	v14 =	vadd.f32 v22, v14;
	v19 =	vld [tilespmem:s15+$0x4270];
	[tilespmem:s19+$0x14230] =	vst v27;
	v22 =	vmul.f32 v20, v20  }
.LBB2_5:
0x9c: {  	p0 =	sne.s32 s2, $0xFE00;
	v26 =	vld [tilespmem:s15+$0xC270];
	v2 =	vadd.f32 v21, v2;
	v12 =	vadd.f32 v20, v12  }
0x9d: {  	v20 =	vld [tilespmem:s15+$0x4200];
	v21 =	vmul.f32 v24, v24;
	[tilespmem:s19+$0x14240] =	vst v25;
	v25 =	vmul.f32 s13, v25;
	v16 =	vsub.f32 v16, v18  }
0x9e: {  	v6 =	vadd.f32 v22, v6;
	v7 =	vadd.f32 v24, v7;
	v18 =	vld [tilespmem:s15+$0xC200]  }
0x9f: {  	v22 =	vld [tilespmem:s15+$0x4210];
	v24 =	vmul.f32 v25, v25;
	[tilespmem:s19+$0x14250] =	vst v16;
	v16 =	vmul.f32 s13, v16;
	v17 =	vsub.f32 v17, v23  }
0xa0: {  	s16 =	sadd.s32 $0x1, s16;
	v10 =	vadd.f32 v21, v10;
	v8 =	vadd.f32 v25, v8;
	v23 =	vld [tilespmem:s15+$0xC210]  }
0xa1: {  	p1 =	slt.u32 s16, $0x50910;
	v21 =	vld [tilespmem:s15+$0x4220];
	v19 =	vsub.f32 v19, v26;
	v25 =	vmul.f32 v16, v16;
	[tilespmem:s19+$0x14260] =	vst v17;
	v17 =	vmul.f32 s13, v17;
	s19 =	smov.u32 s15;
	s13 =	simm.f32 $1.000000000e+00  }
0xa2: {  	v3 =	vadd.f32 v24, v3;
	v0 =	vadd.f32 v16, v0;
	s13 =	simm.s32 @!p1 $0x0;
	v26 =	vld [tilespmem:s19+$0xC220]  }
0xa3: {  	v16 =	vsub.f32 v20, v18;
	v24 =	vld [tilespmem:s19+$0x4230];
	[tilespmem:s19+$0x14270] =	vst v19;
	v18 =	vmul.f32 s13, v19;
	v19 =	vmul.f32 v17, v17  }
0xa4: {  	v1 =	vadd.f32 v25, v1;
	v4 =	vadd.f32 v17, v4;
	v27 =	vld [tilespmem:s19+$0xC230]  }
0xa5: {  	[tilespmem:s19+$0x14200] =	vst v16;
	v17 =	vmul.f32 s13, v16;
	v16 =	vsub.f32 v22, v23;
	v25 =	vld [tilespmem:s19+$0x4240];
	v20 =	vmul.f32 v18, v18  }
0xa6: {  	v11 =	vadd.f32 v18, v11;
	v5 =	vadd.f32 v19, v5;
	v28 =	vld [tilespmem:s19+$0xC240]  }
.Ltmp1:
0xa7: {  	[tilespmem:s19+$0x14210] =	vst v16;
	v19 =	vmul.f32 s13, v16;
	v22 =	vsub.f32 v21, v26;
	v16 =	vld [tilespmem:s19+$0x4250];
	v9 =	vadd.f32 v20, v9;
	(pc) =	sbr.rel @p0 .LBB2_5-.Ltmp1, $4  }
0xa8: {  	v13 =	vadd.f32 v17, v13;
	v23 =	vmul.f32 v17, v17;
	v18 =	vld [tilespmem:s19+$0xC250]  }
0xa9: {  	v21 =	vmul.f32 v19, v19;
	[tilespmem:s19+$0x14220] =	vst v22;
	v20 =	vmul.f32 s13, v22;
	v24 =	vsub.f32 v24, v27;
	v17 =	vld [tilespmem:s19+$0x4260]  }
0xaa: {  	s15 =	sshra.s32 s2, $0x2;
	v15 =	vadd.f32 v23, v15;
	v14 =	vadd.f32 v19, v14;
	v23 =	vld [tilespmem:s19+$0xC260]  }
0xab: {  	s2 =	sadd.s32 $0x200, s2;
	v19 =	vld [tilespmem:s15+$0x4270];
	v22 =	vmul.f32 v20, v20;
	[tilespmem:s19+$0x14230] =	vst v24;
	v24 =	vmul.f32 s13, v24;
	v25 =	vsub.f32 v25, v28  }
0xac: {  	v26 =	vld [tilespmem:s15+$0xC270]  }
0xad: {  	v27 =	vld [tilespmem:s15+$0x4200];
	[tilespmem:s19+$0x14240] =	vst v25;
	v16 =	vsub.f32 v16, v18  }
0xae: {  	v18 =	vld [tilespmem:s15+$0xC200]  }
0xaf: {  	v28 =	vld [tilespmem:s15+$0x4210];
	[tilespmem:s19+$0x14250] =	vst v16;
	v17 =	vsub.f32 v17, v23  }
0xb0: {  	v54 =	vld [tilespmem:s15+$0xC210]  }
0xb1: {  	v2 =	vadd.f32 v21, v2;
	v29 =	vld [tilespmem:s15+$0x4220];
	[tilespmem:s19+$0x14260] =	vst v17  }
0xb2: {  	v20 =	vadd.f32 v20, v12;
	v12 =	vmul.f32 v24, v24;
	v57 =	vmul.f32 s13, v25;
	v55 =	vld [tilespmem:s15+$0xC220]  }
0xb3: {  	v6 =	vadd.f32 v22, v6;
	v7 =	vadd.f32 v24, v7;
	v30 =	vld [tilespmem:s15+$0x4230]  }
0xb4: {  	s2 =	sadd.s32 $0x1, s16;
	v60 =	vadd.f32 v12, v10;
	v10 =	vmul.f32 v57, v57;
	v12 =	vmul.f32 s13, v16;
	v56 =	vld [tilespmem:s15+$0xC230]  }
0xb5: {  	p0 =	slt.u32 s2, $0x50910;
	s2 =	simm.f32 $1.000000000e+00;
	v21 =	vadd.f32 v57, v8;
	v19 =	vsub.f32 v19, v26;
	v8 =	vmul.f32 s13, v17;
	v58 =	vld [tilespmem:s15+$0x4240]  }
0xb6: {  	s2 =	simm.s32 @!p0 $0x0;
	v16 =	vmul.f32 v12, v12;
	v3 =	vadd.f32 v10, v3;
	v59 =	vld [tilespmem:s15+$0xC240];
	v18 =	vsub.f32 v27, v18  }
0xb7: {  	v0 =	vadd.f32 v12, v0;
	v61 =	vld [tilespmem:s15+$0x4250];
	v10 =	vmul.f32 s2, v19;
	v62 =	vmul.f32 v8, v8  }
0xb8: {  	v31 =	vld [tilespmem:s15+$0x4260];
	v1 =	vadd.f32 v16, v1;
	v63 =	vadd.f32 v8, v4;
	[tilespmem:s15+$0x14200] =	vst v18;
	v18 =	vmul.f32 s2, v18  }
0xb9: {  	[tilespmem:s15+$0x14270] =	vst v19;
	v19 =	vld [tilespmem:s15+$0xC250];
	v23 =	vsub.f32 v28, v54;
	v4 =	vmul.f32 v10, v10;
	v12 =	vadd.f32 v10, v11  }
0xba: {  	v28 =	vadd.f32 v62, v5;
	v10 =	vld [tilespmem:s15+$0xC260];
	v17 =	vsub.f32 v29, v55;
	v5 =	vmul.f32 v18, v18  }
0xbb: {  	v11 =	vadd.f32 v4, v9;
	v16 =	vadd.f32 v18, v13;
	v4 =	vmul.f32 s2, v23  }
0xbc: {  	v8 =	vsub.f32 v30, v56;
	v9 =	vmul.f32 s2, v17;
	v13 =	vadd.f32 v5, v15  }
0xbd: {  	[tilespmem:s15+$0x14220] =	vst v17;
	v5 =	vmul.f32 v4, v4;
	v14 =	vadd.f32 v4, v14;
	v4 =	vsub.f32 v58, v59  }
0xbe: {  	v18 =	vsub.f32 v61, v19;
	[tilespmem:s15+$0x14230] =	vst v8;
	v17 =	vmul.f32 s2, v8;
	v15 =	vmul.f32 v9, v9  }
0xbf: {  	s9 =	sadd.s32 $0x1, s9;
	v8 =	vadd.f32 v5, v2;
	[tilespmem:s15+$0x14240] =	vst v4;
	v2 =	vmul.f32 s2, v4;
	v4 =	vsub.f32 v31, v10  }
0xc0: {  	p0 =	sne.s32 s9, $0x29;
	[tilespmem:s15+$0x14250] =	vst v18;
	v18 =	vmul.f32 s2, v18;
	v10 =	vadd.f32 v9, v20;
	v5 =	vmul.f32 v17, v17  }
.Ltmp2:
0xc1: {  	v6 =	vadd.f32 v15, v6;
	v15 =	vmul.f32 v2, v2;
	v19 =	vmul.f32 s2, v4;
	(pc) =	sbr.rel @p0 .LBB2_2-.Ltmp2, $4  }
0xc2: {  	v9 =	vadd.f32 v17, v7;
	v17 =	vmul.f32 v18, v18;
	[tilespmem:s15+$0x14260] =	vst v4;
	v4 =	vadd.f32 v5, v60  }
0xc3: {  	s10 =	sshll.u32 s10, $0x4;
	v7 =	vadd.f32 v2, v21;
	v2 =	vadd.f32 v15, v3;
	v15 =	vmul.f32 v19, v19  }
0xc4: {  	s21 =	sadd.s32 $0x100, s21;
	s17 =	sadd.s32 $0x100, s17;
	s19 =	sadd.s32 s8, s10;
	[tilespmem:s15+$0x14210] =	vst v23;
	v5 =	vadd.f32 v18, v0;
	v1 =	vadd.f32 v17, v1  }
0xc5: {  	[hbm4b:s19+s1] =	stream.linear.scatter [tilespmem:s30], [sflag:$0x4], $0x4000, $0x38;
	v3 =	vadd.f32 v19, v63;
	v0 =	vadd.f32 v15, v28;
	[tilespmem:$0x18300] =	vst v63  }
0xc6: {  	_ =	swait.ge [sflag:s31], $0x4000  }
0xc7: {  	[sflag:s31] =	ssyncset.done $0x0  }
0xc8: {  	[sflag:s31] =	ssyncadd.s32 $0xFFFFC000  }
0xc9: {  	_ =	swait.ge [sflag:s0], $0x4000  }
0xca: {  	[sflag:s0] =	ssyncset.done $0x0  }
0xcb: {  	[sflag:s0] =	ssyncadd.s32 $0xFFFFC000  }
0xcc: {  	[tilespmem:$0x18200] =	vst v16  }
0xcd: {  	[tilespmem:$0x18280] =	vst v13  }
0xce: {  	[tilespmem:$0x18210] =	vst v14  }
0xcf: {  	[tilespmem:$0x18290] =	vst v8  }
0xd0: {  	[tilespmem:$0x18220] =	vst v10  }
0xd1: {  	[tilespmem:$0x182A0] =	vst v6  }
0xd2: {  	[tilespmem:$0x18230] =	vst v9  }
0xd3: {  	[tilespmem:$0x182B0] =	vst v4  }
0xd4: {  	[tilespmem:$0x18240] =	vst v7  }
0xd5: {  	[tilespmem:$0x182C0] =	vst v2  }
0xd6: {  	[tilespmem:$0x18250] =	vst v5  }
0xd7: {  	[tilespmem:$0x182D0] =	vst v1  }
0xd8: {  	[tilespmem:$0x18260] =	vst v3  }
0xd9: {  	[tilespmem:$0x182E0] =	vst v0  }
0xda: {  	[tilespmem:$0x18270] =	vst v12  }
0xdb: {  	s9 =	simm.s32 $0x18200;
	s2 =	rddreg [dreg:$0x4];
	[tilespmem:$0x182F0] =	vst v11  }
0xdc: {  	[hbm4b:s2+s1] =	stream.linear.scatter [tilespmem:s9], [sflag:$0x5], $0x80, $0x38;
	[tilespmem:$0x18300] =	vst v63  }
0xdd: {  	_ =	swait.ge [sflag:s18], $0x80  }
0xde: {  	[sflag:s18] =	ssyncset.done $0x0  }
0xdf: {  	s19 =	simm.s32 $0x18280;
	s17 =	rddreg [dreg:$0x5];
	[sflag:s18] =	ssyncadd.s32 $0xFFFFFF80  }
0xe0: {  	[hbm4b:s17+s1] =	stream.linear.scatter [tilespmem:s19], [sflag:$0x5], $0x80, $0x38;
	[tilespmem:$0x18300] =	vst v63  }
0xe1: {  	_ =	swait.ge [sflag:s18], $0x80  }
0xe2: {  	s22 =	sadd.s32 $0x1, s22;
	s21 =	rddreg [dreg:$0x6]  }
0xe3: {  	p0 =	sne.s32 s22, s21  }
.Ltmp3:
0xe4: {  	_ = 	snop;
	(pc) =	sbr.rel @p0 .LBB2_1-.Ltmp3, $3  }
0xe5: {  	_ =	sdelay $0x1  }
0xe6: {  	[sflag:s18] =	ssyncset.done $0x0  }
0xe7: {  	[sflag:s18] =	ssyncadd.s32 $0xFFFFFF80  }
0xe8: {  	_ =	sfence.sel $0x180000  }
0xe9: {  	[bflag:$0x0] =	sbarrier.arrive $0xFFFF  }
0xea: {  	_ =	strace $0x90000047  }
0xeb: {  	s0 =	stileid.u32;
	[bflag:$0x2] =	sbarrier.arrive $0xFFFF  }
0xec: {  	p0 =	sne.s32 s0, $0x0;
	s0 =	rddreg [dreg:$0x1]  }
0xed: {  	s0 =	sadd.s32 @!p0 $0x100000, s0  }
0xee: {  	[sflag:s0] =	ssyncadd.tile.s32 @!p0 $0x1;
	_ =	shalt  }
.Lfunc_end2:
_tile_overlayer_lowered:
.L_overlay_start_2:
0xef: {  	(tag) =	ssettag $0x2  }
0xf0: {  	s0 =	rddreg [dreg:$0x0];
	s2 =	stileid.u32  }
0xf1: {  	s1 =	rddreg [dreg:$0x1];
	p0 =	sne.s32 s2, $0x0  }
0xf2: {  	s3 =	rddreg [dreg:$0x2];
	[bflag:$0x3] =	sbarrier.arrive $0xFFFF;
	s2 =	simm.s32 @!p0 $0x1C05  }
0xf3: {  	[timem:s3], [sflag:s2] =	dma.local @!p0 [hbm:s0], s1  }
0xf4: {  	s0 =	simm.s32 @!p0 $0x5  }
0xf5: {  	_ =	swait.ge @!p0 [sflag:s0], s1  }
0xf6: {  	s1 =	ssub.s32 @!p0 $0x0, s1;
	[sflag:s0] =	ssyncset.done @!p0 $0x0  }
0xf7: {  	[sflag:s0] =	ssyncadd.s32 @!p0 s1  }
0xf8: {  	[bflag:$0x3] =	sbarrier.arrive $0xFFFF  }
0xf9: {  	_ =	shalt  }

// kernel: kernel.15.cloned.1.call-start
scs
__scs_entry_jumppad:
0x0: {  	(pc) =	sbr.rel $0x88, $3  }
0x1: {  	(tag) =	ssettag $0x0;
	lr =	simm.s32 $0x1  }
0x2: {  	[smem:$0x3F8F] =	sst lr;
	_ =	strace $0xD0000000  }
0x3: {  	_ = 	snop  }
0x4: {  	_ = 	snop  }
0x5: {  	_ = 	snop  }
0x6: {  	_ = 	snop  }
0x7: {  	_ = 	snop  }
__scs_overlays_trampoline_lowered:
0x8: {  	[smem:$0x3F9E] =	sst s0  }
0x9: {  	[smem:$0x3F9F] =	sst s1  }
0xa: {  	[smem:$0x3FA0] =	sst s2  }
0xb: {  	[smem:$0x3FA1] =	sst s3  }
0xc: {  	[smem:$0x3FA2] =	sst s4  }
0xd: {  	[smem:$0x3FA3] =	sst s5  }
0xe: {  	[smem:$0x3FA4] =	sst s6  }
0xf: {  	[smem:$0x3FA5] =	sst s7  }
0x10: {  	[smem:$0x3FA6] =	sst s8  }
0x11: {  	[smem:$0x3FA7] =	sst s9;
	s0 =	simm.s32 @!p0 $0x0  }
0x12: {  	s1 =	sld [smem:$0x3F8D];
	s0 =	simm.s32 @p0 $0x1  }
0x13: {  	[smem:$0x3FA8] =	sst s0;
	s0 =	simm.s32 @!p1 $0x0  }
0x14: {  	s2 =	sld [smem:$0x3F8C];
	s0 =	simm.s32 @p1 $0x1  }
0x15: {  	[smem:$0x3FA9] =	sst s0;
	s0 =	simm.s32 @!p2 $0x0  }
0x16: {  	s3 =	sld [smem:$0x3FDB];
	s0 =	simm.s32 @p2 $0x1  }
0x17: {  	s4 =	simm.s32 $0x1BF5;
	[smem:$0x3FAB] =	sst s0  }
0x18: {  	s0 =	sld [smem:$0x3F8E];
	_ =	swait.ge [sflag:s4], $0x0  }
0x19: {  	s7 =	sld [smem:$0x3F8F]  }
0x1a: {  	s8 =	sadd.s32 $0xFFFFE003, lr  }
0x1b: {  	s9 =	sadd.s32 $0xFFFFFEF7, lr;
	s5 =	simm.s32 $0xFFFFFFFF;
	p2 =	slt.u32 s8, $0xFFFFF086  }
0x1c: {  	p1 =	slt.u32 s9, $0xF7A;
	s5 =	simm.s32 @!p2 $0x0  }
0x1d: {  	s5 =	simm.s32 @p1 $0x1;
	p0 =	seq.s32 s7, s2  }
0x1e: {  	s7 =	smul.u32 @!p0 $0xF7A, s2;
	p2 =	seq.s32 @!p0 s5, $0x0  }
0x1f: {  	s9 =	smul.u32 $0xF7A, s1;
	s8 =	simm.s32 @!p0 $0x1BF5;
	p2 =	por !p2, p0  }
0x20: {  	[sflag:s8] =	ssyncset.s32 @!p0 $0xFFFFF086;
	s6 =	sadd.s32 @!p0 s3, s7;
	s7 =	simm.s32 @!p0 $0x108  }
0x21: {  	s3 =	sadd.s32 s3, s9;
	s6 =	sadd.s32 @!p0 $0x88, s6;
	s7 =	simm.s32 @p2 $0x1082  }
0x22: {  	[simem:s7], [sflag:s8] =	dma.local @!p0 [hbm:s6], $0xF7A  }
0x23: {  	s9 =	sor.u32 $0xD0000000, s2;
	s6 =	simm.s32 $0x108;
	_ =	swait.ge @!p0 [sflag:s8], $0x0  }
0x24: {  	s3 =	sadd.s32 $0x88, s3;
	s6 =	simm.s32 @!p1 $0x1082;
	[sflag:s4] =	ssyncset.s32 $0xFFFFF086  }
0x25: {  	[simem:s6], [sflag:s4] =	dma.local [hbm:s3], $0xF7A  }
0x26: {  	[smem:$0x3F8F] =	sst s1;
	(tag) =	ssettag s2;
	_ =	strace s9  }
0x27: {  	s1 =	sld [smem:$0x3F9F]  }
0x28: {  	s2 =	sld [smem:$0x3FA0]  }
0x29: {  	s4 =	sld [smem:$0x3FA2]  }
0x2a: {  	p0 =	seq.s32 s5, $0x0;
	s5 =	sld [smem:$0x3FA3]  }
0x2b: {  	s6 =	sld [smem:$0x3FA4]  }
0x2c: {  	s7 =	sld [smem:$0x3FA5]  }
0x2d: {  	s3 =	simm.s32 $0x108;
	s8 =	sld [smem:$0x3FA6]  }
0x2e: {  	s3 =	simm.s32 @!p0 $0x1082;
	s9 =	sld [smem:$0x3FA7]  }
0x2f: {  	lr =	sadd.s32 s0, s3;
	s0 =	sld [smem:$0x3F9E]  }
0x30: {  	s3 =	sld [smem:$0x3FA1]  }
0x31: {  	[smem:$0x3FAA] =	sst s10  }
0x32: {  	s10 =	sld [smem:$0x3FA8];
	_ =	sdelay $0x3  }
0x33: {  	p0 =	seq.s32 s10, $0x1;
	s10 =	sld [smem:$0x3FAA];
	_ =	sdelay $0x3  }
0x34: {  	[smem:$0x3FAA] =	sst s10  }
0x35: {  	s10 =	sld [smem:$0x3FA9];
	_ =	sdelay $0x3  }
0x36: {  	p1 =	seq.s32 s10, $0x1;
	s10 =	sld [smem:$0x3FAA];
	_ =	sdelay $0x3  }
0x37: {  	[smem:$0x3FAA] =	sst s10  }
0x38: {  	s10 =	sld [smem:$0x3FAB]  }
0x39: {  	_ = 	snop;
	(pc) =	sbr.ind lr, $3  }
0x3a: {  	_ = 	snop  }
0x3b: {  	_ = 	snop  }
0x3c: {  	p2 =	seq.s32 s10, $0x1;
	s10 =	sld [smem:$0x3FAA]  }
0x3d: {  	_ =	shalt  }
0x3e: {  	_ =	shalt  }
0x3f: {  	_ =	shalt  }
0x40: {  	_ =	shalt  }
0x41: {  	_ =	shalt  }
0x42: {  	_ =	shalt  }
0x43: {  	_ =	shalt  }
0x44: {  	_ =	shalt  }
0x45: {  	_ =	shalt  }
0x46: {  	_ =	shalt  }
0x47: {  	_ =	shalt  }
0x48: {  	_ =	shalt  }
0x49: {  	_ =	shalt  }
0x4a: {  	_ =	shalt  }
0x4b: {  	_ =	shalt  }
0x4c: {  	_ =	shalt  }
0x4d: {  	_ =	shalt  }
0x4e: {  	_ =	shalt  }
0x4f: {  	_ =	shalt  }
0x50: {  	_ =	shalt  }
0x51: {  	_ =	shalt  }
0x52: {  	_ =	shalt  }
0x53: {  	_ =	shalt  }
0x54: {  	_ =	shalt  }
0x55: {  	_ =	shalt  }
0x56: {  	_ =	shalt  }
0x57: {  	_ =	shalt  }
0x58: {  	_ =	shalt  }
0x59: {  	_ =	shalt  }
0x5a: {  	_ =	shalt  }
0x5b: {  	_ =	shalt  }
0x5c: {  	_ =	shalt  }
0x5d: {  	_ =	shalt  }
0x5e: {  	_ =	shalt  }
0x5f: {  	_ =	shalt  }
0x60: {  	_ =	shalt  }
0x61: {  	_ =	shalt  }
0x62: {  	_ =	shalt  }
0x63: {  	_ =	shalt  }
0x64: {  	_ =	shalt  }
0x65: {  	_ =	shalt  }
0x66: {  	_ =	shalt  }
0x67: {  	_ =	shalt  }
0x68: {  	_ =	shalt  }
0x69: {  	_ =	shalt  }
0x6a: {  	_ =	shalt  }
0x6b: {  	_ =	shalt  }
0x6c: {  	_ =	shalt  }
0x6d: {  	_ =	shalt  }
0x6e: {  	_ =	shalt  }
0x6f: {  	_ =	shalt  }
0x70: {  	_ =	shalt  }
0x71: {  	_ =	shalt  }
0x72: {  	_ =	shalt  }
0x73: {  	_ =	shalt  }
0x74: {  	_ =	shalt  }
0x75: {  	_ =	shalt  }
0x76: {  	_ =	shalt  }
0x77: {  	_ =	shalt  }
0x78: {  	_ =	shalt  }
0x79: {  	_ =	shalt  }
0x7a: {  	_ =	shalt  }
0x7b: {  	_ =	shalt  }
0x7c: {  	_ =	shalt  }
0x7d: {  	_ =	shalt  }
0x7e: {  	_ =	shalt  }
0x7f: {  	_ =	shalt  }
0x80: {  	_ =	shalt  }
0x81: {  	_ =	shalt  }
0x82: {  	_ =	shalt  }
0x83: {  	_ =	shalt  }
0x84: {  	_ =	shalt  }
0x85: {  	_ =	shalt  }
0x86: {  	_ =	shalt  }
0x87: {  	_ =	shalt  }
.Lfunc_end0:
.L_simem_size_0:
called_computation.2_lowered:
.L_overlay_start_0:
0x88: {  	s2 =	sld [smem:$0x3FD9]  }
0x89: {  	s3 =	sld [smem:$0x3FFE];
	_ =	sdelay $0x1  }
0x8a: {  	s1 =	srdreg.scid  }
0x8b: {  	s0 =	sand.u32 $0x1, s1  }
0x8c: {  	s16 =	sshll.u32 s0, $0xA;
	s2 =	sadd.s32 s3, s2  }
0x8d: {  	s2 =	sadd.s32 s2, s16  }
0x8e: {  	[smem:$0x3FB6] =	sst s2  }
0x8f: {  	_ = 	snop  }
0x90: {  	(tm) =	ssettm $0x1  }
0x91: {  	s17 =	sld [smem:$0x3FFB];
	_ =	sdelay $0x3  }
0x92: {  	_ =	strace s17  }
0x93: {  	s2 =	sld [smem:$0x3FFC];
	_ =	sdelay $0x3  }
0x94: {  	_ =	strace s2  }
0x95: {  	s2 =	sld [smem:$0x3FFD];
	_ =	sdelay $0x3  }
0x96: {  	_ =	strace s2  }
0x97: {  	_ =	strace $0x8FFFFFFF  }
0x98: {  	s18 =	sld [smem:$0x3FDB];
	_ =	sdelay $0x1  }
0x99: {  	s19 =	simm.s32 $_scs_section_size  }
0x9a: {  	s4 =	simm.s32 $_size__tile_overlayer_lowered;
	s5 =	simm.s32 $_tile_overlayer_lowered  }
0x9b: {  	s22 =	simm.s32 $0x1BFF;
	s21 =	sshll.u32 s5, $0x1;
	s2 =	sadd.s32 s19, s18  }
0x9c: {  	s6 =	simm.s32 $0x0;
	s20 =	sshll.u32 s4, $0x1;
	s4 =	sadd.s32 s21, s2  }
0x9d: {  	[timem:s6], [sflag:s22] =	dma.local [hbm:s4], s20  }
0x9e: {  	_ =	swait.ge [sflag:s22], s20  }
0x9f: {  	s3 =	ssub.s32 $0x0, s20;
	[sflag:s22] =	ssyncset.done $0x0  }
0xa0: {  	[sflag:s22] =	ssyncadd.s32 s3;
	_ =	sdelay $0x1  }
0xa1: {  	s23 =	simm.s32 $0x1B8B  }
0xa2: {  	_ =	swait.ge [sflag:s23], $0x1  }
0xa3: {  	[sflag:s23] =	ssyncset.done $0x0  }
0xa4: {  	s25 =	simm.s32 $0x1B8E;
	s24 =	sld [smem:$0x3FFE];
	[sflag:s23] =	ssyncadd.s32 $0xFFFFFFFF  }
0xa5: {  	s26 =	simm.s32 $execute0_lowered;
	[smem:$0x3FD2] =	sst s25  }
0xa6: {  	s4 =	sshll.u32 s26, $0x1;
	_ =	strace $0x8000004C;
	[dreg:$0x1] =	wrdreg $0xFFFFFFFF  }
0xa7: {  	s28 =	simm.s32 $_size_execute0_lowered;
	s2 =	sadd.s32 s2, s4;
	[dreg:$0x0] =	wrdreg $0x0  }
0xa8: {  	s4 =	sshll.u32 s28, $0x1;
	[dreg:$0x2] =	wrdreg s2  }
0xa9: {  	[dreg:$0x3] =	wrdreg s4  }
0xaa: {  	[dreg:$0x4] =	wrdreg $0xC0  }
0xab: {  	_ =	task [dreg:s6], $0x5FFFF  }
0xac: {  	[dreg:$0x1] =	wrdreg $0xFFFFFFFF  }
0xad: {  	[dreg:$0x0] =	wrdreg $0x60  }
0xae: {  	[dreg:$0x2] =	wrdreg s24  }
0xaf: {  	[dreg:$0x3] =	wrdreg $0xA1800  }
0xb0: {  	[dreg:$0x4] =	wrdreg $0x9  }
0xb1: {  	_ =	task.clear_ibuf [dreg:s6], $0x5FFFF;
	_ =	strace $0x9000004C  }
0xb2: {  	s29 =	simm.s32 $0x9;
	_ =	strace $0x8000004E  }
0xb3: {  	_ =	swait.ge [sflag:s29], $0x1  }
0xb4: {  	[sflag:s29] =	ssyncadd.s32 $0xFFFFFFFF  }
0xb5: {  	_ =	strace $0x9000004E  }
0xb6: {  	_ =	sfence  }
0xb7: {  	s30 =	sld [smem:$0x0];
	_ =	sdelay $0x2  }
0xb8: {  	s31 =	sshll.u32 s1, $0xD;
	s1 =	sshrl.u32 s1, $0x2  }
0xb9: {  	s3 =	sand.u32 $0x4000, s31;
	s1 =	sadd.s32 s1, s30  }
0xba: {  	s0 =	sor.u32 s3, s0;
	s1 =	sshll.u32 s1, $0x11  }
0xbb: {  	s0 =	sor.u32 s1, s0  }
0xbc: {  	s0 =	sadd.s32 $0x8F2B, s0  }
0xbd: {  	[sflag:s0] =	ssyncadd.remote.s32 $0x1  }
0xbe: {  	_ =	sfence.sel $0xFFFF  }
0xbf: {  	[dreg:$0x0] =	wrdreg $0xFFFFFFFF;
	(pc) =	sbr.abs _section_cstart, $3  }
0xc0: {  	[dreg:$0x1] =	wrdreg $0xFFFFFFFF  }
0xc1: {  	_ =	task.clear_ibuf [dreg:s6], $0x2FFFF;
	_ =	strace $0x9FFFFFFF  }
0xc2: {  	(tm) =	ssettm $0x7FFFFFFF  }
0xc3: {  	_ =	shalt  }
tec
execute0_lowered:
.L_overlay_start_1:
0x0: {  	(tag) =	ssettag $0x1  }
0x1: {  	s0 =	rddreg [dreg:$0x0];
	s1 =	srdreg.scid  }
0x2: {  	s2 =	rddreg [dreg:$0x1];
	s10 =	stileid.u32;
	s4 =	simm.s32 $0x0  }
0x3: {  	s28 =	simm.s32 $0x100;
	s29 =	simm.s32 $0x3;
	s5 =	smul.u32 $0x14000, s10  }
0x4: {  	s30 =	simm.s32 $0x0;
	s1 =	sand.u32 $0x1, s1;
	s6 =	smul.u32 $0x50000, s10  }
0x5: {  	[smem:$0x7FF] =	sst s4;
	s4 =	sadd.s32 $0xE600, s0;
	s17 =	smul.u32 $0x4F00, s10  }
0x6: {  	s7 =	sadd.s32 $0x4800, s0;
	s9 =	sshll.u32 s10, $0x1;
	s3 =	smul.u32 $0x140000, s1  }
0x7: {  	_ =	strace $0x8000004D;
	s20 =	ssub.s32 $0x2, s1;
	s21 =	sor.u32 s1, s9  }
0x8: {  	s1 =	smul.u32 $0x2780, s1;
	s8 =	sshrl.u32 s20, $0x1;
	s6 =	sshrl.u32 s6, $0x2  }
0x9: {  	s15 =	smul.u32 $0x2780, s21;
	s3 =	sadd.s32 s5, s3;
	s5 =	sadd.s32 $0x548800, s0  }
0xa: {  	s6 =	sadd.s32 s6, s2;
	s1 =	sadd.s32 s1, s17;
	s3 =	sshrl.u32 s3, $0x3  }
0xb: {  	s22 =	sadd.s32 $0x2000, s6;
	s23 =	sadd.s32 $0x4000, s6;
	s24 =	sadd.s32 $0x6000, s6  }
0xc: {  	s25 =	sadd.s32 $0x8000, s6;
	s26 =	sadd.s32 $0xA000, s6;
	[dreg:$0x3] =	wrdreg s22  }
0xd: {  	s12 =	sadd.s32 $0xC000, s6;
	s13 =	sadd.s32 $0xE000, s6;
	[dreg:$0x4] =	wrdreg s23  }
0xe: {  	s14 =	sadd.s32 $0x10000, s6;
	s18 =	sshrl.u32 s15, $0x3;
	[dreg:$0x5] =	wrdreg s24  }
0xf: {  	s15 =	sadd.s32 $0x12000, s6;
	s21 =	sadd.s32 $0x80, s1;
	[dreg:$0x6] =	wrdreg s25  }
0x10: {  	s0 =	sadd.s32 s3, s0;
	s3 =	ssub.s32 s20, s8;
	[dreg:$0x7] =	wrdreg s26  }
0x11: {  	s16 =	sadd.s32 s5, s18;
	s31 =	sadd.s32 s7, s18;
	s20 =	sshrl.u32 s1, $0x3  }
0x12: {  	s22 =	simm.s32 $0x8180;
	s23 =	simm.s32 $0x2;
	s24 =	simm.s32 $0x80  }
0x13: {  	s25 =	simm.s32 $0x180;
	s26 =	simm.s32 $0x1;
	s17 =	sadd.s32 $0x36600, s0  }
0x14: {  	v0 =	vimm.f32 $0.0e+00;
	s18 =	smax.u32 s3, $0x1;
	s19 =	sadd.s32 $0x4E0, s31;
	s20 =	sadd.s32 s20, s7  }
.LBB2_1:
0x15: {  	s0 =	simm.s32 $0x0;
	s1 =	simm.s32 $0x200  }
.LBB2_2:
0x16: {  	p0 =	sne.s32 s1, $0x7E00;
	[tilespmem:s0+$0x81F0] =	vst v0  }
0x17: {  	[tilespmem:s0+$0x8180] =	vst v0  }
0x18: {  	[tilespmem:s0+$0x8190] =	vst v0  }
.Ltmp0:
0x19: {  	[tilespmem:s0+$0x81A0] =	vst v0;
	(pc) =	sbr.rel @p0 .LBB2_2-.Ltmp0, $4  }
0x1a: {  	[tilespmem:s0+$0x81B0] =	vst v0  }
0x1b: {  	[tilespmem:s0+$0x81C0] =	vst v0  }
0x1c: {  	[tilespmem:s0+$0x81D0] =	vst v0  }
0x1d: {  	[tilespmem:s0+$0x81E0] =	vst v0;
	s0 =	sshra.s32 s1, $0x2;
	s1 =	sadd.s32 $0x200, s1  }
0x1e: {  	[tilespmem:s0+$0x81F0] =	vst v0  }
0x1f: {  	[tilespmem:s0+$0x8180] =	vst v0  }
0x20: {  	[tilespmem:s0+$0x8190] =	vst v0  }
0x21: {  	[tilespmem:s0+$0x81A0] =	vst v0  }
0x22: {  	[tilespmem:s0+$0x81B0] =	vst v0  }
0x23: {  	[tilespmem:s0+$0x81C0] =	vst v0  }
0x24: {  	[tilespmem:s0+$0x81D0] =	vst v0  }
0x25: {  	[tilespmem:s0+$0x81E0] =	vst v0  }
0x26: {  	[spmem:s6] =	stream.linear.scatter [tilespmem:s22], [sflag:$0x2], $0x2000, $0x38;
	[tilespmem:$0x1E180] =	vst v63  }
0x27: {  	_ =	swait.ge [sflag:s23], $0x2000  }
0x28: {  	[sflag:s23] =	ssyncset.done $0x0  }
0x29: {  	s3 =	rddreg [dreg:$0x3];
	[sflag:s23] =	ssyncadd.s32 $0xFFFFE000  }
0x2a: {  	[spmem:s3] =	stream.linear.scatter [tilespmem:s22], [sflag:$0x2], $0x2000, $0x38;
	[tilespmem:$0x1E180] =	vst v63  }
0x2b: {  	_ =	swait.ge [sflag:s23], $0x2000  }
0x2c: {  	[sflag:s23] =	ssyncset.done $0x0  }
0x2d: {  	s7 =	rddreg [dreg:$0x4];
	[sflag:s23] =	ssyncadd.s32 $0xFFFFE000  }
0x2e: {  	[spmem:s7] =	stream.linear.scatter [tilespmem:s22], [sflag:$0x2], $0x2000, $0x38;
	[tilespmem:$0x1E180] =	vst v63  }
0x2f: {  	_ =	swait.ge [sflag:s23], $0x2000  }
0x30: {  	[sflag:s23] =	ssyncset.done $0x0  }
0x31: {  	s8 =	rddreg [dreg:$0x5];
	[sflag:s23] =	ssyncadd.s32 $0xFFFFE000  }
0x32: {  	[spmem:s8] =	stream.linear.scatter [tilespmem:s22], [sflag:$0x2], $0x2000, $0x38;
	[tilespmem:$0x1E180] =	vst v63  }
0x33: {  	_ =	swait.ge [sflag:s23], $0x2000  }
0x34: {  	[sflag:s23] =	ssyncset.done $0x0  }
0x35: {  	s9 =	rddreg [dreg:$0x6];
	[sflag:s23] =	ssyncadd.s32 $0xFFFFE000  }
0x36: {  	[spmem:s9] =	stream.linear.scatter [tilespmem:s22], [sflag:$0x2], $0x2000, $0x38;
	[tilespmem:$0x1E180] =	vst v63  }
0x37: {  	_ =	swait.ge [sflag:s23], $0x2000  }
0x38: {  	[sflag:s23] =	ssyncset.done $0x0  }
0x39: {  	s10 =	rddreg [dreg:$0x7];
	[sflag:s23] =	ssyncadd.s32 $0xFFFFE000  }
0x3a: {  	[spmem:s10] =	stream.linear.scatter [tilespmem:s22], [sflag:$0x2], $0x2000, $0x38;
	[tilespmem:$0x1E180] =	vst v63  }
0x3b: {  	_ =	swait.ge [sflag:s23], $0x2000  }
0x3c: {  	[sflag:s23] =	ssyncset.done $0x0  }
0x3d: {  	[sflag:s23] =	ssyncadd.s32 $0xFFFFE000  }
0x3e: {  	[spmem:s12] =	stream.linear.scatter [tilespmem:s22], [sflag:$0x2], $0x2000, $0x38;
	[tilespmem:$0x1E180] =	vst v63  }
0x3f: {  	_ =	swait.ge [sflag:s23], $0x2000  }
0x40: {  	[sflag:s23] =	ssyncset.done $0x0  }
0x41: {  	[sflag:s23] =	ssyncadd.s32 $0xFFFFE000  }
0x42: {  	[spmem:s13] =	stream.linear.scatter [tilespmem:s22], [sflag:$0x2], $0x2000, $0x38;
	[tilespmem:$0x1E180] =	vst v63  }
0x43: {  	_ =	swait.ge [sflag:s23], $0x2000  }
0x44: {  	[sflag:s23] =	ssyncset.done $0x0  }
0x45: {  	[sflag:s23] =	ssyncadd.s32 $0xFFFFE000  }
0x46: {  	[spmem:s14] =	stream.linear.scatter [tilespmem:s22], [sflag:$0x2], $0x2000, $0x38;
	[tilespmem:$0x1E180] =	vst v63  }
0x47: {  	_ =	swait.ge [sflag:s23], $0x2000  }
0x48: {  	[sflag:s23] =	ssyncset.done $0x0  }
0x49: {  	[sflag:s23] =	ssyncadd.s32 $0xFFFFE000  }
0x4a: {  	[spmem:s15] =	stream.linear.scatter [tilespmem:s22], [sflag:$0x2], $0x2000, $0x38;
	[tilespmem:$0x1E180] =	vst v63  }
0x4b: {  	_ =	swait.ge [sflag:s23], $0x2000  }
0x4c: {  	[sflag:s23] =	ssyncset.done $0x0  }
0x4d: {  	[sflag:s23] =	ssyncadd.s32 $0xFFFFE000  }
0x4e: {  	s11 =	simm.s32 $0x0;
	[bflag:$0x0] =	sbarrier.arrive $0xFFFF  }
0x4f: {  	[tilespmem:s11], [sflag:$0x2] =	stream.linear.gather [hbm4b:s16+s11], $0x80, $0x38;
	[tilespmem:$0x1E180] =	vst v63  }
0x50: {  	_ =	swait.ge [sflag:s23], $0x80  }
0x51: {  	[sflag:s23] =	ssyncset.done $0x0  }
0x52: {  	s0 =	sand.u32 $0x1, s11;
	[sflag:s23] =	ssyncadd.s32 $0xFFFFFF80  }
0x53: {  	[tilespmem:s25], [sflag:$0x1] =	stream.indirect.gather [hbm4b:s4+s24], $0x80, s11, s24, $0xb8;
	[tilespmem:$0x1E180] =	vst v63  }
0x54: {  	p0 =	seq.s32 s0, $0x1;
	_ =	swait.ge [sflag:s26], $0x4000  }
0x55: {  	s0 =	sshrl.u32 @p0 s21, $0x3;
	s1 =	simm.s32 @p0 $0x3;
	[sflag:s26] =	ssyncset.done $0x0  }
0x56: {  	s0 =	sadd.s32 @p0 s5, s0;
	s3 =	simm.s32 @p0 $0x0;
	[sflag:s26] =	ssyncadd.s32 $0xFFFFC000  }
0x57: {  	[tilespmem:s3], [sflag:$0x3] =	stream.linear.gather @p0 [hbm4b:s0+s3], $0x80, $0x38;
	[tilespmem:$0x1E180] =	vst v63  }
0x58: {  	_ =	swait.ge @p0 [sflag:s1], $0x80  }
0x59: {  	[sflag:s1] =	ssyncset.done @p0 $0x0  }
0x5a: {  	s7 =	simm.s32 @p0 $0x180;
	s0 =	simm.s32 @p0 $0x80;
	[sflag:s1] =	ssyncadd.s32 @p0 $0xFFFFFF80  }
0x5b: {  	[tilespmem:s7], [sflag:$0x1] =	stream.indirect.gather @p0 [hbm4b:s4+s0], $0x80, s3, s0, $0xb8;
	[tilespmem:$0x1E180] =	vst v63  }
0x5c: {  	s7 =	simm.s32 @p0 $0x100  }
0x5d: {  	[tilespmem:s7], [sflag:$0x3] =	stream.linear.gather @p0 [hbm4b:s20+s3], $0x80, $0x38;
	[tilespmem:$0x1E180] =	vst v63  }
0x5e: {  	_ =	swait.ge @p0 [sflag:s1], $0x80  }
0x5f: {  	s3 =	sshrl.u32 @!p0 s21, $0x3;
	[sflag:s1] =	ssyncset.done @p0 $0x0  }
0x60: {  	s3 =	sadd.s32 @!p0 s5, s3;
	[sflag:s1] =	ssyncadd.s32 @p0 $0xFFFFFF80;
	s1 =	simm.s32 @p0 $0x4180  }
0x61: {  	[spmem:s2] =	stream.indirect.scatter.add.f32 @p0 [tilespmem:s1], [sflag:$0x2], $0x80, s7, s0, $0xb8;
	[tilespmem:$0x1E180] =	vst v63  }
0x62: {  	s0 =	simm.s32 @!p0 $0x0;
	s1 =	simm.s32 @!p0 $0x80;
	s7 =	simm.s32 @!p0 $0x3  }
0x63: {  	[tilespmem:s1], [sflag:$0x3] =	stream.linear.gather @!p0 [hbm4b:s3+s0], $0x80, $0x38;
	[tilespmem:$0x1E180] =	vst v63  }
0x64: {  	_ =	swait.ge @!p0 [sflag:s7], $0x80  }
0x65: {  	[sflag:s7] =	ssyncset.done @!p0 $0x0  }
0x66: {  	s3 =	simm.s32 @!p0 $0x4180;
	[sflag:s7] =	ssyncadd.s32 @!p0 $0xFFFFFF80  }
0x67: {  	[tilespmem:s3], [sflag:$0x1] =	stream.indirect.gather @!p0 [hbm4b:s4+s1], $0x80, s1, s1, $0xb8;
	[tilespmem:$0x1E180] =	vst v63  }
0x68: {  	s3 =	simm.s32 @!p0 $0x100  }
0x69: {  	[tilespmem:s3], [sflag:$0x3] =	stream.linear.gather @!p0 [hbm4b:s20+s0], $0x80, $0x38;
	[tilespmem:$0x1E180] =	vst v63  }
0x6a: {  	_ =	swait.ge @!p0 [sflag:s7], $0x80  }
0x6b: {  	[sflag:s7] =	ssyncset.done @!p0 $0x0  }
0x6c: {  	s0 =	simm.s32 @!p0 $0x180;
	[sflag:s7] =	ssyncadd.s32 @!p0 $0xFFFFFF80;
	s7 =	simm.s32 @p0 $0x2  }
0x6d: {  	[spmem:s2] =	stream.indirect.scatter.add.f32 @!p0 [tilespmem:s0], [sflag:$0x3], $0x80, s3, s1, $0xb8;
	[tilespmem:$0x1E180] =	vst v63  }
0x6e: {  	s31 =	sadd.s32 $0x10, s20;
	s3 =	simm.s32 $0x1;
	_ =	swait.ge [sflag:s7], $0x4000  }
0x6f: {  	s1 =	simm.s32 $0x2;
	s0 =	sadd.s32 $0x80, s21;
	[sflag:s7] =	ssyncset.done $0x0  }
.LBB2_4:
0x70: {  	s8 =	sand.u32 $0x1, s3  }
0x71: {  	[sflag:s7] =	ssyncadd.s32 $0xFFFFC000;
	s3 =	smov.u32 s1;
	s1 =	sadd.s32 $0x1, s1  }
0x72: {  	p0 =	sne.s32 s1, $0x4E;
	p1 =	seq.s32 s8, $0x1;
	_ =	swait.ge [sflag:s26], $0x4000  }
0x73: {  	[sflag:s26] =	ssyncset.done $0x0;
	s7 =	sshrl.u32 @p1 s0, $0x3;
	s8 =	simm.s32 @p1 $0x3  }
0x74: {  	s9 =	simm.s32 @p1 $0x0;
	[sflag:s26] =	ssyncadd.s32 $0xFFFFC000;
	s7 =	sadd.s32 @p1 s5, s7  }
0x75: {  	[tilespmem:s9], [sflag:$0x3] =	stream.linear.gather @p1 [hbm4b:s7+s9], $0x80, $0x38;
	[tilespmem:$0x1E180] =	vst v63  }
0x76: {  	s7 =	sshrl.u32 @!p1 s0, $0x3;
	_ =	swait.ge @p1 [sflag:s8], $0x80  }
0x77: {  	s10 =	sadd.s32 @!p1 s5, s7;
	[sflag:s8] =	ssyncset.done @p1 $0x0  }
0x78: {  	s11 =	simm.s32 @p1 $0x180;
	s7 =	simm.s32 @p1 $0x80;
	[sflag:s8] =	ssyncadd.s32 @p1 $0xFFFFFF80  }
0x79: {  	[tilespmem:s11], [sflag:$0x1] =	stream.indirect.gather @p1 [hbm4b:s4+s7], $0x80, s9, s7, $0xb8;
	[tilespmem:$0x1E180] =	vst v63  }
0x7a: {  	s11 =	simm.s32 @p1 $0x100  }
0x7b: {  	[tilespmem:s11], [sflag:$0x3] =	stream.linear.gather @p1 [hbm4b:s31+s9], $0x80, $0x38;
	[tilespmem:$0x1E180] =	vst v63  }
0x7c: {  	_ =	swait.ge @p1 [sflag:s8], $0x80  }
0x7d: {  	[sflag:s8] =	ssyncset.done @p1 $0x0  }
0x7e: {  	[sflag:s8] =	ssyncadd.s32 @p1 $0xFFFFFF80;
	s8 =	simm.s32 @p1 $0x4180  }
0x7f: {  	[spmem:s2] =	stream.indirect.scatter.add.f32 @p1 [tilespmem:s8], [sflag:$0x2], $0x80, s11, s7, $0xb8;
	[tilespmem:$0x1E180] =	vst v63  }
0x80: {  	s9 =	simm.s32 @!p1 $0x80;
	s8 =	simm.s32 @!p1 $0x0;
	s7 =	simm.s32 @!p1 $0x3  }
0x81: {  	[tilespmem:s9], [sflag:$0x3] =	stream.linear.gather @!p1 [hbm4b:s10+s8], $0x80, $0x38;
	[tilespmem:$0x1E180] =	vst v63  }
0x82: {  	_ =	swait.ge @!p1 [sflag:s7], $0x80  }
0x83: {  	[sflag:s7] =	ssyncset.done @!p1 $0x0  }
0x84: {  	s10 =	simm.s32 @!p1 $0x4180;
	[sflag:s7] =	ssyncadd.s32 @!p1 $0xFFFFFF80  }
0x85: {  	[tilespmem:s10], [sflag:$0x1] =	stream.indirect.gather @!p1 [hbm4b:s4+s9], $0x80, s9, s9, $0xb8;
	[tilespmem:$0x1E180] =	vst v63  }
0x86: {  	s10 =	simm.s32 @!p1 $0x100  }
0x87: {  	[tilespmem:s10], [sflag:$0x3] =	stream.linear.gather @!p1 [hbm4b:s31+s8], $0x80, $0x38;
	[tilespmem:$0x1E180] =	vst v63  }
0x88: {  	_ =	swait.ge @!p1 [sflag:s7], $0x80  }
.Ltmp1:
0x89: {  	[sflag:s7] =	ssyncset.done @!p1 $0x0;
	(pc) =	sbr.rel @p0 .LBB2_4-.Ltmp1, $4  }
0x8a: {  	s8 =	simm.s32 @!p1 $0x180;
	[sflag:s7] =	ssyncadd.s32 @!p1 $0xFFFFFF80;
	s7 =	simm.s32 @p1 $0x2  }
0x8b: {  	[spmem:s2] =	stream.indirect.scatter.add.f32 @!p1 [tilespmem:s8], [sflag:$0x3], $0x80, s10, s9, $0xb8;
	[tilespmem:$0x1E180] =	vst v63  }
0x8c: {  	_ =	swait.ge [sflag:s7], $0x4000  }
0x8d: {  	s0 =	sadd.s32 $0x80, s0;
	s31 =	sadd.s32 $0x10, s31;
	[sflag:s7] =	ssyncset.done $0x0  }
0x8e: {  	s1 =	sand.u32 $0x1, s3;
	[sflag:s7] =	ssyncadd.s32 $0xFFFFC000  }
0x8f: {  	p0 =	seq.s32 s1, $0x1;
	_ =	swait.ge [sflag:s26], $0x4000  }
0x90: {  	[sflag:s26] =	ssyncset.done $0x0;
	s1 =	sshrl.u32 @p0 s0, $0x3;
	s3 =	simm.s32 @p0 $0x3  }
0x91: {  	s7 =	simm.s32 @p0 $0x0;
	[sflag:s26] =	ssyncadd.s32 $0xFFFFC000;
	s1 =	sadd.s32 @p0 s5, s1  }
0x92: {  	[tilespmem:s7], [sflag:$0x3] =	stream.linear.gather @p0 [hbm4b:s1+s7], $0x80, $0x38;
	[tilespmem:$0x1E180] =	vst v63  }
0x93: {  	_ =	swait.ge @p0 [sflag:s3], $0x80  }
0x94: {  	[sflag:s3] =	ssyncset.done @p0 $0x0  }
0x95: {  	s8 =	simm.s32 @p0 $0x180;
	s1 =	simm.s32 @p0 $0x80;
	[sflag:s3] =	ssyncadd.s32 @p0 $0xFFFFFF80  }
0x96: {  	[tilespmem:s8], [sflag:$0x1] =	stream.indirect.gather @p0 [hbm4b:s4+s1], $0x80, s7, s1, $0xb8;
	[tilespmem:$0x1E180] =	vst v63  }
0x97: {  	s8 =	simm.s32 @p0 $0x100  }
0x98: {  	[tilespmem:s8], [sflag:$0x3] =	stream.linear.gather @p0 [hbm4b:s31+s7], $0x80, $0x38;
	[tilespmem:$0x1E180] =	vst v63  }
0x99: {  	_ =	swait.ge @p0 [sflag:s3], $0x80  }
0x9a: {  	s0 =	sshrl.u32 @!p0 s0, $0x3;
	[sflag:s3] =	ssyncset.done @p0 $0x0  }
0x9b: {  	s0 =	sadd.s32 @!p0 s5, s0;
	[sflag:s3] =	ssyncadd.s32 @p0 $0xFFFFFF80;
	s3 =	simm.s32 @p0 $0x4180  }
0x9c: {  	[spmem:s2] =	stream.indirect.scatter.add.f32 @p0 [tilespmem:s3], [sflag:$0x2], $0x80, s8, s1, $0xb8;
	[tilespmem:$0x1E180] =	vst v63  }
0x9d: {  	s7 =	simm.s32 @!p0 $0x3;
	s1 =	simm.s32 @!p0 $0x0;
	s3 =	simm.s32 @!p0 $0x80  }
0x9e: {  	[tilespmem:s3], [sflag:$0x3] =	stream.linear.gather @!p0 [hbm4b:s0+s1], $0x80, $0x38;
	[tilespmem:$0x1E180] =	vst v63  }
0x9f: {  	_ =	swait.ge @!p0 [sflag:s7], $0x80  }
0xa0: {  	[sflag:s7] =	ssyncset.done @!p0 $0x0  }
0xa1: {  	s0 =	simm.s32 @!p0 $0x4180;
	[sflag:s7] =	ssyncadd.s32 @!p0 $0xFFFFFF80  }
0xa2: {  	[tilespmem:s0], [sflag:$0x1] =	stream.indirect.gather @!p0 [hbm4b:s4+s3], $0x80, s3, s3, $0xb8;
	[tilespmem:$0x1E180] =	vst v63  }
0xa3: {  	s0 =	simm.s32 @!p0 $0x100  }
0xa4: {  	[tilespmem:s0], [sflag:$0x3] =	stream.linear.gather @!p0 [hbm4b:s31+s1], $0x80, $0x38;
	[tilespmem:$0x1E180] =	vst v63  }
0xa5: {  	_ =	swait.ge @!p0 [sflag:s7], $0x80  }
0xa6: {  	[sflag:s7] =	ssyncset.done @!p0 $0x0  }
0xa7: {  	s1 =	simm.s32 @!p0 $0x180;
	[sflag:s7] =	ssyncadd.s32 @!p0 $0xFFFFFF80;
	s7 =	simm.s32 @p0 $0x2  }
0xa8: {  	[spmem:s2] =	stream.indirect.scatter.add.f32 @!p0 [tilespmem:s1], [sflag:$0x3], $0x80, s0, s3, $0xb8;
	[tilespmem:$0x1E180] =	vst v63  }
0xa9: {  	_ =	swait.ge [sflag:s7], $0x4000  }
0xaa: {  	[sflag:s7] =	ssyncset.done $0x0  }
0xab: {  	[sflag:s7] =	ssyncadd.s32 $0xFFFFC000  }
0xac: {  	_ =	swait.ge [sflag:s26], $0x4000  }
0xad: {  	[sflag:s26] =	ssyncset.done $0x0  }
0xae: {  	s10 =	simm.s32 $0x0;
	[sflag:s26] =	ssyncadd.s32 $0xFFFFC000  }
0xaf: {  	[tilespmem:s28], [sflag:$0x3] =	stream.linear.gather [hbm4b:s19+s10], $0x80, $0x38;
	[tilespmem:$0x1E180] =	vst v63  }
0xb0: {  	_ =	swait.ge [sflag:s29], $0x80  }
0xb1: {  	[sflag:s29] =	ssyncset.done $0x0  }
0xb2: {  	[sflag:s29] =	ssyncadd.s32 $0xFFFFFF80  }
0xb3: {  	[spmem:s2] =	stream.indirect.scatter.add.f32 [tilespmem:s25], [sflag:$0x3], $0x80, s28, s24, $0xb8;
	[tilespmem:$0x1E180] =	vst v63  }
0xb4: {  	s11 =	stileid.u32;
	_ =	swait.ge [sflag:s29], $0x4000  }
0xb5: {  	s30 =	sadd.s32 $0x1, s30;
	s31 =	sshrl.u32 s6, $0x3;
	[sflag:s29] =	ssyncset.done $0x0  }
0xb6: {  	s0 =	sshll.u32 s11, $0x6;
	p0 =	sne.s32 s30, s18;
	[sflag:s29] =	ssyncadd.s32 $0xFFFFC000  }
.Ltmp2:
0xb7: {  	s0 =	sor.u32 $0x1C02, s0;
	[bflag:$0x0] =	sbarrier.arrive $0xFFFF;
	(pc) =	sbr.rel @p0 .LBB2_1-.Ltmp2, $4  }
0xb8: {  	[hbm:s17], [sflag:s0] =	dma.local [spmem:s31], $0x2800  }
0xb9: {  	_ =	swait.ge [sflag:s23], $0x2800  }
0xba: {  	[sflag:s23] =	ssyncset.done $0x0  }
0xbb: {  	[sflag:s23] =	ssyncadd.s32 $0xFFFFD800  }
0xbc: {  	_ =	sfence.sel $0x180000  }
0xbd: {  	[bflag:$0x0] =	sbarrier.arrive $0xFFFF  }
0xbe: {  	_ =	strace $0x9000004D  }
0xbf: {  	s0 =	stileid.u32;
	[bflag:$0x2] =	sbarrier.arrive $0xFFFF  }
0xc0: {  	p0 =	sne.s32 s0, $0x0;
	s0 =	rddreg [dreg:$0x2]  }
0xc1: {  	s0 =	sadd.s32 @!p0 $0x100000, s0  }
0xc2: {  	[sflag:s0] =	ssyncadd.tile.s32 @!p0 $0x1;
	_ =	shalt  }
.Lfunc_end2:
_tile_overlayer_lowered:
.L_overlay_start_2:
0xc3: {  	(tag) =	ssettag $0x2  }
0xc4: {  	s0 =	rddreg [dreg:$0x0];
	s2 =	stileid.u32  }
0xc5: {  	s1 =	rddreg [dreg:$0x1];
	p0 =	sne.s32 s2, $0x0  }
0xc6: {  	s3 =	rddreg [dreg:$0x2];
	[bflag:$0x3] =	sbarrier.arrive $0xFFFF;
	s2 =	simm.s32 @!p0 $0x1C02  }
0xc7: {  	[timem:s3], [sflag:s2] =	dma.local @!p0 [hbm:s0], s1  }
0xc8: {  	s0 =	simm.s32 @!p0 $0x2  }
0xc9: {  	_ =	swait.ge @!p0 [sflag:s0], s1  }
0xca: {  	s1 =	ssub.s32 @!p0 $0x0, s1;
	[sflag:s0] =	ssyncset.done @!p0 $0x0  }
0xcb: {  	[sflag:s0] =	ssyncadd.s32 @!p0 s1  }
0xcc: {  	[bflag:$0x3] =	sbarrier.arrive $0xFFFF  }
0xcd: {  	_ =	shalt  }

// kernel: kernel.18.cloned.1.call-start
scs
__scs_entry_jumppad:
0x0: {  	(pc) =	sbr.rel $0x88, $3  }
0x1: {  	(tag) =	ssettag $0x0;
	lr =	simm.s32 $0x1  }
0x2: {  	[smem:$0x3F8F] =	sst lr;
	_ =	strace $0xD0000000  }
0x3: {  	_ = 	snop  }
0x4: {  	_ = 	snop  }
0x5: {  	_ = 	snop  }
0x6: {  	_ = 	snop  }
0x7: {  	_ = 	snop  }
__scs_overlays_trampoline_lowered:
0x8: {  	[smem:$0x3F9E] =	sst s0  }
0x9: {  	[smem:$0x3F9F] =	sst s1  }
0xa: {  	[smem:$0x3FA0] =	sst s2  }
0xb: {  	[smem:$0x3FA1] =	sst s3  }
0xc: {  	[smem:$0x3FA2] =	sst s4  }
0xd: {  	[smem:$0x3FA3] =	sst s5  }
0xe: {  	[smem:$0x3FA4] =	sst s6  }
0xf: {  	[smem:$0x3FA5] =	sst s7  }
0x10: {  	[smem:$0x3FA6] =	sst s8  }
0x11: {  	[smem:$0x3FA7] =	sst s9;
	s0 =	simm.s32 @!p0 $0x0  }
0x12: {  	s1 =	sld [smem:$0x3F8D];
	s0 =	simm.s32 @p0 $0x1  }
0x13: {  	[smem:$0x3FA8] =	sst s0;
	s0 =	simm.s32 @!p1 $0x0  }
0x14: {  	s2 =	sld [smem:$0x3F8C];
	s0 =	simm.s32 @p1 $0x1  }
0x15: {  	[smem:$0x3FA9] =	sst s0;
	s0 =	simm.s32 @!p2 $0x0  }
0x16: {  	s3 =	sld [smem:$0x3FDB];
	s0 =	simm.s32 @p2 $0x1  }
0x17: {  	s4 =	simm.s32 $0x1BF5;
	[smem:$0x3FAB] =	sst s0  }
0x18: {  	s0 =	sld [smem:$0x3F8E];
	_ =	swait.ge [sflag:s4], $0x0  }
0x19: {  	s7 =	sld [smem:$0x3F8F]  }
0x1a: {  	s8 =	sadd.s32 $0xFFFFE003, lr  }
0x1b: {  	s9 =	sadd.s32 $0xFFFFFEF7, lr;
	s5 =	simm.s32 $0xFFFFFFFF;
	p2 =	slt.u32 s8, $0xFFFFF086  }
0x1c: {  	p1 =	slt.u32 s9, $0xF7A;
	s5 =	simm.s32 @!p2 $0x0  }
0x1d: {  	s5 =	simm.s32 @p1 $0x1;
	p0 =	seq.s32 s7, s2  }
0x1e: {  	s7 =	smul.u32 @!p0 $0xF7A, s2;
	p2 =	seq.s32 @!p0 s5, $0x0  }
0x1f: {  	s9 =	smul.u32 $0xF7A, s1;
	s8 =	simm.s32 @!p0 $0x1BF5;
	p2 =	por !p2, p0  }
0x20: {  	[sflag:s8] =	ssyncset.s32 @!p0 $0xFFFFF086;
	s6 =	sadd.s32 @!p0 s3, s7;
	s7 =	simm.s32 @!p0 $0x108  }
0x21: {  	s3 =	sadd.s32 s3, s9;
	s6 =	sadd.s32 @!p0 $0x88, s6;
	s7 =	simm.s32 @p2 $0x1082  }
0x22: {  	[simem:s7], [sflag:s8] =	dma.local @!p0 [hbm:s6], $0xF7A  }
0x23: {  	s9 =	sor.u32 $0xD0000000, s2;
	s6 =	simm.s32 $0x108;
	_ =	swait.ge @!p0 [sflag:s8], $0x0  }
0x24: {  	s3 =	sadd.s32 $0x88, s3;
	s6 =	simm.s32 @!p1 $0x1082;
	[sflag:s4] =	ssyncset.s32 $0xFFFFF086  }
0x25: {  	[simem:s6], [sflag:s4] =	dma.local [hbm:s3], $0xF7A  }
0x26: {  	[smem:$0x3F8F] =	sst s1;
	(tag) =	ssettag s2;
	_ =	strace s9  }
0x27: {  	s1 =	sld [smem:$0x3F9F]  }
0x28: {  	s2 =	sld [smem:$0x3FA0]  }
0x29: {  	s4 =	sld [smem:$0x3FA2]  }
0x2a: {  	p0 =	seq.s32 s5, $0x0;
	s5 =	sld [smem:$0x3FA3]  }
0x2b: {  	s6 =	sld [smem:$0x3FA4]  }
0x2c: {  	s7 =	sld [smem:$0x3FA5]  }
0x2d: {  	s3 =	simm.s32 $0x108;
	s8 =	sld [smem:$0x3FA6]  }
0x2e: {  	s3 =	simm.s32 @!p0 $0x1082;
	s9 =	sld [smem:$0x3FA7]  }
0x2f: {  	lr =	sadd.s32 s0, s3;
	s0 =	sld [smem:$0x3F9E]  }
0x30: {  	s3 =	sld [smem:$0x3FA1]  }
0x31: {  	[smem:$0x3FAA] =	sst s10  }
0x32: {  	s10 =	sld [smem:$0x3FA8];
	_ =	sdelay $0x3  }
0x33: {  	p0 =	seq.s32 s10, $0x1;
	s10 =	sld [smem:$0x3FAA];
	_ =	sdelay $0x3  }
0x34: {  	[smem:$0x3FAA] =	sst s10  }
0x35: {  	s10 =	sld [smem:$0x3FA9];
	_ =	sdelay $0x3  }
0x36: {  	p1 =	seq.s32 s10, $0x1;
	s10 =	sld [smem:$0x3FAA];
	_ =	sdelay $0x3  }
0x37: {  	[smem:$0x3FAA] =	sst s10  }
0x38: {  	s10 =	sld [smem:$0x3FAB]  }
0x39: {  	_ = 	snop;
	(pc) =	sbr.ind lr, $3  }
0x3a: {  	_ = 	snop  }
0x3b: {  	_ = 	snop  }
0x3c: {  	p2 =	seq.s32 s10, $0x1;
	s10 =	sld [smem:$0x3FAA]  }
0x3d: {  	_ =	shalt  }
0x3e: {  	_ =	shalt  }
0x3f: {  	_ =	shalt  }
0x40: {  	_ =	shalt  }
0x41: {  	_ =	shalt  }
0x42: {  	_ =	shalt  }
0x43: {  	_ =	shalt  }
0x44: {  	_ =	shalt  }
0x45: {  	_ =	shalt  }
0x46: {  	_ =	shalt  }
0x47: {  	_ =	shalt  }
0x48: {  	_ =	shalt  }
0x49: {  	_ =	shalt  }
0x4a: {  	_ =	shalt  }
0x4b: {  	_ =	shalt  }
0x4c: {  	_ =	shalt  }
0x4d: {  	_ =	shalt  }
0x4e: {  	_ =	shalt  }
0x4f: {  	_ =	shalt  }
0x50: {  	_ =	shalt  }
0x51: {  	_ =	shalt  }
0x52: {  	_ =	shalt  }
0x53: {  	_ =	shalt  }
0x54: {  	_ =	shalt  }
0x55: {  	_ =	shalt  }
0x56: {  	_ =	shalt  }
0x57: {  	_ =	shalt  }
0x58: {  	_ =	shalt  }
0x59: {  	_ =	shalt  }
0x5a: {  	_ =	shalt  }
0x5b: {  	_ =	shalt  }
0x5c: {  	_ =	shalt  }
0x5d: {  	_ =	shalt  }
0x5e: {  	_ =	shalt  }
0x5f: {  	_ =	shalt  }
0x60: {  	_ =	shalt  }
0x61: {  	_ =	shalt  }
0x62: {  	_ =	shalt  }
0x63: {  	_ =	shalt  }
0x64: {  	_ =	shalt  }
0x65: {  	_ =	shalt  }
0x66: {  	_ =	shalt  }
0x67: {  	_ =	shalt  }
0x68: {  	_ =	shalt  }
0x69: {  	_ =	shalt  }
0x6a: {  	_ =	shalt  }
0x6b: {  	_ =	shalt  }
0x6c: {  	_ =	shalt  }
0x6d: {  	_ =	shalt  }
0x6e: {  	_ =	shalt  }
0x6f: {  	_ =	shalt  }
0x70: {  	_ =	shalt  }
0x71: {  	_ =	shalt  }
0x72: {  	_ =	shalt  }
0x73: {  	_ =	shalt  }
0x74: {  	_ =	shalt  }
0x75: {  	_ =	shalt  }
0x76: {  	_ =	shalt  }
0x77: {  	_ =	shalt  }
0x78: {  	_ =	shalt  }
0x79: {  	_ =	shalt  }
0x7a: {  	_ =	shalt  }
0x7b: {  	_ =	shalt  }
0x7c: {  	_ =	shalt  }
0x7d: {  	_ =	shalt  }
0x7e: {  	_ =	shalt  }
0x7f: {  	_ =	shalt  }
0x80: {  	_ =	shalt  }
0x81: {  	_ =	shalt  }
0x82: {  	_ =	shalt  }
0x83: {  	_ =	shalt  }
0x84: {  	_ =	shalt  }
0x85: {  	_ =	shalt  }
0x86: {  	_ =	shalt  }
0x87: {  	_ =	shalt  }
.Lfunc_end0:
.L_simem_size_0:
called_computation.3_lowered:
.L_overlay_start_0:
0x88: {  	s2 =	sld [smem:$0x3FD9]  }
0x89: {  	s3 =	sld [smem:$0x3FFE];
	_ =	sdelay $0x1  }
0x8a: {  	s1 =	srdreg.scid  }
0x8b: {  	s0 =	sand.u32 $0x1, s1  }
0x8c: {  	s16 =	sshll.u32 s0, $0xA;
	s2 =	sadd.s32 s3, s2  }
0x8d: {  	s2 =	sadd.s32 s2, s16  }
0x8e: {  	[smem:$0x3FB6] =	sst s2  }
0x8f: {  	_ = 	snop  }
0x90: {  	(tm) =	ssettm $0x1  }
0x91: {  	s17 =	sld [smem:$0x3FFB];
	_ =	sdelay $0x3  }
0x92: {  	_ =	strace s17  }
0x93: {  	s2 =	sld [smem:$0x3FFC];
	_ =	sdelay $0x3  }
0x94: {  	_ =	strace s2  }
0x95: {  	s2 =	sld [smem:$0x3FFD];
	_ =	sdelay $0x3  }
0x96: {  	_ =	strace s2  }
0x97: {  	_ =	strace $0x8FFFFFFF  }
0x98: {  	s18 =	sld [smem:$0x3FDB];
	_ =	sdelay $0x1  }
0x99: {  	s19 =	simm.s32 $_scs_section_size  }
0x9a: {  	s4 =	simm.s32 $_size__tile_overlayer_lowered;
	s5 =	simm.s32 $_tile_overlayer_lowered  }
0x9b: {  	s22 =	simm.s32 $0x1BFF;
	s21 =	sshll.u32 s5, $0x1;
	s2 =	sadd.s32 s19, s18  }
0x9c: {  	s6 =	simm.s32 $0x0;
	s20 =	sshll.u32 s4, $0x1;
	s4 =	sadd.s32 s21, s2  }
0x9d: {  	[timem:s6], [sflag:s22] =	dma.local [hbm:s4], s20  }
0x9e: {  	_ =	swait.ge [sflag:s22], s20  }
0x9f: {  	s3 =	ssub.s32 $0x0, s20;
	[sflag:s22] =	ssyncset.done $0x0  }
0xa0: {  	[sflag:s22] =	ssyncadd.s32 s3;
	_ =	sdelay $0x1  }
0xa1: {  	s23 =	simm.s32 $0x1B8B  }
0xa2: {  	_ =	swait.ge [sflag:s23], $0x1  }
0xa3: {  	[sflag:s23] =	ssyncset.done $0x0  }
0xa4: {  	s25 =	simm.s32 $0x1B8E;
	s24 =	sld [smem:$0x3FFE];
	[sflag:s23] =	ssyncadd.s32 $0xFFFFFFFF  }
0xa5: {  	s26 =	simm.s32 $execute0_lowered;
	[smem:$0x3FD2] =	sst s25  }
0xa6: {  	s4 =	sshll.u32 s26, $0x1;
	_ =	strace $0x8000004F;
	[dreg:$0x1] =	wrdreg $0xFFFFFFFF  }
0xa7: {  	s28 =	simm.s32 $_size_execute0_lowered;
	s2 =	sadd.s32 s2, s4;
	[dreg:$0x0] =	wrdreg $0x0  }
0xa8: {  	s4 =	sshll.u32 s28, $0x1;
	[dreg:$0x2] =	wrdreg s2  }
0xa9: {  	[dreg:$0x3] =	wrdreg s4  }
0xaa: {  	[dreg:$0x4] =	wrdreg $0xC0  }
0xab: {  	_ =	task [dreg:s6], $0x5FFFF  }
0xac: {  	[dreg:$0x1] =	wrdreg $0xFFFFFFFF  }
0xad: {  	[dreg:$0x0] =	wrdreg $0x60  }
0xae: {  	[dreg:$0x2] =	wrdreg s24  }
0xaf: {  	[dreg:$0x3] =	wrdreg $0xA1800  }
0xb0: {  	[dreg:$0x4] =	wrdreg $0x9  }
0xb1: {  	_ =	task.clear_ibuf [dreg:s6], $0x5FFFF;
	_ =	strace $0x9000004F  }
0xb2: {  	s29 =	simm.s32 $0x9;
	_ =	strace $0x80000051  }
0xb3: {  	_ =	swait.ge [sflag:s29], $0x1  }
0xb4: {  	[sflag:s29] =	ssyncadd.s32 $0xFFFFFFFF  }
0xb5: {  	_ =	strace $0x90000051  }
0xb6: {  	_ =	sfence  }
0xb7: {  	s30 =	sld [smem:$0x0];
	_ =	sdelay $0x2  }
0xb8: {  	s31 =	sshll.u32 s1, $0xD;
	s1 =	sshrl.u32 s1, $0x2  }
0xb9: {  	s3 =	sand.u32 $0x4000, s31;
	s1 =	sadd.s32 s1, s30  }
0xba: {  	s0 =	sor.u32 s3, s0;
	s1 =	sshll.u32 s1, $0x11  }
0xbb: {  	s0 =	sor.u32 s1, s0  }
0xbc: {  	s0 =	sadd.s32 $0x8F2B, s0  }
0xbd: {  	[sflag:s0] =	ssyncadd.remote.s32 $0x1  }
0xbe: {  	_ =	sfence.sel $0xFFFF  }
0xbf: {  	[dreg:$0x0] =	wrdreg $0xFFFFFFFF;
	(pc) =	sbr.abs _section_cstart, $3  }
0xc0: {  	[dreg:$0x1] =	wrdreg $0xFFFFFFFF  }
0xc1: {  	_ =	task.clear_ibuf [dreg:s6], $0x2FFFF;
	_ =	strace $0x9FFFFFFF  }
0xc2: {  	(tm) =	ssettm $0x7FFFFFFF  }
0xc3: {  	_ =	shalt  }
tec
execute0_lowered:
.L_overlay_start_1:
0x0: {  	(tag) =	ssettag $0x1  }
0x1: {  	s0 =	rddreg [dreg:$0x0];
	s1 =	srdreg.scid  }
0x2: {  	s2 =	rddreg [dreg:$0x1];
	s10 =	stileid.u32;
	s4 =	simm.s32 $0x0  }
0x3: {  	s28 =	simm.s32 $0x100;
	s29 =	simm.s32 $0x3;
	s5 =	smul.u32 $0x14000, s10  }
0x4: {  	s30 =	simm.s32 $0x0;
	s1 =	sand.u32 $0x1, s1;
	s6 =	smul.u32 $0x50000, s10  }
0x5: {  	[smem:$0x7FF] =	sst s4;
	s4 =	sadd.s32 $0xE600, s0;
	s17 =	smul.u32 $0x4F00, s10  }
0x6: {  	s7 =	sadd.s32 $0x4800, s0;
	s9 =	sshll.u32 s10, $0x1;
	s3 =	smul.u32 $0x140000, s1  }
0x7: {  	_ =	strace $0x80000050;
	s20 =	ssub.s32 $0x2, s1;
	s21 =	sor.u32 s1, s9  }
0x8: {  	s1 =	smul.u32 $0x2780, s1;
	s8 =	sshrl.u32 s20, $0x1;
	s6 =	sshrl.u32 s6, $0x2  }
0x9: {  	s15 =	smul.u32 $0x2780, s21;
	s3 =	sadd.s32 s5, s3;
	s5 =	sadd.s32 $0x548800, s0  }
0xa: {  	s6 =	sadd.s32 s6, s2;
	s1 =	sadd.s32 s1, s17;
	s3 =	sshrl.u32 s3, $0x3  }
0xb: {  	s22 =	sadd.s32 $0x2000, s6;
	s23 =	sadd.s32 $0x4000, s6;
	s24 =	sadd.s32 $0x6000, s6  }
0xc: {  	s25 =	sadd.s32 $0x8000, s6;
	s26 =	sadd.s32 $0xA000, s6;
	[dreg:$0x3] =	wrdreg s22  }
0xd: {  	s12 =	sadd.s32 $0xC000, s6;
	s13 =	sadd.s32 $0xE000, s6;
	[dreg:$0x4] =	wrdreg s23  }
0xe: {  	s14 =	sadd.s32 $0x10000, s6;
	s18 =	sshrl.u32 s15, $0x3;
	[dreg:$0x5] =	wrdreg s24  }
0xf: {  	s15 =	sadd.s32 $0x12000, s6;
	s21 =	sadd.s32 $0x80, s1;
	[dreg:$0x6] =	wrdreg s25  }
0x10: {  	s0 =	sadd.s32 s3, s0;
	s3 =	ssub.s32 s20, s8;
	[dreg:$0x7] =	wrdreg s26  }
0x11: {  	s16 =	sadd.s32 s5, s18;
	s31 =	sadd.s32 s7, s18;
	s20 =	sshrl.u32 s1, $0x3  }
0x12: {  	s22 =	simm.s32 $0x8180;
	s23 =	simm.s32 $0x2;
	s24 =	simm.s32 $0x80  }
0x13: {  	s25 =	simm.s32 $0x180;
	s26 =	simm.s32 $0x1;
	s17 =	sadd.s32 $0x36600, s0  }
0x14: {  	v0 =	vimm.f32 $0.0e+00;
	s18 =	smax.u32 s3, $0x1;
	s19 =	sadd.s32 $0x4E0, s31;
	s20 =	sadd.s32 s20, s7  }
.LBB2_1:
0x15: {  	s0 =	simm.s32 $0x0;
	s1 =	simm.s32 $0x200  }
.LBB2_2:
0x16: {  	p0 =	sne.s32 s1, $0x7E00;
	[tilespmem:s0+$0x81F0] =	vst v0  }
0x17: {  	[tilespmem:s0+$0x8180] =	vst v0  }
0x18: {  	[tilespmem:s0+$0x8190] =	vst v0  }
.Ltmp0:
0x19: {  	[tilespmem:s0+$0x81A0] =	vst v0;
	(pc) =	sbr.rel @p0 .LBB2_2-.Ltmp0, $4  }
0x1a: {  	[tilespmem:s0+$0x81B0] =	vst v0  }
0x1b: {  	[tilespmem:s0+$0x81C0] =	vst v0  }
0x1c: {  	[tilespmem:s0+$0x81D0] =	vst v0  }
0x1d: {  	[tilespmem:s0+$0x81E0] =	vst v0;
	s0 =	sshra.s32 s1, $0x2;
	s1 =	sadd.s32 $0x200, s1  }
0x1e: {  	[tilespmem:s0+$0x81F0] =	vst v0  }
0x1f: {  	[tilespmem:s0+$0x8180] =	vst v0  }
0x20: {  	[tilespmem:s0+$0x8190] =	vst v0  }
0x21: {  	[tilespmem:s0+$0x81A0] =	vst v0  }
0x22: {  	[tilespmem:s0+$0x81B0] =	vst v0  }
0x23: {  	[tilespmem:s0+$0x81C0] =	vst v0  }
0x24: {  	[tilespmem:s0+$0x81D0] =	vst v0  }
0x25: {  	[tilespmem:s0+$0x81E0] =	vst v0  }
0x26: {  	[spmem:s6] =	stream.linear.scatter [tilespmem:s22], [sflag:$0x2], $0x2000, $0x38;
	[tilespmem:$0x1E180] =	vst v63  }
0x27: {  	_ =	swait.ge [sflag:s23], $0x2000  }
0x28: {  	[sflag:s23] =	ssyncset.done $0x0  }
0x29: {  	s3 =	rddreg [dreg:$0x3];
	[sflag:s23] =	ssyncadd.s32 $0xFFFFE000  }
0x2a: {  	[spmem:s3] =	stream.linear.scatter [tilespmem:s22], [sflag:$0x2], $0x2000, $0x38;
	[tilespmem:$0x1E180] =	vst v63  }
0x2b: {  	_ =	swait.ge [sflag:s23], $0x2000  }
0x2c: {  	[sflag:s23] =	ssyncset.done $0x0  }
0x2d: {  	s7 =	rddreg [dreg:$0x4];
	[sflag:s23] =	ssyncadd.s32 $0xFFFFE000  }
0x2e: {  	[spmem:s7] =	stream.linear.scatter [tilespmem:s22], [sflag:$0x2], $0x2000, $0x38;
	[tilespmem:$0x1E180] =	vst v63  }
0x2f: {  	_ =	swait.ge [sflag:s23], $0x2000  }
0x30: {  	[sflag:s23] =	ssyncset.done $0x0  }
0x31: {  	s8 =	rddreg [dreg:$0x5];
	[sflag:s23] =	ssyncadd.s32 $0xFFFFE000  }
0x32: {  	[spmem:s8] =	stream.linear.scatter [tilespmem:s22], [sflag:$0x2], $0x2000, $0x38;
	[tilespmem:$0x1E180] =	vst v63  }
0x33: {  	_ =	swait.ge [sflag:s23], $0x2000  }
0x34: {  	[sflag:s23] =	ssyncset.done $0x0  }
0x35: {  	s9 =	rddreg [dreg:$0x6];
	[sflag:s23] =	ssyncadd.s32 $0xFFFFE000  }
0x36: {  	[spmem:s9] =	stream.linear.scatter [tilespmem:s22], [sflag:$0x2], $0x2000, $0x38;
	[tilespmem:$0x1E180] =	vst v63  }
0x37: {  	_ =	swait.ge [sflag:s23], $0x2000  }
0x38: {  	[sflag:s23] =	ssyncset.done $0x0  }
0x39: {  	s10 =	rddreg [dreg:$0x7];
	[sflag:s23] =	ssyncadd.s32 $0xFFFFE000  }
0x3a: {  	[spmem:s10] =	stream.linear.scatter [tilespmem:s22], [sflag:$0x2], $0x2000, $0x38;
	[tilespmem:$0x1E180] =	vst v63  }
0x3b: {  	_ =	swait.ge [sflag:s23], $0x2000  }
0x3c: {  	[sflag:s23] =	ssyncset.done $0x0  }
0x3d: {  	[sflag:s23] =	ssyncadd.s32 $0xFFFFE000  }
0x3e: {  	[spmem:s12] =	stream.linear.scatter [tilespmem:s22], [sflag:$0x2], $0x2000, $0x38;
	[tilespmem:$0x1E180] =	vst v63  }
0x3f: {  	_ =	swait.ge [sflag:s23], $0x2000  }
0x40: {  	[sflag:s23] =	ssyncset.done $0x0  }
0x41: {  	[sflag:s23] =	ssyncadd.s32 $0xFFFFE000  }
0x42: {  	[spmem:s13] =	stream.linear.scatter [tilespmem:s22], [sflag:$0x2], $0x2000, $0x38;
	[tilespmem:$0x1E180] =	vst v63  }
0x43: {  	_ =	swait.ge [sflag:s23], $0x2000  }
0x44: {  	[sflag:s23] =	ssyncset.done $0x0  }
0x45: {  	[sflag:s23] =	ssyncadd.s32 $0xFFFFE000  }
0x46: {  	[spmem:s14] =	stream.linear.scatter [tilespmem:s22], [sflag:$0x2], $0x2000, $0x38;
	[tilespmem:$0x1E180] =	vst v63  }
0x47: {  	_ =	swait.ge [sflag:s23], $0x2000  }
0x48: {  	[sflag:s23] =	ssyncset.done $0x0  }
0x49: {  	[sflag:s23] =	ssyncadd.s32 $0xFFFFE000  }
0x4a: {  	[spmem:s15] =	stream.linear.scatter [tilespmem:s22], [sflag:$0x2], $0x2000, $0x38;
	[tilespmem:$0x1E180] =	vst v63  }
0x4b: {  	_ =	swait.ge [sflag:s23], $0x2000  }
0x4c: {  	[sflag:s23] =	ssyncset.done $0x0  }
0x4d: {  	[sflag:s23] =	ssyncadd.s32 $0xFFFFE000  }
0x4e: {  	s11 =	simm.s32 $0x0;
	[bflag:$0x0] =	sbarrier.arrive $0xFFFF  }
0x4f: {  	[tilespmem:s11], [sflag:$0x2] =	stream.linear.gather [hbm4b:s16+s11], $0x80, $0x38;
	[tilespmem:$0x1E180] =	vst v63  }
0x50: {  	_ =	swait.ge [sflag:s23], $0x80  }
0x51: {  	[sflag:s23] =	ssyncset.done $0x0  }
0x52: {  	s0 =	sand.u32 $0x1, s11;
	[sflag:s23] =	ssyncadd.s32 $0xFFFFFF80  }
0x53: {  	[tilespmem:s25], [sflag:$0x1] =	stream.indirect.gather [hbm4b:s4+s24], $0x80, s11, s24, $0xb8;
	[tilespmem:$0x1E180] =	vst v63  }
0x54: {  	p0 =	seq.s32 s0, $0x1;
	_ =	swait.ge [sflag:s26], $0x4000  }
0x55: {  	s0 =	sshrl.u32 @p0 s21, $0x3;
	s1 =	simm.s32 @p0 $0x3;
	[sflag:s26] =	ssyncset.done $0x0  }
0x56: {  	s0 =	sadd.s32 @p0 s5, s0;
	s3 =	simm.s32 @p0 $0x0;
	[sflag:s26] =	ssyncadd.s32 $0xFFFFC000  }
0x57: {  	[tilespmem:s3], [sflag:$0x3] =	stream.linear.gather @p0 [hbm4b:s0+s3], $0x80, $0x38;
	[tilespmem:$0x1E180] =	vst v63  }
0x58: {  	_ =	swait.ge @p0 [sflag:s1], $0x80  }
0x59: {  	[sflag:s1] =	ssyncset.done @p0 $0x0  }
0x5a: {  	s7 =	simm.s32 @p0 $0x180;
	s0 =	simm.s32 @p0 $0x80;
	[sflag:s1] =	ssyncadd.s32 @p0 $0xFFFFFF80  }
0x5b: {  	[tilespmem:s7], [sflag:$0x1] =	stream.indirect.gather @p0 [hbm4b:s4+s0], $0x80, s3, s0, $0xb8;
	[tilespmem:$0x1E180] =	vst v63  }
0x5c: {  	s7 =	simm.s32 @p0 $0x100  }
0x5d: {  	[tilespmem:s7], [sflag:$0x3] =	stream.linear.gather @p0 [hbm4b:s20+s3], $0x80, $0x38;
	[tilespmem:$0x1E180] =	vst v63  }
0x5e: {  	_ =	swait.ge @p0 [sflag:s1], $0x80  }
0x5f: {  	s3 =	sshrl.u32 @!p0 s21, $0x3;
	[sflag:s1] =	ssyncset.done @p0 $0x0  }
0x60: {  	s3 =	sadd.s32 @!p0 s5, s3;
	[sflag:s1] =	ssyncadd.s32 @p0 $0xFFFFFF80;
	s1 =	simm.s32 @p0 $0x4180  }
0x61: {  	[spmem:s2] =	stream.indirect.scatter.add.f32 @p0 [tilespmem:s1], [sflag:$0x2], $0x80, s7, s0, $0xb8;
	[tilespmem:$0x1E180] =	vst v63  }
0x62: {  	s0 =	simm.s32 @!p0 $0x0;
	s1 =	simm.s32 @!p0 $0x80;
	s7 =	simm.s32 @!p0 $0x3  }
0x63: {  	[tilespmem:s1], [sflag:$0x3] =	stream.linear.gather @!p0 [hbm4b:s3+s0], $0x80, $0x38;
	[tilespmem:$0x1E180] =	vst v63  }
0x64: {  	_ =	swait.ge @!p0 [sflag:s7], $0x80  }
0x65: {  	[sflag:s7] =	ssyncset.done @!p0 $0x0  }
0x66: {  	s3 =	simm.s32 @!p0 $0x4180;
	[sflag:s7] =	ssyncadd.s32 @!p0 $0xFFFFFF80  }
0x67: {  	[tilespmem:s3], [sflag:$0x1] =	stream.indirect.gather @!p0 [hbm4b:s4+s1], $0x80, s1, s1, $0xb8;
	[tilespmem:$0x1E180] =	vst v63  }
0x68: {  	s3 =	simm.s32 @!p0 $0x100  }
0x69: {  	[tilespmem:s3], [sflag:$0x3] =	stream.linear.gather @!p0 [hbm4b:s20+s0], $0x80, $0x38;
	[tilespmem:$0x1E180] =	vst v63  }
0x6a: {  	_ =	swait.ge @!p0 [sflag:s7], $0x80  }
0x6b: {  	[sflag:s7] =	ssyncset.done @!p0 $0x0  }
0x6c: {  	s0 =	simm.s32 @!p0 $0x180;
	[sflag:s7] =	ssyncadd.s32 @!p0 $0xFFFFFF80;
	s7 =	simm.s32 @p0 $0x2  }
0x6d: {  	[spmem:s2] =	stream.indirect.scatter.add.f32 @!p0 [tilespmem:s0], [sflag:$0x3], $0x80, s3, s1, $0xb8;
	[tilespmem:$0x1E180] =	vst v63  }
0x6e: {  	s31 =	sadd.s32 $0x10, s20;
	s3 =	simm.s32 $0x1;
	_ =	swait.ge [sflag:s7], $0x4000  }
0x6f: {  	s1 =	simm.s32 $0x2;
	s0 =	sadd.s32 $0x80, s21;
	[sflag:s7] =	ssyncset.done $0x0  }
.LBB2_4:
0x70: {  	s8 =	sand.u32 $0x1, s3  }
0x71: {  	[sflag:s7] =	ssyncadd.s32 $0xFFFFC000;
	s3 =	smov.u32 s1;
	s1 =	sadd.s32 $0x1, s1  }
0x72: {  	p0 =	sne.s32 s1, $0x4E;
	p1 =	seq.s32 s8, $0x1;
	_ =	swait.ge [sflag:s26], $0x4000  }
0x73: {  	[sflag:s26] =	ssyncset.done $0x0;
	s7 =	sshrl.u32 @p1 s0, $0x3;
	s8 =	simm.s32 @p1 $0x3  }
0x74: {  	s9 =	simm.s32 @p1 $0x0;
	[sflag:s26] =	ssyncadd.s32 $0xFFFFC000;
	s7 =	sadd.s32 @p1 s5, s7  }
0x75: {  	[tilespmem:s9], [sflag:$0x3] =	stream.linear.gather @p1 [hbm4b:s7+s9], $0x80, $0x38;
	[tilespmem:$0x1E180] =	vst v63  }
0x76: {  	s7 =	sshrl.u32 @!p1 s0, $0x3;
	_ =	swait.ge @p1 [sflag:s8], $0x80  }
0x77: {  	s10 =	sadd.s32 @!p1 s5, s7;
	[sflag:s8] =	ssyncset.done @p1 $0x0  }
0x78: {  	s11 =	simm.s32 @p1 $0x180;
	s7 =	simm.s32 @p1 $0x80;
	[sflag:s8] =	ssyncadd.s32 @p1 $0xFFFFFF80  }
0x79: {  	[tilespmem:s11], [sflag:$0x1] =	stream.indirect.gather @p1 [hbm4b:s4+s7], $0x80, s9, s7, $0xb8;
	[tilespmem:$0x1E180] =	vst v63  }
0x7a: {  	s11 =	simm.s32 @p1 $0x100  }
0x7b: {  	[tilespmem:s11], [sflag:$0x3] =	stream.linear.gather @p1 [hbm4b:s31+s9], $0x80, $0x38;
	[tilespmem:$0x1E180] =	vst v63  }
0x7c: {  	_ =	swait.ge @p1 [sflag:s8], $0x80  }
0x7d: {  	[sflag:s8] =	ssyncset.done @p1 $0x0  }
0x7e: {  	[sflag:s8] =	ssyncadd.s32 @p1 $0xFFFFFF80;
	s8 =	simm.s32 @p1 $0x4180  }
0x7f: {  	[spmem:s2] =	stream.indirect.scatter.add.f32 @p1 [tilespmem:s8], [sflag:$0x2], $0x80, s11, s7, $0xb8;
	[tilespmem:$0x1E180] =	vst v63  }
0x80: {  	s9 =	simm.s32 @!p1 $0x80;
	s8 =	simm.s32 @!p1 $0x0;
	s7 =	simm.s32 @!p1 $0x3  }
0x81: {  	[tilespmem:s9], [sflag:$0x3] =	stream.linear.gather @!p1 [hbm4b:s10+s8], $0x80, $0x38;
	[tilespmem:$0x1E180] =	vst v63  }
0x82: {  	_ =	swait.ge @!p1 [sflag:s7], $0x80  }
0x83: {  	[sflag:s7] =	ssyncset.done @!p1 $0x0  }
0x84: {  	s10 =	simm.s32 @!p1 $0x4180;
	[sflag:s7] =	ssyncadd.s32 @!p1 $0xFFFFFF80  }
0x85: {  	[tilespmem:s10], [sflag:$0x1] =	stream.indirect.gather @!p1 [hbm4b:s4+s9], $0x80, s9, s9, $0xb8;
	[tilespmem:$0x1E180] =	vst v63  }
0x86: {  	s10 =	simm.s32 @!p1 $0x100  }
0x87: {  	[tilespmem:s10], [sflag:$0x3] =	stream.linear.gather @!p1 [hbm4b:s31+s8], $0x80, $0x38;
	[tilespmem:$0x1E180] =	vst v63  }
0x88: {  	_ =	swait.ge @!p1 [sflag:s7], $0x80  }
.Ltmp1:
0x89: {  	[sflag:s7] =	ssyncset.done @!p1 $0x0;
	(pc) =	sbr.rel @p0 .LBB2_4-.Ltmp1, $4  }
0x8a: {  	s8 =	simm.s32 @!p1 $0x180;
	[sflag:s7] =	ssyncadd.s32 @!p1 $0xFFFFFF80;
	s7 =	simm.s32 @p1 $0x2  }
0x8b: {  	[spmem:s2] =	stream.indirect.scatter.add.f32 @!p1 [tilespmem:s8], [sflag:$0x3], $0x80, s10, s9, $0xb8;
	[tilespmem:$0x1E180] =	vst v63  }
0x8c: {  	_ =	swait.ge [sflag:s7], $0x4000  }
0x8d: {  	s0 =	sadd.s32 $0x80, s0;
	s31 =	sadd.s32 $0x10, s31;
	[sflag:s7] =	ssyncset.done $0x0  }
0x8e: {  	s1 =	sand.u32 $0x1, s3;
	[sflag:s7] =	ssyncadd.s32 $0xFFFFC000  }
0x8f: {  	p0 =	seq.s32 s1, $0x1;
	_ =	swait.ge [sflag:s26], $0x4000  }
0x90: {  	[sflag:s26] =	ssyncset.done $0x0;
	s1 =	sshrl.u32 @p0 s0, $0x3;
	s3 =	simm.s32 @p0 $0x3  }
0x91: {  	s7 =	simm.s32 @p0 $0x0;
	[sflag:s26] =	ssyncadd.s32 $0xFFFFC000;
	s1 =	sadd.s32 @p0 s5, s1  }
0x92: {  	[tilespmem:s7], [sflag:$0x3] =	stream.linear.gather @p0 [hbm4b:s1+s7], $0x80, $0x38;
	[tilespmem:$0x1E180] =	vst v63  }
0x93: {  	_ =	swait.ge @p0 [sflag:s3], $0x80  }
0x94: {  	[sflag:s3] =	ssyncset.done @p0 $0x0  }
0x95: {  	s8 =	simm.s32 @p0 $0x180;
	s1 =	simm.s32 @p0 $0x80;
	[sflag:s3] =	ssyncadd.s32 @p0 $0xFFFFFF80  }
0x96: {  	[tilespmem:s8], [sflag:$0x1] =	stream.indirect.gather @p0 [hbm4b:s4+s1], $0x80, s7, s1, $0xb8;
	[tilespmem:$0x1E180] =	vst v63  }
0x97: {  	s8 =	simm.s32 @p0 $0x100  }
0x98: {  	[tilespmem:s8], [sflag:$0x3] =	stream.linear.gather @p0 [hbm4b:s31+s7], $0x80, $0x38;
	[tilespmem:$0x1E180] =	vst v63  }
0x99: {  	_ =	swait.ge @p0 [sflag:s3], $0x80  }
0x9a: {  	s0 =	sshrl.u32 @!p0 s0, $0x3;
	[sflag:s3] =	ssyncset.done @p0 $0x0  }
0x9b: {  	s0 =	sadd.s32 @!p0 s5, s0;
	[sflag:s3] =	ssyncadd.s32 @p0 $0xFFFFFF80;
	s3 =	simm.s32 @p0 $0x4180  }
0x9c: {  	[spmem:s2] =	stream.indirect.scatter.add.f32 @p0 [tilespmem:s3], [sflag:$0x2], $0x80, s8, s1, $0xb8;
	[tilespmem:$0x1E180] =	vst v63  }
0x9d: {  	s7 =	simm.s32 @!p0 $0x3;
	s1 =	simm.s32 @!p0 $0x0;
	s3 =	simm.s32 @!p0 $0x80  }
0x9e: {  	[tilespmem:s3], [sflag:$0x3] =	stream.linear.gather @!p0 [hbm4b:s0+s1], $0x80, $0x38;
	[tilespmem:$0x1E180] =	vst v63  }
0x9f: {  	_ =	swait.ge @!p0 [sflag:s7], $0x80  }
0xa0: {  	[sflag:s7] =	ssyncset.done @!p0 $0x0  }
0xa1: {  	s0 =	simm.s32 @!p0 $0x4180;
	[sflag:s7] =	ssyncadd.s32 @!p0 $0xFFFFFF80  }
0xa2: {  	[tilespmem:s0], [sflag:$0x1] =	stream.indirect.gather @!p0 [hbm4b:s4+s3], $0x80, s3, s3, $0xb8;
	[tilespmem:$0x1E180] =	vst v63  }
0xa3: {  	s0 =	simm.s32 @!p0 $0x100  }
0xa4: {  	[tilespmem:s0], [sflag:$0x3] =	stream.linear.gather @!p0 [hbm4b:s31+s1], $0x80, $0x38;
	[tilespmem:$0x1E180] =	vst v63  }
0xa5: {  	_ =	swait.ge @!p0 [sflag:s7], $0x80  }
0xa6: {  	[sflag:s7] =	ssyncset.done @!p0 $0x0  }
0xa7: {  	s1 =	simm.s32 @!p0 $0x180;
	[sflag:s7] =	ssyncadd.s32 @!p0 $0xFFFFFF80;
	s7 =	simm.s32 @p0 $0x2  }
0xa8: {  	[spmem:s2] =	stream.indirect.scatter.add.f32 @!p0 [tilespmem:s1], [sflag:$0x3], $0x80, s0, s3, $0xb8;
	[tilespmem:$0x1E180] =	vst v63  }
0xa9: {  	_ =	swait.ge [sflag:s7], $0x4000  }
0xaa: {  	[sflag:s7] =	ssyncset.done $0x0  }
0xab: {  	[sflag:s7] =	ssyncadd.s32 $0xFFFFC000  }
0xac: {  	_ =	swait.ge [sflag:s26], $0x4000  }
0xad: {  	[sflag:s26] =	ssyncset.done $0x0  }
0xae: {  	s10 =	simm.s32 $0x0;
	[sflag:s26] =	ssyncadd.s32 $0xFFFFC000  }
0xaf: {  	[tilespmem:s28], [sflag:$0x3] =	stream.linear.gather [hbm4b:s19+s10], $0x80, $0x38;
	[tilespmem:$0x1E180] =	vst v63  }
0xb0: {  	_ =	swait.ge [sflag:s29], $0x80  }
0xb1: {  	[sflag:s29] =	ssyncset.done $0x0  }
0xb2: {  	[sflag:s29] =	ssyncadd.s32 $0xFFFFFF80  }
0xb3: {  	[spmem:s2] =	stream.indirect.scatter.add.f32 [tilespmem:s25], [sflag:$0x3], $0x80, s28, s24, $0xb8;
	[tilespmem:$0x1E180] =	vst v63  }
0xb4: {  	s11 =	stileid.u32;
	_ =	swait.ge [sflag:s29], $0x4000  }
0xb5: {  	s30 =	sadd.s32 $0x1, s30;
	s31 =	sshrl.u32 s6, $0x3;
	[sflag:s29] =	ssyncset.done $0x0  }
0xb6: {  	s0 =	sshll.u32 s11, $0x6;
	p0 =	sne.s32 s30, s18;
	[sflag:s29] =	ssyncadd.s32 $0xFFFFC000  }
.Ltmp2:
0xb7: {  	s0 =	sor.u32 $0x1C02, s0;
	[bflag:$0x0] =	sbarrier.arrive $0xFFFF;
	(pc) =	sbr.rel @p0 .LBB2_1-.Ltmp2, $4  }
0xb8: {  	[hbm:s17], [sflag:s0] =	dma.local [spmem:s31], $0x2800  }
0xb9: {  	_ =	swait.ge [sflag:s23], $0x2800  }
0xba: {  	[sflag:s23] =	ssyncset.done $0x0  }
0xbb: {  	[sflag:s23] =	ssyncadd.s32 $0xFFFFD800  }
0xbc: {  	_ =	sfence.sel $0x180000  }
0xbd: {  	[bflag:$0x0] =	sbarrier.arrive $0xFFFF  }
0xbe: {  	_ =	strace $0x90000050  }
0xbf: {  	s0 =	stileid.u32;
	[bflag:$0x2] =	sbarrier.arrive $0xFFFF  }
0xc0: {  	p0 =	sne.s32 s0, $0x0;
	s0 =	rddreg [dreg:$0x2]  }
0xc1: {  	s0 =	sadd.s32 @!p0 $0x100000, s0  }
0xc2: {  	[sflag:s0] =	ssyncadd.tile.s32 @!p0 $0x1;
	_ =	shalt  }
.Lfunc_end2:
_tile_overlayer_lowered:
.L_overlay_start_2:
0xc3: {  	(tag) =	ssettag $0x2  }
0xc4: {  	s0 =	rddreg [dreg:$0x0];
	s2 =	stileid.u32  }
0xc5: {  	s1 =	rddreg [dreg:$0x1];
	p0 =	sne.s32 s2, $0x0  }
0xc6: {  	s3 =	rddreg [dreg:$0x2];
	[bflag:$0x3] =	sbarrier.arrive $0xFFFF;
	s2 =	simm.s32 @!p0 $0x1C02  }
0xc7: {  	[timem:s3], [sflag:s2] =	dma.local @!p0 [hbm:s0], s1  }
0xc8: {  	s0 =	simm.s32 @!p0 $0x2  }
0xc9: {  	_ =	swait.ge @!p0 [sflag:s0], s1  }
0xca: {  	s1 =	ssub.s32 @!p0 $0x0, s1;
	[sflag:s0] =	ssyncset.done @!p0 $0x0  }
0xcb: {  	[sflag:s0] =	ssyncadd.s32 @!p0 s1  }
0xcc: {  	[bflag:$0x3] =	sbarrier.arrive $0xFFFF  }
0xcd: {  	_ =	shalt  }

// kernel: scatter_offload_async_start
scs
__scs_entry_jumppad:
0x0: {  	(pc) =	sbr.rel $0x88, $3  }
0x1: {  	(tag) =	ssettag $0x0;
	lr =	simm.s32 $0x1  }
0x2: {  	[smem:$0x3F8F] =	sst lr;
	_ =	strace $0xD0000000  }
0x3: {  	_ = 	snop  }
0x4: {  	_ = 	snop  }
0x5: {  	_ = 	snop  }
0x6: {  	_ = 	snop  }
0x7: {  	_ = 	snop  }
__scs_overlays_trampoline_lowered:
0x8: {  	[smem:$0x3F9E] =	sst s0  }
0x9: {  	[smem:$0x3F9F] =	sst s1  }
0xa: {  	[smem:$0x3FA0] =	sst s2  }
0xb: {  	[smem:$0x3FA1] =	sst s3  }
0xc: {  	[smem:$0x3FA2] =	sst s4  }
0xd: {  	[smem:$0x3FA3] =	sst s5  }
0xe: {  	[smem:$0x3FA4] =	sst s6  }
0xf: {  	[smem:$0x3FA5] =	sst s7  }
0x10: {  	[smem:$0x3FA6] =	sst s8  }
0x11: {  	[smem:$0x3FA7] =	sst s9;
	s0 =	simm.s32 @!p0 $0x0  }
0x12: {  	s1 =	sld [smem:$0x3F8D];
	s0 =	simm.s32 @p0 $0x1  }
0x13: {  	[smem:$0x3FA8] =	sst s0;
	s0 =	simm.s32 @!p1 $0x0  }
0x14: {  	s2 =	sld [smem:$0x3F8C];
	s0 =	simm.s32 @p1 $0x1  }
0x15: {  	[smem:$0x3FA9] =	sst s0;
	s0 =	simm.s32 @!p2 $0x0  }
0x16: {  	s3 =	sld [smem:$0x3FDB];
	s0 =	simm.s32 @p2 $0x1  }
0x17: {  	s4 =	simm.s32 $0x1BF5;
	[smem:$0x3FAB] =	sst s0  }
0x18: {  	s0 =	sld [smem:$0x3F8E];
	_ =	swait.ge [sflag:s4], $0x0  }
0x19: {  	s7 =	sld [smem:$0x3F8F]  }
0x1a: {  	s8 =	sadd.s32 $0xFFFFE003, lr  }
0x1b: {  	s9 =	sadd.s32 $0xFFFFFEF7, lr;
	s5 =	simm.s32 $0xFFFFFFFF;
	p2 =	slt.u32 s8, $0xFFFFF086  }
0x1c: {  	p1 =	slt.u32 s9, $0xF7A;
	s5 =	simm.s32 @!p2 $0x0  }
0x1d: {  	s5 =	simm.s32 @p1 $0x1;
	p0 =	seq.s32 s7, s2  }
0x1e: {  	s7 =	smul.u32 @!p0 $0xF7A, s2;
	p2 =	seq.s32 @!p0 s5, $0x0  }
0x1f: {  	s9 =	smul.u32 $0xF7A, s1;
	s8 =	simm.s32 @!p0 $0x1BF5;
	p2 =	por !p2, p0  }
0x20: {  	[sflag:s8] =	ssyncset.s32 @!p0 $0xFFFFF086;
	s6 =	sadd.s32 @!p0 s3, s7;
	s7 =	simm.s32 @!p0 $0x108  }
0x21: {  	s3 =	sadd.s32 s3, s9;
	s6 =	sadd.s32 @!p0 $0x88, s6;
	s7 =	simm.s32 @p2 $0x1082  }
0x22: {  	[simem:s7], [sflag:s8] =	dma.local @!p0 [hbm:s6], $0xF7A  }
0x23: {  	s9 =	sor.u32 $0xD0000000, s2;
	s6 =	simm.s32 $0x108;
	_ =	swait.ge @!p0 [sflag:s8], $0x0  }
0x24: {  	s3 =	sadd.s32 $0x88, s3;
	s6 =	simm.s32 @!p1 $0x1082;
	[sflag:s4] =	ssyncset.s32 $0xFFFFF086  }
0x25: {  	[simem:s6], [sflag:s4] =	dma.local [hbm:s3], $0xF7A  }
0x26: {  	[smem:$0x3F8F] =	sst s1;
	(tag) =	ssettag s2;
	_ =	strace s9  }
0x27: {  	s1 =	sld [smem:$0x3F9F]  }
0x28: {  	s2 =	sld [smem:$0x3FA0]  }
0x29: {  	s4 =	sld [smem:$0x3FA2]  }
0x2a: {  	p0 =	seq.s32 s5, $0x0;
	s5 =	sld [smem:$0x3FA3]  }
0x2b: {  	s6 =	sld [smem:$0x3FA4]  }
0x2c: {  	s7 =	sld [smem:$0x3FA5]  }
0x2d: {  	s3 =	simm.s32 $0x108;
	s8 =	sld [smem:$0x3FA6]  }
0x2e: {  	s3 =	simm.s32 @!p0 $0x1082;
	s9 =	sld [smem:$0x3FA7]  }
0x2f: {  	lr =	sadd.s32 s0, s3;
	s0 =	sld [smem:$0x3F9E]  }
0x30: {  	s3 =	sld [smem:$0x3FA1]  }
0x31: {  	[smem:$0x3FAA] =	sst s10  }
0x32: {  	s10 =	sld [smem:$0x3FA8];
	_ =	sdelay $0x3  }
0x33: {  	p0 =	seq.s32 s10, $0x1;
	s10 =	sld [smem:$0x3FAA];
	_ =	sdelay $0x3  }
0x34: {  	[smem:$0x3FAA] =	sst s10  }
0x35: {  	s10 =	sld [smem:$0x3FA9];
	_ =	sdelay $0x3  }
0x36: {  	p1 =	seq.s32 s10, $0x1;
	s10 =	sld [smem:$0x3FAA];
	_ =	sdelay $0x3  }
0x37: {  	[smem:$0x3FAA] =	sst s10  }
0x38: {  	s10 =	sld [smem:$0x3FAB]  }
0x39: {  	_ = 	snop;
	(pc) =	sbr.ind lr, $3  }
0x3a: {  	_ = 	snop  }
0x3b: {  	_ = 	snop  }
0x3c: {  	p2 =	seq.s32 s10, $0x1;
	s10 =	sld [smem:$0x3FAA]  }
0x3d: {  	_ =	shalt  }
0x3e: {  	_ =	shalt  }
0x3f: {  	_ =	shalt  }
0x40: {  	_ =	shalt  }
0x41: {  	_ =	shalt  }
0x42: {  	_ =	shalt  }
0x43: {  	_ =	shalt  }
0x44: {  	_ =	shalt  }
0x45: {  	_ =	shalt  }
0x46: {  	_ =	shalt  }
0x47: {  	_ =	shalt  }
0x48: {  	_ =	shalt  }
0x49: {  	_ =	shalt  }
0x4a: {  	_ =	shalt  }
0x4b: {  	_ =	shalt  }
0x4c: {  	_ =	shalt  }
0x4d: {  	_ =	shalt  }
0x4e: {  	_ =	shalt  }
0x4f: {  	_ =	shalt  }
0x50: {  	_ =	shalt  }
0x51: {  	_ =	shalt  }
0x52: {  	_ =	shalt  }
0x53: {  	_ =	shalt  }
0x54: {  	_ =	shalt  }
0x55: {  	_ =	shalt  }
0x56: {  	_ =	shalt  }
0x57: {  	_ =	shalt  }
0x58: {  	_ =	shalt  }
0x59: {  	_ =	shalt  }
0x5a: {  	_ =	shalt  }
0x5b: {  	_ =	shalt  }
0x5c: {  	_ =	shalt  }
0x5d: {  	_ =	shalt  }
0x5e: {  	_ =	shalt  }
0x5f: {  	_ =	shalt  }
0x60: {  	_ =	shalt  }
0x61: {  	_ =	shalt  }
0x62: {  	_ =	shalt  }
0x63: {  	_ =	shalt  }
0x64: {  	_ =	shalt  }
0x65: {  	_ =	shalt  }
0x66: {  	_ =	shalt  }
0x67: {  	_ =	shalt  }
0x68: {  	_ =	shalt  }
0x69: {  	_ =	shalt  }
0x6a: {  	_ =	shalt  }
0x6b: {  	_ =	shalt  }
0x6c: {  	_ =	shalt  }
0x6d: {  	_ =	shalt  }
0x6e: {  	_ =	shalt  }
0x6f: {  	_ =	shalt  }
0x70: {  	_ =	shalt  }
0x71: {  	_ =	shalt  }
0x72: {  	_ =	shalt  }
0x73: {  	_ =	shalt  }
0x74: {  	_ =	shalt  }
0x75: {  	_ =	shalt  }
0x76: {  	_ =	shalt  }
0x77: {  	_ =	shalt  }
0x78: {  	_ =	shalt  }
0x79: {  	_ =	shalt  }
0x7a: {  	_ =	shalt  }
0x7b: {  	_ =	shalt  }
0x7c: {  	_ =	shalt  }
0x7d: {  	_ =	shalt  }
0x7e: {  	_ =	shalt  }
0x7f: {  	_ =	shalt  }
0x80: {  	_ =	shalt  }
0x81: {  	_ =	shalt  }
0x82: {  	_ =	shalt  }
0x83: {  	_ =	shalt  }
0x84: {  	_ =	shalt  }
0x85: {  	_ =	shalt  }
0x86: {  	_ =	shalt  }
0x87: {  	_ =	shalt  }
.Lfunc_end0:
.L_simem_size_0:
called_computation_lowered:
.L_overlay_start_0:
0x88: {  	s0 =	sld [smem:$0x3FD9]  }
0x89: {  	s1 =	sld [smem:$0x3FFE];
	_ =	sdelay $0x3  }
0x8a: {  	s0 =	sadd.s32 s1, s0  }
0x8b: {  	[smem:$0x3FB6] =	sst s0  }
0x8c: {  	_ = 	snop  }
0x8d: {  	(tm) =	ssettm $0x1  }
0x8e: {  	s15 =	sld [smem:$0x3FFB];
	_ =	sdelay $0x3  }
0x8f: {  	_ =	strace s15  }
0x90: {  	s0 =	sld [smem:$0x3FFC];
	_ =	sdelay $0x3  }
0x91: {  	_ =	strace s0  }
0x92: {  	s0 =	sld [smem:$0x3FFD];
	_ =	sdelay $0x3  }
0x93: {  	_ =	strace s0  }
0x94: {  	_ =	strace $0x8FFFFFFF  }
0x95: {  	s16 =	sld [smem:$0x3FDB];
	_ =	sdelay $0x1  }
0x96: {  	s17 =	simm.s32 $_scs_section_size  }
0x97: {  	s2 =	simm.s32 $_size__tile_overlayer_lowered;
	s3 =	simm.s32 $_tile_overlayer_lowered  }
0x98: {  	s20 =	simm.s32 $0x1BFF;
	s19 =	sshll.u32 s3, $0x1;
	s0 =	sadd.s32 s17, s16  }
0x99: {  	s4 =	simm.s32 $0x0;
	s18 =	sshll.u32 s2, $0x1;
	s2 =	sadd.s32 s19, s0  }
0x9a: {  	[timem:s4], [sflag:s20] =	dma.local [hbm:s2], s18  }
0x9b: {  	_ =	swait.ge [sflag:s20], s18  }
0x9c: {  	s1 =	ssub.s32 $0x0, s18;
	[sflag:s20] =	ssyncset.done $0x0  }
0x9d: {  	[sflag:s20] =	ssyncadd.s32 s1;
	_ =	sdelay $0x1  }
0x9e: {  	s21 =	simm.s32 $0x1B8B  }
0x9f: {  	_ =	swait.ge [sflag:s21], $0x1  }
0xa0: {  	[sflag:s21] =	ssyncset.done $0x0  }
0xa1: {  	s23 =	simm.s32 $0x1B8E;
	s22 =	sld [smem:$0x3FFE];
	[sflag:s21] =	ssyncadd.s32 $0xFFFFFFFF  }
0xa2: {  	s24 =	simm.s32 $execute0_lowered;
	[smem:$0x3FD2] =	sst s23  }
0xa3: {  	s2 =	sshll.u32 s24, $0x1;
	_ =	strace $0x80000049;
	[dreg:$0x1] =	wrdreg $0xFFFFFFFF  }
0xa4: {  	s25 =	simm.s32 $_size_execute0_lowered;
	s0 =	sadd.s32 s0, s2;
	[dreg:$0x0] =	wrdreg $0x0  }
0xa5: {  	s2 =	sshll.u32 s25, $0x1;
	[dreg:$0x2] =	wrdreg s0  }
0xa6: {  	[dreg:$0x3] =	wrdreg s2  }
0xa7: {  	[dreg:$0x4] =	wrdreg $0xC0  }
0xa8: {  	_ =	task [dreg:s4], $0x5FFFF  }
0xa9: {  	[dreg:$0x1] =	wrdreg $0xFFFFFFFF  }
0xaa: {  	[dreg:$0x0] =	wrdreg $0x60  }
0xab: {  	[dreg:$0x2] =	wrdreg s22  }
0xac: {  	[dreg:$0x3] =	wrdreg $0x9  }
0xad: {  	_ =	task.clear_ibuf [dreg:s4], $0x4FFFF;
	_ =	strace $0x90000049  }
0xae: {  	s26 =	simm.s32 $0x9;
	_ =	strace $0x8000004B  }
0xaf: {  	_ =	swait.ge [sflag:s26], $0x1  }
0xb0: {  	[sflag:s26] =	ssyncadd.s32 $0xFFFFFFFF  }
0xb1: {  	_ =	strace $0x9000004B  }
0xb2: {  	_ =	sfence  }
0xb3: {  	s28 =	sld [smem:$0x0];
	_ =	sdelay $0x1  }
0xb4: {  	s29 =	srdreg.scid  }
0xb5: {  	s30 =	sshll.u32 s29, $0xD;
	s31 =	sshrl.u32 s29, $0x2  }
0xb6: {  	s1 =	sand.u32 $0x1, s29;
	s2 =	sand.u32 $0x4000, s30;
	s0 =	sadd.s32 s31, s28  }
0xb7: {  	s1 =	sor.u32 s2, s1;
	s0 =	sshll.u32 s0, $0x11  }
0xb8: {  	s0 =	sor.u32 s0, s1  }
0xb9: {  	s0 =	sadd.s32 $0x8F2B, s0  }
0xba: {  	[sflag:s0] =	ssyncadd.remote.s32 $0x1  }
0xbb: {  	_ =	sfence.sel $0xFFFF  }
0xbc: {  	[dreg:$0x0] =	wrdreg $0xFFFFFFFF;
	(pc) =	sbr.abs _section_cstart, $3  }
0xbd: {  	[dreg:$0x1] =	wrdreg $0xFFFFFFFF  }
0xbe: {  	_ =	task.clear_ibuf [dreg:s4], $0x2FFFF;
	_ =	strace $0x9FFFFFFF  }
0xbf: {  	(tm) =	ssettm $0x7FFFFFFF  }
tec
execute0_lowered:
.L_overlay_start_1:
0x0: {  	(tag) =	ssettag $0x1  }
0x1: {  	s0 =	rddreg [dreg:$0x0];
	_ =	strace $0x8000004A;
	s1 =	simm.s32 $0x1  }
0x2: {  	s8 =	simm.s32 $0x108;
	v0 =	vimm.s32 $0x0;
	[sflag:s1] =	ssyncpa.u1 $0x0  }
0x3: {  	[tilespmem:s8+$0x70] =	vst v0  }
0x4: {  	[tilespmem:s8+$0x60] =	vst v0  }
0x5: {  	[tilespmem:s8+$0x50] =	vst v0  }
0x6: {  	[tilespmem:s8+$0x40] =	vst v0  }
0x7: {  	[tilespmem:s8+$0x30] =	vst v0  }
0x8: {  	s1 =	sadd.s32 $0x521600, s0;
	s3 =	sadd.s32 $0x59B400, s0;
	[tilespmem:s8+$0x20] =	vst v0  }
0x9: {  	s2 =	simm.s32 $0x40;
	s4 =	sadd.s32 $0x18400, s0;
	s5 =	sadd.s32 $0x5A5600, s0;
	[tilespmem:s8+$0x10] =	vst v0  }
.LBB2_1:
0xa: {  	s2 =	sadd.s32 $0x40, s2;
	[tilespmem:s8+$0x0] =	vst v0;
	s8 =	sadd.s32 $0x80, s8  }
0xb: {  	p0 =	slt.u32 s2, $0x3C40;
	[tilespmem:s8+$0x70] =	vst v0  }
0xc: {  	[tilespmem:s8+$0x60] =	vst v0  }
.Ltmp0:
0xd: {  	[tilespmem:s8+$0x50] =	vst v0;
	(pc) =	sbr.rel @p0 .LBB2_1-.Ltmp0, $4  }
0xe: {  	[tilespmem:s8+$0x40] =	vst v0  }
0xf: {  	[tilespmem:s8+$0x30] =	vst v0  }
0x10: {  	[tilespmem:s8+$0x20] =	vst v0  }
0x11: {  	[tilespmem:s8+$0x10] =	vst v0  }
0x12: {  	s13 =	stileid.u32  }
0x13: {  	s0 =	simm.s32 $0x4FB0;
	s6 =	smul.u32 $0x50A0, s13;
	p0 =	seq.s32 s13, $0xF  }
0x14: {  	s0 =	simm.s32 @!p0 $0x50A0  }
0x15: {  	s0 =	sadd.s32 s6, s0  }
0x16: {  	s7 =	smin.u32 s0, $0x50910  }
0x17: {  	s0 =	ssub.s32 s7, s6  }
0x18: {  	p0 =	sgt.s32 s0, $0x0  }
0x19: {  	s0 =	simm.s32 @!p0 $0x0  }
0x1a: {  	s2 =	simm.s32 $0x2;
	s9 =	simm.s32 $0x7;
	s31 =	smulhi.u32 $0x1111112, s0  }
0x1b: {  	s10 =	simm.s32 $0x8;
	s19 =	simm.s32 $0x0;
	s15 =	simm.s32 $0xA  }
0x1c: {  	s17 =	simm.s32 $0x0;
	s18 =	simm.s32 $0x0;
	s11 =	smul.u32 $0xF0, s31  }
.Ltmp1:
0x1d: {  	[tilespmem:s8+$0x0] =	vst v0;
	v0 =	vimm.s32 $0xFFFFFFFF;
	[sflag:s2] =	ssyncpa.u1 $0x0;
	s13 =	sshll.u32 s13, $0x8;
	(pc) =	sbr.rel .LBB2_3-.Ltmp1, $4  }
0x1e: {  	[tilespmem:$0xF208] =	vst v0;
	[sflag:s9] =	ssyncpa.u1 $0x0;
	p0 =	sne.s32 s0, s11;
	s0 =	simm.s32 $0x1  }
0x1f: {  	[sflag:s10] =	ssyncpa.u1 $0x0;
	s10 =	simm.s32 $0x9;
	s0 =	simm.s32 @!p0 $0x0  }
0x20: {  	s16 =	smov.u32 s6;
	[sflag:s10] =	ssyncpa.u1 $0x0;
	s12 =	sadd.s32 s0, s31  }
0x21: {  	v0 =	vlaneseq.u32;
	s11 =	simm.s32 $0x1;
	p0 =	por $0x0, $0x0;
	s14 =	sadd.s32 $0x1, s12  }
.LBB2_18:
0x22: {  	s0 =	sshrl.u32 s28, $0x2  }
.LBB2_20:
0x23: {  	_ =	swait.ge [sflag:s15], s0  }
0x24: {  	s31 =	ssub.s32 $0x0, s0;
	v1 =	vmov s21;
	vm0 =	veq.s32 v0, $0x0;
	[sflag:s15] =	ssyncset.done $0x0  }
0x25: {  	vm15 =	veq.s32 v0, $0x2;
	v1 =	vsel vm0, s26, v1;
	[sflag:s15] =	ssyncadd.s32 s31  }
0x26: {  	v1 =	vsel vm15, s19, v1;
	[sflag:s15] =	ssyncpa.u1 $0x1  }
0x27: {  	[tilespmem:$0xF208] =	vst v1  }
.LBB2_21:
0x28: {  	s0 =	sadd.s32 $0xF0, s16  }
0x29: {  	s2 =	smov.u32 s6;
	p1 =	slt.s32 s0, s7  }
0x2a: {  	s2 =	smov.u32 @p1 s0;
	p1 =	sne.s32 s18, s14  }
.Ltmp2:
0x2b: {  	_ = 	snop;
	(pc) =	sbr.rel @!p1 .LBB2_22-.Ltmp2, $3  }
0x2c: {  	_ =	sdelay $0x1  }
0x2d: {  	s19 =	smov.u32 s17;
	s31 =	sadd.s32 $0x1, s18;
	s17 =	smov.u32 s16  }
0x2e: {  	p0 =	por !p0, !p0;
	s18 =	smov.u32 s31;
	s16 =	smov.u32 s2  }
.LBB2_3:
0x2f: {  	p1 =	sge.u32 s18, s12  }
0x30: {  	s0 =	smulhi.u32 @!p1 $0xAAAAAAAB, s18  }
0x31: {  	s2 =	smov.u32 s16;
	p2 =	sgt.s32 @!p1 s16, $0x50820  }
0x32: {  	s20 =	sshra.s32 @!p1 s16, $0x1F;
	p2 =	por !p2, p1;
	s0 =	sshrl.u32 @!p1 s0, $0x1  }
0x33: {  	s20 =	sand.u32 @!p1 s20, s16;
	s2 =	simm.s32 @p2 $0x50820;
	s0 =	smul.u32 @!p1 $0x3, s0  }
0x34: {  	s2 =	ssub.s32 @!p1 s2, s20  }
0x35: {  	s2 =	sadd.s32 @!p1 $0xFFFAF7E0, s2;
	s0 =	ssub.s32 @!p1 s18, s0  }
0x36: {  	s20 =	sshll.u32 @!p1 s2, $0x2;
	p2 =	sgt.s32 @!p1 s2, $0xEF;
	s0 =	smul.u32 @!p1 $0x3C0, s0  }
0x37: {  	s21 =	sand.u32 @!p1 $0x7, s16;
	s2 =	ssub.s32 @!p1 $0x3C0, s20;
	p2 =	por !p2, p1  }
0x38: {  	s20 =	sshrl.u32 @!p1 s16, $0x3;
	s2 =	sshrl.u32 @!p1 s2, $0x2;
	s0 =	sshrl.u32 @!p1 s0, $0x2  }
0x39: {  	s20 =	sadd.s32 @!p1 s5, s20;
	s2 =	simm.s32 @!p2 $0x0;
	s0 =	sadd.s32 @!p1 $0x10238, s0  }
0x3a: {  	[tilespmem:s0], [sflag:$0x8] =	stream.linear.gather @!p1 [hbm4b:s20+s21], s2, $0x38;
	[tilespmem:$0x1F6E8] =	vst v63  }
0x3b: {  	s0 =	sadd.s32 $0xFFFFFFFF, s18  }
0x3c: {  	p1 =	sge.u32 s0, s12  }
0x3d: {  	p2 =	sgt.s32 @!p1 s17, $0x50820  }
0x3e: {  	s2 =	smov.u32 s17;
	s20 =	sshra.s32 @!p1 s17, $0x1F;
	p2 =	por !p2, p1  }
0x3f: {  	s20 =	sand.u32 @!p1 s20, s17;
	s2 =	simm.s32 @p2 $0x50820  }
0x40: {  	s2 =	ssub.s32 @!p1 s2, s20  }
0x41: {  	s2 =	sadd.s32 @!p1 $0xFFFAF7E0, s2  }
0x42: {  	s21 =	smulhi.u32 @!p1 $0xAAAAAAAB, s0;
	s22 =	sand.u32 @!p1 $0x1, s0;
	s20 =	sshll.u32 @!p1 s2, $0x2  }
0x43: {  	s24 =	smul.u32 @!p1 $0x3C0, s22;
	p2 =	sgt.s32 @!p1 s2, $0xEF;
	s2 =	ssub.s32 @!p1 $0x3C0, s20  }
0x44: {  	p2 =	por !p2, p1;
	s20 =	sshrl.u32 @!p1 s21, $0x1;
	s2 =	sshrl.u32 @!p1 s2, $0x2  }
0x45: {  	s21 =	simm.s32 @!p1 $0x8;
	s20 =	smul.u32 @!p1 $0x3, s20;
	s2 =	simm.s32 @!p2 $0x0  }
0x46: {  	s22 =	smul.u32 @!p1 $0x1E000, s22;
	_ =	swait.ge @!p1 [sflag:s21], s2;
	s23 =	ssub.s32 @!p1 $0x0, s2  }
0x47: {  	s0 =	ssub.s32 @!p1 s0, s20;
	s20 =	sshrl.u32 @!p1 s17, $0x3;
	[sflag:s21] =	ssyncset.done @!p1 $0x0  }
0x48: {  	s20 =	sadd.s32 @!p1 s3, s20;
	[sflag:s21] =	ssyncadd.s32 @!p1 s23;
	s21 =	sshrl.u32 @!p1 s24, $0x2  }
0x49: {  	s0 =	smul.u32 @!p1 $0x3C0, s0;
	s23 =	sand.u32 @!p1 $0x7, s17;
	s21 =	sor.u32 @!p1 $0x10508, s21  }
0x4a: {  	[tilespmem:s21], [sflag:$0x9] =	stream.linear.gather @!p1 [hbm4b:s20+s23], s2, $0x38;
	[tilespmem:$0x1F6E8] =	vst v63  }
0x4b: {  	s0 =	sshrl.u32 @!p1 s0, $0x2;
	s2 =	sshrl.u32 @!p1 s22, $0x2  }
0x4c: {  	s0 =	sadd.s32 @!p1 $0x10238, s0;
	s20 =	simm.s32 @!p1 $0xF0;
	s2 =	sor.u32 @!p1 $0x106E8, s2  }
0x4d: {  	[tilespmem:s2], [sflag:$0x7] =	stream.indirect.gather @!p1 [hbm4b:s4+s20], $0x80, s0, s20, $0xb8;
	[tilespmem:$0x1F6E8] =	vst v63  }
0x4e: {  	p1 =	slt.u32 s18, $0x2  }
.Ltmp3:
0x4f: {  	_ = 	snop;
	(pc) =	sbr.rel @p1 .LBB2_21-.Ltmp3, $1  }
0x50: {  	_ =	sdelay $0x3  }
0x51: {  	p1 =	sgt.s32 s19, $0x50820;
	s0 =	smov.u32 s19;
	s2 =	sshra.s32 s19, $0x1F  }
0x52: {  	s0 =	simm.s32 @!p1 $0x50820;
	s2 =	sand.u32 s2, s19  }
0x53: {  	s0 =	ssub.s32 s0, s2  }
0x54: {  	s0 =	sadd.s32 $0xFFFAF7E0, s0  }
0x55: {  	s30 =	sshll.u32 s0, $0x2  }
0x56: {  	_ =	swait.ge [sflag:s9], $0x7800;
	s2 =	ssub.s32 $0x3C0, s30  }
0x57: {  	[sflag:s9] =	ssyncset.done $0x0;
	p1 =	sgt.s32 s0, $0xEF;
	s0 =	sshrl.u32 s2, $0x2  }
0x58: {  	[sflag:s9] =	ssyncadd.s32 $0xFFFF8800;
	s0 =	simm.s32 @p1 $0x0  }
0x59: {  	_ =	swait.ge [sflag:s10], s0  }
0x5a: {  	s0 =	ssub.s32 $0x0, s0;
	[sflag:s10] =	ssyncset.done $0x0  }
0x5b: {  	[sflag:s10] =	ssyncadd.s32 s0  }
0x5c: {  	v1 =	vld [tilespmem:$0xF208];
	_ =	sdelay $0x4  }
0x5d: {  	(v2sf) =	vpush v1, $0x0  }
0x5e: {  	(v2sf) =	vpush v1, $0x1  }
0x5f: {  	(v2sf) =	vpush v1, $0x2;
	_ =	sdelay $0x3  }
0x60: {  	s0 =	sadd.s32 $0xF0, s19  }
0x61: {  	s2 =	ssub.s32 $0x50910, s19;
	p1 =	slt.s32 s7, s0  }
0x62: {  	s0 =	smov.u32 @p1 s7;
	p1 =	sgt.s32 s2, $0x0  }
0x63: {  	s23 =	ssub.s32 s0, s19;
	s2 =	simm.s32 @!p1 $0x0  }
0x64: {  	p1 =	slt.s32 s2, s23  }
0x65: {  	s23 =	smov.u32 @p1 s2  }
0x66: {  	s22 =	simm.s32 $0x1;
	p1 =	slt.s32 s23, $0x1  }
.Ltmp4:
0x67: {  	s22 =	simm.s32 @!p0 $0x0;
	(pc) =	sbr.rel @p1 .LBB2_8-.Ltmp4, $4  }
0x68: {  	s31 =	smul.u32 $0x3C0, s22  }
0x69: {  	s24 =	spop (v2sf)  }
0x6a: {  	s0 =	sshrl.u32 s31, $0x2;
	s26 =	spop (v2sf)  }
0x6b: {  	s20 =	sor.u32 $0x10508, s0;
	s19 =	spop (v2sf)  }
0x6c: {  	s0 =	smin.u32 s23, $0x10  }
0x6d: {  	v1 =	vmov s0  }
0x6e: {  	p2 =	sgt.s32 s23, $0x10;
	vm1 =	vgt.u32 v1, v0  }
.Ltmp5:
0x6f: {  	_ = 	snop;
	(pc) =	sbr.rel @!p2 .LBB2_7-.Ltmp5, $2  }
0x70: {  	_ =	sdelay $0x2  }
0x71: {  	s25 =	simm.s32 $0x10;
	s28 =	sadd.s32 $0xFFFFFFF0, s23;
	s21 =	smov.u32 s20;
	vm0 =	vmmov vm1  }
.LBB2_6:
0x72: {  	s0 =	smin.u32 s28, $0x10;
	s25 =	sadd.s32 $0x10, s25;
	v1 =	vld.msk [tilespmem:s21+$0x0 ss:$0x1], vm1  }
0x73: {  	v2 =	vmov s0;
	p2 =	slt.s32 s25, s23  }
0x74: {  	vm1 =	vgt.u32 v2, v0  }
.Ltmp6:
0x75: {  	(pc) =	sbr.rel @p2 .LBB2_6-.Ltmp6, $3  }
0x76: {  	_ =	sdelay $0x1  }
0x77: {  	v1 =	vshll.u32 v1, $0x4  }
0x78: {  	s28 =	sadd.s32 $0xFFFFFFF0, s28;
	[tilespmem:s21+$0x0] =	vst.msk vm0, v1;
	s21 =	sadd.s32 $0x10, s21;
	vm0 =	vmmov vm1  }
.LBB2_7:
0x79: {  	_ =	sdelay $0x4  }
0x7a: {  	v1 =	vld.msk [tilespmem:s21+$0x0 ss:$0x1], vm1;
	_ =	sdelay $0x4  }
0x7b: {  	v1 =	vshll.u32 v1, $0x4  }
0x7c: {  	[tilespmem:s21+$0x0] =	vst.msk vm0, v1  }
.LBB2_8:
0x7d: {  	s0 =	sand.u32 $0x1, s18  }
0x7e: {  	s2 =	smul.u32 $0x7800, s0  }
0x7f: {  	p2 =	sne.s32 s26, $0xFFFFFFFF  }
0x80: {  	v1 =	vld @!p2 [tilespmem:s2+$0x106E8];
	_ =	sdelay $0x2  }
0x81: {  	s0 =	smul.u32 $0xF0, s0;
	_ =	sdelay $0x1  }
0x82: {  	v2 =	vld.msk @!p2 [tilespmem:s0+$0x10508], $0x1;
	[tilespmem:$0x108] =	vst @!p2 v1  }
0x83: {  	v1 =	vld @!p2 [tilespmem:s2+$0x106F8];
	_ =	sdelay $0x4  }
0x84: {  	[tilespmem:$0x118] =	vst @!p2 v1  }
0x85: {  	v1 =	vld @!p2 [tilespmem:s2+$0x10708];
	_ =	sdelay $0x4  }
0x86: {  	[tilespmem:$0x128] =	vst @!p2 v1  }
0x87: {  	v1 =	vld @!p2 [tilespmem:s2+$0x10718];
	_ =	sdelay $0x4  }
0x88: {  	[tilespmem:$0x138] =	vst @!p2 v1  }
0x89: {  	v1 =	vld @!p2 [tilespmem:s2+$0x10728];
	_ =	sdelay $0x4  }
0x8a: {  	[tilespmem:$0x148] =	vst @!p2 v1  }
0x8b: {  	(v2sf) =	vpush @!p2 v2, $0x0;
	v1 =	vld @!p2 [tilespmem:s2+$0x10738];
	_ =	sdelay $0x4  }
0x8c: {  	[tilespmem:$0x158] =	vst @!p2 v1  }
0x8d: {  	v1 =	vld @!p2 [tilespmem:s2+$0x10748];
	_ =	sdelay $0x4  }
0x8e: {  	[tilespmem:$0x168] =	vst @!p2 v1  }
0x8f: {  	v1 =	vld @!p2 [tilespmem:s2+$0x10758]  }
.Ltmp7:
0x90: {  	_ = 	snop;
	(pc) =	sbr.rel @p1 .LBB2_19-.Ltmp7, $4  }
0x91: {  	_ = 	snop  }
0x92: {  	s25 =	spop @!p2 (v2sf)  }
0x93: {  	s19 =	simm.s32 @!p2 $0x0;
	s21 =	smov.u32 s25  }
0x94: {  	s25 =	smov.u32 @p2 s24;
	s21 =	smov.u32 @p2 s26;
	[tilespmem:$0x178] =	vst @!p2 v1;
	[sflag:s15] =	ssyncpa.u1 $0x0  }
0x95: {  	v1 =	vld.msk [tilespmem:s20+$0x0], $0x1;
	_ =	sdelay $0x4  }
0x96: {  	(v2sf) =	vpush v1, $0x0;
	_ =	sdelay $0xe  }
0x97: {  	s0 =	smul.u32 $0x1E000, s22;
	s29 =	spop (v2sf)  }
0x98: {  	s23 =	ssub.s32 $0x0, s23;
	p1 =	seq.s32 s25, s29  }
0x99: {  	s26 =	sadd.s32 $0x1, s23;
	s0 =	sshrl.u32 s0, $0x2;
	p2 =	sgt.s32 @!p1 s25, $0x0  }
0x9a: {  	s22 =	sor.u32 $0x10728, s0;
	s0 =	smov.u32 s25;
	p2 =	por !p2, p1  }
0x9b: {  	s0 =	simm.s32 @p2 $0x0;
	p2 =	seq.s32 s26, $0x0  }
.Ltmp8:
0x9c: {  	_ = 	snop;
	(pc) =	sbr.rel @p2 .LBB2_11-.Ltmp8, $4  }
0x9d: {  	_ = 	snop  }
0x9e: {  	s24 =	simm.s32 $0x0;
	s28 =	sadd.s32 $0x1, s20;
	s0 =	smin.u32 @!p1 s0, $0x270F0  }
0x9f: {  	s30 =	simm.s32 @!p1 $0x1;
	s31 =	simm.s32 @!p1 $0x7988;
	s2 =	sand.u32 @!p1 $0x3FFF8, s0  }
0xa0: {  	s30 =	smov.u32 @p1 s24;
	s0 =	sand.u32 @!p1 $0x7, s0;
	s2 =	sadd.s32 @!p1 s1, s2  }
.LBB2_10:
0xa1: {  	s8 =	smov.u32 s30  }
0xa2: {  	[tilespmem:s31], [sflag:$0x2] =	stream.linear.gather @!p1 [hbm4b:s2+s0], $0x80, $0x38;
	[tilespmem:$0x1F6E8] =	vst v63  }
0xa3: {  	s26 =	sadd.s32 $0x1, s26;
	s0 =	smov.u32 s29;
	v1 =	vld.msk [tilespmem:s28+$0x0], $0x1  }
0xa4: {  	p2 =	seq.s32 s26, $0x0;
	_ =	sdelay $0x3  }
0xa5: {  	(v2sf) =	vpush v1, $0x0;
	_ =	sdelay $0xe  }
0xa6: {  	s29 =	spop (v2sf)  }
0xa7: {  	p1 =	seq.s32 s0, s29  }
0xa8: {  	p3 =	sgt.s32 @!p1 s0, $0x0;
	s2 =	sshll.u32 @!p1 s30, $0x9;
	s30 =	sadd.s32 @!p1 $0x1, s30  }
.Ltmp9:
0xa9: {  	p3 =	por !p3, p1;
	s2 =	sshra.s32 @!p1 s2, $0x2;
	(pc) =	sbr.rel @!p2 .LBB2_10-.Ltmp9, $4  }
0xaa: {  	s30 =	smov.u32 @p1 s8;
	s0 =	simm.s32 @p3 $0x0;
	s31 =	sadd.s32 @!p1 $0x7988, s2  }
0xab: {  	s0 =	smin.u32 @!p1 s0, $0x270F0  }
0xac: {  	s2 =	sand.u32 @!p1 $0x3FFF8, s0;
	s0 =	sand.u32 @!p1 $0x7, s0  }
0xad: {  	s28 =	sadd.s32 $0x1, s28;
	s2 =	sadd.s32 @!p1 s1, s2  }
.LBB2_11:
0xae: {  	[tilespmem:s31], [sflag:$0x2] =	stream.linear.gather @!p1 [hbm4b:s2+s0], $0x80, $0x38;
	[tilespmem:$0x1F6E8] =	vst v63  }
.Ltmp10:
0xaf: {  	s30 =	sshll.u32 s30, $0x7;
	(pc) =	sbr.rel .LBB2_12-.Ltmp10, $4  }
0xb0: {  	s31 =	simm.s32 $0x2;
	s0 =	sand.u32 $0x3FFFFF80, s30  }
0xb1: {  	_ =	swait.ge [sflag:s31], s0  }
0xb2: {  	s0 =	ssub.s32 $0x0, s0;
	[sflag:s31] =	ssyncset.done $0x0  }
0xb3: {  	s28 =	simm.s32 $0x0;
	[sflag:s31] =	ssyncadd.s32 s0  }
.LBB2_13:
0xb4: {  	s0 =	sshra.s32 s0, $0x2;
	v1 =	vld [tilespmem:s22+$0xFFFFFFC0]  }
0xb5: {  	v2 =	vld [tilespmem:s0+$0x108];
	_ =	sdelay $0x4  }
0xb6: {  	v1 =	vmax.f32 v1, v2  }
0xb7: {  	v2 =	vld [tilespmem:s0+$0x118];
	[tilespmem:s0+$0x108] =	vst v1  }
0xb8: {  	v1 =	vld [tilespmem:s22+$0xFFFFFFD0];
	_ =	sdelay $0x4  }
0xb9: {  	v1 =	vmax.f32 v1, v2  }
0xba: {  	v2 =	vld [tilespmem:s0+$0x128];
	[tilespmem:s0+$0x118] =	vst v1  }
0xbb: {  	v1 =	vld [tilespmem:s22+$0xFFFFFFE0];
	_ =	sdelay $0x4  }
0xbc: {  	v1 =	vmax.f32 v1, v2  }
0xbd: {  	v2 =	vld [tilespmem:s0+$0x138];
	[tilespmem:s0+$0x128] =	vst v1  }
0xbe: {  	v1 =	vld [tilespmem:s22+$0xFFFFFFF0];
	_ =	sdelay $0x4  }
0xbf: {  	v1 =	vmax.f32 v1, v2  }
0xc0: {  	v2 =	vld [tilespmem:s0+$0x148];
	[tilespmem:s0+$0x138] =	vst v1  }
0xc1: {  	v1 =	vld [tilespmem:s22+$0x0];
	_ =	sdelay $0x4  }
0xc2: {  	v1 =	vmax.f32 v1, v2  }
0xc3: {  	v2 =	vld [tilespmem:s0+$0x158];
	[tilespmem:s0+$0x148] =	vst v1  }
0xc4: {  	v1 =	vld [tilespmem:s22+$0x10];
	_ =	sdelay $0x4  }
0xc5: {  	v1 =	vmax.f32 v1, v2  }
0xc6: {  	v2 =	vld [tilespmem:s0+$0x168];
	[tilespmem:s0+$0x158] =	vst v1  }
0xc7: {  	v1 =	vld [tilespmem:s22+$0x20];
	_ =	sdelay $0x4  }
0xc8: {  	v1 =	vmax.f32 v1, v2  }
0xc9: {  	v2 =	vld [tilespmem:s0+$0x178];
	[tilespmem:s0+$0x168] =	vst v1  }
0xca: {  	v1 =	vld [tilespmem:s22+$0x30];
	_ =	sdelay $0x4  }
0xcb: {  	v1 =	vmax.f32 v1, v2  }
0xcc: {  	[tilespmem:s0+$0x178] =	vst v1  }
.LBB2_17:
0xcd: {  	s23 =	sadd.s32 $0x1, s23  }
0xce: {  	p1 =	seq.s32 s23, $0x0  }
.Ltmp11:
0xcf: {  	_ = 	snop;
	(pc) =	sbr.rel @p1 .LBB2_18-.Ltmp11, $2  }
0xd0: {  	_ =	sdelay $0x2  }
0xd1: {  	s20 =	sadd.s32 $0x1, s20;
	s22 =	sadd.s32 $0x80, s22;
	s25 =	smov.u32 s26  }
.LBB2_12:
0xd2: {  	v1 =	vld.msk [tilespmem:s20+$0x0], $0x1;
	_ =	sdelay $0x4  }
0xd3: {  	(v2sf) =	vpush v1, $0x0;
	_ =	sdelay $0xe  }
0xd4: {  	s26 =	spop (v2sf)  }
0xd5: {  	p1 =	sne.s32 s25, s26  }
.Ltmp12:
0xd6: {  	_ = 	snop;
	(pc) =	sbr.rel @!p1 .LBB2_13-.Ltmp12, $2  }
0xd7: {  	_ =	sdelay $0x2  }
0xd8: {  	s0 =	sshll.u32 s19, $0x9  }
0xd9: {  	p1 =	seq.s32 s25, s21  }
.Ltmp13:
0xda: {  	_ = 	snop;
	(pc) =	sbr.rel @!p1 .LBB2_15-.Ltmp13, $1  }
0xdb: {  	_ =	sdelay $0x3  }
0xdc: {  	s0 =	sshra.s32 s0, $0x2  }
.Ltmp14:
0xdd: {  	s0 =	sadd.s32 $0x108, s0;
	(pc) =	sbr.rel .LBB2_16-.Ltmp14, $4  }
0xde: {  	[spmem:s13] =	stream.linear.scatter [tilespmem:s0], [sflag:$0x1], $0x80, $0x38;
	[tilespmem:$0x1F6E8] =	vst v63  }
0xdf: {  	_ =	swait.ge [sflag:s11], $0x80  }
0xe0: {  	[sflag:s11] =	ssyncset.done $0x0  }
0xe1: {  	[sflag:s11] =	ssyncadd.s32 $0xFFFFFF80  }
.LBB2_15:
0xe2: {  	s2 =	sshll.u32 s24, $0x9;
	s0 =	sshra.s32 s0, $0x2  }
0xe3: {  	s2 =	sshra.s32 s2, $0x2;
	v2 =	vld [tilespmem:s0+$0x108]  }
0xe4: {  	v1 =	vld [tilespmem:s2+$0x7988];
	_ =	sdelay $0x4  }
0xe5: {  	v1 =	vmax.f32 v1, v2  }
0xe6: {  	v2 =	vld [tilespmem:s0+$0x118];
	[tilespmem:s0+$0x108] =	vst v1  }
0xe7: {  	v1 =	vld [tilespmem:s2+$0x7998];
	_ =	sdelay $0x4  }
0xe8: {  	v1 =	vmax.f32 v1, v2  }
0xe9: {  	v2 =	vld [tilespmem:s0+$0x128];
	[tilespmem:s0+$0x118] =	vst v1  }
0xea: {  	v1 =	vld [tilespmem:s2+$0x79A8];
	_ =	sdelay $0x4  }
0xeb: {  	v1 =	vmax.f32 v1, v2  }
0xec: {  	v2 =	vld [tilespmem:s0+$0x138];
	[tilespmem:s0+$0x128] =	vst v1  }
0xed: {  	v1 =	vld [tilespmem:s2+$0x79B8];
	_ =	sdelay $0x4  }
0xee: {  	v1 =	vmax.f32 v1, v2  }
0xef: {  	v2 =	vld [tilespmem:s0+$0x148];
	[tilespmem:s0+$0x138] =	vst v1  }
0xf0: {  	v1 =	vld [tilespmem:s2+$0x79C8];
	_ =	sdelay $0x4  }
0xf1: {  	v1 =	vmax.f32 v1, v2  }
0xf2: {  	v2 =	vld [tilespmem:s0+$0x158];
	[tilespmem:s0+$0x148] =	vst v1  }
0xf3: {  	v1 =	vld [tilespmem:s2+$0x79D8];
	_ =	sdelay $0x4  }
0xf4: {  	v1 =	vmax.f32 v1, v2  }
0xf5: {  	v2 =	vld [tilespmem:s0+$0x168];
	[tilespmem:s0+$0x158] =	vst v1  }
0xf6: {  	v1 =	vld [tilespmem:s2+$0x79E8];
	_ =	sdelay $0x4  }
0xf7: {  	v1 =	vmax.f32 v1, v2  }
0xf8: {  	v2 =	vld [tilespmem:s0+$0x178];
	[tilespmem:s0+$0x168] =	vst v1  }
0xf9: {  	v1 =	vld [tilespmem:s2+$0x79F8];
	_ =	sdelay $0x3  }
0xfa: {  	p1 =	sgt.u32 s25, $0x270F0  }
0xfb: {  	s2 =	sand.u32 @!p1 $0x3FFF8, s25;
	v1 =	vmax.f32 v1, v2  }
0xfc: {  	s8 =	sadd.s32 $0x108, s0;
	[tilespmem:s0+$0x178] =	vst v1;
	s0 =	sadd.s32 @!p1 s1, s2;
	s2 =	sand.u32 @!p1 $0x7, s25  }
0xfd: {  	[hbm4b:s0+s2] =	stream.linear.scatter @!p1 [tilespmem:s8], [sflag:$0xA], $0x80, $0x38;
	[tilespmem:$0x1F6E8] =	vst v63  }
0xfe: {  	s0 =	simm.s32 $0x0  }
0xff: {  	s0 =	simm.s32 @!p1 $0x200  }
0x100: {  	s28 =	sadd.s32 s0, s28  }
.LBB2_16:
0x101: {  	s0 =	sadd.s32 $0x1, s19  }
0x102: {  	s2 =	smulhi.u32 $0x88888889, s0;
	_ =	sdelay $0x1  }
0x103: {  	v1 =	vld [tilespmem:s22+$0xFFFFFFC0];
	s2 =	sshrl.u32 s2, $0x7  }
0x104: {  	s2 =	smul.u32 $0xF0, s2;
	_ =	sdelay $0x1  }
0x105: {  	s19 =	ssub.s32 s0, s2  }
0x106: {  	s0 =	sshll.u32 s19, $0x7  }
0x107: {  	[tilespmem:s0+$0x108] =	vst v1  }
0x108: {  	v1 =	vld [tilespmem:s22+$0xFFFFFFD0];
	_ =	sdelay $0x4  }
0x109: {  	[tilespmem:s0+$0x118] =	vst v1  }
0x10a: {  	v1 =	vld [tilespmem:s22+$0xFFFFFFE0];
	_ =	sdelay $0x4  }
0x10b: {  	[tilespmem:s0+$0x128] =	vst v1  }
0x10c: {  	v1 =	vld [tilespmem:s22+$0xFFFFFFF0];
	_ =	sdelay $0x4  }
0x10d: {  	[tilespmem:s0+$0x138] =	vst v1  }
0x10e: {  	v1 =	vld [tilespmem:s22+$0x0];
	_ =	sdelay $0x4  }
0x10f: {  	[tilespmem:s0+$0x148] =	vst v1  }
0x110: {  	v1 =	vld [tilespmem:s22+$0x10];
	_ =	sdelay $0x4  }
0x111: {  	[tilespmem:s0+$0x158] =	vst v1  }
0x112: {  	v1 =	vld [tilespmem:s22+$0x20];
	_ =	sdelay $0x4  }
0x113: {  	[tilespmem:s0+$0x168] =	vst v1  }
0x114: {  	v1 =	vld [tilespmem:s22+$0x30]  }
.Ltmp15:
0x115: {  	_ = 	snop;
	(pc) =	sbr.rel .LBB2_17-.Ltmp15, $2  }
0x116: {  	_ =	sdelay $0x2  }
0x117: {  	s24 =	sadd.s32 $0x1, s24;
	[tilespmem:s0+$0x178] =	vst v1  }
.LBB2_19:
.Ltmp16:
0x118: {  	(pc) =	sbr.rel .LBB2_20-.Ltmp16, $4  }
0x119: {  	_ = 	snop  }
0x11a: {  	s0 =	simm.s32 $0x2  }
0x11b: {  	_ =	swait.ge [sflag:s0], $0x0  }
0x11c: {  	s26 =	smov.u32 s25;
	[sflag:s0] =	ssyncset.done $0x0;
	s0 =	simm.s32 $0x0  }
.LBB2_22:
0x11d: {  	_ =	sfence.sel $0x180000  }
0x11e: {  	s0 =	simm.s32 $0x7;
	[bflag:$0x0] =	sbarrier.arrive $0xFFFF  }
0x11f: {  	s25 =	simm.s32 $0x8;
	[sflag:s0] =	ssyncpa.u1 $0x1  }
0x120: {  	s26 =	simm.s32 $0x9;
	[sflag:s25] =	ssyncpa.u1 $0x1  }
0x121: {  	s28 =	simm.s32 $0x2;
	[sflag:s26] =	ssyncpa.u1 $0x1  }
0x122: {  	[sflag:s28] =	ssyncpa.u1 $0x1  }
0x123: {  	v0 =	vld [tilespmem:$0xF208];
	_ =	sdelay $0x4  }
0x124: {  	(v2sf) =	vpush v0, $0x0  }
0x125: {  	(v2sf) =	vpush v0, $0x1;
	_ =	sdelay $0x1  }
0x126: {  	(v2sf) =	vpush v0, $0x2;
	_ =	sdelay $0xb  }
0x127: {  	s0 =	spop (v2sf)  }
0x128: {  	s2 =	spop (v2sf)  }
0x129: {  	s3 =	smov.u32 s0;
	p0 =	sne.s32 s0, s2  }
0x12a: {  	s4 =	spop (v2sf);
	s3 =	simm.s32 @!p0 $0xFFFFFFFF  }
0x12b: {  	v2 =	vimm.s32 $0x1;
	v3 =	vlaneseq.u32;
	p0 =	seq.s32 s4, $0xFFFFFFFF;
	v1 =	vmov s3  }
0x12c: {  	s7 =	stileid.u32;
	v0 =	vperm.xlane v0, v2;
	p1 =	sne.s32 @!p0 s0, s2;
	v1 =	vperm.xlane v1, v3  }
0x12d: {  	vm0 =	vcmask $0x3F04;
	s6 =	simm.s32 $0xF208;
	s0 =	simm.s32 @!p0 $0x1;
	p1 =	por !p1, p0  }
0x12e: {  	s3 =	sshll.u32 s7, $0x1;
	s2 =	sshll.u32 @!p0 s4, $0x9;
	s0 =	simm.s32 @p1 $0x0;
	v0 =	vsel vm0, v1, v0  }
0x12f: {  	s5 =	sor.u32 $0x1000, s3;
	s2 =	sshra.s32 @!p0 s2, $0x2;
	s0 =	sor.u32 @!p0 s0, s3;
	[tilespmem:$0xF208] =	vst v0  }
0x130: {  	[spmem:s5] =	stream.linear.scatter [tilespmem:s6], [sflag:$0x1], $0x2, $0x38;
	[tilespmem:$0x1F6E8] =	vst v63  }
0x131: {  	s2 =	sadd.s32 @!p0 $0x108, s2;
	s0 =	sshll.u32 @!p0 s0, $0x7  }
0x132: {  	[spmem:s0] =	stream.linear.scatter @!p0 [tilespmem:s2], [sflag:$0x1], $0x80, $0x38;
	[tilespmem:$0x1F6E8] =	vst v63  }
0x133: {  	s0 =	simm.s32 @!p0 $0x82  }
0x134: {  	s3 =	simm.s32 $0x1;
	s0 =	simm.s32 @p0 $0x2  }
0x135: {  	_ =	swait.ge [sflag:s3], s0  }
0x136: {  	s0 =	ssub.s32 $0x0, s0;
	[sflag:s3] =	ssyncset.done $0x0  }
0x137: {  	[sflag:s3] =	ssyncadd.s32 s0  }
0x138: {  	_ =	sfence.stream.spmem  }
0x139: {  	s29 =	simm.s32 $0x3;
	[bflag:$0x0] =	sbarrier.arrive $0xFFFF  }
0x13a: {  	s30 =	simm.s32 $0x4;
	[sflag:s29] =	ssyncpa.u1 $0x1  }
0x13b: {  	s31 =	simm.s32 $0x3C;
	[sflag:s30] =	ssyncpa.u1 $0x1  }
0x13c: {  	p0 =	sne.s32 s7, $0x0;
	[sflag:s31] =	ssyncpa.u1 $0x1  }
0x13d: {  	_ =	sfence @p0  }
0x13e: {  	[sflag:s3] =	ssyncpa.u1 @p0 $0x1  }
0x13f: {  	_ =	strace @p0 $0x9000004A  }
0x140: {  	[bflag:$0x2] =	sbarrier.arrive @p0 $0xFFFF  }
0x141: {  	_ =	shalt @p0  }
.LBB2_23:
0x142: {  	_ =	sfence.stream.spmem;
	s0 =	simm.s32 $0x5  }
0x143: {  	s2 =	simm.s32 $0x1000;
	s3 =	simm.s32 $0xF218;
	[sflag:s0] =	ssyncpa.u1 $0x0  }
0x144: {  	[tilespmem:s3], [sflag:$0x5] =	stream.linear.gather [spmem:s2], $0x20, $0x38;
	[tilespmem:$0x1F6E8] =	vst v63  }
0x145: {  	s30 =	simm.s32 $0xF238;
	s2 =	simm.s32 $0x0  }
0x146: {  	[tilespmem:s30], [sflag:$0x5] =	stream.linear.gather [spmem:s2], $0x1000, $0x38;
	[tilespmem:$0x1F6E8] =	vst v63  }
.Ltmp17:
0x147: {  	_ = 	snop;
	(pc) =	sbr.rel .LBB2_24-.Ltmp17, $4  }
0x148: {  	_ =	swait.ge [sflag:s0], $0x1020  }
0x149: {  	[sflag:s0] =	ssyncset.done $0x0  }
0x14a: {  	s31 =	simm.s32 $0x6;
	[sflag:s0] =	ssyncadd.s32 $0xFFFFEFE0  }
0x14b: {  	s3 =	simm.s32 $0x0;
	[sflag:s31] =	ssyncpa.u1 $0x0  }
.LBB2_30:
0x14c: {  	p0 =	slt.u32 s4, $0x270F1  }
0x14d: {  	s0 =	sand.u32 @p0 $0x3FFF8, s4  }
0x14e: {  	s4 =	sand.u32 @p0 $0x7, s4;
	s5 =	simm.s32 @p0 $0xF188;
	s0 =	sadd.s32 @p0 s1, s0  }
0x14f: {  	[tilespmem:s5], [sflag:$0x6] =	stream.linear.gather @p0 [hbm4b:s0+s4], $0x80, $0x38;
	[tilespmem:$0x1F6E8] =	vst v63  }
0x150: {  	s0 =	simm.s32 @p0 $0x6  }
0x151: {  	_ =	swait.ge @p0 [sflag:s0], $0x80  }
0x152: {  	[sflag:s0] =	ssyncset.done @p0 $0x0  }
0x153: {  	[sflag:s0] =	ssyncadd.s32 @p0 $0xFFFFFF80;
	s0 =	sshll.u32 @p0 s3, $0x9  }
0x154: {  	s4 =	sshrl.u32 @p0 s0, $0x2;
	v1 =	vld @p0 [tilespmem:$0xF188]  }
0x155: {  	v2 =	vld @p0 [tilespmem:s4+$0xF238];
	_ =	sdelay $0x4  }
0x156: {  	v1 =	vmax.f32 @p0 v1, v2  }
0x157: {  	v2 =	vld @p0 [tilespmem:s4+$0xF248];
	[tilespmem:s4+$0xF238] =	vst @p0 v1  }
0x158: {  	v1 =	vld @p0 [tilespmem:$0xF198];
	_ =	sdelay $0x4  }
0x159: {  	v1 =	vmax.f32 @p0 v1, v2  }
0x15a: {  	v2 =	vld @p0 [tilespmem:s4+$0xF258];
	[tilespmem:s4+$0xF248] =	vst @p0 v1  }
0x15b: {  	v1 =	vld @p0 [tilespmem:$0xF1A8];
	_ =	sdelay $0x4  }
0x15c: {  	v1 =	vmax.f32 @p0 v1, v2  }
0x15d: {  	v2 =	vld @p0 [tilespmem:s4+$0xF268];
	[tilespmem:s4+$0xF258] =	vst @p0 v1  }
0x15e: {  	v1 =	vld @p0 [tilespmem:$0xF1B8];
	_ =	sdelay $0x4  }
0x15f: {  	v1 =	vmax.f32 @p0 v1, v2  }
0x160: {  	v2 =	vld @p0 [tilespmem:s4+$0xF278];
	[tilespmem:s4+$0xF268] =	vst @p0 v1  }
0x161: {  	v1 =	vld @p0 [tilespmem:$0xF1C8];
	_ =	sdelay $0x4  }
0x162: {  	v1 =	vmax.f32 @p0 v1, v2  }
0x163: {  	v2 =	vld @p0 [tilespmem:s4+$0xF288];
	[tilespmem:s4+$0xF278] =	vst @p0 v1  }
0x164: {  	v1 =	vld @p0 [tilespmem:$0xF1D8];
	_ =	sdelay $0x4  }
0x165: {  	v1 =	vmax.f32 @p0 v1, v2  }
0x166: {  	v2 =	vld @p0 [tilespmem:s4+$0xF298];
	[tilespmem:s4+$0xF288] =	vst @p0 v1  }
0x167: {  	v1 =	vld @p0 [tilespmem:$0xF1E8];
	_ =	sdelay $0x4  }
0x168: {  	v1 =	vmax.f32 @p0 v1, v2  }
0x169: {  	v2 =	vld @p0 [tilespmem:s4+$0xF2A8];
	[tilespmem:s4+$0xF298] =	vst @p0 v1  }
0x16a: {  	v1 =	vld @p0 [tilespmem:$0xF1F8];
	_ =	sdelay $0x4  }
0x16b: {  	s5 =	sshll.u32 @!p0 s3, $0x9;
	v1 =	vmax.f32 @p0 v1, v2  }
0x16c: {  	s5 =	smov.u32 @p0 s0;
	[tilespmem:s4+$0xF2A8] =	vst @p0 v1  }
0x16d: {  	s0 =	sshrl.u32 s5, $0x2;
	[tilespmem:s2+$0xF218] =	vst.msk $0x1, v0  }
0x16e: {  	v0 =	vld [tilespmem:s0+$0xF238];
	_ =	sdelay $0x2  }
0x16f: {  	s31 =	sshll.u32 s2, $0x9  }
0x170: {  	s4 =	sshra.s32 s31, $0x2  }
0x171: {  	[tilespmem:s4+$0xF238] =	vst v0  }
0x172: {  	v0 =	vld [tilespmem:s0+$0xF248];
	_ =	sdelay $0x4  }
0x173: {  	[tilespmem:s4+$0xF248] =	vst v0  }
0x174: {  	v0 =	vld [tilespmem:s0+$0xF258];
	_ =	sdelay $0x4  }
0x175: {  	[tilespmem:s4+$0xF258] =	vst v0  }
0x176: {  	v0 =	vld [tilespmem:s0+$0xF268];
	_ =	sdelay $0x4  }
0x177: {  	[tilespmem:s4+$0xF268] =	vst v0  }
0x178: {  	v0 =	vld [tilespmem:s0+$0xF278];
	_ =	sdelay $0x4  }
0x179: {  	[tilespmem:s4+$0xF278] =	vst v0  }
0x17a: {  	v0 =	vld [tilespmem:s0+$0xF288];
	_ =	sdelay $0x4  }
0x17b: {  	[tilespmem:s4+$0xF288] =	vst v0  }
0x17c: {  	v0 =	vld [tilespmem:s0+$0xF298];
	_ =	sdelay $0x4  }
0x17d: {  	[tilespmem:s4+$0xF298] =	vst v0  }
0x17e: {  	v0 =	vld [tilespmem:s0+$0xF2A8];
	_ =	sdelay $0x4  }
0x17f: {  	s2 =	sadd.s32 $0x1, s2;
	[tilespmem:s4+$0xF2A8] =	vst v0  }
.LBB2_31:
0x180: {  	s3 =	sadd.s32 $0x1, s3  }
0x181: {  	p0 =	sne.s32 s3, $0x20  }
.Ltmp18:
0x182: {  	_ = 	snop;
	(pc) =	sbr.rel @!p0 .LBB2_32-.Ltmp18, $1  }
0x183: {  	_ =	sdelay $0x3  }
.LBB2_24:
0x184: {  	v0 =	vld.msk [tilespmem:s3+$0xF218], $0x1;
	_ =	sdelay $0x4  }
0x185: {  	(v2sf) =	vpush v0, $0x0;
	_ =	sdelay $0xe  }
0x186: {  	s4 =	spop (v2sf)  }
0x187: {  	p0 =	seq.s32 s4, $0xFFFFFFFF  }
.Ltmp19:
0x188: {  	_ = 	snop;
	(pc) =	sbr.rel @p0 .LBB2_31-.Ltmp19, $1  }
0x189: {  	_ =	sdelay $0x3  }
0x18a: {  	p0 =	slt.s32 s2, $0x1  }
.Ltmp20:
0x18b: {  	_ = 	snop;
	(pc) =	sbr.rel @p0 .LBB2_30-.Ltmp20, $1  }
0x18c: {  	_ =	sdelay $0x3  }
0x18d: {  	s5 =	simm.s32 $0xF218;
	p0 =	por $0x0, $0x0  }
0x18e: {  	v1 =	vld.msk @!p0 [tilespmem:s5+$0x0], $0x1;
	_ =	sdelay $0x4  }
0x18f: {  	(v2sf) =	vpush @!p0 v1, $0x0;
	_ =	sdelay $0xd  }
0x190: {  	p2 =	sne.s32 s2, $0x1  }
.Ltmp21:
0x191: {  	s0 =	spop @!p0 (v2sf);
	(pc) =	sbr.rel @!p2 .LBB2_28-.Ltmp21, $4  }
0x192: {  	p1 =	seq.s32 @!p0 s4, s0  }
0x193: {  	s6 =	simm.s32 $0x0;
	p1 =	por !p1, p0  }
0x194: {  	s0 =	simm.s32 $0xFFFFFFFF;
	s6 =	simm.s32 @p1 $0xFFFFFFFF  }
0x195: {  	s7 =	simm.s32 $0x1;
	s6 =	smov.u32 @p0 s0  }
.LBB2_27:
0x196: {  	s0 =	smov.u32 s6;
	p0 =	sne.s32 s6, $0xFFFFFFFF  }
0x197: {  	s5 =	sadd.s32 $0x1, s5;
	s6 =	smov.u32 s7;
	s7 =	sadd.s32 $0x1, s7  }
0x198: {  	p1 =	sne.s32 s2, s7;
	v1 =	vld.msk @!p0 [tilespmem:s5+$0x0], $0x1;
	_ =	sdelay $0x4  }
0x199: {  	(v2sf) =	vpush @!p0 v1, $0x0;
	_ =	sdelay $0xe  }
.Ltmp22:
0x19a: {  	s8 =	spop @!p0 (v2sf);
	(pc) =	sbr.rel @p1 .LBB2_27-.Ltmp22, $4  }
0x19b: {  	p2 =	seq.s32 @!p0 s4, s8  }
0x19c: {  	p2 =	por !p2, p0  }
0x19d: {  	s6 =	simm.s32 @p2 $0xFFFFFFFF  }
0x19e: {  	s6 =	smov.u32 @p0 s0  }
.LBB2_28:
0x19f: {  	p0 =	seq.s32 s6, $0xFFFFFFFF  }
.Ltmp23:
0x1a0: {  	_ = 	snop;
	(pc) =	sbr.rel @p0 .LBB2_30-.Ltmp23, $1  }
0x1a1: {  	_ =	sdelay $0x3  }
0x1a2: {  	s0 =	sshll.u32 s3, $0x7  }
0x1a3: {  	s4 =	sshll.u32 s6, $0x9;
	s0 =	sand.u32 $0x3FFFFF80, s0  }
0x1a4: {  	s4 =	sshra.s32 s4, $0x2;
	v0 =	vld [tilespmem:s0+$0xF238]  }
0x1a5: {  	v1 =	vld [tilespmem:s4+$0xF238];
	_ =	sdelay $0x4  }
0x1a6: {  	v0 =	vmax.f32 v0, v1  }
0x1a7: {  	v57 =	vld [tilespmem:s4+$0xF248];
	[tilespmem:s4+$0xF238] =	vst v0  }
0x1a8: {  	v0 =	vld [tilespmem:s0+$0xF248];
	_ =	sdelay $0x4  }
0x1a9: {  	v0 =	vmax.f32 v0, v57  }
0x1aa: {  	v58 =	vld [tilespmem:s4+$0xF258];
	[tilespmem:s4+$0xF248] =	vst v0  }
0x1ab: {  	v0 =	vld [tilespmem:s0+$0xF258];
	_ =	sdelay $0x4  }
0x1ac: {  	v0 =	vmax.f32 v0, v58  }
0x1ad: {  	v59 =	vld [tilespmem:s4+$0xF268];
	[tilespmem:s4+$0xF258] =	vst v0  }
0x1ae: {  	v0 =	vld [tilespmem:s0+$0xF268];
	_ =	sdelay $0x4  }
0x1af: {  	v0 =	vmax.f32 v0, v59  }
0x1b0: {  	v60 =	vld [tilespmem:s4+$0xF278];
	[tilespmem:s4+$0xF268] =	vst v0  }
0x1b1: {  	v0 =	vld [tilespmem:s0+$0xF278];
	_ =	sdelay $0x4  }
0x1b2: {  	v0 =	vmax.f32 v0, v60  }
0x1b3: {  	v61 =	vld [tilespmem:s4+$0xF288];
	[tilespmem:s4+$0xF278] =	vst v0  }
0x1b4: {  	v0 =	vld [tilespmem:s0+$0xF288];
	_ =	sdelay $0x4  }
0x1b5: {  	v0 =	vmax.f32 v0, v61  }
0x1b6: {  	v62 =	vld [tilespmem:s4+$0xF298];
	[tilespmem:s4+$0xF288] =	vst v0  }
0x1b7: {  	v0 =	vld [tilespmem:s0+$0xF298];
	_ =	sdelay $0x4  }
0x1b8: {  	v0 =	vmax.f32 v0, v62  }
0x1b9: {  	v63 =	vld [tilespmem:s4+$0xF2A8];
	[tilespmem:s4+$0xF298] =	vst v0  }
0x1ba: {  	v0 =	vld [tilespmem:s0+$0xF2A8];
	_ =	sdelay $0x1  }
.Ltmp24:
0x1bb: {  	_ = 	snop;
	(pc) =	sbr.rel .LBB2_31-.Ltmp24, $3  }
0x1bc: {  	_ =	sdelay $0x1  }
0x1bd: {  	v0 =	vmax.f32 v0, v63  }
0x1be: {  	[tilespmem:s4+$0xF2A8] =	vst v0  }
.LBB2_32:
0x1bf: {  	p0 =	slt.s32 s2, $0x1  }
.Ltmp25:
0x1c0: {  	_ = 	snop;
	(pc) =	sbr.rel @p0 .LBB2_36-.Ltmp25, $3  }
0x1c1: {  	_ =	sdelay $0x1  }
0x1c2: {  	s0 =	simm.s32 $0x6  }
0x1c3: {  	s3 =	simm.s32 $0x0;
	[sflag:s0] =	ssyncpa.u1 $0x1  }
0x1c4: {  	s0 =	simm.s32 $0xF218  }
0x1c5: {  	v0 =	vld.msk [tilespmem:s0+$0x0], $0x1;
	_ =	sdelay $0x4  }
0x1c6: {  	(v2sf) =	vpush v0, $0x0;
	_ =	sdelay $0xd  }
0x1c7: {  	s2 =	sadd.s32 $0xFFFFFFFF, s2  }
0x1c8: {  	p1 =	sne.s32 s2, $0x0;
	s0 =	spop (v2sf)  }
.Ltmp26:
0x1c9: {  	p0 =	sgt.u32 s0, $0x270F0;
	(pc) =	sbr.rel @!p1 .LBB2_35-.Ltmp26, $4  }
0x1ca: {  	s4 =	simm.s32 $0xF238;
	s5 =	sand.u32 @!p0 $0x3FFF8, s0  }
0x1cb: {  	s6 =	simm.s32 $0x0;
	s0 =	sand.u32 @!p0 $0x7, s0;
	s5 =	sadd.s32 @!p0 s1, s5  }
0x1cc: {  	[hbm4b:s5+s0] =	stream.linear.scatter @!p0 [tilespmem:s4], [sflag:$0x5], $0x80, $0x38;
	[tilespmem:$0x1F6E8] =	vst v63  }
0x1cd: {  	s6 =	simm.s32 @!p0 $0x200;
	s5 =	simm.s32 $0xF219  }
.LBB2_34:
0x1ce: {  	v0 =	vld.msk [tilespmem:s5+$0x0], $0x1;
	s2 =	sadd.s32 $0xFFFFFFFF, s2;
	s3 =	sadd.s32 s3, s6  }
0x1cf: {  	p0 =	sne.s32 s2, $0x0;
	_ =	sdelay $0x3  }
0x1d0: {  	(v2sf) =	vpush v0, $0x0;
	_ =	sdelay $0xe  }
.Ltmp27:
0x1d1: {  	s0 =	spop (v2sf);
	(pc) =	sbr.rel @p0 .LBB2_34-.Ltmp27, $4  }
0x1d2: {  	s6 =	simm.s32 $0x0;
	p1 =	sgt.u32 s0, $0x270F0  }
0x1d3: {  	s4 =	sadd.s32 $0x80, s4;
	s6 =	simm.s32 @!p1 $0x200;
	s7 =	sand.u32 @!p1 $0x3FFF8, s0  }
0x1d4: {  	s5 =	sadd.s32 $0x1, s5;
	s0 =	sand.u32 @!p1 $0x7, s0;
	s7 =	sadd.s32 @!p1 s1, s7  }
0x1d5: {  	[hbm4b:s7+s0] =	stream.linear.scatter @!p1 [tilespmem:s4], [sflag:$0x5], $0x80, $0x38;
	[tilespmem:$0x1F6E8] =	vst v63  }
.LBB2_35:
0x1d6: {  	s0 =	sadd.s32 s3, s6  }
0x1d7: {  	s3 =	sshrl.u32 s0, $0x2  }
.LBB2_36:
0x1d8: {  	s0 =	simm.s32 $0x5  }
0x1d9: {  	_ =	swait.ge [sflag:s0], s3  }
0x1da: {  	s1 =	ssub.s32 $0x0, s3;
	[sflag:s0] =	ssyncset.done $0x0  }
0x1db: {  	[sflag:s0] =	ssyncadd.s32 s1  }
0x1dc: {  	[sflag:s0] =	ssyncpa.u1 $0x1  }
0x1dd: {  	s30 =	simm.s32 $0x1;
	_ =	sfence  }
0x1de: {  	[sflag:s30] =	ssyncpa.u1 $0x1  }
0x1df: {  	_ =	strace $0x9000004A  }
0x1e0: {  	[bflag:$0x2] =	sbarrier.arrive $0xFFFF  }
0x1e1: {  	s31 =	rddreg [dreg:$0x1]  }
0x1e2: {  	s0 =	sadd.s32 $0x100000, s31  }
0x1e3: {  	[sflag:s0] =	ssyncadd.tile.s32 $0x1;
	_ =	shalt  }
.Lfunc_end2:
_tile_overlayer_lowered:
.L_overlay_start_2:
0x1e4: {  	(tag) =	ssettag $0x2  }
0x1e5: {  	s0 =	rddreg [dreg:$0x0];
	s2 =	stileid.u32  }
0x1e6: {  	s1 =	rddreg [dreg:$0x1];
	p0 =	sne.s32 s2, $0x0  }
0x1e7: {  	s3 =	rddreg [dreg:$0x2];
	[bflag:$0x3] =	sbarrier.arrive $0xFFFF;
	s2 =	simm.s32 @!p0 $0x1C01  }
0x1e8: {  	[timem:s3], [sflag:s2] =	dma.local @!p0 [hbm:s0], s1  }
0x1e9: {  	s0 =	simm.s32 @!p0 $0x1  }
0x1ea: {  	_ =	swait.ge @!p0 [sflag:s0], s1  }
0x1eb: {  	s1 =	ssub.s32 @!p0 $0x0, s1;
	[sflag:s0] =	ssyncset.done @!p0 $0x0  }
0x1ec: {  	[sflag:s0] =	ssyncadd.s32 @!p0 s1  }
0x1ed: {  	[bflag:$0x3] =	sbarrier.arrive $0xFFFF  }
0x1ee: {  	_ =	shalt  }

</sc_bundles>
